<compile_context>
chip_gen: v7x
topology: tpu7x:2x2x1
jax: 0.10.2.dev20260603
libtpu: 0.0.44.dev20260713+nightly
codegen_flags: <defaults>
</compile_context>

<pallas_src>
import jax
import jax.numpy as jnp
from jax import lax
from jax.experimental import pallas as pl
from jax.experimental.pallas import tpu as pltpu
from jax.experimental.pallas import tpu_sc as plsc

N = 10000
E = 160000
D_IN = 256
D_OUT = 256
H = 128
NP = 10240
STRIPE = NP // 16
CH = 128

_MESH = plsc.VectorSubcoreMesh(core_axis_name="c", subcore_axis_name="s")

def _z16():
    return jnp.zeros((16,), jnp.float32)


def _o16():
    return jnp.ones((16,), jnp.float32)


RING_A = 8
WIN_A = 4


def _hist_body(ei_hbm, p0_hbm, p1_hbm, ridx_v, ones_v, zv, isem, ssem, table_sh):
    c = lax.axis_index("c")
    s = lax.axis_index("s")
    wid = c * 16 + s
    nk = 39 + (wid < 2)

    def zrow(j, carry):
        zv[pl.ds(j * 16, 16)] = _z16()
        return carry

    lax.fori_loop(0, STRIPE // 16, zrow, 0)
    for j in range(CH // 16):
        ones_v[pl.ds(j * 16, 16)] = _o16()
    pltpu.sync_copy(zv, table_sh.at[pl.ds(s * STRIPE, STRIPE)])
    plsc.subcore_barrier()

    def idx_load(i):
        pltpu.async_copy(ei_hbm.at[0, pl.ds((wid + 32 * i) * CH, CH)],
                         ridx_v.at[i % RING_A], isem)

    def idx_wait(i):
        pltpu.make_async_copy(ei_hbm.at[0, pl.ds((wid + 32 * i) * CH, CH)],
                              ridx_v.at[i % RING_A], isem).wait()

    def sc_desc(i):
        return pltpu.make_async_copy(ones_v, table_sh.at[ridx_v.at[i % RING_A]],
                                     ssem)

    for i in range(WIN_A):
        idx_load(i)

    def chunk(i, carry):
        @pl.when(i >= WIN_A)
        def _():
            sc_desc(i - WIN_A).wait()

        @pl.when(i + WIN_A < nk)
        def _():
            idx_load(i + WIN_A)

        idx_wait(i)
        pltpu.async_copy(ones_v, table_sh.at[ridx_v.at[i % RING_A]], ssem,
                         add=True)
        return carry

    lax.fori_loop(0, nk, chunk, 0)

    def drain(j, carry):
        sc_desc(nk - WIN_A + j).wait()
        return carry

    lax.fori_loop(0, WIN_A, drain, 0)
    plsc.subcore_barrier()

    @pl.when(c == 0)
    def _():
        pltpu.sync_copy(table_sh.at[pl.ds(s * STRIPE, STRIPE)],
                        p0_hbm.at[pl.ds(s * STRIPE, STRIPE)])

    @pl.when(c == 1)
    def _():
        pltpu.sync_copy(table_sh.at[pl.ds(s * STRIPE, STRIPE)],
                        p1_hbm.at[pl.ds(s * STRIPE, STRIPE)])


_hist = pl.kernel(
    _hist_body,
    out_type=[
        jax.ShapeDtypeStruct((NP,), jnp.float32),
        jax.ShapeDtypeStruct((NP,), jnp.float32),
    ],
    mesh=_MESH,
    scratch_types=[
        pltpu.VMEM((RING_A, CH), jnp.int32),
        pltpu.VMEM((CH,), jnp.float32),
        pltpu.VMEM((STRIPE,), jnp.float32),
        pltpu.SemaphoreType.DMA,
        pltpu.SemaphoreType.DMA,
        pltpu.VMEM_SHARED((NP,), jnp.float32),
    ],
)


_RB = 1000


def _mm_body(x_ref, w_ref, xw_ref):
    xw_ref[...] = jnp.dot(x_ref[...], w_ref[...],
                          preferred_element_type=jnp.float32)


def _matmul(x, w):
    grid = N // _RB
    return pl.pallas_call(
        _mm_body,
        grid=(grid,),
        in_specs=[
            pl.BlockSpec((_RB, D_IN), lambda i: (i, 0)),
            pl.BlockSpec((D_IN, D_OUT), lambda i: (0, 0)),
        ],
        out_specs=pl.BlockSpec((_RB, D_OUT), lambda i: (i, 0)),
        out_shape=jax.ShapeDtypeStruct((N, D_OUT), jnp.float32),
    )(x, w)


def _yscale_body(xw_ref, deg_ref, y0_ref, y1_ref):
    deg = deg_ref[...]
    dis = jnp.where(deg > 0.0, lax.rsqrt(deg), 0.0)
    y = xw_ref[...] * dis
    y0_ref[...] = y[:, :H]
    y1_ref[...] = y[:, H:]


def _yscale(xw, deg):
    grid = N // _RB
    return pl.pallas_call(
        _yscale_body,
        grid=(grid,),
        in_specs=[
            pl.BlockSpec((_RB, D_OUT), lambda i: (i, 0)),
            pl.BlockSpec((_RB, 1), lambda i: (i, 0)),
        ],
        out_specs=[
            pl.BlockSpec((_RB, H), lambda i: (i, 0)),
            pl.BlockSpec((_RB, H), lambda i: (i, 0)),
        ],
        out_shape=[
            jax.ShapeDtypeStruct((N, H), jnp.float32),
            jax.ShapeDtypeStruct((N, H), jnp.float32),
        ],
    )(xw, deg)


RING_I = 4
RING_R = 3
NZCH = N // CH
ZREM = N % CH


def _acc_blocks(s, copy_block):
    for jj in range(5):
        j = s + 16 * jj

        @pl.when(j < NZCH)
        def _():
            copy_block(j * CH, CH)

        @pl.when(j == NZCH)
        def _():
            copy_block(NZCH * CH, ZREM)


def _scatter_body(y0_hbm, y1_hbm, ei_hbm,
                  o0_hbm, o1_hbm, cidx_v, ridx_v, rows_v,
                  isem, gsem, ssem, acc_sh):
    c = lax.axis_index("c")
    s = lax.axis_index("s")
    nk = 78 + (s < 2)

    def idx_load(i):
        e0 = (s + 16 * i) * CH
        pltpu.async_copy(ei_hbm.at[1, pl.ds(e0, CH)], cidx_v.at[i % RING_I], isem)
        pltpu.async_copy(ei_hbm.at[0, pl.ds(e0, CH)], ridx_v.at[i % RING_I], isem)

    for i in range(3):
        idx_load(i)

    def zrow(j, carry):
        for q in range(H // 16):
            rows_v[0, j, pl.ds(q * 16, 16)] = _z16()
        return carry

    lax.fori_loop(0, CH, zrow, 0)

    def zblock(off, nrows):
        pltpu.sync_copy(rows_v.at[0, pl.ds(0, nrows)],
                        acc_sh.at[pl.ds(off, nrows)])

    _acc_blocks(s, zblock)
    plsc.subcore_barrier()

    def idx_wait(i):
        e0 = (s + 16 * i) * CH
        pltpu.make_async_copy(ei_hbm.at[1, pl.ds(e0, CH)],
                              cidx_v.at[i % RING_I], isem).wait()
        pltpu.make_async_copy(ei_hbm.at[0, pl.ds(e0, CH)],
                              ridx_v.at[i % RING_I], isem).wait()

    def run(y_hbm):
        def gather_go(i):
            pltpu.async_copy(y_hbm.at[cidx_v.at[i % RING_I]],
                             rows_v.at[i % RING_R], gsem)

        def gather_desc(i):
            return pltpu.make_async_copy(y_hbm.at[cidx_v.at[i % RING_I]],
                                         rows_v.at[i % RING_R], gsem)

        def scatter_desc(i):
            return pltpu.make_async_copy(rows_v.at[i % RING_R],
                                         acc_sh.at[ridx_v.at[i % RING_I]], ssem)

        for i in range(2):
            idx_wait(i)
            gather_go(i)

        def chunk(i, carry):
            gather_desc(i).wait()

            @pl.when(i >= 1)
            def _():
                scatter_desc(i - 1).wait()

            @pl.when(i + 3 < nk)
            def _():
                idx_load(i + 3)

            @pl.when(i + 2 < nk)
            def _():
                idx_wait(i + 2)
                gather_go(i + 2)

            pltpu.async_copy(rows_v.at[i % RING_R],
                             acc_sh.at[ridx_v.at[i % RING_I]], ssem, add=True)
            return carry

        lax.fori_loop(0, nk, chunk, 0)
        scatter_desc(nk - 1).wait()

    @pl.when(c == 0)
    def _():
        run(y0_hbm)

    @pl.when(c == 1)
    def _():
        run(y1_hbm)

    plsc.subcore_barrier()

    @pl.when(c == 0)
    def _():
        def dblock(off, nrows):
            pltpu.sync_copy(acc_sh.at[pl.ds(off, nrows)],
                            o0_hbm.at[pl.ds(off, nrows)])

        _acc_blocks(s, dblock)

    @pl.when(c == 1)
    def _():
        def dblock(off, nrows):
            pltpu.sync_copy(acc_sh.at[pl.ds(off, nrows)],
                            o1_hbm.at[pl.ds(off, nrows)])

        _acc_blocks(s, dblock)


_scatter = pl.kernel(
    _scatter_body,
    out_type=[
        jax.ShapeDtypeStruct((N, H), jnp.float32),
        jax.ShapeDtypeStruct((N, H), jnp.float32),
    ],
    mesh=_MESH,
    scratch_types=[
        pltpu.VMEM((RING_I, CH), jnp.int32),
        pltpu.VMEM((RING_I, CH), jnp.int32),
        pltpu.VMEM((RING_R, CH, H), jnp.float32),
        pltpu.SemaphoreType.DMA,
        pltpu.SemaphoreType.DMA,
        pltpu.SemaphoreType.DMA,
        pltpu.VMEM_SHARED((N, H), jnp.float32),
    ],
)


def _scale_body(o0_ref, o1_ref, deg_ref, out_ref):
    deg = deg_ref[...]
    dis = jnp.where(deg > 0.0, lax.rsqrt(deg), 0.0)
    out_ref[:, :H] = o0_ref[...] * dis
    out_ref[:, H:] = o1_ref[...] * dis


def _scale(o0, o1, deg):
    grid = N // _RB
    return pl.pallas_call(
        _scale_body,
        grid=(grid,),
        in_specs=[
            pl.BlockSpec((_RB, H), lambda i: (i, 0)),
            pl.BlockSpec((_RB, H), lambda i: (i, 0)),
            pl.BlockSpec((_RB, 1), lambda i: (i, 0)),
        ],
        out_specs=pl.BlockSpec((_RB, D_OUT), lambda i: (i, 0)),
        out_shape=jax.ShapeDtypeStruct((N, D_OUT), jnp.float32),
    )(o0, o1, deg)


def kernel(x, edge_index, W):
    ei = edge_index.astype(jnp.int32)
    xw = _matmul(x, W)
    p0, p1 = _hist(ei)
    deg2 = (p0 + p1).reshape(NP, 1)
    y0, y1 = _yscale(xw, deg2)
    o0, o1 = _scatter(y0, y1, ei)
    return _scale(o0, o1, deg2)

# --- scband reference (transcript-rebuilt; emitter-appended) ---
"""Pipeline reference for scband-gcnlayer-12249246728550 (READ-ONLY COPY).

The authoritative reference and input builder live on the scoring server;
editing this copy changes nothing except your own understanding.
"""

import jax, jax.numpy as jnp
import numpy as np

N_NODES = 10000
N_EDGES = 160000
D_IN = 256
D_OUT = 256


def setup_inputs(seed: int = 0) -> dict:
    key = jax.random.key(seed)
    k1, k2, k3 = jax.random.split(key, 3)
    x = jax.random.normal(k1, (N_NODES, D_IN), dtype=jnp.float32)
    edge_index = jax.random.randint(k2, (2, N_EDGES), 0, N_NODES, dtype=jnp.int64)
    W = jax.random.normal(k3, (D_IN, D_OUT), dtype=jnp.float32)
    return {"x": x, "edge_index": edge_index, "W": W}


def reference(x, edge_index, W):
    row = edge_index[0]
    col = edge_index[1]
    deg = jnp.bincount(row, length=x.shape[0]).astype(jnp.float32)
    deg_inv_sqrt = jnp.power(deg, -0.5)
    deg_inv_sqrt = jnp.where(jnp.isinf(deg_inv_sqrt), 0.0, deg_inv_sqrt)
    norm = deg_inv_sqrt[row] * deg_inv_sqrt[col]
    xw = jnp.matmul(x, W)
    msgs = xw[col] * norm[:, None]
    out = jnp.zeros_like(xw).at[row].add(msgs)
    return out

if __name__ == "__main__":
    import jax
    _d = setup_inputs()
    print(jax.jit(kernel)(*tuple(_d.values())))

</pallas_src>

<mosaic_0001>
#map = affine_map<(d0, d1) -> (0, 0)>
#map1 = affine_map<(d0, d1) -> (0)>
module attributes {stable_mosaic.version = 14 : i64} {
  func.func @_hist_body(%arg0: i32, %arg1: i32, %arg2: memref<2x160000xi32, #tpu.memory_space<hbm>>, %arg3: memref<10240xf32, #tpu.memory_space<hbm>>, %arg4: memref<10240xf32, #tpu.memory_space<hbm>>, %arg5: memref<8x128xi32, #tpu.memory_space<vmem>>, %arg6: memref<128xf32, #tpu.memory_space<vmem>>, %arg7: memref<640xf32, #tpu.memory_space<vmem>>, %arg8: memref<!tpu.dma_semaphore, #tpu.memory_space<semaphore_mem>>, %arg9: memref<!tpu.dma_semaphore, #tpu.memory_space<semaphore_mem>>, %arg10: memref<10240xf32, #tpu.memory_space<vmem_shared>>) attributes {dimension_semantics = [#tpu.dimension_semantics<core_parallel>, #tpu.dimension_semantics<subcore_parallel>], iteration_bounds = array<i64: 2, 16>, scalar_prefetch = 0 : i64, scratch_operands = 6 : i64, tpu.core_type = #tpu.core_type<sc_vector_subcore>, window_params = [{transform_indices = #map}, {transform_indices = #map1}, {transform_indices = #map1}]} {
    %mul3A = arith.constant 16 : i32
    %mul3A_0 = arith.muli %arg0, %mul3A : i32
    %add3A = arith.addi %mul3A_0, %arg1 : i32
    %lt3A = arith.constant 2 : i32
    %lt3A_1 = arith.cmpi slt, %add3A, %lt3A : i32
    %convert_element_type3A = arith.extui %lt3A_1 : i1 to i32
    %add3A_2 = arith.constant 39 : i32
    %add3A_3 = arith.addi %add3A_2, %convert_element_type3A : i32
    %scan3A = arith.constant 0 : i32
    %scan3A_4 = arith.constant 0 : i32
    %scan3A_5 = arith.constant 40 : i32
    %scan3A_6 = arith.addi %scan3A_4, %scan3A_5 : i32
    %scan3A_7 = arith.constant 1 : i32
    scf.for %scan3A_144 = %scan3A_4 to %scan3A_6 step %scan3A_7  : i32 {
      %broadcast_in_dim3A_145 = arith.constant 0.000000e+00 : f32
      %broadcast_in_dim3A_146 = vector.broadcast %broadcast_in_dim3A_145 : f32 to vector<16xf32>
      %mul3A_147 = arith.constant 16 : i32
      %mul3A_148 = arith.muli %scan3A_144, %mul3A_147 : i32
      %swap3A_149 = arith.index_cast %mul3A_148 : i32 to index
      %swap3A_150 = tpu.vector_load %arg7[%swap3A_149] {strides = array<i32>} : memref<640xf32, #tpu.memory_space<vmem>>, vector<16xf32>,
      %swap3A_151 = vector.shape_cast %swap3A_150 : vector<16xf32> to vector<16xf32>
      %swap3A_152 = vector.shape_cast %broadcast_in_dim3A_146 : vector<16xf32> to vector<16xf32>
      tpu.vector_store %arg7[%swap3A_149], %swap3A_152 {strides = array<i32>} : memref<640xf32, #tpu.memory_space<vmem>>, vector<16xf32>,
    }
    %scan3A_8 = arith.constant 40 : i32
    %broadcast_in_dim3A = arith.constant 1.000000e+00 : f32
    %broadcast_in_dim3A_9 = vector.broadcast %broadcast_in_dim3A : f32 to vector<16xf32>
    %swap3A = arith.constant 0 : index
    %swap3A_10 = tpu.vector_load %arg6[%swap3A] {strides = array<i32>} : memref<128xf32, #tpu.memory_space<vmem>>, vector<16xf32>,
    %swap3A_11 = vector.shape_cast %swap3A_10 : vector<16xf32> to vector<16xf32>
    %swap3A_12 = vector.shape_cast %broadcast_in_dim3A_9 : vector<16xf32> to vector<16xf32>
    tpu.vector_store %arg6[%swap3A], %swap3A_12 {strides = array<i32>} : memref<128xf32, #tpu.memory_space<vmem>>, vector<16xf32>,
    %broadcast_in_dim3A_13 = arith.constant 1.000000e+00 : f32
    %broadcast_in_dim3A_14 = vector.broadcast %broadcast_in_dim3A_13 : f32 to vector<16xf32>
    %swap3A_15 = arith.constant 16 : index
    %swap3A_16 = tpu.vector_load %arg6[%swap3A_15] {strides = array<i32>} : memref<128xf32, #tpu.memory_space<vmem>>, vector<16xf32>,
    %swap3A_17 = vector.shape_cast %swap3A_16 : vector<16xf32> to vector<16xf32>
    %swap3A_18 = vector.shape_cast %broadcast_in_dim3A_14 : vector<16xf32> to vector<16xf32>
    tpu.vector_store %arg6[%swap3A_15], %swap3A_18 {strides = array<i32>} : memref<128xf32, #tpu.memory_space<vmem>>, vector<16xf32>,
    %broadcast_in_dim3A_19 = arith.constant 1.000000e+00 : f32
    %broadcast_in_dim3A_20 = vector.broadcast %broadcast_in_dim3A_19 : f32 to vector<16xf32>
    %swap3A_21 = arith.constant 32 : index
    %swap3A_22 = tpu.vector_load %arg6[%swap3A_21] {strides = array<i32>} : memref<128xf32, #tpu.memory_space<vmem>>, vector<16xf32>,
    %swap3A_23 = vector.shape_cast %swap3A_22 : vector<16xf32> to vector<16xf32>
    %swap3A_24 = vector.shape_cast %broadcast_in_dim3A_20 : vector<16xf32> to vector<16xf32>
    tpu.vector_store %arg6[%swap3A_21], %swap3A_24 {strides = array<i32>} : memref<128xf32, #tpu.memory_space<vmem>>, vector<16xf32>,
    %broadcast_in_dim3A_25 = arith.constant 1.000000e+00 : f32
    %broadcast_in_dim3A_26 = vector.broadcast %broadcast_in_dim3A_25 : f32 to vector<16xf32>
    %swap3A_27 = arith.constant 48 : index
    %swap3A_28 = tpu.vector_load %arg6[%swap3A_27] {strides = array<i32>} : memref<128xf32, #tpu.memory_space<vmem>>, vector<16xf32>,
    %swap3A_29 = vector.shape_cast %swap3A_28 : vector<16xf32> to vector<16xf32>
    %swap3A_30 = vector.shape_cast %broadcast_in_dim3A_26 : vector<16xf32> to vector<16xf32>
    tpu.vector_store %arg6[%swap3A_27], %swap3A_30 {strides = array<i32>} : memref<128xf32, #tpu.memory_space<vmem>>, vector<16xf32>,
    %broadcast_in_dim3A_31 = arith.constant 1.000000e+00 : f32
    %broadcast_in_dim3A_32 = vector.broadcast %broadcast_in_dim3A_31 : f32 to vector<16xf32>
    %swap3A_33 = arith.constant 64 : index
    %swap3A_34 = tpu.vector_load %arg6[%swap3A_33] {strides = array<i32>} : memref<128xf32, #tpu.memory_space<vmem>>, vector<16xf32>,
    %swap3A_35 = vector.shape_cast %swap3A_34 : vector<16xf32> to vector<16xf32>
    %swap3A_36 = vector.shape_cast %broadcast_in_dim3A_32 : vector<16xf32> to vector<16xf32>
    tpu.vector_store %arg6[%swap3A_33], %swap3A_36 {strides = array<i32>} : memref<128xf32, #tpu.memory_space<vmem>>, vector<16xf32>,
    %broadcast_in_dim3A_37 = arith.constant 1.000000e+00 : f32
    %broadcast_in_dim3A_38 = vector.broadcast %broadcast_in_dim3A_37 : f32 to vector<16xf32>
    %swap3A_39 = arith.constant 80 : index
    %swap3A_40 = tpu.vector_load %arg6[%swap3A_39] {strides = array<i32>} : memref<128xf32, #tpu.memory_space<vmem>>, vector<16xf32>,
    %swap3A_41 = vector.shape_cast %swap3A_40 : vector<16xf32> to vector<16xf32>
    %swap3A_42 = vector.shape_cast %broadcast_in_dim3A_38 : vector<16xf32> to vector<16xf32>
    tpu.vector_store %arg6[%swap3A_39], %swap3A_42 {strides = array<i32>} : memref<128xf32, #tpu.memory_space<vmem>>, vector<16xf32>,
    %broadcast_in_dim3A_43 = arith.constant 1.000000e+00 : f32
    %broadcast_in_dim3A_44 = vector.broadcast %broadcast_in_dim3A_43 : f32 to vector<16xf32>
    %swap3A_45 = arith.constant 96 : index
    %swap3A_46 = tpu.vector_load %arg6[%swap3A_45] {strides = array<i32>} : memref<128xf32, #tpu.memory_space<vmem>>, vector<16xf32>,
    %swap3A_47 = vector.shape_cast %swap3A_46 : vector<16xf32> to vector<16xf32>
    %swap3A_48 = vector.shape_cast %broadcast_in_dim3A_44 : vector<16xf32> to vector<16xf32>
    tpu.vector_store %arg6[%swap3A_45], %swap3A_48 {strides = array<i32>} : memref<128xf32, #tpu.memory_space<vmem>>, vector<16xf32>,
    %broadcast_in_dim3A_49 = arith.constant 1.000000e+00 : f32
    %broadcast_in_dim3A_50 = vector.broadcast %broadcast_in_dim3A_49 : f32 to vector<16xf32>
    %swap3A_51 = arith.constant 112 : index
    %swap3A_52 = tpu.vector_load %arg6[%swap3A_51] {strides = array<i32>} : memref<128xf32, #tpu.memory_space<vmem>>, vector<16xf32>,
    %swap3A_53 = vector.shape_cast %swap3A_52 : vector<16xf32> to vector<16xf32>
    %swap3A_54 = vector.shape_cast %broadcast_in_dim3A_50 : vector<16xf32> to vector<16xf32>
    tpu.vector_store %arg6[%swap3A_51], %swap3A_54 {strides = array<i32>} : memref<128xf32, #tpu.memory_space<vmem>>, vector<16xf32>,
    %mul3A_55 = arith.constant 640 : i32
    %mul3A_56 = arith.muli %arg1, %mul3A_55 : i32
    "tpu.region"() ({
      %run_scoped3A = tpu.sem_alloc : memref<!tpu.dma_semaphore, #tpu.memory_space<semaphore_mem>>
      %dma_start3A_144 = tpu.memref_slice %arg10[%mul3A_56] : memref<10240xf32, #tpu.memory_space<vmem_shared>> -> memref<640xf32, #tpu.memory_space<vmem_shared>>
      %dma_start3A_145 = tpu.memref_slice %arg10[%mul3A_56] : memref<10240xf32, #tpu.memory_space<vmem_shared>> -> memref<640xf32, #tpu.memory_space<vmem_shared>>
      tpu.enqueue_dma source(%arg7 : memref<640xf32, #tpu.memory_space<vmem>>) target(%dma_start3A_145 : memref<640xf32, #tpu.memory_space<vmem_shared>>) target_semaphore(%run_scoped3A : memref<!tpu.dma_semaphore, #tpu.memory_space<semaphore_mem>>)
      %dma_wait3A = tpu.memref_slice %arg10[%mul3A_56] : memref<10240xf32, #tpu.memory_space<vmem_shared>> -> memref<640xf32, #tpu.memory_space<vmem_shared>>
      %dma_wait3A_146 = tpu.memref_slice %arg10[%mul3A_56] : memref<10240xf32, #tpu.memory_space<vmem_shared>> -> memref<640xf32, #tpu.memory_space<vmem_shared>>
      tpu.wait_dma2 semaphore(%run_scoped3A : memref<!tpu.dma_semaphore, #tpu.memory_space<semaphore_mem>>) src(%arg7 : memref<640xf32, #tpu.memory_space<vmem>>) dst(%dma_wait3A_146 : memref<640xf32, #tpu.memory_space<vmem_shared>>)
      tpu.yield
    }) : () -> ()
    %barrier3A = arith.constant 0 : index
    tpu.barrier barrier_id(%barrier3A)
    %add3A_57 = arith.constant 0 : i32
    %add3A_58 = arith.addi %add3A, %add3A_57 : i32
    %mul3A_59 = arith.constant 128 : i32
    %mul3A_60 = arith.muli %add3A_58, %mul3A_59 : i32
    %dma_start3A = arith.constant 0 : i32
    %dma_start3A_61 = arith.constant 0 : i32
    %dma_start3A_62 = arith.constant 0 : i32
    %dma_start3A_63 = tpu.memref_slice %arg5[%dma_start3A_61, %dma_start3A_62] : memref<8x128xi32, #tpu.memory_space<vmem>> -> memref<1x128xi32, #tpu.memory_space<vmem>>
    %dma_start3A_64 = tpu.memref_squeeze %dma_start3A_63 : memref<1x128xi32, #tpu.memory_space<vmem>> -> memref<128xi32, #tpu.memory_space<vmem>>
    %dma_start3A_65 = tpu.memref_slice %arg2[%dma_start3A, %mul3A_60] : memref<2x160000xi32, #tpu.memory_space<hbm>> -> memref<1x128xi32, #tpu.memory_space<hbm>>
    %dma_start3A_66 = tpu.memref_squeeze %dma_start3A_65 : memref<1x128xi32, #tpu.memory_space<hbm>> -> memref<128xi32, #tpu.memory_space<hbm>>
    %dma_start3A_67 = arith.constant 0 : i32
    %dma_start3A_68 = tpu.memref_slice %arg5[%dma_start3A_61, %dma_start3A_67] : memref<8x128xi32, #tpu.memory_space<vmem>> -> memref<1x128xi32, #tpu.memory_space<vmem>>
    %dma_start3A_69 = tpu.memref_squeeze %dma_start3A_68 : memref<1x128xi32, #tpu.memory_space<vmem>> -> memref<128xi32, #tpu.memory_space<vmem>>
    %dma_start3A_70 = tpu.memref_slice %arg2[%dma_start3A, %mul3A_60] : memref<2x160000xi32, #tpu.memory_space<hbm>> -> memref<1x128xi32, #tpu.memory_space<hbm>>
    %dma_start3A_71 = tpu.memref_squeeze %dma_start3A_70 : memref<1x128xi32, #tpu.memory_space<hbm>> -> memref<128xi32, #tpu.memory_space<hbm>>
    tpu.enqueue_dma source(%dma_start3A_71 : memref<128xi32, #tpu.memory_space<hbm>>) target(%dma_start3A_69 : memref<128xi32, #tpu.memory_space<vmem>>) target_semaphore(%arg8 : memref<!tpu.dma_semaphore, #tpu.memory_space<semaphore_mem>>)
    %add3A_72 = arith.constant 32 : i32
    %add3A_73 = arith.addi %add3A, %add3A_72 : i32
    %mul3A_74 = arith.constant 128 : i32
    %mul3A_75 = arith.muli %add3A_73, %mul3A_74 : i32
    %dma_start3A_76 = arith.constant 0 : i32
    %dma_start3A_77 = arith.constant 1 : i32
    %dma_start3A_78 = arith.constant 0 : i32
    %dma_start3A_79 = tpu.memref_slice %arg5[%dma_start3A_77, %dma_start3A_78] : memref<8x128xi32, #tpu.memory_space<vmem>> -> memref<1x128xi32, #tpu.memory_space<vmem>>
    %dma_start3A_80 = tpu.memref_squeeze %dma_start3A_79 : memref<1x128xi32, #tpu.memory_space<vmem>> -> memref<128xi32, #tpu.memory_space<vmem>>
    %dma_start3A_81 = tpu.memref_slice %arg2[%dma_start3A_76, %mul3A_75] : memref<2x160000xi32, #tpu.memory_space<hbm>> -> memref<1x128xi32, #tpu.memory_space<hbm>>
    %dma_start3A_82 = tpu.memref_squeeze %dma_start3A_81 : memref<1x128xi32, #tpu.memory_space<hbm>> -> memref<128xi32, #tpu.memory_space<hbm>>
    %dma_start3A_83 = arith.constant 0 : i32
    %dma_start3A_84 = tpu.memref_slice %arg5[%dma_start3A_77, %dma_start3A_83] : memref<8x128xi32, #tpu.memory_space<vmem>> -> memref<1x128xi32, #tpu.memory_space<vmem>>
    %dma_start3A_85 = tpu.memref_squeeze %dma_start3A_84 : memref<1x128xi32, #tpu.memory_space<vmem>> -> memref<128xi32, #tpu.memory_space<vmem>>
    %dma_start3A_86 = tpu.memref_slice %arg2[%dma_start3A_76, %mul3A_75] : memref<2x160000xi32, #tpu.memory_space<hbm>> -> memref<1x128xi32, #tpu.memory_space<hbm>>
    %dma_start3A_87 = tpu.memref_squeeze %dma_start3A_86 : memref<1x128xi32, #tpu.memory_space<hbm>> -> memref<128xi32, #tpu.memory_space<hbm>>
    tpu.enqueue_dma source(%dma_start3A_87 : memref<128xi32, #tpu.memory_space<hbm>>) target(%dma_start3A_85 : memref<128xi32, #tpu.memory_space<vmem>>) target_semaphore(%arg8 : memref<!tpu.dma_semaphore, #tpu.memory_space<semaphore_mem>>)
    %add3A_88 = arith.constant 64 : i32
    %add3A_89 = arith.addi %add3A, %add3A_88 : i32
    %mul3A_90 = arith.constant 128 : i32
    %mul3A_91 = arith.muli %add3A_89, %mul3A_90 : i32
    %dma_start3A_92 = arith.constant 0 : i32
    %dma_start3A_93 = arith.constant 2 : i32
    %dma_start3A_94 = arith.constant 0 : i32
    %dma_start3A_95 = tpu.memref_slice %arg5[%dma_start3A_93, %dma_start3A_94] : memref<8x128xi32, #tpu.memory_space<vmem>> -> memref<1x128xi32, #tpu.memory_space<vmem>>
    %dma_start3A_96 = tpu.memref_squeeze %dma_start3A_95 : memref<1x128xi32, #tpu.memory_space<vmem>> -> memref<128xi32, #tpu.memory_space<vmem>>
    %dma_start3A_97 = tpu.memref_slice %arg2[%dma_start3A_92, %mul3A_91] : memref<2x160000xi32, #tpu.memory_space<hbm>> -> memref<1x128xi32, #tpu.memory_space<hbm>>
    %dma_start3A_98 = tpu.memref_squeeze %dma_start3A_97 : memref<1x128xi32, #tpu.memory_space<hbm>> -> memref<128xi32, #tpu.memory_space<hbm>>
    %dma_start3A_99 = arith.constant 0 : i32
    %dma_start3A_100 = tpu.memref_slice %arg5[%dma_start3A_93, %dma_start3A_99] : memref<8x128xi32, #tpu.memory_space<vmem>> -> memref<1x128xi32, #tpu.memory_space<vmem>>
    %dma_start3A_101 = tpu.memref_squeeze %dma_start3A_100 : memref<1x128xi32, #tpu.memory_space<vmem>> -> memref<128xi32, #tpu.memory_space<vmem>>
    %dma_start3A_102 = tpu.memref_slice %arg2[%dma_start3A_92, %mul3A_91] : memref<2x160000xi32, #tpu.memory_space<hbm>> -> memref<1x128xi32, #tpu.memory_space<hbm>>
    %dma_start3A_103 = tpu.memref_squeeze %dma_start3A_102 : memref<1x128xi32, #tpu.memory_space<hbm>> -> memref<128xi32, #tpu.memory_space<hbm>>
    tpu.enqueue_dma source(%dma_start3A_103 : memref<128xi32, #tpu.memory_space<hbm>>) target(%dma_start3A_101 : memref<128xi32, #tpu.memory_space<vmem>>) target_semaphore(%arg8 : memref<!tpu.dma_semaphore, #tpu.memory_space<semaphore_mem>>)
    %add3A_104 = arith.constant 96 : i32
    %add3A_105 = arith.addi %add3A, %add3A_104 : i32
    %mul3A_106 = arith.constant 128 : i32
    %mul3A_107 = arith.muli %add3A_105, %mul3A_106 : i32
    %dma_start3A_108 = arith.constant 0 : i32
    %dma_start3A_109 = arith.constant 3 : i32
    %dma_start3A_110 = arith.constant 0 : i32
    %dma_start3A_111 = tpu.memref_slice %arg5[%dma_start3A_109, %dma_start3A_110] : memref<8x128xi32, #tpu.memory_space<vmem>> -> memref<1x128xi32, #tpu.memory_space<vmem>>
    %dma_start3A_112 = tpu.memref_squeeze %dma_start3A_111 : memref<1x128xi32, #tpu.memory_space<vmem>> -> memref<128xi32, #tpu.memory_space<vmem>>
    %dma_start3A_113 = tpu.memref_slice %arg2[%dma_start3A_108, %mul3A_107] : memref<2x160000xi32, #tpu.memory_space<hbm>> -> memref<1x128xi32, #tpu.memory_space<hbm>>
    %dma_start3A_114 = tpu.memref_squeeze %dma_start3A_113 : memref<1x128xi32, #tpu.memory_space<hbm>> -> memref<128xi32, #tpu.memory_space<hbm>>
    %dma_start3A_115 = arith.constant 0 : i32
    %dma_start3A_116 = tpu.memref_slice %arg5[%dma_start3A_109, %dma_start3A_115] : memref<8x128xi32, #tpu.memory_space<vmem>> -> memref<1x128xi32, #tpu.memory_space<vmem>>
    %dma_start3A_117 = tpu.memref_squeeze %dma_start3A_116 : memref<1x128xi32, #tpu.memory_space<vmem>> -> memref<128xi32, #tpu.memory_space<vmem>>
    %dma_start3A_118 = tpu.memref_slice %arg2[%dma_start3A_108, %mul3A_107] : memref<2x160000xi32, #tpu.memory_space<hbm>> -> memref<1x128xi32, #tpu.memory_space<hbm>>
    %dma_start3A_119 = tpu.memref_squeeze %dma_start3A_118 : memref<1x128xi32, #tpu.memory_space<hbm>> -> memref<128xi32, #tpu.memory_space<hbm>>
    tpu.enqueue_dma source(%dma_start3A_119 : memref<128xi32, #tpu.memory_space<hbm>>) target(%dma_start3A_117 : memref<128xi32, #tpu.memory_space<vmem>>) target_semaphore(%arg8 : memref<!tpu.dma_semaphore, #tpu.memory_space<semaphore_mem>>)
    %while3A = arith.constant 0 : i32
    %while3A_120 = arith.constant 0 : i32
    %while3A_121 = arith.subi %add3A_3, %while3A_120 : i32
    %while3A_122 = arith.addi %while3A_120, %while3A_121 : i32
    %while3A_123 = arith.constant 1 : i32
    %while3A_124 = arith.divsi %while3A_121, %while3A_123 : i32
    %while3A_125 = arith.muli %while3A_124, %while3A_123 : i32
    %while3A_126 = arith.addi %while3A_120, %while3A_125 : i32
    %while3A_127 = arith.constant 1 : i32
    scf.for %while3A_144 = %while3A_120 to %while3A_126 step %while3A_127  : i32 {
      %ge3A = arith.constant 4 : i32
      %ge3A_145 = arith.cmpi sge, %while3A_144, %ge3A : i32
      %convert_element_type3A_146 = arith.extui %ge3A_145 : i1 to i32
      %cond3A_147 = arith.constant 0 : i32
      %cond3A_148 = arith.cmpi ne, %convert_element_type3A_146, %cond3A_147 : i32
      scf.if %cond3A_148 {
        %sub3A = arith.constant 4 : i32
        %sub3A_202 = arith.subi %while3A_144, %sub3A : i32
        %jit3A_203 = arith.constant 8 : i32
        %eq3A_204 = arith.constant 0 : i32
        %eq3A_205 = arith.cmpi eq, %jit3A_203, %eq3A_204 : i32
        %jit3A_206 = arith.constant 1 : i32
        %select_n3A_207 = arith.select %eq3A_205, %jit3A_206, %jit3A_203 : i32
        %rem3A_208 = arith.remsi %sub3A_202, %select_n3A_207 : i32
        %ne3A_209 = arith.constant 0 : i32
        %ne3A_210 = arith.cmpi ne, %rem3A_208, %ne3A_209 : i32
        %lt3A_211 = arith.constant 0 : i32
        %lt3A_212 = arith.cmpi slt, %rem3A_208, %lt3A_211 : i32
        %lt3A_213 = arith.constant 0 : i32
        %lt3A_214 = arith.cmpi slt, %select_n3A_207, %lt3A_213 : i32
        %ne3A_215 = arith.xori %lt3A_212, %lt3A_214 : i1
        %and3A_216 = arith.andi %ne3A_215, %ne3A_210 : i1
        %add3A_217 = arith.addi %rem3A_208, %select_n3A_207 : i32
        %select_n3A_218 = arith.select %and3A_216, %add3A_217, %rem3A_208 : i32
        %dma_wait3A_219 = arith.constant 0 : i32
        %dma_wait3A_220 = tpu.memref_slice %arg5[%select_n3A_218, %dma_wait3A_219] : memref<8x128xi32, #tpu.memory_space<vmem>> -> memref<1x128xi32, #tpu.memory_space<vmem>>
        %dma_wait3A_221 = tpu.memref_squeeze %dma_wait3A_220 : memref<1x128xi32, #tpu.memory_space<vmem>> -> memref<128xi32, #tpu.memory_space<vmem>>
        %dma_wait3A_222 = arith.constant 0 : i32
        %dma_wait3A_223 = tpu.memref_slice %arg10[%dma_wait3A_222] : memref<10240xf32, #tpu.memory_space<vmem_shared>> -> memref<10240xf32, #tpu.memory_space<vmem_shared>>
        tpu.wait_indirect_dma semaphore(%arg9 : memref<!tpu.dma_semaphore, #tpu.memory_space<semaphore_mem>>) src(%arg6 : memref<128xf32, #tpu.memory_space<vmem>>) dst(%dma_wait3A_223 : memref<10240xf32, #tpu.memory_space<vmem_shared>>)
      } else {
      }
      %add3A_149 = arith.constant 4 : i32
      %add3A_150 = arith.addi %while3A_144, %add3A_149 : i32
      %lt3A_151 = arith.cmpi slt, %add3A_150, %add3A_3 : i32
      %convert_element_type3A_152 = arith.extui %lt3A_151 : i1 to i32
      %cond3A_153 = arith.constant 0 : i32
      %cond3A_154 = arith.cmpi ne, %convert_element_type3A_152, %cond3A_153 : i32
      scf.if %cond3A_154 {
        %add3A_202 = arith.constant 4 : i32
        %add3A_203 = arith.addi %while3A_144, %add3A_202 : i32
        %mul3A_204 = arith.constant 32 : i32
        %mul3A_205 = arith.muli %mul3A_204, %add3A_203 : i32
        %add3A_206 = arith.addi %add3A, %mul3A_205 : i32
        %mul3A_207 = arith.constant 128 : i32
        %mul3A_208 = arith.muli %add3A_206, %mul3A_207 : i32
        %jit3A_209 = arith.constant 8 : i32
        %eq3A_210 = arith.constant 0 : i32
        %eq3A_211 = arith.cmpi eq, %jit3A_209, %eq3A_210 : i32
        %jit3A_212 = arith.constant 1 : i32
        %select_n3A_213 = arith.select %eq3A_211, %jit3A_212, %jit3A_209 : i32
        %rem3A_214 = arith.remsi %add3A_203, %select_n3A_213 : i32
        %ne3A_215 = arith.constant 0 : i32
        %ne3A_216 = arith.cmpi ne, %rem3A_214, %ne3A_215 : i32
        %lt3A_217 = arith.constant 0 : i32
        %lt3A_218 = arith.cmpi slt, %rem3A_214, %lt3A_217 : i32
        %lt3A_219 = arith.constant 0 : i32
        %lt3A_220 = arith.cmpi slt, %select_n3A_213, %lt3A_219 : i32
        %ne3A_221 = arith.xori %lt3A_218, %lt3A_220 : i1
        %and3A_222 = arith.andi %ne3A_221, %ne3A_216 : i1
        %add3A_223 = arith.addi %rem3A_214, %select_n3A_213 : i32
        %select_n3A_224 = arith.select %and3A_222, %add3A_223, %rem3A_214 : i32
        %dma_start3A_225 = arith.constant 0 : i32
        %dma_start3A_226 = arith.constant 0 : i32
        %dma_start3A_227 = tpu.memref_slice %arg5[%select_n3A_224, %dma_start3A_226] : memref<8x128xi32, #tpu.memory_space<vmem>> -> memref<1x128xi32, #tpu.memory_space<vmem>>
        %dma_start3A_228 = tpu.memref_squeeze %dma_start3A_227 : memref<1x128xi32, #tpu.memory_space<vmem>> -> memref<128xi32, #tpu.memory_space<vmem>>
        %dma_start3A_229 = tpu.memref_slice %arg2[%dma_start3A_225, %mul3A_208] : memref<2x160000xi32, #tpu.memory_space<hbm>> -> memref<1x128xi32, #tpu.memory_space<hbm>>
        %dma_start3A_230 = tpu.memref_squeeze %dma_start3A_229 : memref<1x128xi32, #tpu.memory_space<hbm>> -> memref<128xi32, #tpu.memory_space<hbm>>
        %dma_start3A_231 = arith.constant 0 : i32
        %dma_start3A_232 = tpu.memref_slice %arg5[%select_n3A_224, %dma_start3A_231] : memref<8x128xi32, #tpu.memory_space<vmem>> -> memref<1x128xi32, #tpu.memory_space<vmem>>
        %dma_start3A_233 = tpu.memref_squeeze %dma_start3A_232 : memref<1x128xi32, #tpu.memory_space<vmem>> -> memref<128xi32, #tpu.memory_space<vmem>>
        %dma_start3A_234 = tpu.memref_slice %arg2[%dma_start3A_225, %mul3A_208] : memref<2x160000xi32, #tpu.memory_space<hbm>> -> memref<1x128xi32, #tpu.memory_space<hbm>>
        %dma_start3A_235 = tpu.memref_squeeze %dma_start3A_234 : memref<1x128xi32, #tpu.memory_space<hbm>> -> memref<128xi32, #tpu.memory_space<hbm>>
        tpu.enqueue_dma source(%dma_start3A_235 : memref<128xi32, #tpu.memory_space<hbm>>) target(%dma_start3A_233 : memref<128xi32, #tpu.memory_space<vmem>>) target_semaphore(%arg8 : memref<!tpu.dma_semaphore, #tpu.memory_space<semaphore_mem>>)
      } else {
      }
      %mul3A_155 = arith.constant 32 : i32
      %mul3A_156 = arith.muli %mul3A_155, %while3A_144 : i32
      %add3A_157 = arith.addi %add3A, %mul3A_156 : i32
      %mul3A_158 = arith.constant 128 : i32
      %mul3A_159 = arith.muli %add3A_157, %mul3A_158 : i32
      %jit3A = arith.constant 8 : i32
      %eq3A_160 = arith.constant 0 : i32
      %eq3A_161 = arith.cmpi eq, %jit3A, %eq3A_160 : i32
      %jit3A_162 = arith.constant 1 : i32
      %select_n3A = arith.select %eq3A_161, %jit3A_162, %jit3A : i32
      %rem3A = arith.remsi %while3A_144, %select_n3A : i32
      %ne3A = arith.constant 0 : i32
      %ne3A_163 = arith.cmpi ne, %rem3A, %ne3A : i32
      %lt3A_164 = arith.constant 0 : i32
      %lt3A_165 = arith.cmpi slt, %rem3A, %lt3A_164 : i32
      %lt3A_166 = arith.constant 0 : i32
      %lt3A_167 = arith.cmpi slt, %select_n3A, %lt3A_166 : i32
      %ne3A_168 = arith.xori %lt3A_165, %lt3A_167 : i1
      %and3A = arith.andi %ne3A_168, %ne3A_163 : i1
      %add3A_169 = arith.addi %rem3A, %select_n3A : i32
      %select_n3A_170 = arith.select %and3A, %add3A_169, %rem3A : i32
      %dma_wait3A = arith.constant 0 : i32
      %dma_wait3A_171 = arith.constant 0 : i32
      %dma_wait3A_172 = tpu.memref_slice %arg5[%select_n3A_170, %dma_wait3A_171] : memref<8x128xi32, #tpu.memory_space<vmem>> -> memref<1x128xi32, #tpu.memory_space<vmem>>
      %dma_wait3A_173 = tpu.memref_squeeze %dma_wait3A_172 : memref<1x128xi32, #tpu.memory_space<vmem>> -> memref<128xi32, #tpu.memory_space<vmem>>
      %dma_wait3A_174 = tpu.memref_slice %arg2[%dma_wait3A, %mul3A_159] : memref<2x160000xi32, #tpu.memory_space<hbm>> -> memref<1x128xi32, #tpu.memory_space<hbm>>
      %dma_wait3A_175 = tpu.memref_squeeze %dma_wait3A_174 : memref<1x128xi32, #tpu.memory_space<hbm>> -> memref<128xi32, #tpu.memory_space<hbm>>
      %dma_wait3A_176 = arith.constant 0 : i32
      %dma_wait3A_177 = tpu.memref_slice %arg5[%select_n3A_170, %dma_wait3A_176] : memref<8x128xi32, #tpu.memory_space<vmem>> -> memref<1x128xi32, #tpu.memory_space<vmem>>
      %dma_wait3A_178 = tpu.memref_squeeze %dma_wait3A_177 : memref<1x128xi32, #tpu.memory_space<vmem>> -> memref<128xi32, #tpu.memory_space<vmem>>
      %dma_wait3A_179 = tpu.memref_slice %arg2[%dma_wait3A, %mul3A_159] : memref<2x160000xi32, #tpu.memory_space<hbm>> -> memref<1x128xi32, #tpu.memory_space<hbm>>
      %dma_wait3A_180 = tpu.memref_squeeze %dma_wait3A_179 : memref<1x128xi32, #tpu.memory_space<hbm>> -> memref<128xi32, #tpu.memory_space<hbm>>
      tpu.wait_dma2 semaphore(%arg8 : memref<!tpu.dma_semaphore, #tpu.memory_space<semaphore_mem>>) src(%dma_wait3A_180 : memref<128xi32, #tpu.memory_space<hbm>>) dst(%dma_wait3A_178 : memref<128xi32, #tpu.memory_space<vmem>>)
      %jit3A_181 = arith.constant 8 : i32
      %eq3A_182 = arith.constant 0 : i32
      %eq3A_183 = arith.cmpi eq, %jit3A_181, %eq3A_182 : i32
      %jit3A_184 = arith.constant 1 : i32
      %select_n3A_185 = arith.select %eq3A_183, %jit3A_184, %jit3A_181 : i32
      %rem3A_186 = arith.remsi %while3A_144, %select_n3A_185 : i32
      %ne3A_187 = arith.constant 0 : i32
      %ne3A_188 = arith.cmpi ne, %rem3A_186, %ne3A_187 : i32
      %lt3A_189 = arith.constant 0 : i32
      %lt3A_190 = arith.cmpi slt, %rem3A_186, %lt3A_189 : i32
      %lt3A_191 = arith.constant 0 : i32
      %lt3A_192 = arith.cmpi slt, %select_n3A_185, %lt3A_191 : i32
      %ne3A_193 = arith.xori %lt3A_190, %lt3A_192 : i1
      %and3A_194 = arith.andi %ne3A_193, %ne3A_188 : i1
      %add3A_195 = arith.addi %rem3A_186, %select_n3A_185 : i32
      %select_n3A_196 = arith.select %and3A_194, %add3A_195, %rem3A_186 : i32
      %dma_start3A_197 = arith.constant 0 : i32
      %dma_start3A_198 = tpu.memref_slice %arg5[%select_n3A_196, %dma_start3A_197] : memref<8x128xi32, #tpu.memory_space<vmem>> -> memref<1x128xi32, #tpu.memory_space<vmem>>
      %dma_start3A_199 = tpu.memref_squeeze %dma_start3A_198 : memref<1x128xi32, #tpu.memory_space<vmem>> -> memref<128xi32, #tpu.memory_space<vmem>>
      %dma_start3A_200 = arith.constant 0 : i32
      %dma_start3A_201 = tpu.memref_slice %arg10[%dma_start3A_200] : memref<10240xf32, #tpu.memory_space<vmem_shared>> -> memref<10240xf32, #tpu.memory_space<vmem_shared>>
      tpu.enqueue_indirect_dma source(%arg6 : memref<128xf32, #tpu.memory_space<vmem>>) target(%dma_start3A_201 : memref<10240xf32, #tpu.memory_space<vmem_shared>>) offsets(%dma_start3A_199 : memref<128xi32, #tpu.memory_space<vmem>>) semaphore(%arg9 : memref<!tpu.dma_semaphore, #tpu.memory_space<semaphore_mem>>) {add = true}
    }
    %while3A_128 = arith.constant 1 : i32
    scf.for %while3A_144 = %while3A_126 to %while3A_122 step %while3A_128  : i32 {
      %ge3A = arith.constant 4 : i32
      %ge3A_145 = arith.cmpi sge, %while3A_144, %ge3A : i32
      %convert_element_type3A_146 = arith.extui %ge3A_145 : i1 to i32
      %cond3A_147 = arith.constant 0 : i32
      %cond3A_148 = arith.cmpi ne, %convert_element_type3A_146, %cond3A_147 : i32
      scf.if %cond3A_148 {
        %sub3A = arith.constant 4 : i32
        %sub3A_202 = arith.subi %while3A_144, %sub3A : i32
        %jit3A_203 = arith.constant 8 : i32
        %eq3A_204 = arith.constant 0 : i32
        %eq3A_205 = arith.cmpi eq, %jit3A_203, %eq3A_204 : i32
        %jit3A_206 = arith.constant 1 : i32
        %select_n3A_207 = arith.select %eq3A_205, %jit3A_206, %jit3A_203 : i32
        %rem3A_208 = arith.remsi %sub3A_202, %select_n3A_207 : i32
        %ne3A_209 = arith.constant 0 : i32
        %ne3A_210 = arith.cmpi ne, %rem3A_208, %ne3A_209 : i32
        %lt3A_211 = arith.constant 0 : i32
        %lt3A_212 = arith.cmpi slt, %rem3A_208, %lt3A_211 : i32
        %lt3A_213 = arith.constant 0 : i32
        %lt3A_214 = arith.cmpi slt, %select_n3A_207, %lt3A_213 : i32
        %ne3A_215 = arith.xori %lt3A_212, %lt3A_214 : i1
        %and3A_216 = arith.andi %ne3A_215, %ne3A_210 : i1
        %add3A_217 = arith.addi %rem3A_208, %select_n3A_207 : i32
        %select_n3A_218 = arith.select %and3A_216, %add3A_217, %rem3A_208 : i32
        %dma_wait3A_219 = arith.constant 0 : i32
        %dma_wait3A_220 = tpu.memref_slice %arg5[%select_n3A_218, %dma_wait3A_219] : memref<8x128xi32, #tpu.memory_space<vmem>> -> memref<1x128xi32, #tpu.memory_space<vmem>>
        %dma_wait3A_221 = tpu.memref_squeeze %dma_wait3A_220 : memref<1x128xi32, #tpu.memory_space<vmem>> -> memref<128xi32, #tpu.memory_space<vmem>>
        %dma_wait3A_222 = arith.constant 0 : i32
        %dma_wait3A_223 = tpu.memref_slice %arg10[%dma_wait3A_222] : memref<10240xf32, #tpu.memory_space<vmem_shared>> -> memref<10240xf32, #tpu.memory_space<vmem_shared>>
        tpu.wait_indirect_dma semaphore(%arg9 : memref<!tpu.dma_semaphore, #tpu.memory_space<semaphore_mem>>) src(%arg6 : memref<128xf32, #tpu.memory_space<vmem>>) dst(%dma_wait3A_223 : memref<10240xf32, #tpu.memory_space<vmem_shared>>)
      } else {
      }
      %add3A_149 = arith.constant 4 : i32
      %add3A_150 = arith.addi %while3A_144, %add3A_149 : i32
      %lt3A_151 = arith.cmpi slt, %add3A_150, %add3A_3 : i32
      %convert_element_type3A_152 = arith.extui %lt3A_151 : i1 to i32
      %cond3A_153 = arith.constant 0 : i32
      %cond3A_154 = arith.cmpi ne, %convert_element_type3A_152, %cond3A_153 : i32
      scf.if %cond3A_154 {
        %add3A_202 = arith.constant 4 : i32
        %add3A_203 = arith.addi %while3A_144, %add3A_202 : i32
        %mul3A_204 = arith.constant 32 : i32
        %mul3A_205 = arith.muli %mul3A_204, %add3A_203 : i32
        %add3A_206 = arith.addi %add3A, %mul3A_205 : i32
        %mul3A_207 = arith.constant 128 : i32
        %mul3A_208 = arith.muli %add3A_206, %mul3A_207 : i32
        %jit3A_209 = arith.constant 8 : i32
        %eq3A_210 = arith.constant 0 : i32
        %eq3A_211 = arith.cmpi eq, %jit3A_209, %eq3A_210 : i32
        %jit3A_212 = arith.constant 1 : i32
        %select_n3A_213 = arith.select %eq3A_211, %jit3A_212, %jit3A_209 : i32
        %rem3A_214 = arith.remsi %add3A_203, %select_n3A_213 : i32
        %ne3A_215 = arith.constant 0 : i32
        %ne3A_216 = arith.cmpi ne, %rem3A_214, %ne3A_215 : i32
        %lt3A_217 = arith.constant 0 : i32
        %lt3A_218 = arith.cmpi slt, %rem3A_214, %lt3A_217 : i32
        %lt3A_219 = arith.constant 0 : i32
        %lt3A_220 = arith.cmpi slt, %select_n3A_213, %lt3A_219 : i32
        %ne3A_221 = arith.xori %lt3A_218, %lt3A_220 : i1
        %and3A_222 = arith.andi %ne3A_221, %ne3A_216 : i1
        %add3A_223 = arith.addi %rem3A_214, %select_n3A_213 : i32
        %select_n3A_224 = arith.select %and3A_222, %add3A_223, %rem3A_214 : i32
        %dma_start3A_225 = arith.constant 0 : i32
        %dma_start3A_226 = arith.constant 0 : i32
        %dma_start3A_227 = tpu.memref_slice %arg5[%select_n3A_224, %dma_start3A_226] : memref<8x128xi32, #tpu.memory_space<vmem>> -> memref<1x128xi32, #tpu.memory_space<vmem>>
        %dma_start3A_228 = tpu.memref_squeeze %dma_start3A_227 : memref<1x128xi32, #tpu.memory_space<vmem>> -> memref<128xi32, #tpu.memory_space<vmem>>
        %dma_start3A_229 = tpu.memref_slice %arg2[%dma_start3A_225, %mul3A_208] : memref<2x160000xi32, #tpu.memory_space<hbm>> -> memref<1x128xi32, #tpu.memory_space<hbm>>
        %dma_start3A_230 = tpu.memref_squeeze %dma_start3A_229 : memref<1x128xi32, #tpu.memory_space<hbm>> -> memref<128xi32, #tpu.memory_space<hbm>>
        %dma_start3A_231 = arith.constant 0 : i32
        %dma_start3A_232 = tpu.memref_slice %arg5[%select_n3A_224, %dma_start3A_231] : memref<8x128xi32, #tpu.memory_space<vmem>> -> memref<1x128xi32, #tpu.memory_space<vmem>>
        %dma_start3A_233 = tpu.memref_squeeze %dma_start3A_232 : memref<1x128xi32, #tpu.memory_space<vmem>> -> memref<128xi32, #tpu.memory_space<vmem>>
        %dma_start3A_234 = tpu.memref_slice %arg2[%dma_start3A_225, %mul3A_208] : memref<2x160000xi32, #tpu.memory_space<hbm>> -> memref<1x128xi32, #tpu.memory_space<hbm>>
        %dma_start3A_235 = tpu.memref_squeeze %dma_start3A_234 : memref<1x128xi32, #tpu.memory_space<hbm>> -> memref<128xi32, #tpu.memory_space<hbm>>
        tpu.enqueue_dma source(%dma_start3A_235 : memref<128xi32, #tpu.memory_space<hbm>>) target(%dma_start3A_233 : memref<128xi32, #tpu.memory_space<vmem>>) target_semaphore(%arg8 : memref<!tpu.dma_semaphore, #tpu.memory_space<semaphore_mem>>)
      } else {
      }
      %mul3A_155 = arith.constant 32 : i32
      %mul3A_156 = arith.muli %mul3A_155, %while3A_144 : i32
      %add3A_157 = arith.addi %add3A, %mul3A_156 : i32
      %mul3A_158 = arith.constant 128 : i32
      %mul3A_159 = arith.muli %add3A_157, %mul3A_158 : i32
      %jit3A = arith.constant 8 : i32
      %eq3A_160 = arith.constant 0 : i32
      %eq3A_161 = arith.cmpi eq, %jit3A, %eq3A_160 : i32
      %jit3A_162 = arith.constant 1 : i32
      %select_n3A = arith.select %eq3A_161, %jit3A_162, %jit3A : i32
      %rem3A = arith.remsi %while3A_144, %select_n3A : i32
      %ne3A = arith.constant 0 : i32
      %ne3A_163 = arith.cmpi ne, %rem3A, %ne3A : i32
      %lt3A_164 = arith.constant 0 : i32
      %lt3A_165 = arith.cmpi slt, %rem3A, %lt3A_164 : i32
      %lt3A_166 = arith.constant 0 : i32
      %lt3A_167 = arith.cmpi slt, %select_n3A, %lt3A_166 : i32
      %ne3A_168 = arith.xori %lt3A_165, %lt3A_167 : i1
      %and3A = arith.andi %ne3A_168, %ne3A_163 : i1
      %add3A_169 = arith.addi %rem3A, %select_n3A : i32
      %select_n3A_170 = arith.select %and3A, %add3A_169, %rem3A : i32
      %dma_wait3A = arith.constant 0 : i32
      %dma_wait3A_171 = arith.constant 0 : i32
      %dma_wait3A_172 = tpu.memref_slice %arg5[%select_n3A_170, %dma_wait3A_171] : memref<8x128xi32, #tpu.memory_space<vmem>> -> memref<1x128xi32, #tpu.memory_space<vmem>>
      %dma_wait3A_173 = tpu.memref_squeeze %dma_wait3A_172 : memref<1x128xi32, #tpu.memory_space<vmem>> -> memref<128xi32, #tpu.memory_space<vmem>>
      %dma_wait3A_174 = tpu.memref_slice %arg2[%dma_wait3A, %mul3A_159] : memref<2x160000xi32, #tpu.memory_space<hbm>> -> memref<1x128xi32, #tpu.memory_space<hbm>>
      %dma_wait3A_175 = tpu.memref_squeeze %dma_wait3A_174 : memref<1x128xi32, #tpu.memory_space<hbm>> -> memref<128xi32, #tpu.memory_space<hbm>>
      %dma_wait3A_176 = arith.constant 0 : i32
      %dma_wait3A_177 = tpu.memref_slice %arg5[%select_n3A_170, %dma_wait3A_176] : memref<8x128xi32, #tpu.memory_space<vmem>> -> memref<1x128xi32, #tpu.memory_space<vmem>>
      %dma_wait3A_178 = tpu.memref_squeeze %dma_wait3A_177 : memref<1x128xi32, #tpu.memory_space<vmem>> -> memref<128xi32, #tpu.memory_space<vmem>>
      %dma_wait3A_179 = tpu.memref_slice %arg2[%dma_wait3A, %mul3A_159] : memref<2x160000xi32, #tpu.memory_space<hbm>> -> memref<1x128xi32, #tpu.memory_space<hbm>>
      %dma_wait3A_180 = tpu.memref_squeeze %dma_wait3A_179 : memref<1x128xi32, #tpu.memory_space<hbm>> -> memref<128xi32, #tpu.memory_space<hbm>>
      tpu.wait_dma2 semaphore(%arg8 : memref<!tpu.dma_semaphore, #tpu.memory_space<semaphore_mem>>) src(%dma_wait3A_180 : memref<128xi32, #tpu.memory_space<hbm>>) dst(%dma_wait3A_178 : memref<128xi32, #tpu.memory_space<vmem>>)
      %jit3A_181 = arith.constant 8 : i32
      %eq3A_182 = arith.constant 0 : i32
      %eq3A_183 = arith.cmpi eq, %jit3A_181, %eq3A_182 : i32
      %jit3A_184 = arith.constant 1 : i32
      %select_n3A_185 = arith.select %eq3A_183, %jit3A_184, %jit3A_181 : i32
      %rem3A_186 = arith.remsi %while3A_144, %select_n3A_185 : i32
      %ne3A_187 = arith.constant 0 : i32
      %ne3A_188 = arith.cmpi ne, %rem3A_186, %ne3A_187 : i32
      %lt3A_189 = arith.constant 0 : i32
      %lt3A_190 = arith.cmpi slt, %rem3A_186, %lt3A_189 : i32
      %lt3A_191 = arith.constant 0 : i32
      %lt3A_192 = arith.cmpi slt, %select_n3A_185, %lt3A_191 : i32
      %ne3A_193 = arith.xori %lt3A_190, %lt3A_192 : i1
      %and3A_194 = arith.andi %ne3A_193, %ne3A_188 : i1
      %add3A_195 = arith.addi %rem3A_186, %select_n3A_185 : i32
      %select_n3A_196 = arith.select %and3A_194, %add3A_195, %rem3A_186 : i32
      %dma_start3A_197 = arith.constant 0 : i32
      %dma_start3A_198 = tpu.memref_slice %arg5[%select_n3A_196, %dma_start3A_197] : memref<8x128xi32, #tpu.memory_space<vmem>> -> memref<1x128xi32, #tpu.memory_space<vmem>>
      %dma_start3A_199 = tpu.memref_squeeze %dma_start3A_198 : memref<1x128xi32, #tpu.memory_space<vmem>> -> memref<128xi32, #tpu.memory_space<vmem>>
      %dma_start3A_200 = arith.constant 0 : i32
      %dma_start3A_201 = tpu.memref_slice %arg10[%dma_start3A_200] : memref<10240xf32, #tpu.memory_space<vmem_shared>> -> memref<10240xf32, #tpu.memory_space<vmem_shared>>
      tpu.enqueue_indirect_dma source(%arg6 : memref<128xf32, #tpu.memory_space<vmem>>) target(%dma_start3A_201 : memref<10240xf32, #tpu.memory_space<vmem_shared>>) offsets(%dma_start3A_199 : memref<128xi32, #tpu.memory_space<vmem>>) semaphore(%arg9 : memref<!tpu.dma_semaphore, #tpu.memory_space<semaphore_mem>>) {add = true}
    }
    %scan3A_129 = arith.constant 0 : i32
    %scan3A_130 = arith.constant 0 : i32
    %scan3A_131 = arith.constant 4 : i32
    %scan3A_132 = arith.addi %scan3A_130, %scan3A_131 : i32
    %scan3A_133 = arith.constant 1 : i32
    scf.for %scan3A_144 = %scan3A_130 to %scan3A_132 step %scan3A_133  : i32 {
      %sub3A = arith.constant 4 : i32
      %sub3A_145 = arith.subi %add3A_3, %sub3A : i32
      %add3A_146 = arith.addi %sub3A_145, %scan3A_144 : i32
      %jit3A = arith.constant 8 : i32
      %eq3A_147 = arith.constant 0 : i32
      %eq3A_148 = arith.cmpi eq, %jit3A, %eq3A_147 : i32
      %jit3A_149 = arith.constant 1 : i32
      %select_n3A = arith.select %eq3A_148, %jit3A_149, %jit3A : i32
      %rem3A = arith.remsi %add3A_146, %select_n3A : i32
      %ne3A = arith.constant 0 : i32
      %ne3A_150 = arith.cmpi ne, %rem3A, %ne3A : i32
      %lt3A_151 = arith.constant 0 : i32
      %lt3A_152 = arith.cmpi slt, %rem3A, %lt3A_151 : i32
      %lt3A_153 = arith.constant 0 : i32
      %lt3A_154 = arith.cmpi slt, %select_n3A, %lt3A_153 : i32
      %ne3A_155 = arith.xori %lt3A_152, %lt3A_154 : i1
      %and3A = arith.andi %ne3A_155, %ne3A_150 : i1
      %add3A_156 = arith.addi %rem3A, %select_n3A : i32
      %select_n3A_157 = arith.select %and3A, %add3A_156, %rem3A : i32
      %dma_wait3A = arith.constant 0 : i32
      %dma_wait3A_158 = tpu.memref_slice %arg5[%select_n3A_157, %dma_wait3A] : memref<8x128xi32, #tpu.memory_space<vmem>> -> memref<1x128xi32, #tpu.memory_space<vmem>>
      %dma_wait3A_159 = tpu.memref_squeeze %dma_wait3A_158 : memref<1x128xi32, #tpu.memory_space<vmem>> -> memref<128xi32, #tpu.memory_space<vmem>>
      %dma_wait3A_160 = arith.constant 0 : i32
      %dma_wait3A_161 = tpu.memref_slice %arg10[%dma_wait3A_160] : memref<10240xf32, #tpu.memory_space<vmem_shared>> -> memref<10240xf32, #tpu.memory_space<vmem_shared>>
      tpu.wait_indirect_dma semaphore(%arg9 : memref<!tpu.dma_semaphore, #tpu.memory_space<semaphore_mem>>) src(%arg6 : memref<128xf32, #tpu.memory_space<vmem>>) dst(%dma_wait3A_161 : memref<10240xf32, #tpu.memory_space<vmem_shared>>)
    }
    %scan3A_134 = arith.constant 4 : i32
    %barrier3A_135 = arith.constant 0 : index
    tpu.barrier barrier_id(%barrier3A_135)
    %eq3A = arith.constant 0 : i32
    %eq3A_136 = arith.cmpi eq, %arg0, %eq3A : i32
    %convert_element_type3A_137 = arith.extui %eq3A_136 : i1 to i32
    %cond3A = arith.constant 0 : i32
    %cond3A_138 = arith.cmpi ne, %convert_element_type3A_137, %cond3A : i32
    scf.if %cond3A_138 {
      %mul3A_144 = arith.constant 640 : i32
      %mul3A_145 = arith.muli %arg1, %mul3A_144 : i32
      %mul3A_146 = arith.constant 640 : i32
      %mul3A_147 = arith.muli %arg1, %mul3A_146 : i32
      "tpu.region"() ({
        %run_scoped3A = tpu.sem_alloc : memref<!tpu.dma_semaphore, #tpu.memory_space<semaphore_mem>>
        %dma_start3A_148 = tpu.memref_slice %arg3[%mul3A_147] : memref<10240xf32, #tpu.memory_space<hbm>> -> memref<640xf32, #tpu.memory_space<hbm>>
        %dma_start3A_149 = tpu.memref_slice %arg10[%mul3A_145] : memref<10240xf32, #tpu.memory_space<vmem_shared>> -> memref<640xf32, #tpu.memory_space<vmem_shared>>
        tpu.enqueue_dma source(%dma_start3A_149 : memref<640xf32, #tpu.memory_space<vmem_shared>>) target(%dma_start3A_148 : memref<640xf32, #tpu.memory_space<hbm>>) target_semaphore(%run_scoped3A : memref<!tpu.dma_semaphore, #tpu.memory_space<semaphore_mem>>)
        %dma_wait3A = tpu.memref_slice %arg3[%mul3A_147] : memref<10240xf32, #tpu.memory_space<hbm>> -> memref<640xf32, #tpu.memory_space<hbm>>
        %dma_wait3A_150 = tpu.memref_slice %arg10[%mul3A_145] : memref<10240xf32, #tpu.memory_space<vmem_shared>> -> memref<640xf32, #tpu.memory_space<vmem_shared>>
        tpu.wait_dma2 semaphore(%run_scoped3A : memref<!tpu.dma_semaphore, #tpu.memory_space<semaphore_mem>>) src(%dma_wait3A_150 : memref<640xf32, #tpu.memory_space<vmem_shared>>) dst(%dma_wait3A : memref<640xf32, #tpu.memory_space<hbm>>)
        tpu.yield
      }) : () -> ()
    } else {
    }
    %eq3A_139 = arith.constant 1 : i32
    %eq3A_140 = arith.cmpi eq, %arg0, %eq3A_139 : i32
    %convert_element_type3A_141 = arith.extui %eq3A_140 : i1 to i32
    %cond3A_142 = arith.constant 0 : i32
    %cond3A_143 = arith.cmpi ne, %convert_element_type3A_141, %cond3A_142 : i32
    scf.if %cond3A_143 {
      %mul3A_144 = arith.constant 640 : i32
      %mul3A_145 = arith.muli %arg1, %mul3A_144 : i32
      %mul3A_146 = arith.constant 640 : i32
      %mul3A_147 = arith.muli %arg1, %mul3A_146 : i32
      "tpu.region"() ({
        %run_scoped3A = tpu.sem_alloc : memref<!tpu.dma_semaphore, #tpu.memory_space<semaphore_mem>>
        %dma_start3A_148 = tpu.memref_slice %arg4[%mul3A_147] : memref<10240xf32, #tpu.memory_space<hbm>> -> memref<640xf32, #tpu.memory_space<hbm>>
        %dma_start3A_149 = tpu.memref_slice %arg10[%mul3A_145] : memref<10240xf32, #tpu.memory_space<vmem_shared>> -> memref<640xf32, #tpu.memory_space<vmem_shared>>
        tpu.enqueue_dma source(%dma_start3A_149 : memref<640xf32, #tpu.memory_space<vmem_shared>>) target(%dma_start3A_148 : memref<640xf32, #tpu.memory_space<hbm>>) target_semaphore(%run_scoped3A : memref<!tpu.dma_semaphore, #tpu.memory_space<semaphore_mem>>)
        %dma_wait3A = tpu.memref_slice %arg4[%mul3A_147] : memref<10240xf32, #tpu.memory_space<hbm>> -> memref<640xf32, #tpu.memory_space<hbm>>
        %dma_wait3A_150 = tpu.memref_slice %arg10[%mul3A_145] : memref<10240xf32, #tpu.memory_space<vmem_shared>> -> memref<640xf32, #tpu.memory_space<vmem_shared>>
        tpu.wait_dma2 semaphore(%run_scoped3A : memref<!tpu.dma_semaphore, #tpu.memory_space<semaphore_mem>>) src(%dma_wait3A_150 : memref<640xf32, #tpu.memory_space<vmem_shared>>) dst(%dma_wait3A : memref<640xf32, #tpu.memory_space<hbm>>)
        tpu.yield
      }) : () -> ()
    } else {
    }
    return
  }
}

#map = affine_map<(d0, d1) -> (0, 0)>
module attributes {stable_mosaic.version = 14 : i64} {
  func.func @_scatter_body(%arg0: i32, %arg1: i32, %arg2: memref<10000x128xf32, #tpu.memory_space<hbm>>, %arg3: memref<10000x128xf32, #tpu.memory_space<hbm>>, %arg4: memref<2x160000xi32, #tpu.memory_space<hbm>>, %arg5: memref<10000x128xf32, #tpu.memory_space<hbm>>, %arg6: memref<10000x128xf32, #tpu.memory_space<hbm>>, %arg7: memref<4x128xi32, #tpu.memory_space<vmem>>, %arg8: memref<4x128xi32, #tpu.memory_space<vmem>>, %arg9: memref<3x128x128xf32, #tpu.memory_space<vmem>>, %arg10: memref<!tpu.dma_semaphore, #tpu.memory_space<semaphore_mem>>, %arg11: memref<!tpu.dma_semaphore, #tpu.memory_space<semaphore_mem>>, %arg12: memref<!tpu.dma_semaphore, #tpu.memory_space<semaphore_mem>>, %arg13: memref<10000x128xf32, #tpu.memory_space<vmem_shared>>) attributes {dimension_semantics = [#tpu.dimension_semantics<core_parallel>, #tpu.dimension_semantics<subcore_parallel>], iteration_bounds = array<i64: 2, 16>, scalar_prefetch = 0 : i64, scratch_operands = 7 : i64, tpu.core_type = #tpu.core_type<sc_vector_subcore>, window_params = [{transform_indices = #map}, {transform_indices = #map}, {transform_indices = #map}, {transform_indices = #map}, {transform_indices = #map}]} {
    %lt3A = arith.constant 2 : i32
    %lt3A_0 = arith.cmpi slt, %arg1, %lt3A : i32
    %convert_element_type3A = arith.extui %lt3A_0 : i1 to i32
    %add3A = arith.constant 78 : i32
    %add3A_1 = arith.addi %add3A, %convert_element_type3A : i32
    %add3A_2 = arith.constant 0 : i32
    %add3A_3 = arith.addi %arg1, %add3A_2 : i32
    %mul3A = arith.constant 128 : i32
    %mul3A_4 = arith.muli %add3A_3, %mul3A : i32
    %dma_start3A = arith.constant 1 : i32
    %dma_start3A_5 = arith.constant 0 : i32
    %dma_start3A_6 = arith.constant 0 : i32
    %dma_start3A_7 = tpu.memref_slice %arg7[%dma_start3A_5, %dma_start3A_6] : memref<4x128xi32, #tpu.memory_space<vmem>> -> memref<1x128xi32, #tpu.memory_space<vmem>>
    %dma_start3A_8 = tpu.memref_squeeze %dma_start3A_7 : memref<1x128xi32, #tpu.memory_space<vmem>> -> memref<128xi32, #tpu.memory_space<vmem>>
    %dma_start3A_9 = tpu.memref_slice %arg4[%dma_start3A, %mul3A_4] : memref<2x160000xi32, #tpu.memory_space<hbm>> -> memref<1x128xi32, #tpu.memory_space<hbm>>
    %dma_start3A_10 = tpu.memref_squeeze %dma_start3A_9 : memref<1x128xi32, #tpu.memory_space<hbm>> -> memref<128xi32, #tpu.memory_space<hbm>>
    %dma_start3A_11 = arith.constant 0 : i32
    %dma_start3A_12 = tpu.memref_slice %arg7[%dma_start3A_5, %dma_start3A_11] : memref<4x128xi32, #tpu.memory_space<vmem>> -> memref<1x128xi32, #tpu.memory_space<vmem>>
    %dma_start3A_13 = tpu.memref_squeeze %dma_start3A_12 : memref<1x128xi32, #tpu.memory_space<vmem>> -> memref<128xi32, #tpu.memory_space<vmem>>
    %dma_start3A_14 = tpu.memref_slice %arg4[%dma_start3A, %mul3A_4] : memref<2x160000xi32, #tpu.memory_space<hbm>> -> memref<1x128xi32, #tpu.memory_space<hbm>>
    %dma_start3A_15 = tpu.memref_squeeze %dma_start3A_14 : memref<1x128xi32, #tpu.memory_space<hbm>> -> memref<128xi32, #tpu.memory_space<hbm>>
    tpu.enqueue_dma source(%dma_start3A_15 : memref<128xi32, #tpu.memory_space<hbm>>) target(%dma_start3A_13 : memref<128xi32, #tpu.memory_space<vmem>>) target_semaphore(%arg10 : memref<!tpu.dma_semaphore, #tpu.memory_space<semaphore_mem>>)
    %dma_start3A_16 = arith.constant 0 : i32
    %dma_start3A_17 = arith.constant 0 : i32
    %dma_start3A_18 = arith.constant 0 : i32
    %dma_start3A_19 = tpu.memref_slice %arg8[%dma_start3A_17, %dma_start3A_18] : memref<4x128xi32, #tpu.memory_space<vmem>> -> memref<1x128xi32, #tpu.memory_space<vmem>>
    %dma_start3A_20 = tpu.memref_squeeze %dma_start3A_19 : memref<1x128xi32, #tpu.memory_space<vmem>> -> memref<128xi32, #tpu.memory_space<vmem>>
    %dma_start3A_21 = tpu.memref_slice %arg4[%dma_start3A_16, %mul3A_4] : memref<2x160000xi32, #tpu.memory_space<hbm>> -> memref<1x128xi32, #tpu.memory_space<hbm>>
    %dma_start3A_22 = tpu.memref_squeeze %dma_start3A_21 : memref<1x128xi32, #tpu.memory_space<hbm>> -> memref<128xi32, #tpu.memory_space<hbm>>
    %dma_start3A_23 = arith.constant 0 : i32
    %dma_start3A_24 = tpu.memref_slice %arg8[%dma_start3A_17, %dma_start3A_23] : memref<4x128xi32, #tpu.memory_space<vmem>> -> memref<1x128xi32, #tpu.memory_space<vmem>>
    %dma_start3A_25 = tpu.memref_squeeze %dma_start3A_24 : memref<1x128xi32, #tpu.memory_space<vmem>> -> memref<128xi32, #tpu.memory_space<vmem>>
    %dma_start3A_26 = tpu.memref_slice %arg4[%dma_start3A_16, %mul3A_4] : memref<2x160000xi32, #tpu.memory_space<hbm>> -> memref<1x128xi32, #tpu.memory_space<hbm>>
    %dma_start3A_27 = tpu.memref_squeeze %dma_start3A_26 : memref<1x128xi32, #tpu.memory_space<hbm>> -> memref<128xi32, #tpu.memory_space<hbm>>
    tpu.enqueue_dma source(%dma_start3A_27 : memref<128xi32, #tpu.memory_space<hbm>>) target(%dma_start3A_25 : memref<128xi32, #tpu.memory_space<vmem>>) target_semaphore(%arg10 : memref<!tpu.dma_semaphore, #tpu.memory_space<semaphore_mem>>)
    %add3A_28 = arith.constant 16 : i32
    %add3A_29 = arith.addi %arg1, %add3A_28 : i32
    %mul3A_30 = arith.constant 128 : i32
    %mul3A_31 = arith.muli %add3A_29, %mul3A_30 : i32
    %dma_start3A_32 = arith.constant 1 : i32
    %dma_start3A_33 = arith.constant 1 : i32
    %dma_start3A_34 = arith.constant 0 : i32
    %dma_start3A_35 = tpu.memref_slice %arg7[%dma_start3A_33, %dma_start3A_34] : memref<4x128xi32, #tpu.memory_space<vmem>> -> memref<1x128xi32, #tpu.memory_space<vmem>>
    %dma_start3A_36 = tpu.memref_squeeze %dma_start3A_35 : memref<1x128xi32, #tpu.memory_space<vmem>> -> memref<128xi32, #tpu.memory_space<vmem>>
    %dma_start3A_37 = tpu.memref_slice %arg4[%dma_start3A_32, %mul3A_31] : memref<2x160000xi32, #tpu.memory_space<hbm>> -> memref<1x128xi32, #tpu.memory_space<hbm>>
    %dma_start3A_38 = tpu.memref_squeeze %dma_start3A_37 : memref<1x128xi32, #tpu.memory_space<hbm>> -> memref<128xi32, #tpu.memory_space<hbm>>
    %dma_start3A_39 = arith.constant 0 : i32
    %dma_start3A_40 = tpu.memref_slice %arg7[%dma_start3A_33, %dma_start3A_39] : memref<4x128xi32, #tpu.memory_space<vmem>> -> memref<1x128xi32, #tpu.memory_space<vmem>>
    %dma_start3A_41 = tpu.memref_squeeze %dma_start3A_40 : memref<1x128xi32, #tpu.memory_space<vmem>> -> memref<128xi32, #tpu.memory_space<vmem>>
    %dma_start3A_42 = tpu.memref_slice %arg4[%dma_start3A_32, %mul3A_31] : memref<2x160000xi32, #tpu.memory_space<hbm>> -> memref<1x128xi32, #tpu.memory_space<hbm>>
    %dma_start3A_43 = tpu.memref_squeeze %dma_start3A_42 : memref<1x128xi32, #tpu.memory_space<hbm>> -> memref<128xi32, #tpu.memory_space<hbm>>
    tpu.enqueue_dma source(%dma_start3A_43 : memref<128xi32, #tpu.memory_space<hbm>>) target(%dma_start3A_41 : memref<128xi32, #tpu.memory_space<vmem>>) target_semaphore(%arg10 : memref<!tpu.dma_semaphore, #tpu.memory_space<semaphore_mem>>)
    %dma_start3A_44 = arith.constant 0 : i32
    %dma_start3A_45 = arith.constant 1 : i32
    %dma_start3A_46 = arith.constant 0 : i32
    %dma_start3A_47 = tpu.memref_slice %arg8[%dma_start3A_45, %dma_start3A_46] : memref<4x128xi32, #tpu.memory_space<vmem>> -> memref<1x128xi32, #tpu.memory_space<vmem>>
    %dma_start3A_48 = tpu.memref_squeeze %dma_start3A_47 : memref<1x128xi32, #tpu.memory_space<vmem>> -> memref<128xi32, #tpu.memory_space<vmem>>
    %dma_start3A_49 = tpu.memref_slice %arg4[%dma_start3A_44, %mul3A_31] : memref<2x160000xi32, #tpu.memory_space<hbm>> -> memref<1x128xi32, #tpu.memory_space<hbm>>
    %dma_start3A_50 = tpu.memref_squeeze %dma_start3A_49 : memref<1x128xi32, #tpu.memory_space<hbm>> -> memref<128xi32, #tpu.memory_space<hbm>>
    %dma_start3A_51 = arith.constant 0 : i32
    %dma_start3A_52 = tpu.memref_slice %arg8[%dma_start3A_45, %dma_start3A_51] : memref<4x128xi32, #tpu.memory_space<vmem>> -> memref<1x128xi32, #tpu.memory_space<vmem>>
    %dma_start3A_53 = tpu.memref_squeeze %dma_start3A_52 : memref<1x128xi32, #tpu.memory_space<vmem>> -> memref<128xi32, #tpu.memory_space<vmem>>
    %dma_start3A_54 = tpu.memref_slice %arg4[%dma_start3A_44, %mul3A_31] : memref<2x160000xi32, #tpu.memory_space<hbm>> -> memref<1x128xi32, #tpu.memory_space<hbm>>
    %dma_start3A_55 = tpu.memref_squeeze %dma_start3A_54 : memref<1x128xi32, #tpu.memory_space<hbm>> -> memref<128xi32, #tpu.memory_space<hbm>>
    tpu.enqueue_dma source(%dma_start3A_55 : memref<128xi32, #tpu.memory_space<hbm>>) target(%dma_start3A_53 : memref<128xi32, #tpu.memory_space<vmem>>) target_semaphore(%arg10 : memref<!tpu.dma_semaphore, #tpu.memory_space<semaphore_mem>>)
    %add3A_56 = arith.constant 32 : i32
    %add3A_57 = arith.addi %arg1, %add3A_56 : i32
    %mul3A_58 = arith.constant 128 : i32
    %mul3A_59 = arith.muli %add3A_57, %mul3A_58 : i32
    %dma_start3A_60 = arith.constant 1 : i32
    %dma_start3A_61 = arith.constant 2 : i32
    %dma_start3A_62 = arith.constant 0 : i32
    %dma_start3A_63 = tpu.memref_slice %arg7[%dma_start3A_61, %dma_start3A_62] : memref<4x128xi32, #tpu.memory_space<vmem>> -> memref<1x128xi32, #tpu.memory_space<vmem>>
    %dma_start3A_64 = tpu.memref_squeeze %dma_start3A_63 : memref<1x128xi32, #tpu.memory_space<vmem>> -> memref<128xi32, #tpu.memory_space<vmem>>
    %dma_start3A_65 = tpu.memref_slice %arg4[%dma_start3A_60, %mul3A_59] : memref<2x160000xi32, #tpu.memory_space<hbm>> -> memref<1x128xi32, #tpu.memory_space<hbm>>
    %dma_start3A_66 = tpu.memref_squeeze %dma_start3A_65 : memref<1x128xi32, #tpu.memory_space<hbm>> -> memref<128xi32, #tpu.memory_space<hbm>>
    %dma_start3A_67 = arith.constant 0 : i32
    %dma_start3A_68 = tpu.memref_slice %arg7[%dma_start3A_61, %dma_start3A_67] : memref<4x128xi32, #tpu.memory_space<vmem>> -> memref<1x128xi32, #tpu.memory_space<vmem>>
    %dma_start3A_69 = tpu.memref_squeeze %dma_start3A_68 : memref<1x128xi32, #tpu.memory_space<vmem>> -> memref<128xi32, #tpu.memory_space<vmem>>
    %dma_start3A_70 = tpu.memref_slice %arg4[%dma_start3A_60, %mul3A_59] : memref<2x160000xi32, #tpu.memory_space<hbm>> -> memref<1x128xi32, #tpu.memory_space<hbm>>
    %dma_start3A_71 = tpu.memref_squeeze %dma_start3A_70 : memref<1x128xi32, #tpu.memory_space<hbm>> -> memref<128xi32, #tpu.memory_space<hbm>>
    tpu.enqueue_dma source(%dma_start3A_71 : memref<128xi32, #tpu.memory_space<hbm>>) target(%dma_start3A_69 : memref<128xi32, #tpu.memory_space<vmem>>) target_semaphore(%arg10 : memref<!tpu.dma_semaphore, #tpu.memory_space<semaphore_mem>>)
    %dma_start3A_72 = arith.constant 0 : i32
    %dma_start3A_73 = arith.constant 2 : i32
    %dma_start3A_74 = arith.constant 0 : i32
    %dma_start3A_75 = tpu.memref_slice %arg8[%dma_start3A_73, %dma_start3A_74] : memref<4x128xi32, #tpu.memory_space<vmem>> -> memref<1x128xi32, #tpu.memory_space<vmem>>
    %dma_start3A_76 = tpu.memref_squeeze %dma_start3A_75 : memref<1x128xi32, #tpu.memory_space<vmem>> -> memref<128xi32, #tpu.memory_space<vmem>>
    %dma_start3A_77 = tpu.memref_slice %arg4[%dma_start3A_72, %mul3A_59] : memref<2x160000xi32, #tpu.memory_space<hbm>> -> memref<1x128xi32, #tpu.memory_space<hbm>>
    %dma_start3A_78 = tpu.memref_squeeze %dma_start3A_77 : memref<1x128xi32, #tpu.memory_space<hbm>> -> memref<128xi32, #tpu.memory_space<hbm>>
    %dma_start3A_79 = arith.constant 0 : i32
    %dma_start3A_80 = tpu.memref_slice %arg8[%dma_start3A_73, %dma_start3A_79] : memref<4x128xi32, #tpu.memory_space<vmem>> -> memref<1x128xi32, #tpu.memory_space<vmem>>
    %dma_start3A_81 = tpu.memref_squeeze %dma_start3A_80 : memref<1x128xi32, #tpu.memory_space<vmem>> -> memref<128xi32, #tpu.memory_space<vmem>>
    %dma_start3A_82 = tpu.memref_slice %arg4[%dma_start3A_72, %mul3A_59] : memref<2x160000xi32, #tpu.memory_space<hbm>> -> memref<1x128xi32, #tpu.memory_space<hbm>>
    %dma_start3A_83 = tpu.memref_squeeze %dma_start3A_82 : memref<1x128xi32, #tpu.memory_space<hbm>> -> memref<128xi32, #tpu.memory_space<hbm>>
    tpu.enqueue_dma source(%dma_start3A_83 : memref<128xi32, #tpu.memory_space<hbm>>) target(%dma_start3A_81 : memref<128xi32, #tpu.memory_space<vmem>>) target_semaphore(%arg10 : memref<!tpu.dma_semaphore, #tpu.memory_space<semaphore_mem>>)
    %scan3A = arith.constant 0 : i32
    %scan3A_84 = arith.constant 0 : i32
    %scan3A_85 = arith.constant 128 : i32
    %scan3A_86 = arith.addi %scan3A_84, %scan3A_85 : i32
    %scan3A_87 = arith.constant 1 : i32
    scf.for %scan3A_168 = %scan3A_84 to %scan3A_86 step %scan3A_87  : i32 {
      %broadcast_in_dim3A = arith.constant 0.000000e+00 : f32
      %broadcast_in_dim3A_169 = vector.broadcast %broadcast_in_dim3A : f32 to vector<16xf32>
      %swap3A = arith.constant 0 : i32
      %swap3A_170 = arith.index_cast %swap3A : i32 to index
      %swap3A_171 = arith.index_cast %scan3A_168 : i32 to index
      %swap3A_172 = arith.constant 0 : index
      %swap3A_173 = tpu.vector_load %arg9[%swap3A_170, %swap3A_171, %swap3A_172] {strides = array<i32>} : memref<3x128x128xf32, #tpu.memory_space<vmem>>, vector<1x1x16xf32>,
      %swap3A_174 = vector.shape_cast %swap3A_173 : vector<1x1x16xf32> to vector<16xf32>
      %swap3A_175 = vector.shape_cast %broadcast_in_dim3A_169 : vector<16xf32> to vector<1x1x16xf32>
      tpu.vector_store %arg9[%swap3A_170, %swap3A_171, %swap3A_172], %swap3A_175 {strides = array<i32>} : memref<3x128x128xf32, #tpu.memory_space<vmem>>, vector<1x1x16xf32>,
      %broadcast_in_dim3A_176 = arith.constant 0.000000e+00 : f32
      %broadcast_in_dim3A_177 = vector.broadcast %broadcast_in_dim3A_176 : f32 to vector<16xf32>
      %swap3A_178 = arith.constant 0 : i32
      %swap3A_179 = arith.index_cast %swap3A_178 : i32 to index
      %swap3A_180 = arith.index_cast %scan3A_168 : i32 to index
      %swap3A_181 = arith.constant 16 : index
      %swap3A_182 = tpu.vector_load %arg9[%swap3A_179, %swap3A_180, %swap3A_181] {strides = array<i32>} : memref<3x128x128xf32, #tpu.memory_space<vmem>>, vector<1x1x16xf32>,
      %swap3A_183 = vector.shape_cast %swap3A_182 : vector<1x1x16xf32> to vector<16xf32>
      %swap3A_184 = vector.shape_cast %broadcast_in_dim3A_177 : vector<16xf32> to vector<1x1x16xf32>
      tpu.vector_store %arg9[%swap3A_179, %swap3A_180, %swap3A_181], %swap3A_184 {strides = array<i32>} : memref<3x128x128xf32, #tpu.memory_space<vmem>>, vector<1x1x16xf32>,
      %broadcast_in_dim3A_185 = arith.constant 0.000000e+00 : f32
      %broadcast_in_dim3A_186 = vector.broadcast %broadcast_in_dim3A_185 : f32 to vector<16xf32>
      %swap3A_187 = arith.constant 0 : i32
      %swap3A_188 = arith.index_cast %swap3A_187 : i32 to index
      %swap3A_189 = arith.index_cast %scan3A_168 : i32 to index
      %swap3A_190 = arith.constant 32 : index
      %swap3A_191 = tpu.vector_load %arg9[%swap3A_188, %swap3A_189, %swap3A_190] {strides = array<i32>} : memref<3x128x128xf32, #tpu.memory_space<vmem>>, vector<1x1x16xf32>,
      %swap3A_192 = vector.shape_cast %swap3A_191 : vector<1x1x16xf32> to vector<16xf32>
      %swap3A_193 = vector.shape_cast %broadcast_in_dim3A_186 : vector<16xf32> to vector<1x1x16xf32>
      tpu.vector_store %arg9[%swap3A_188, %swap3A_189, %swap3A_190], %swap3A_193 {strides = array<i32>} : memref<3x128x128xf32, #tpu.memory_space<vmem>>, vector<1x1x16xf32>,
      %broadcast_in_dim3A_194 = arith.constant 0.000000e+00 : f32
      %broadcast_in_dim3A_195 = vector.broadcast %broadcast_in_dim3A_194 : f32 to vector<16xf32>
      %swap3A_196 = arith.constant 0 : i32
      %swap3A_197 = arith.index_cast %swap3A_196 : i32 to index
      %swap3A_198 = arith.index_cast %scan3A_168 : i32 to index
      %swap3A_199 = arith.constant 48 : index
      %swap3A_200 = tpu.vector_load %arg9[%swap3A_197, %swap3A_198, %swap3A_199] {strides = array<i32>} : memref<3x128x128xf32, #tpu.memory_space<vmem>>, vector<1x1x16xf32>,
      %swap3A_201 = vector.shape_cast %swap3A_200 : vector<1x1x16xf32> to vector<16xf32>
      %swap3A_202 = vector.shape_cast %broadcast_in_dim3A_195 : vector<16xf32> to vector<1x1x16xf32>
      tpu.vector_store %arg9[%swap3A_197, %swap3A_198, %swap3A_199], %swap3A_202 {strides = array<i32>} : memref<3x128x128xf32, #tpu.memory_space<vmem>>, vector<1x1x16xf32>,
      %broadcast_in_dim3A_203 = arith.constant 0.000000e+00 : f32
      %broadcast_in_dim3A_204 = vector.broadcast %broadcast_in_dim3A_203 : f32 to vector<16xf32>
      %swap3A_205 = arith.constant 0 : i32
      %swap3A_206 = arith.index_cast %swap3A_205 : i32 to index
      %swap3A_207 = arith.index_cast %scan3A_168 : i32 to index
      %swap3A_208 = arith.constant 64 : index
      %swap3A_209 = tpu.vector_load %arg9[%swap3A_206, %swap3A_207, %swap3A_208] {strides = array<i32>} : memref<3x128x128xf32, #tpu.memory_space<vmem>>, vector<1x1x16xf32>,
      %swap3A_210 = vector.shape_cast %swap3A_209 : vector<1x1x16xf32> to vector<16xf32>
      %swap3A_211 = vector.shape_cast %broadcast_in_dim3A_204 : vector<16xf32> to vector<1x1x16xf32>
      tpu.vector_store %arg9[%swap3A_206, %swap3A_207, %swap3A_208], %swap3A_211 {strides = array<i32>} : memref<3x128x128xf32, #tpu.memory_space<vmem>>, vector<1x1x16xf32>,
      %broadcast_in_dim3A_212 = arith.constant 0.000000e+00 : f32
      %broadcast_in_dim3A_213 = vector.broadcast %broadcast_in_dim3A_212 : f32 to vector<16xf32>
      %swap3A_214 = arith.constant 0 : i32
      %swap3A_215 = arith.index_cast %swap3A_214 : i32 to index
      %swap3A_216 = arith.index_cast %scan3A_168 : i32 to index
      %swap3A_217 = arith.constant 80 : index
      %swap3A_218 = tpu.vector_load %arg9[%swap3A_215, %swap3A_216, %swap3A_217] {strides = array<i32>} : memref<3x128x128xf32, #tpu.memory_space<vmem>>, vector<1x1x16xf32>,
      %swap3A_219 = vector.shape_cast %swap3A_218 : vector<1x1x16xf32> to vector<16xf32>
      %swap3A_220 = vector.shape_cast %broadcast_in_dim3A_213 : vector<16xf32> to vector<1x1x16xf32>
      tpu.vector_store %arg9[%swap3A_215, %swap3A_216, %swap3A_217], %swap3A_220 {strides = array<i32>} : memref<3x128x128xf32, #tpu.memory_space<vmem>>, vector<1x1x16xf32>,
      %broadcast_in_dim3A_221 = arith.constant 0.000000e+00 : f32
      %broadcast_in_dim3A_222 = vector.broadcast %broadcast_in_dim3A_221 : f32 to vector<16xf32>
      %swap3A_223 = arith.constant 0 : i32
      %swap3A_224 = arith.index_cast %swap3A_223 : i32 to index
      %swap3A_225 = arith.index_cast %scan3A_168 : i32 to index
      %swap3A_226 = arith.constant 96 : index
      %swap3A_227 = tpu.vector_load %arg9[%swap3A_224, %swap3A_225, %swap3A_226] {strides = array<i32>} : memref<3x128x128xf32, #tpu.memory_space<vmem>>, vector<1x1x16xf32>,
      %swap3A_228 = vector.shape_cast %swap3A_227 : vector<1x1x16xf32> to vector<16xf32>
      %swap3A_229 = vector.shape_cast %broadcast_in_dim3A_222 : vector<16xf32> to vector<1x1x16xf32>
      tpu.vector_store %arg9[%swap3A_224, %swap3A_225, %swap3A_226], %swap3A_229 {strides = array<i32>} : memref<3x128x128xf32, #tpu.memory_space<vmem>>, vector<1x1x16xf32>,
      %broadcast_in_dim3A_230 = arith.constant 0.000000e+00 : f32
      %broadcast_in_dim3A_231 = vector.broadcast %broadcast_in_dim3A_230 : f32 to vector<16xf32>
      %swap3A_232 = arith.constant 0 : i32
      %swap3A_233 = arith.index_cast %swap3A_232 : i32 to index
      %swap3A_234 = arith.index_cast %scan3A_168 : i32 to index
      %swap3A_235 = arith.constant 112 : index
      %swap3A_236 = tpu.vector_load %arg9[%swap3A_233, %swap3A_234, %swap3A_235] {strides = array<i32>} : memref<3x128x128xf32, #tpu.memory_space<vmem>>, vector<1x1x16xf32>,
      %swap3A_237 = vector.shape_cast %swap3A_236 : vector<1x1x16xf32> to vector<16xf32>
      %swap3A_238 = vector.shape_cast %broadcast_in_dim3A_231 : vector<16xf32> to vector<1x1x16xf32>
      tpu.vector_store %arg9[%swap3A_233, %swap3A_234, %swap3A_235], %swap3A_238 {strides = array<i32>} : memref<3x128x128xf32, #tpu.memory_space<vmem>>, vector<1x1x16xf32>,
    }
    %scan3A_88 = arith.constant 128 : i32
    %add3A_89 = arith.constant 0 : i32
    %add3A_90 = arith.addi %arg1, %add3A_89 : i32
    %lt3A_91 = arith.constant 78 : i32
    %lt3A_92 = arith.cmpi slt, %add3A_90, %lt3A_91 : i32
    %convert_element_type3A_93 = arith.extui %lt3A_92 : i1 to i32
    %cond3A = arith.constant 0 : i32
    %cond3A_94 = arith.cmpi ne, %convert_element_type3A_93, %cond3A : i32
    scf.if %cond3A_94 {
      %mul3A_168 = arith.constant 128 : i32
      %mul3A_169 = arith.muli %add3A_90, %mul3A_168 : i32
      %run_scoped3A = arith.constant 0 : i32
      "tpu.region"() ({
        %run_scoped3A_170 = tpu.sem_alloc : memref<!tpu.dma_semaphore, #tpu.memory_space<semaphore_mem>>
        %dma_start3A_171 = arith.constant 0 : i32
        %dma_start3A_172 = arith.constant 0 : i32
        %dma_start3A_173 = tpu.memref_slice %arg9[%run_scoped3A, %dma_start3A_171, %dma_start3A_172] : memref<3x128x128xf32, #tpu.memory_space<vmem>> -> memref<1x128x128xf32, #tpu.memory_space<vmem>>
        %dma_start3A_174 = tpu.memref_squeeze %dma_start3A_173 : memref<1x128x128xf32, #tpu.memory_space<vmem>> -> memref<128x128xf32, #tpu.memory_space<vmem>>
        %dma_start3A_175 = arith.constant 0 : i32
        %dma_start3A_176 = tpu.memref_slice %arg13[%mul3A_169, %dma_start3A_175] : memref<10000x128xf32, #tpu.memory_space<vmem_shared>> -> memref<128x128xf32, #tpu.memory_space<vmem_shared>>
        %dma_start3A_177 = arith.constant 0 : i32
        %dma_start3A_178 = tpu.memref_slice %arg13[%mul3A_169, %dma_start3A_177] : memref<10000x128xf32, #tpu.memory_space<vmem_shared>> -> memref<128x128xf32, #tpu.memory_space<vmem_shared>>
        %dma_start3A_179 = arith.constant 0 : i32
        %dma_start3A_180 = arith.constant 0 : i32
        %dma_start3A_181 = tpu.memref_slice %arg9[%run_scoped3A, %dma_start3A_179, %dma_start3A_180] : memref<3x128x128xf32, #tpu.memory_space<vmem>> -> memref<1x128x128xf32, #tpu.memory_space<vmem>>
        %dma_start3A_182 = tpu.memref_squeeze %dma_start3A_181 : memref<1x128x128xf32, #tpu.memory_space<vmem>> -> memref<128x128xf32, #tpu.memory_space<vmem>>
        tpu.enqueue_dma source(%dma_start3A_182 : memref<128x128xf32, #tpu.memory_space<vmem>>) target(%dma_start3A_178 : memref<128x128xf32, #tpu.memory_space<vmem_shared>>) target_semaphore(%run_scoped3A_170 : memref<!tpu.dma_semaphore, #tpu.memory_space<semaphore_mem>>)
        %dma_wait3A = arith.constant 0 : i32
        %dma_wait3A_183 = arith.constant 0 : i32
        %dma_wait3A_184 = tpu.memref_slice %arg9[%run_scoped3A, %dma_wait3A, %dma_wait3A_183] : memref<3x128x128xf32, #tpu.memory_space<vmem>> -> memref<1x128x128xf32, #tpu.memory_space<vmem>>
        %dma_wait3A_185 = tpu.memref_squeeze %dma_wait3A_184 : memref<1x128x128xf32, #tpu.memory_space<vmem>> -> memref<128x128xf32, #tpu.memory_space<vmem>>
        %dma_wait3A_186 = arith.constant 0 : i32
        %dma_wait3A_187 = tpu.memref_slice %arg13[%mul3A_169, %dma_wait3A_186] : memref<10000x128xf32, #tpu.memory_space<vmem_shared>> -> memref<128x128xf32, #tpu.memory_space<vmem_shared>>
        %dma_wait3A_188 = arith.constant 0 : i32
        %dma_wait3A_189 = tpu.memref_slice %arg13[%mul3A_169, %dma_wait3A_188] : memref<10000x128xf32, #tpu.memory_space<vmem_shared>> -> memref<128x128xf32, #tpu.memory_space<vmem_shared>>
        %dma_wait3A_190 = arith.constant 0 : i32
        %dma_wait3A_191 = arith.constant 0 : i32
        %dma_wait3A_192 = tpu.memref_slice %arg9[%run_scoped3A, %dma_wait3A_190, %dma_wait3A_191] : memref<3x128x128xf32, #tpu.memory_space<vmem>> -> memref<1x128x128xf32, #tpu.memory_space<vmem>>
        %dma_wait3A_193 = tpu.memref_squeeze %dma_wait3A_192 : memref<1x128x128xf32, #tpu.memory_space<vmem>> -> memref<128x128xf32, #tpu.memory_space<vmem>>
        tpu.wait_dma2 semaphore(%run_scoped3A_170 : memref<!tpu.dma_semaphore, #tpu.memory_space<semaphore_mem>>) src(%dma_wait3A_193 : memref<128x128xf32, #tpu.memory_space<vmem>>) dst(%dma_wait3A_189 : memref<128x128xf32, #tpu.memory_space<vmem_shared>>)
        tpu.yield
      }) : () -> ()
    } else {
    }
    %eq3A = arith.constant 78 : i32
    %eq3A_95 = arith.cmpi eq, %add3A_90, %eq3A : i32
    %convert_element_type3A_96 = arith.extui %eq3A_95 : i1 to i32
    %cond3A_97 = arith.constant 0 : i32
    %cond3A_98 = arith.cmpi ne, %convert_element_type3A_96, %cond3A_97 : i32
    scf.if %cond3A_98 {
      %run_scoped3A = arith.constant 0 : i32
      "tpu.region"() ({
        %run_scoped3A_168 = tpu.sem_alloc : memref<!tpu.dma_semaphore, #tpu.memory_space<semaphore_mem>>
        %dma_start3A_169 = arith.constant 0 : i32
        %dma_start3A_170 = arith.constant 0 : i32
        %dma_start3A_171 = tpu.memref_slice %arg9[%run_scoped3A, %dma_start3A_169, %dma_start3A_170] : memref<3x128x128xf32, #tpu.memory_space<vmem>> -> memref<1x16x128xf32, #tpu.memory_space<vmem>>
        %dma_start3A_172 = tpu.memref_squeeze %dma_start3A_171 : memref<1x16x128xf32, #tpu.memory_space<vmem>> -> memref<16x128xf32, #tpu.memory_space<vmem>>
        %dma_start3A_173 = arith.constant 9984 : i32
        %dma_start3A_174 = arith.constant 0 : i32
        %dma_start3A_175 = tpu.memref_slice %arg13[%dma_start3A_173, %dma_start3A_174] : memref<10000x128xf32, #tpu.memory_space<vmem_shared>> -> memref<16x128xf32, #tpu.memory_space<vmem_shared>>
        %dma_start3A_176 = arith.constant 9984 : i32
        %dma_start3A_177 = arith.constant 0 : i32
        %dma_start3A_178 = tpu.memref_slice %arg13[%dma_start3A_176, %dma_start3A_177] : memref<10000x128xf32, #tpu.memory_space<vmem_shared>> -> memref<16x128xf32, #tpu.memory_space<vmem_shared>>
        %dma_start3A_179 = arith.constant 0 : i32
        %dma_start3A_180 = arith.constant 0 : i32
        %dma_start3A_181 = tpu.memref_slice %arg9[%run_scoped3A, %dma_start3A_179, %dma_start3A_180] : memref<3x128x128xf32, #tpu.memory_space<vmem>> -> memref<1x16x128xf32, #tpu.memory_space<vmem>>
        %dma_start3A_182 = tpu.memref_squeeze %dma_start3A_181 : memref<1x16x128xf32, #tpu.memory_space<vmem>> -> memref<16x128xf32, #tpu.memory_space<vmem>>
        tpu.enqueue_dma source(%dma_start3A_182 : memref<16x128xf32, #tpu.memory_space<vmem>>) target(%dma_start3A_178 : memref<16x128xf32, #tpu.memory_space<vmem_shared>>) target_semaphore(%run_scoped3A_168 : memref<!tpu.dma_semaphore, #tpu.memory_space<semaphore_mem>>)
        %dma_wait3A = arith.constant 0 : i32
        %dma_wait3A_183 = arith.constant 0 : i32
        %dma_wait3A_184 = tpu.memref_slice %arg9[%run_scoped3A, %dma_wait3A, %dma_wait3A_183] : memref<3x128x128xf32, #tpu.memory_space<vmem>> -> memref<1x16x128xf32, #tpu.memory_space<vmem>>
        %dma_wait3A_185 = tpu.memref_squeeze %dma_wait3A_184 : memref<1x16x128xf32, #tpu.memory_space<vmem>> -> memref<16x128xf32, #tpu.memory_space<vmem>>
        %dma_wait3A_186 = arith.constant 9984 : i32
        %dma_wait3A_187 = arith.constant 0 : i32
        %dma_wait3A_188 = tpu.memref_slice %arg13[%dma_wait3A_186, %dma_wait3A_187] : memref<10000x128xf32, #tpu.memory_space<vmem_shared>> -> memref<16x128xf32, #tpu.memory_space<vmem_shared>>
        %dma_wait3A_189 = arith.constant 9984 : i32
        %dma_wait3A_190 = arith.constant 0 : i32
        %dma_wait3A_191 = tpu.memref_slice %arg13[%dma_wait3A_189, %dma_wait3A_190] : memref<10000x128xf32, #tpu.memory_space<vmem_shared>> -> memref<16x128xf32, #tpu.memory_space<vmem_shared>>
        %dma_wait3A_192 = arith.constant 0 : i32
        %dma_wait3A_193 = arith.constant 0 : i32
        %dma_wait3A_194 = tpu.memref_slice %arg9[%run_scoped3A, %dma_wait3A_192, %dma_wait3A_193] : memref<3x128x128xf32, #tpu.memory_space<vmem>> -> memref<1x16x128xf32, #tpu.memory_space<vmem>>
        %dma_wait3A_195 = tpu.memref_squeeze %dma_wait3A_194 : memref<1x16x128xf32, #tpu.memory_space<vmem>> -> memref<16x128xf32, #tpu.memory_space<vmem>>
        tpu.wait_dma2 semaphore(%run_scoped3A_168 : memref<!tpu.dma_semaphore, #tpu.memory_space<semaphore_mem>>) src(%dma_wait3A_195 : memref<16x128xf32, #tpu.memory_space<vmem>>) dst(%dma_wait3A_191 : memref<16x128xf32, #tpu.memory_space<vmem_shared>>)
        tpu.yield
      }) : () -> ()
    } else {
    }
    %add3A_99 = arith.constant 16 : i32
    %add3A_100 = arith.addi %arg1, %add3A_99 : i32
    %lt3A_101 = arith.constant 78 : i32
    %lt3A_102 = arith.cmpi slt, %add3A_100, %lt3A_101 : i32
    %convert_element_type3A_103 = arith.extui %lt3A_102 : i1 to i32
    %cond3A_104 = arith.constant 0 : i32
    %cond3A_105 = arith.cmpi ne, %convert_element_type3A_103, %cond3A_104 : i32
    scf.if %cond3A_105 {
      %mul3A_168 = arith.constant 128 : i32
      %mul3A_169 = arith.muli %add3A_100, %mul3A_168 : i32
      %run_scoped3A = arith.constant 0 : i32
      "tpu.region"() ({
        %run_scoped3A_170 = tpu.sem_alloc : memref<!tpu.dma_semaphore, #tpu.memory_space<semaphore_mem>>
        %dma_start3A_171 = arith.constant 0 : i32
        %dma_start3A_172 = arith.constant 0 : i32
        %dma_start3A_173 = tpu.memref_slice %arg9[%run_scoped3A, %dma_start3A_171, %dma_start3A_172] : memref<3x128x128xf32, #tpu.memory_space<vmem>> -> memref<1x128x128xf32, #tpu.memory_space<vmem>>
        %dma_start3A_174 = tpu.memref_squeeze %dma_start3A_173 : memref<1x128x128xf32, #tpu.memory_space<vmem>> -> memref<128x128xf32, #tpu.memory_space<vmem>>
        %dma_start3A_175 = arith.constant 0 : i32
        %dma_start3A_176 = tpu.memref_slice %arg13[%mul3A_169, %dma_start3A_175] : memref<10000x128xf32, #tpu.memory_space<vmem_shared>> -> memref<128x128xf32, #tpu.memory_space<vmem_shared>>
        %dma_start3A_177 = arith.constant 0 : i32
        %dma_start3A_178 = tpu.memref_slice %arg13[%mul3A_169, %dma_start3A_177] : memref<10000x128xf32, #tpu.memory_space<vmem_shared>> -> memref<128x128xf32, #tpu.memory_space<vmem_shared>>
        %dma_start3A_179 = arith.constant 0 : i32
        %dma_start3A_180 = arith.constant 0 : i32
        %dma_start3A_181 = tpu.memref_slice %arg9[%run_scoped3A, %dma_start3A_179, %dma_start3A_180] : memref<3x128x128xf32, #tpu.memory_space<vmem>> -> memref<1x128x128xf32, #tpu.memory_space<vmem>>
        %dma_start3A_182 = tpu.memref_squeeze %dma_start3A_181 : memref<1x128x128xf32, #tpu.memory_space<vmem>> -> memref<128x128xf32, #tpu.memory_space<vmem>>
        tpu.enqueue_dma source(%dma_start3A_182 : memref<128x128xf32, #tpu.memory_space<vmem>>) target(%dma_start3A_178 : memref<128x128xf32, #tpu.memory_space<vmem_shared>>) target_semaphore(%run_scoped3A_170 : memref<!tpu.dma_semaphore, #tpu.memory_space<semaphore_mem>>)
        %dma_wait3A = arith.constant 0 : i32
        %dma_wait3A_183 = arith.constant 0 : i32
        %dma_wait3A_184 = tpu.memref_slice %arg9[%run_scoped3A, %dma_wait3A, %dma_wait3A_183] : memref<3x128x128xf32, #tpu.memory_space<vmem>> -> memref<1x128x128xf32, #tpu.memory_space<vmem>>
        %dma_wait3A_185 = tpu.memref_squeeze %dma_wait3A_184 : memref<1x128x128xf32, #tpu.memory_space<vmem>> -> memref<128x128xf32, #tpu.memory_space<vmem>>
        %dma_wait3A_186 = arith.constant 0 : i32
        %dma_wait3A_187 = tpu.memref_slice %arg13[%mul3A_169, %dma_wait3A_186] : memref<10000x128xf32, #tpu.memory_space<vmem_shared>> -> memref<128x128xf32, #tpu.memory_space<vmem_shared>>
        %dma_wait3A_188 = arith.constant 0 : i32
        %dma_wait3A_189 = tpu.memref_slice %arg13[%mul3A_169, %dma_wait3A_188] : memref<10000x128xf32, #tpu.memory_space<vmem_shared>> -> memref<128x128xf32, #tpu.memory_space<vmem_shared>>
        %dma_wait3A_190 = arith.constant 0 : i32
        %dma_wait3A_191 = arith.constant 0 : i32
        %dma_wait3A_192 = tpu.memref_slice %arg9[%run_scoped3A, %dma_wait3A_190, %dma_wait3A_191] : memref<3x128x128xf32, #tpu.memory_space<vmem>> -> memref<1x128x128xf32, #tpu.memory_space<vmem>>
        %dma_wait3A_193 = tpu.memref_squeeze %dma_wait3A_192 : memref<1x128x128xf32, #tpu.memory_space<vmem>> -> memref<128x128xf32, #tpu.memory_space<vmem>>
        tpu.wait_dma2 semaphore(%run_scoped3A_170 : memref<!tpu.dma_semaphore, #tpu.memory_space<semaphore_mem>>) src(%dma_wait3A_193 : memref<128x128xf32, #tpu.memory_space<vmem>>) dst(%dma_wait3A_189 : memref<128x128xf32, #tpu.memory_space<vmem_shared>>)
        tpu.yield
      }) : () -> ()
    } else {
    }
    %eq3A_106 = arith.constant 78 : i32
    %eq3A_107 = arith.cmpi eq, %add3A_100, %eq3A_106 : i32
    %convert_element_type3A_108 = arith.extui %eq3A_107 : i1 to i32
    %cond3A_109 = arith.constant 0 : i32
    %cond3A_110 = arith.cmpi ne, %convert_element_type3A_108, %cond3A_109 : i32
    scf.if %cond3A_110 {
      %run_scoped3A = arith.constant 0 : i32
      "tpu.region"() ({
        %run_scoped3A_168 = tpu.sem_alloc : memref<!tpu.dma_semaphore, #tpu.memory_space<semaphore_mem>>
        %dma_start3A_169 = arith.constant 0 : i32
        %dma_start3A_170 = arith.constant 0 : i32
        %dma_start3A_171 = tpu.memref_slice %arg9[%run_scoped3A, %dma_start3A_169, %dma_start3A_170] : memref<3x128x128xf32, #tpu.memory_space<vmem>> -> memref<1x16x128xf32, #tpu.memory_space<vmem>>
        %dma_start3A_172 = tpu.memref_squeeze %dma_start3A_171 : memref<1x16x128xf32, #tpu.memory_space<vmem>> -> memref<16x128xf32, #tpu.memory_space<vmem>>
        %dma_start3A_173 = arith.constant 9984 : i32
        %dma_start3A_174 = arith.constant 0 : i32
        %dma_start3A_175 = tpu.memref_slice %arg13[%dma_start3A_173, %dma_start3A_174] : memref<10000x128xf32, #tpu.memory_space<vmem_shared>> -> memref<16x128xf32, #tpu.memory_space<vmem_shared>>
        %dma_start3A_176 = arith.constant 9984 : i32
        %dma_start3A_177 = arith.constant 0 : i32
        %dma_start3A_178 = tpu.memref_slice %arg13[%dma_start3A_176, %dma_start3A_177] : memref<10000x128xf32, #tpu.memory_space<vmem_shared>> -> memref<16x128xf32, #tpu.memory_space<vmem_shared>>
        %dma_start3A_179 = arith.constant 0 : i32
        %dma_start3A_180 = arith.constant 0 : i32
        %dma_start3A_181 = tpu.memref_slice %arg9[%run_scoped3A, %dma_start3A_179, %dma_start3A_180] : memref<3x128x128xf32, #tpu.memory_space<vmem>> -> memref<1x16x128xf32, #tpu.memory_space<vmem>>
        %dma_start3A_182 = tpu.memref_squeeze %dma_start3A_181 : memref<1x16x128xf32, #tpu.memory_space<vmem>> -> memref<16x128xf32, #tpu.memory_space<vmem>>
        tpu.enqueue_dma source(%dma_start3A_182 : memref<16x128xf32, #tpu.memory_space<vmem>>) target(%dma_start3A_178 : memref<16x128xf32, #tpu.memory_space<vmem_shared>>) target_semaphore(%run_scoped3A_168 : memref<!tpu.dma_semaphore, #tpu.memory_space<semaphore_mem>>)
        %dma_wait3A = arith.constant 0 : i32
        %dma_wait3A_183 = arith.constant 0 : i32
        %dma_wait3A_184 = tpu.memref_slice %arg9[%run_scoped3A, %dma_wait3A, %dma_wait3A_183] : memref<3x128x128xf32, #tpu.memory_space<vmem>> -> memref<1x16x128xf32, #tpu.memory_space<vmem>>
        %dma_wait3A_185 = tpu.memref_squeeze %dma_wait3A_184 : memref<1x16x128xf32, #tpu.memory_space<vmem>> -> memref<16x128xf32, #tpu.memory_space<vmem>>
        %dma_wait3A_186 = arith.constant 9984 : i32
        %dma_wait3A_187 = arith.constant 0 : i32
        %dma_wait3A_188 = tpu.memref_slice %arg13[%dma_wait3A_186, %dma_wait3A_187] : memref<10000x128xf32, #tpu.memory_space<vmem_shared>> -> memref<16x128xf32, #tpu.memory_space<vmem_shared>>
        %dma_wait3A_189 = arith.constant 9984 : i32
        %dma_wait3A_190 = arith.constant 0 : i32
        %dma_wait3A_191 = tpu.memref_slice %arg13[%dma_wait3A_189, %dma_wait3A_190] : memref<10000x128xf32, #tpu.memory_space<vmem_shared>> -> memref<16x128xf32, #tpu.memory_space<vmem_shared>>
        %dma_wait3A_192 = arith.constant 0 : i32
        %dma_wait3A_193 = arith.constant 0 : i32
        %dma_wait3A_194 = tpu.memref_slice %arg9[%run_scoped3A, %dma_wait3A_192, %dma_wait3A_193] : memref<3x128x128xf32, #tpu.memory_space<vmem>> -> memref<1x16x128xf32, #tpu.memory_space<vmem>>
        %dma_wait3A_195 = tpu.memref_squeeze %dma_wait3A_194 : memref<1x16x128xf32, #tpu.memory_space<vmem>> -> memref<16x128xf32, #tpu.memory_space<vmem>>
        tpu.wait_dma2 semaphore(%run_scoped3A_168 : memref<!tpu.dma_semaphore, #tpu.memory_space<semaphore_mem>>) src(%dma_wait3A_195 : memref<16x128xf32, #tpu.memory_space<vmem>>) dst(%dma_wait3A_191 : memref<16x128xf32, #tpu.memory_space<vmem_shared>>)
        tpu.yield
      }) : () -> ()
    } else {
    }
    %add3A_111 = arith.constant 32 : i32
    %add3A_112 = arith.addi %arg1, %add3A_111 : i32
    %lt3A_113 = arith.constant 78 : i32
    %lt3A_114 = arith.cmpi slt, %add3A_112, %lt3A_113 : i32
    %convert_element_type3A_115 = arith.extui %lt3A_114 : i1 to i32
    %cond3A_116 = arith.constant 0 : i32
    %cond3A_117 = arith.cmpi ne, %convert_element_type3A_115, %cond3A_116 : i32
    scf.if %cond3A_117 {
      %mul3A_168 = arith.constant 128 : i32
      %mul3A_169 = arith.muli %add3A_112, %mul3A_168 : i32
      %run_scoped3A = arith.constant 0 : i32
      "tpu.region"() ({
        %run_scoped3A_170 = tpu.sem_alloc : memref<!tpu.dma_semaphore, #tpu.memory_space<semaphore_mem>>
        %dma_start3A_171 = arith.constant 0 : i32
        %dma_start3A_172 = arith.constant 0 : i32
        %dma_start3A_173 = tpu.memref_slice %arg9[%run_scoped3A, %dma_start3A_171, %dma_start3A_172] : memref<3x128x128xf32, #tpu.memory_space<vmem>> -> memref<1x128x128xf32, #tpu.memory_space<vmem>>
        %dma_start3A_174 = tpu.memref_squeeze %dma_start3A_173 : memref<1x128x128xf32, #tpu.memory_space<vmem>> -> memref<128x128xf32, #tpu.memory_space<vmem>>
        %dma_start3A_175 = arith.constant 0 : i32
        %dma_start3A_176 = tpu.memref_slice %arg13[%mul3A_169, %dma_start3A_175] : memref<10000x128xf32, #tpu.memory_space<vmem_shared>> -> memref<128x128xf32, #tpu.memory_space<vmem_shared>>
        %dma_start3A_177 = arith.constant 0 : i32
        %dma_start3A_178 = tpu.memref_slice %arg13[%mul3A_169, %dma_start3A_177] : memref<10000x128xf32, #tpu.memory_space<vmem_shared>> -> memref<128x128xf32, #tpu.memory_space<vmem_shared>>
        %dma_start3A_179 = arith.constant 0 : i32
        %dma_start3A_180 = arith.constant 0 : i32
        %dma_start3A_181 = tpu.memref_slice %arg9[%run_scoped3A, %dma_start3A_179, %dma_start3A_180] : memref<3x128x128xf32, #tpu.memory_space<vmem>> -> memref<1x128x128xf32, #tpu.memory_space<vmem>>
        %dma_start3A_182 = tpu.memref_squeeze %dma_start3A_181 : memref<1x128x128xf32, #tpu.memory_space<vmem>> -> memref<128x128xf32, #tpu.memory_space<vmem>>
        tpu.enqueue_dma source(%dma_start3A_182 : memref<128x128xf32, #tpu.memory_space<vmem>>) target(%dma_start3A_178 : memref<128x128xf32, #tpu.memory_space<vmem_shared>>) target_semaphore(%run_scoped3A_170 : memref<!tpu.dma_semaphore, #tpu.memory_space<semaphore_mem>>)
        %dma_wait3A = arith.constant 0 : i32
        %dma_wait3A_183 = arith.constant 0 : i32
        %dma_wait3A_184 = tpu.memref_slice %arg9[%run_scoped3A, %dma_wait3A, %dma_wait3A_183] : memref<3x128x128xf32, #tpu.memory_space<vmem>> -> memref<1x128x128xf32, #tpu.memory_space<vmem>>
        %dma_wait3A_185 = tpu.memref_squeeze %dma_wait3A_184 : memref<1x128x128xf32, #tpu.memory_space<vmem>> -> memref<128x128xf32, #tpu.memory_space<vmem>>
        %dma_wait3A_186 = arith.constant 0 : i32
        %dma_wait3A_187 = tpu.memref_slice %arg13[%mul3A_169, %dma_wait3A_186] : memref<10000x128xf32, #tpu.memory_space<vmem_shared>> -> memref<128x128xf32, #tpu.memory_space<vmem_shared>>
        %dma_wait3A_188 = arith.constant 0 : i32
        %dma_wait3A_189 = tpu.memref_slice %arg13[%mul3A_169, %dma_wait3A_188] : memref<10000x128xf32, #tpu.memory_space<vmem_shared>> -> memref<128x128xf32, #tpu.memory_space<vmem_shared>>
        %dma_wait3A_190 = arith.constant 0 : i32
        %dma_wait3A_191 = arith.constant 0 : i32
        %dma_wait3A_192 = tpu.memref_slice %arg9[%run_scoped3A, %dma_wait3A_190, %dma_wait3A_191] : memref<3x128x128xf32, #tpu.memory_space<vmem>> -> memref<1x128x128xf32, #tpu.memory_space<vmem>>
        %dma_wait3A_193 = tpu.memref_squeeze %dma_wait3A_192 : memref<1x128x128xf32, #tpu.memory_space<vmem>> -> memref<128x128xf32, #tpu.memory_space<vmem>>
        tpu.wait_dma2 semaphore(%run_scoped3A_170 : memref<!tpu.dma_semaphore, #tpu.memory_space<semaphore_mem>>) src(%dma_wait3A_193 : memref<128x128xf32, #tpu.memory_space<vmem>>) dst(%dma_wait3A_189 : memref<128x128xf32, #tpu.memory_space<vmem_shared>>)
        tpu.yield
      }) : () -> ()
    } else {
    }
    %eq3A_118 = arith.constant 78 : i32
    %eq3A_119 = arith.cmpi eq, %add3A_112, %eq3A_118 : i32
    %convert_element_type3A_120 = arith.extui %eq3A_119 : i1 to i32
    %cond3A_121 = arith.constant 0 : i32
    %cond3A_122 = arith.cmpi ne, %convert_element_type3A_120, %cond3A_121 : i32
    scf.if %cond3A_122 {
      %run_scoped3A = arith.constant 0 : i32
      "tpu.region"() ({
        %run_scoped3A_168 = tpu.sem_alloc : memref<!tpu.dma_semaphore, #tpu.memory_space<semaphore_mem>>
        %dma_start3A_169 = arith.constant 0 : i32
        %dma_start3A_170 = arith.constant 0 : i32
        %dma_start3A_171 = tpu.memref_slice %arg9[%run_scoped3A, %dma_start3A_169, %dma_start3A_170] : memref<3x128x128xf32, #tpu.memory_space<vmem>> -> memref<1x16x128xf32, #tpu.memory_space<vmem>>
        %dma_start3A_172 = tpu.memref_squeeze %dma_start3A_171 : memref<1x16x128xf32, #tpu.memory_space<vmem>> -> memref<16x128xf32, #tpu.memory_space<vmem>>
        %dma_start3A_173 = arith.constant 9984 : i32
        %dma_start3A_174 = arith.constant 0 : i32
        %dma_start3A_175 = tpu.memref_slice %arg13[%dma_start3A_173, %dma_start3A_174] : memref<10000x128xf32, #tpu.memory_space<vmem_shared>> -> memref<16x128xf32, #tpu.memory_space<vmem_shared>>
        %dma_start3A_176 = arith.constant 9984 : i32
        %dma_start3A_177 = arith.constant 0 : i32
        %dma_start3A_178 = tpu.memref_slice %arg13[%dma_start3A_176, %dma_start3A_177] : memref<10000x128xf32, #tpu.memory_space<vmem_shared>> -> memref<16x128xf32, #tpu.memory_space<vmem_shared>>
        %dma_start3A_179 = arith.constant 0 : i32
        %dma_start3A_180 = arith.constant 0 : i32
        %dma_start3A_181 = tpu.memref_slice %arg9[%run_scoped3A, %dma_start3A_179, %dma_start3A_180] : memref<3x128x128xf32, #tpu.memory_space<vmem>> -> memref<1x16x128xf32, #tpu.memory_space<vmem>>
        %dma_start3A_182 = tpu.memref_squeeze %dma_start3A_181 : memref<1x16x128xf32, #tpu.memory_space<vmem>> -> memref<16x128xf32, #tpu.memory_space<vmem>>
        tpu.enqueue_dma source(%dma_start3A_182 : memref<16x128xf32, #tpu.memory_space<vmem>>) target(%dma_start3A_178 : memref<16x128xf32, #tpu.memory_space<vmem_shared>>) target_semaphore(%run_scoped3A_168 : memref<!tpu.dma_semaphore, #tpu.memory_space<semaphore_mem>>)
        %dma_wait3A = arith.constant 0 : i32
        %dma_wait3A_183 = arith.constant 0 : i32
        %dma_wait3A_184 = tpu.memref_slice %arg9[%run_scoped3A, %dma_wait3A, %dma_wait3A_183] : memref<3x128x128xf32, #tpu.memory_space<vmem>> -> memref<1x16x128xf32, #tpu.memory_space<vmem>>
        %dma_wait3A_185 = tpu.memref_squeeze %dma_wait3A_184 : memref<1x16x128xf32, #tpu.memory_space<vmem>> -> memref<16x128xf32, #tpu.memory_space<vmem>>
        %dma_wait3A_186 = arith.constant 9984 : i32
        %dma_wait3A_187 = arith.constant 0 : i32
        %dma_wait3A_188 = tpu.memref_slice %arg13[%dma_wait3A_186, %dma_wait3A_187] : memref<10000x128xf32, #tpu.memory_space<vmem_shared>> -> memref<16x128xf32, #tpu.memory_space<vmem_shared>>
        %dma_wait3A_189 = arith.constant 9984 : i32
        %dma_wait3A_190 = arith.constant 0 : i32
        %dma_wait3A_191 = tpu.memref_slice %arg13[%dma_wait3A_189, %dma_wait3A_190] : memref<10000x128xf32, #tpu.memory_space<vmem_shared>> -> memref<16x128xf32, #tpu.memory_space<vmem_shared>>
        %dma_wait3A_192 = arith.constant 0 : i32
        %dma_wait3A_193 = arith.constant 0 : i32
        %dma_wait3A_194 = tpu.memref_slice %arg9[%run_scoped3A, %dma_wait3A_192, %dma_wait3A_193] : memref<3x128x128xf32, #tpu.memory_space<vmem>> -> memref<1x16x128xf32, #tpu.memory_space<vmem>>
        %dma_wait3A_195 = tpu.memref_squeeze %dma_wait3A_194 : memref<1x16x128xf32, #tpu.memory_space<vmem>> -> memref<16x128xf32, #tpu.memory_space<vmem>>
        tpu.wait_dma2 semaphore(%run_scoped3A_168 : memref<!tpu.dma_semaphore, #tpu.memory_space<semaphore_mem>>) src(%dma_wait3A_195 : memref<16x128xf32, #tpu.memory_space<vmem>>) dst(%dma_wait3A_191 : memref<16x128xf32, #tpu.memory_space<vmem_shared>>)
        tpu.yield
      }) : () -> ()
    } else {
    }
    %add3A_123 = arith.constant 48 : i32
    %add3A_124 = arith.addi %arg1, %add3A_123 : i32
    %lt3A_125 = arith.constant 78 : i32
    %lt3A_126 = arith.cmpi slt, %add3A_124, %lt3A_125 : i32
    %convert_element_type3A_127 = arith.extui %lt3A_126 : i1 to i32
    %cond3A_128 = arith.constant 0 : i32
    %cond3A_129 = arith.cmpi ne, %convert_element_type3A_127, %cond3A_128 : i32
    scf.if %cond3A_129 {
      %mul3A_168 = arith.constant 128 : i32
      %mul3A_169 = arith.muli %add3A_124, %mul3A_168 : i32
      %run_scoped3A = arith.constant 0 : i32
      "tpu.region"() ({
        %run_scoped3A_170 = tpu.sem_alloc : memref<!tpu.dma_semaphore, #tpu.memory_space<semaphore_mem>>
        %dma_start3A_171 = arith.constant 0 : i32
        %dma_start3A_172 = arith.constant 0 : i32
        %dma_start3A_173 = tpu.memref_slice %arg9[%run_scoped3A, %dma_start3A_171, %dma_start3A_172] : memref<3x128x128xf32, #tpu.memory_space<vmem>> -> memref<1x128x128xf32, #tpu.memory_space<vmem>>
        %dma_start3A_174 = tpu.memref_squeeze %dma_start3A_173 : memref<1x128x128xf32, #tpu.memory_space<vmem>> -> memref<128x128xf32, #tpu.memory_space<vmem>>
        %dma_start3A_175 = arith.constant 0 : i32
        %dma_start3A_176 = tpu.memref_slice %arg13[%mul3A_169, %dma_start3A_175] : memref<10000x128xf32, #tpu.memory_space<vmem_shared>> -> memref<128x128xf32, #tpu.memory_space<vmem_shared>>
        %dma_start3A_177 = arith.constant 0 : i32
        %dma_start3A_178 = tpu.memref_slice %arg13[%mul3A_169, %dma_start3A_177] : memref<10000x128xf32, #tpu.memory_space<vmem_shared>> -> memref<128x128xf32, #tpu.memory_space<vmem_shared>>
        %dma_start3A_179 = arith.constant 0 : i32
        %dma_start3A_180 = arith.constant 0 : i32
        %dma_start3A_181 = tpu.memref_slice %arg9[%run_scoped3A, %dma_start3A_179, %dma_start3A_180] : memref<3x128x128xf32, #tpu.memory_space<vmem>> -> memref<1x128x128xf32, #tpu.memory_space<vmem>>
        %dma_start3A_182 = tpu.memref_squeeze %dma_start3A_181 : memref<1x128x128xf32, #tpu.memory_space<vmem>> -> memref<128x128xf32, #tpu.memory_space<vmem>>
        tpu.enqueue_dma source(%dma_start3A_182 : memref<128x128xf32, #tpu.memory_space<vmem>>) target(%dma_start3A_178 : memref<128x128xf32, #tpu.memory_space<vmem_shared>>) target_semaphore(%run_scoped3A_170 : memref<!tpu.dma_semaphore, #tpu.memory_space<semaphore_mem>>)
        %dma_wait3A = arith.constant 0 : i32
        %dma_wait3A_183 = arith.constant 0 : i32
        %dma_wait3A_184 = tpu.memref_slice %arg9[%run_scoped3A, %dma_wait3A, %dma_wait3A_183] : memref<3x128x128xf32, #tpu.memory_space<vmem>> -> memref<1x128x128xf32, #tpu.memory_space<vmem>>
        %dma_wait3A_185 = tpu.memref_squeeze %dma_wait3A_184 : memref<1x128x128xf32, #tpu.memory_space<vmem>> -> memref<128x128xf32, #tpu.memory_space<vmem>>
        %dma_wait3A_186 = arith.constant 0 : i32
        %dma_wait3A_187 = tpu.memref_slice %arg13[%mul3A_169, %dma_wait3A_186] : memref<10000x128xf32, #tpu.memory_space<vmem_shared>> -> memref<128x128xf32, #tpu.memory_space<vmem_shared>>
        %dma_wait3A_188 = arith.constant 0 : i32
        %dma_wait3A_189 = tpu.memref_slice %arg13[%mul3A_169, %dma_wait3A_188] : memref<10000x128xf32, #tpu.memory_space<vmem_shared>> -> memref<128x128xf32, #tpu.memory_space<vmem_shared>>
        %dma_wait3A_190 = arith.constant 0 : i32
        %dma_wait3A_191 = arith.constant 0 : i32
        %dma_wait3A_192 = tpu.memref_slice %arg9[%run_scoped3A, %dma_wait3A_190, %dma_wait3A_191] : memref<3x128x128xf32, #tpu.memory_space<vmem>> -> memref<1x128x128xf32, #tpu.memory_space<vmem>>
        %dma_wait3A_193 = tpu.memref_squeeze %dma_wait3A_192 : memref<1x128x128xf32, #tpu.memory_space<vmem>> -> memref<128x128xf32, #tpu.memory_space<vmem>>
        tpu.wait_dma2 semaphore(%run_scoped3A_170 : memref<!tpu.dma_semaphore, #tpu.memory_space<semaphore_mem>>) src(%dma_wait3A_193 : memref<128x128xf32, #tpu.memory_space<vmem>>) dst(%dma_wait3A_189 : memref<128x128xf32, #tpu.memory_space<vmem_shared>>)
        tpu.yield
      }) : () -> ()
    } else {
    }
    %eq3A_130 = arith.constant 78 : i32
    %eq3A_131 = arith.cmpi eq, %add3A_124, %eq3A_130 : i32
    %convert_element_type3A_132 = arith.extui %eq3A_131 : i1 to i32
    %cond3A_133 = arith.constant 0 : i32
    %cond3A_134 = arith.cmpi ne, %convert_element_type3A_132, %cond3A_133 : i32
    scf.if %cond3A_134 {
      %run_scoped3A = arith.constant 0 : i32
      "tpu.region"() ({
        %run_scoped3A_168 = tpu.sem_alloc : memref<!tpu.dma_semaphore, #tpu.memory_space<semaphore_mem>>
        %dma_start3A_169 = arith.constant 0 : i32
        %dma_start3A_170 = arith.constant 0 : i32
        %dma_start3A_171 = tpu.memref_slice %arg9[%run_scoped3A, %dma_start3A_169, %dma_start3A_170] : memref<3x128x128xf32, #tpu.memory_space<vmem>> -> memref<1x16x128xf32, #tpu.memory_space<vmem>>
        %dma_start3A_172 = tpu.memref_squeeze %dma_start3A_171 : memref<1x16x128xf32, #tpu.memory_space<vmem>> -> memref<16x128xf32, #tpu.memory_space<vmem>>
        %dma_start3A_173 = arith.constant 9984 : i32
        %dma_start3A_174 = arith.constant 0 : i32
        %dma_start3A_175 = tpu.memref_slice %arg13[%dma_start3A_173, %dma_start3A_174] : memref<10000x128xf32, #tpu.memory_space<vmem_shared>> -> memref<16x128xf32, #tpu.memory_space<vmem_shared>>
        %dma_start3A_176 = arith.constant 9984 : i32
        %dma_start3A_177 = arith.constant 0 : i32
        %dma_start3A_178 = tpu.memref_slice %arg13[%dma_start3A_176, %dma_start3A_177] : memref<10000x128xf32, #tpu.memory_space<vmem_shared>> -> memref<16x128xf32, #tpu.memory_space<vmem_shared>>
        %dma_start3A_179 = arith.constant 0 : i32
        %dma_start3A_180 = arith.constant 0 : i32
        %dma_start3A_181 = tpu.memref_slice %arg9[%run_scoped3A, %dma_start3A_179, %dma_start3A_180] : memref<3x128x128xf32, #tpu.memory_space<vmem>> -> memref<1x16x128xf32, #tpu.memory_space<vmem>>
        %dma_start3A_182 = tpu.memref_squeeze %dma_start3A_181 : memref<1x16x128xf32, #tpu.memory_space<vmem>> -> memref<16x128xf32, #tpu.memory_space<vmem>>
        tpu.enqueue_dma source(%dma_start3A_182 : memref<16x128xf32, #tpu.memory_space<vmem>>) target(%dma_start3A_178 : memref<16x128xf32, #tpu.memory_space<vmem_shared>>) target_semaphore(%run_scoped3A_168 : memref<!tpu.dma_semaphore, #tpu.memory_space<semaphore_mem>>)
        %dma_wait3A = arith.constant 0 : i32
        %dma_wait3A_183 = arith.constant 0 : i32
        %dma_wait3A_184 = tpu.memref_slice %arg9[%run_scoped3A, %dma_wait3A, %dma_wait3A_183] : memref<3x128x128xf32, #tpu.memory_space<vmem>> -> memref<1x16x128xf32, #tpu.memory_space<vmem>>
        %dma_wait3A_185 = tpu.memref_squeeze %dma_wait3A_184 : memref<1x16x128xf32, #tpu.memory_space<vmem>> -> memref<16x128xf32, #tpu.memory_space<vmem>>
        %dma_wait3A_186 = arith.constant 9984 : i32
        %dma_wait3A_187 = arith.constant 0 : i32
        %dma_wait3A_188 = tpu.memref_slice %arg13[%dma_wait3A_186, %dma_wait3A_187] : memref<10000x128xf32, #tpu.memory_space<vmem_shared>> -> memref<16x128xf32, #tpu.memory_space<vmem_shared>>
        %dma_wait3A_189 = arith.constant 9984 : i32
        %dma_wait3A_190 = arith.constant 0 : i32
        %dma_wait3A_191 = tpu.memref_slice %arg13[%dma_wait3A_189, %dma_wait3A_190] : memref<10000x128xf32, #tpu.memory_space<vmem_shared>> -> memref<16x128xf32, #tpu.memory_space<vmem_shared>>
        %dma_wait3A_192 = arith.constant 0 : i32
        %dma_wait3A_193 = arith.constant 0 : i32
        %dma_wait3A_194 = tpu.memref_slice %arg9[%run_scoped3A, %dma_wait3A_192, %dma_wait3A_193] : memref<3x128x128xf32, #tpu.memory_space<vmem>> -> memref<1x16x128xf32, #tpu.memory_space<vmem>>
        %dma_wait3A_195 = tpu.memref_squeeze %dma_wait3A_194 : memref<1x16x128xf32, #tpu.memory_space<vmem>> -> memref<16x128xf32, #tpu.memory_space<vmem>>
        tpu.wait_dma2 semaphore(%run_scoped3A_168 : memref<!tpu.dma_semaphore, #tpu.memory_space<semaphore_mem>>) src(%dma_wait3A_195 : memref<16x128xf32, #tpu.memory_space<vmem>>) dst(%dma_wait3A_191 : memref<16x128xf32, #tpu.memory_space<vmem_shared>>)
        tpu.yield
      }) : () -> ()
    } else {
    }
    %add3A_135 = arith.constant 64 : i32
    %add3A_136 = arith.addi %arg1, %add3A_135 : i32
    %lt3A_137 = arith.constant 78 : i32
    %lt3A_138 = arith.cmpi slt, %add3A_136, %lt3A_137 : i32
    %convert_element_type3A_139 = arith.extui %lt3A_138 : i1 to i32
    %cond3A_140 = arith.constant 0 : i32
    %cond3A_141 = arith.cmpi ne, %convert_element_type3A_139, %cond3A_140 : i32
    scf.if %cond3A_141 {
      %mul3A_168 = arith.constant 128 : i32
      %mul3A_169 = arith.muli %add3A_136, %mul3A_168 : i32
      %run_scoped3A = arith.constant 0 : i32
      "tpu.region"() ({
        %run_scoped3A_170 = tpu.sem_alloc : memref<!tpu.dma_semaphore, #tpu.memory_space<semaphore_mem>>
        %dma_start3A_171 = arith.constant 0 : i32
        %dma_start3A_172 = arith.constant 0 : i32
        %dma_start3A_173 = tpu.memref_slice %arg9[%run_scoped3A, %dma_start3A_171, %dma_start3A_172] : memref<3x128x128xf32, #tpu.memory_space<vmem>> -> memref<1x128x128xf32, #tpu.memory_space<vmem>>
        %dma_start3A_174 = tpu.memref_squeeze %dma_start3A_173 : memref<1x128x128xf32, #tpu.memory_space<vmem>> -> memref<128x128xf32, #tpu.memory_space<vmem>>
        %dma_start3A_175 = arith.constant 0 : i32
        %dma_start3A_176 = tpu.memref_slice %arg13[%mul3A_169, %dma_start3A_175] : memref<10000x128xf32, #tpu.memory_space<vmem_shared>> -> memref<128x128xf32, #tpu.memory_space<vmem_shared>>
        %dma_start3A_177 = arith.constant 0 : i32
        %dma_start3A_178 = tpu.memref_slice %arg13[%mul3A_169, %dma_start3A_177] : memref<10000x128xf32, #tpu.memory_space<vmem_shared>> -> memref<128x128xf32, #tpu.memory_space<vmem_shared>>
        %dma_start3A_179 = arith.constant 0 : i32
        %dma_start3A_180 = arith.constant 0 : i32
        %dma_start3A_181 = tpu.memref_slice %arg9[%run_scoped3A, %dma_start3A_179, %dma_start3A_180] : memref<3x128x128xf32, #tpu.memory_space<vmem>> -> memref<1x128x128xf32, #tpu.memory_space<vmem>>
        %dma_start3A_182 = tpu.memref_squeeze %dma_start3A_181 : memref<1x128x128xf32, #tpu.memory_space<vmem>> -> memref<128x128xf32, #tpu.memory_space<vmem>>
        tpu.enqueue_dma source(%dma_start3A_182 : memref<128x128xf32, #tpu.memory_space<vmem>>) target(%dma_start3A_178 : memref<128x128xf32, #tpu.memory_space<vmem_shared>>) target_semaphore(%run_scoped3A_170 : memref<!tpu.dma_semaphore, #tpu.memory_space<semaphore_mem>>)
        %dma_wait3A = arith.constant 0 : i32
        %dma_wait3A_183 = arith.constant 0 : i32
        %dma_wait3A_184 = tpu.memref_slice %arg9[%run_scoped3A, %dma_wait3A, %dma_wait3A_183] : memref<3x128x128xf32, #tpu.memory_space<vmem>> -> memref<1x128x128xf32, #tpu.memory_space<vmem>>
        %dma_wait3A_185 = tpu.memref_squeeze %dma_wait3A_184 : memref<1x128x128xf32, #tpu.memory_space<vmem>> -> memref<128x128xf32, #tpu.memory_space<vmem>>
        %dma_wait3A_186 = arith.constant 0 : i32
        %dma_wait3A_187 = tpu.memref_slice %arg13[%mul3A_169, %dma_wait3A_186] : memref<10000x128xf32, #tpu.memory_space<vmem_shared>> -> memref<128x128xf32, #tpu.memory_space<vmem_shared>>
        %dma_wait3A_188 = arith.constant 0 : i32
        %dma_wait3A_189 = tpu.memref_slice %arg13[%mul3A_169, %dma_wait3A_188] : memref<10000x128xf32, #tpu.memory_space<vmem_shared>> -> memref<128x128xf32, #tpu.memory_space<vmem_shared>>
        %dma_wait3A_190 = arith.constant 0 : i32
        %dma_wait3A_191 = arith.constant 0 : i32
        %dma_wait3A_192 = tpu.memref_slice %arg9[%run_scoped3A, %dma_wait3A_190, %dma_wait3A_191] : memref<3x128x128xf32, #tpu.memory_space<vmem>> -> memref<1x128x128xf32, #tpu.memory_space<vmem>>
        %dma_wait3A_193 = tpu.memref_squeeze %dma_wait3A_192 : memref<1x128x128xf32, #tpu.memory_space<vmem>> -> memref<128x128xf32, #tpu.memory_space<vmem>>
        tpu.wait_dma2 semaphore(%run_scoped3A_170 : memref<!tpu.dma_semaphore, #tpu.memory_space<semaphore_mem>>) src(%dma_wait3A_193 : memref<128x128xf32, #tpu.memory_space<vmem>>) dst(%dma_wait3A_189 : memref<128x128xf32, #tpu.memory_space<vmem_shared>>)
        tpu.yield
      }) : () -> ()
    } else {
    }
    %eq3A_142 = arith.constant 78 : i32
    %eq3A_143 = arith.cmpi eq, %add3A_136, %eq3A_142 : i32
    %convert_element_type3A_144 = arith.extui %eq3A_143 : i1 to i32
    %cond3A_145 = arith.constant 0 : i32
    %cond3A_146 = arith.cmpi ne, %convert_element_type3A_144, %cond3A_145 : i32
    scf.if %cond3A_146 {
      %run_scoped3A = arith.constant 0 : i32
      "tpu.region"() ({
        %run_scoped3A_168 = tpu.sem_alloc : memref<!tpu.dma_semaphore, #tpu.memory_space<semaphore_mem>>
        %dma_start3A_169 = arith.constant 0 : i32
        %dma_start3A_170 = arith.constant 0 : i32
        %dma_start3A_171 = tpu.memref_slice %arg9[%run_scoped3A, %dma_start3A_169, %dma_start3A_170] : memref<3x128x128xf32, #tpu.memory_space<vmem>> -> memref<1x16x128xf32, #tpu.memory_space<vmem>>
        %dma_start3A_172 = tpu.memref_squeeze %dma_start3A_171 : memref<1x16x128xf32, #tpu.memory_space<vmem>> -> memref<16x128xf32, #tpu.memory_space<vmem>>
        %dma_start3A_173 = arith.constant 9984 : i32
        %dma_start3A_174 = arith.constant 0 : i32
        %dma_start3A_175 = tpu.memref_slice %arg13[%dma_start3A_173, %dma_start3A_174] : memref<10000x128xf32, #tpu.memory_space<vmem_shared>> -> memref<16x128xf32, #tpu.memory_space<vmem_shared>>
        %dma_start3A_176 = arith.constant 9984 : i32
        %dma_start3A_177 = arith.constant 0 : i32
        %dma_start3A_178 = tpu.memref_slice %arg13[%dma_start3A_176, %dma_start3A_177] : memref<10000x128xf32, #tpu.memory_space<vmem_shared>> -> memref<16x128xf32, #tpu.memory_space<vmem_shared>>
        %dma_start3A_179 = arith.constant 0 : i32
        %dma_start3A_180 = arith.constant 0 : i32
        %dma_start3A_181 = tpu.memref_slice %arg9[%run_scoped3A, %dma_start3A_179, %dma_start3A_180] : memref<3x128x128xf32, #tpu.memory_space<vmem>> -> memref<1x16x128xf32, #tpu.memory_space<vmem>>
        %dma_start3A_182 = tpu.memref_squeeze %dma_start3A_181 : memref<1x16x128xf32, #tpu.memory_space<vmem>> -> memref<16x128xf32, #tpu.memory_space<vmem>>
        tpu.enqueue_dma source(%dma_start3A_182 : memref<16x128xf32, #tpu.memory_space<vmem>>) target(%dma_start3A_178 : memref<16x128xf32, #tpu.memory_space<vmem_shared>>) target_semaphore(%run_scoped3A_168 : memref<!tpu.dma_semaphore, #tpu.memory_space<semaphore_mem>>)
        %dma_wait3A = arith.constant 0 : i32
        %dma_wait3A_183 = arith.constant 0 : i32
        %dma_wait3A_184 = tpu.memref_slice %arg9[%run_scoped3A, %dma_wait3A, %dma_wait3A_183] : memref<3x128x128xf32, #tpu.memory_space<vmem>> -> memref<1x16x128xf32, #tpu.memory_space<vmem>>
        %dma_wait3A_185 = tpu.memref_squeeze %dma_wait3A_184 : memref<1x16x128xf32, #tpu.memory_space<vmem>> -> memref<16x128xf32, #tpu.memory_space<vmem>>
        %dma_wait3A_186 = arith.constant 9984 : i32
        %dma_wait3A_187 = arith.constant 0 : i32
        %dma_wait3A_188 = tpu.memref_slice %arg13[%dma_wait3A_186, %dma_wait3A_187] : memref<10000x128xf32, #tpu.memory_space<vmem_shared>> -> memref<16x128xf32, #tpu.memory_space<vmem_shared>>
        %dma_wait3A_189 = arith.constant 9984 : i32
        %dma_wait3A_190 = arith.constant 0 : i32
        %dma_wait3A_191 = tpu.memref_slice %arg13[%dma_wait3A_189, %dma_wait3A_190] : memref<10000x128xf32, #tpu.memory_space<vmem_shared>> -> memref<16x128xf32, #tpu.memory_space<vmem_shared>>
        %dma_wait3A_192 = arith.constant 0 : i32
        %dma_wait3A_193 = arith.constant 0 : i32
        %dma_wait3A_194 = tpu.memref_slice %arg9[%run_scoped3A, %dma_wait3A_192, %dma_wait3A_193] : memref<3x128x128xf32, #tpu.memory_space<vmem>> -> memref<1x16x128xf32, #tpu.memory_space<vmem>>
        %dma_wait3A_195 = tpu.memref_squeeze %dma_wait3A_194 : memref<1x16x128xf32, #tpu.memory_space<vmem>> -> memref<16x128xf32, #tpu.memory_space<vmem>>
        tpu.wait_dma2 semaphore(%run_scoped3A_168 : memref<!tpu.dma_semaphore, #tpu.memory_space<semaphore_mem>>) src(%dma_wait3A_195 : memref<16x128xf32, #tpu.memory_space<vmem>>) dst(%dma_wait3A_191 : memref<16x128xf32, #tpu.memory_space<vmem_shared>>)
        tpu.yield
      }) : () -> ()
    } else {
    }
    %barrier3A = arith.constant 0 : index
    tpu.barrier barrier_id(%barrier3A)
    %eq3A_147 = arith.constant 0 : i32
    %eq3A_148 = arith.cmpi eq, %arg0, %eq3A_147 : i32
    %convert_element_type3A_149 = arith.extui %eq3A_148 : i1 to i32
    %cond3A_150 = arith.constant 0 : i32
    %cond3A_151 = arith.cmpi ne, %convert_element_type3A_149, %cond3A_150 : i32
    scf.if %cond3A_151 {
      %add3A_168 = arith.constant 0 : i32
      %add3A_169 = arith.addi %arg1, %add3A_168 : i32
      %mul3A_170 = arith.constant 128 : i32
      %mul3A_171 = arith.muli %add3A_169, %mul3A_170 : i32
      %dma_wait3A = arith.constant 1 : i32
      %dma_wait3A_172 = arith.constant 0 : i32
      %dma_wait3A_173 = arith.constant 0 : i32
      %dma_wait3A_174 = tpu.memref_slice %arg7[%dma_wait3A_172, %dma_wait3A_173] : memref<4x128xi32, #tpu.memory_space<vmem>> -> memref<1x128xi32, #tpu.memory_space<vmem>>
      %dma_wait3A_175 = tpu.memref_squeeze %dma_wait3A_174 : memref<1x128xi32, #tpu.memory_space<vmem>> -> memref<128xi32, #tpu.memory_space<vmem>>
      %dma_wait3A_176 = tpu.memref_slice %arg4[%dma_wait3A, %mul3A_171] : memref<2x160000xi32, #tpu.memory_space<hbm>> -> memref<1x128xi32, #tpu.memory_space<hbm>>
      %dma_wait3A_177 = tpu.memref_squeeze %dma_wait3A_176 : memref<1x128xi32, #tpu.memory_space<hbm>> -> memref<128xi32, #tpu.memory_space<hbm>>
      %dma_wait3A_178 = arith.constant 0 : i32
      %dma_wait3A_179 = tpu.memref_slice %arg7[%dma_wait3A_172, %dma_wait3A_178] : memref<4x128xi32, #tpu.memory_space<vmem>> -> memref<1x128xi32, #tpu.memory_space<vmem>>
      %dma_wait3A_180 = tpu.memref_squeeze %dma_wait3A_179 : memref<1x128xi32, #tpu.memory_space<vmem>> -> memref<128xi32, #tpu.memory_space<vmem>>
      %dma_wait3A_181 = tpu.memref_slice %arg4[%dma_wait3A, %mul3A_171] : memref<2x160000xi32, #tpu.memory_space<hbm>> -> memref<1x128xi32, #tpu.memory_space<hbm>>
      %dma_wait3A_182 = tpu.memref_squeeze %dma_wait3A_181 : memref<1x128xi32, #tpu.memory_space<hbm>> -> memref<128xi32, #tpu.memory_space<hbm>>
      tpu.wait_dma2 semaphore(%arg10 : memref<!tpu.dma_semaphore, #tpu.memory_space<semaphore_mem>>) src(%dma_wait3A_182 : memref<128xi32, #tpu.memory_space<hbm>>) dst(%dma_wait3A_180 : memref<128xi32, #tpu.memory_space<vmem>>)
      %dma_wait3A_183 = arith.constant 0 : i32
      %dma_wait3A_184 = arith.constant 0 : i32
      %dma_wait3A_185 = arith.constant 0 : i32
      %dma_wait3A_186 = tpu.memref_slice %arg8[%dma_wait3A_184, %dma_wait3A_185] : memref<4x128xi32, #tpu.memory_space<vmem>> -> memref<1x128xi32, #tpu.memory_space<vmem>>
      %dma_wait3A_187 = tpu.memref_squeeze %dma_wait3A_186 : memref<1x128xi32, #tpu.memory_space<vmem>> -> memref<128xi32, #tpu.memory_space<vmem>>
      %dma_wait3A_188 = tpu.memref_slice %arg4[%dma_wait3A_183, %mul3A_171] : memref<2x160000xi32, #tpu.memory_space<hbm>> -> memref<1x128xi32, #tpu.memory_space<hbm>>
      %dma_wait3A_189 = tpu.memref_squeeze %dma_wait3A_188 : memref<1x128xi32, #tpu.memory_space<hbm>> -> memref<128xi32, #tpu.memory_space<hbm>>
      %dma_wait3A_190 = arith.constant 0 : i32
      %dma_wait3A_191 = tpu.memref_slice %arg8[%dma_wait3A_184, %dma_wait3A_190] : memref<4x128xi32, #tpu.memory_space<vmem>> -> memref<1x128xi32, #tpu.memory_space<vmem>>
      %dma_wait3A_192 = tpu.memref_squeeze %dma_wait3A_191 : memref<1x128xi32, #tpu.memory_space<vmem>> -> memref<128xi32, #tpu.memory_space<vmem>>
      %dma_wait3A_193 = tpu.memref_slice %arg4[%dma_wait3A_183, %mul3A_171] : memref<2x160000xi32, #tpu.memory_space<hbm>> -> memref<1x128xi32, #tpu.memory_space<hbm>>
      %dma_wait3A_194 = tpu.memref_squeeze %dma_wait3A_193 : memref<1x128xi32, #tpu.memory_space<hbm>> -> memref<128xi32, #tpu.memory_space<hbm>>
      tpu.wait_dma2 semaphore(%arg10 : memref<!tpu.dma_semaphore, #tpu.memory_space<semaphore_mem>>) src(%dma_wait3A_194 : memref<128xi32, #tpu.memory_space<hbm>>) dst(%dma_wait3A_192 : memref<128xi32, #tpu.memory_space<vmem>>)
      %dma_start3A_195 = arith.constant 0 : i32
      %dma_start3A_196 = arith.constant 0 : i32
      %dma_start3A_197 = arith.constant 0 : i32
      %dma_start3A_198 = arith.constant 0 : i32
      %dma_start3A_199 = tpu.memref_slice %arg9[%dma_start3A_196, %dma_start3A_197, %dma_start3A_198] : memref<3x128x128xf32, #tpu.memory_space<vmem>> -> memref<1x128x128xf32, #tpu.memory_space<vmem>>
      %dma_start3A_200 = tpu.memref_squeeze %dma_start3A_199 : memref<1x128x128xf32, #tpu.memory_space<vmem>> -> memref<128x128xf32, #tpu.memory_space<vmem>>
      %dma_start3A_201 = arith.constant 0 : i32
      %dma_start3A_202 = tpu.memref_slice %arg7[%dma_start3A_195, %dma_start3A_201] : memref<4x128xi32, #tpu.memory_space<vmem>> -> memref<1x128xi32, #tpu.memory_space<vmem>>
      %dma_start3A_203 = tpu.memref_squeeze %dma_start3A_202 : memref<1x128xi32, #tpu.memory_space<vmem>> -> memref<128xi32, #tpu.memory_space<vmem>>
      %dma_start3A_204 = arith.constant 0 : i32
      %dma_start3A_205 = arith.constant 0 : i32
      %dma_start3A_206 = tpu.memref_slice %arg2[%dma_start3A_204, %dma_start3A_205] : memref<10000x128xf32, #tpu.memory_space<hbm>> -> memref<10000x128xf32, #tpu.memory_space<hbm>>
      tpu.enqueue_indirect_dma source(%dma_start3A_206 : memref<10000x128xf32, #tpu.memory_space<hbm>>) target(%dma_start3A_200 : memref<128x128xf32, #tpu.memory_space<vmem>>) offsets(%dma_start3A_203 : memref<128xi32, #tpu.memory_space<vmem>>) semaphore(%arg11 : memref<!tpu.dma_semaphore, #tpu.memory_space<semaphore_mem>>)
      %add3A_207 = arith.constant 16 : i32
      %add3A_208 = arith.addi %arg1, %add3A_207 : i32
      %mul3A_209 = arith.constant 128 : i32
      %mul3A_210 = arith.muli %add3A_208, %mul3A_209 : i32
      %dma_wait3A_211 = arith.constant 1 : i32
      %dma_wait3A_212 = arith.constant 1 : i32
      %dma_wait3A_213 = arith.constant 0 : i32
      %dma_wait3A_214 = tpu.memref_slice %arg7[%dma_wait3A_212, %dma_wait3A_213] : memref<4x128xi32, #tpu.memory_space<vmem>> -> memref<1x128xi32, #tpu.memory_space<vmem>>
      %dma_wait3A_215 = tpu.memref_squeeze %dma_wait3A_214 : memref<1x128xi32, #tpu.memory_space<vmem>> -> memref<128xi32, #tpu.memory_space<vmem>>
      %dma_wait3A_216 = tpu.memref_slice %arg4[%dma_wait3A_211, %mul3A_210] : memref<2x160000xi32, #tpu.memory_space<hbm>> -> memref<1x128xi32, #tpu.memory_space<hbm>>
      %dma_wait3A_217 = tpu.memref_squeeze %dma_wait3A_216 : memref<1x128xi32, #tpu.memory_space<hbm>> -> memref<128xi32, #tpu.memory_space<hbm>>
      %dma_wait3A_218 = arith.constant 0 : i32
      %dma_wait3A_219 = tpu.memref_slice %arg7[%dma_wait3A_212, %dma_wait3A_218] : memref<4x128xi32, #tpu.memory_space<vmem>> -> memref<1x128xi32, #tpu.memory_space<vmem>>
      %dma_wait3A_220 = tpu.memref_squeeze %dma_wait3A_219 : memref<1x128xi32, #tpu.memory_space<vmem>> -> memref<128xi32, #tpu.memory_space<vmem>>
      %dma_wait3A_221 = tpu.memref_slice %arg4[%dma_wait3A_211, %mul3A_210] : memref<2x160000xi32, #tpu.memory_space<hbm>> -> memref<1x128xi32, #tpu.memory_space<hbm>>
      %dma_wait3A_222 = tpu.memref_squeeze %dma_wait3A_221 : memref<1x128xi32, #tpu.memory_space<hbm>> -> memref<128xi32, #tpu.memory_space<hbm>>
      tpu.wait_dma2 semaphore(%arg10 : memref<!tpu.dma_semaphore, #tpu.memory_space<semaphore_mem>>) src(%dma_wait3A_222 : memref<128xi32, #tpu.memory_space<hbm>>) dst(%dma_wait3A_220 : memref<128xi32, #tpu.memory_space<vmem>>)
      %dma_wait3A_223 = arith.constant 0 : i32
      %dma_wait3A_224 = arith.constant 1 : i32
      %dma_wait3A_225 = arith.constant 0 : i32
      %dma_wait3A_226 = tpu.memref_slice %arg8[%dma_wait3A_224, %dma_wait3A_225] : memref<4x128xi32, #tpu.memory_space<vmem>> -> memref<1x128xi32, #tpu.memory_space<vmem>>
      %dma_wait3A_227 = tpu.memref_squeeze %dma_wait3A_226 : memref<1x128xi32, #tpu.memory_space<vmem>> -> memref<128xi32, #tpu.memory_space<vmem>>
      %dma_wait3A_228 = tpu.memref_slice %arg4[%dma_wait3A_223, %mul3A_210] : memref<2x160000xi32, #tpu.memory_space<hbm>> -> memref<1x128xi32, #tpu.memory_space<hbm>>
      %dma_wait3A_229 = tpu.memref_squeeze %dma_wait3A_228 : memref<1x128xi32, #tpu.memory_space<hbm>> -> memref<128xi32, #tpu.memory_space<hbm>>
      %dma_wait3A_230 = arith.constant 0 : i32
      %dma_wait3A_231 = tpu.memref_slice %arg8[%dma_wait3A_224, %dma_wait3A_230] : memref<4x128xi32, #tpu.memory_space<vmem>> -> memref<1x128xi32, #tpu.memory_space<vmem>>
      %dma_wait3A_232 = tpu.memref_squeeze %dma_wait3A_231 : memref<1x128xi32, #tpu.memory_space<vmem>> -> memref<128xi32, #tpu.memory_space<vmem>>
      %dma_wait3A_233 = tpu.memref_slice %arg4[%dma_wait3A_223, %mul3A_210] : memref<2x160000xi32, #tpu.memory_space<hbm>> -> memref<1x128xi32, #tpu.memory_space<hbm>>
      %dma_wait3A_234 = tpu.memref_squeeze %dma_wait3A_233 : memref<1x128xi32, #tpu.memory_space<hbm>> -> memref<128xi32, #tpu.memory_space<hbm>>
      tpu.wait_dma2 semaphore(%arg10 : memref<!tpu.dma_semaphore, #tpu.memory_space<semaphore_mem>>) src(%dma_wait3A_234 : memref<128xi32, #tpu.memory_space<hbm>>) dst(%dma_wait3A_232 : memref<128xi32, #tpu.memory_space<vmem>>)
      %dma_start3A_235 = arith.constant 1 : i32
      %dma_start3A_236 = arith.constant 1 : i32
      %dma_start3A_237 = arith.constant 0 : i32
      %dma_start3A_238 = arith.constant 0 : i32
      %dma_start3A_239 = tpu.memref_slice %arg9[%dma_start3A_236, %dma_start3A_237, %dma_start3A_238] : memref<3x128x128xf32, #tpu.memory_space<vmem>> -> memref<1x128x128xf32, #tpu.memory_space<vmem>>
      %dma_start3A_240 = tpu.memref_squeeze %dma_start3A_239 : memref<1x128x128xf32, #tpu.memory_space<vmem>> -> memref<128x128xf32, #tpu.memory_space<vmem>>
      %dma_start3A_241 = arith.constant 0 : i32
      %dma_start3A_242 = tpu.memref_slice %arg7[%dma_start3A_235, %dma_start3A_241] : memref<4x128xi32, #tpu.memory_space<vmem>> -> memref<1x128xi32, #tpu.memory_space<vmem>>
      %dma_start3A_243 = tpu.memref_squeeze %dma_start3A_242 : memref<1x128xi32, #tpu.memory_space<vmem>> -> memref<128xi32, #tpu.memory_space<vmem>>
      %dma_start3A_244 = arith.constant 0 : i32
      %dma_start3A_245 = arith.constant 0 : i32
      %dma_start3A_246 = tpu.memref_slice %arg2[%dma_start3A_244, %dma_start3A_245] : memref<10000x128xf32, #tpu.memory_space<hbm>> -> memref<10000x128xf32, #tpu.memory_space<hbm>>
      tpu.enqueue_indirect_dma source(%dma_start3A_246 : memref<10000x128xf32, #tpu.memory_space<hbm>>) target(%dma_start3A_240 : memref<128x128xf32, #tpu.memory_space<vmem>>) offsets(%dma_start3A_243 : memref<128xi32, #tpu.memory_space<vmem>>) semaphore(%arg11 : memref<!tpu.dma_semaphore, #tpu.memory_space<semaphore_mem>>)
      %while3A = arith.constant 0 : i32
      %while3A_247 = arith.constant 0 : i32
      %while3A_248 = arith.subi %add3A_1, %while3A_247 : i32
      %while3A_249 = arith.addi %while3A_247, %while3A_248 : i32
      %while3A_250 = arith.constant 1 : i32
      %while3A_251 = arith.divsi %while3A_248, %while3A_250 : i32
      %while3A_252 = arith.muli %while3A_251, %while3A_250 : i32
      %while3A_253 = arith.addi %while3A_247, %while3A_252 : i32
      %while3A_254 = arith.constant 1 : i32
      scf.for %while3A_294 = %while3A_247 to %while3A_253 step %while3A_254  : i32 {
        %jit3A_295 = arith.constant 4 : i32
        %eq3A_296 = arith.constant 0 : i32
        %eq3A_297 = arith.cmpi eq, %jit3A_295, %eq3A_296 : i32
        %jit3A_298 = arith.constant 1 : i32
        %select_n3A_299 = arith.select %eq3A_297, %jit3A_298, %jit3A_295 : i32
        %rem3A_300 = arith.remsi %while3A_294, %select_n3A_299 : i32
        %ne3A_301 = arith.constant 0 : i32
        %ne3A_302 = arith.cmpi ne, %rem3A_300, %ne3A_301 : i32
        %lt3A_303 = arith.constant 0 : i32
        %lt3A_304 = arith.cmpi slt, %rem3A_300, %lt3A_303 : i32
        %lt3A_305 = arith.constant 0 : i32
        %lt3A_306 = arith.cmpi slt, %select_n3A_299, %lt3A_305 : i32
        %ne3A_307 = arith.xori %lt3A_304, %lt3A_306 : i1
        %and3A_308 = arith.andi %ne3A_307, %ne3A_302 : i1
        %add3A_309 = arith.addi %rem3A_300, %select_n3A_299 : i32
        %select_n3A_310 = arith.select %and3A_308, %add3A_309, %rem3A_300 : i32
        %jit3A_311 = arith.constant 3 : i32
        %eq3A_312 = arith.constant 0 : i32
        %eq3A_313 = arith.cmpi eq, %jit3A_311, %eq3A_312 : i32
        %jit3A_314 = arith.constant 1 : i32
        %select_n3A_315 = arith.select %eq3A_313, %jit3A_314, %jit3A_311 : i32
        %rem3A_316 = arith.remsi %while3A_294, %select_n3A_315 : i32
        %ne3A_317 = arith.constant 0 : i32
        %ne3A_318 = arith.cmpi ne, %rem3A_316, %ne3A_317 : i32
        %lt3A_319 = arith.constant 0 : i32
        %lt3A_320 = arith.cmpi slt, %rem3A_316, %lt3A_319 : i32
        %lt3A_321 = arith.constant 0 : i32
        %lt3A_322 = arith.cmpi slt, %select_n3A_315, %lt3A_321 : i32
        %ne3A_323 = arith.xori %lt3A_320, %lt3A_322 : i1
        %and3A_324 = arith.andi %ne3A_323, %ne3A_318 : i1
        %add3A_325 = arith.addi %rem3A_316, %select_n3A_315 : i32
        %select_n3A_326 = arith.select %and3A_324, %add3A_325, %rem3A_316 : i32
        %dma_wait3A_327 = arith.constant 0 : i32
        %dma_wait3A_328 = arith.constant 0 : i32
        %dma_wait3A_329 = tpu.memref_slice %arg9[%select_n3A_326, %dma_wait3A_327, %dma_wait3A_328] : memref<3x128x128xf32, #tpu.memory_space<vmem>> -> memref<1x128x128xf32, #tpu.memory_space<vmem>>
        %dma_wait3A_330 = tpu.memref_squeeze %dma_wait3A_329 : memref<1x128x128xf32, #tpu.memory_space<vmem>> -> memref<128x128xf32, #tpu.memory_space<vmem>>
        %dma_wait3A_331 = arith.constant 0 : i32
        %dma_wait3A_332 = tpu.memref_slice %arg7[%select_n3A_310, %dma_wait3A_331] : memref<4x128xi32, #tpu.memory_space<vmem>> -> memref<1x128xi32, #tpu.memory_space<vmem>>
        %dma_wait3A_333 = tpu.memref_squeeze %dma_wait3A_332 : memref<1x128xi32, #tpu.memory_space<vmem>> -> memref<128xi32, #tpu.memory_space<vmem>>
        %dma_wait3A_334 = arith.constant 0 : i32
        %dma_wait3A_335 = arith.constant 0 : i32
        %dma_wait3A_336 = tpu.memref_slice %arg2[%dma_wait3A_334, %dma_wait3A_335] : memref<10000x128xf32, #tpu.memory_space<hbm>> -> memref<10000x128xf32, #tpu.memory_space<hbm>>
        tpu.wait_indirect_dma semaphore(%arg11 : memref<!tpu.dma_semaphore, #tpu.memory_space<semaphore_mem>>) src(%dma_wait3A_336 : memref<10000x128xf32, #tpu.memory_space<hbm>>) dst(%dma_wait3A_330 : memref<128x128xf32, #tpu.memory_space<vmem>>)
        %ge3A = arith.constant 1 : i32
        %ge3A_337 = arith.cmpi sge, %while3A_294, %ge3A : i32
        %convert_element_type3A_338 = arith.extui %ge3A_337 : i1 to i32
        %cond3A_339 = arith.constant 0 : i32
        %cond3A_340 = arith.cmpi ne, %convert_element_type3A_338, %cond3A_339 : i32
        scf.if %cond3A_340 {
          %sub3A_395 = arith.constant 1 : i32
          %sub3A_396 = arith.subi %while3A_294, %sub3A_395 : i32
          %jit3A_397 = arith.constant 3 : i32
          %eq3A_398 = arith.constant 0 : i32
          %eq3A_399 = arith.cmpi eq, %jit3A_397, %eq3A_398 : i32
          %jit3A_400 = arith.constant 1 : i32
          %select_n3A_401 = arith.select %eq3A_399, %jit3A_400, %jit3A_397 : i32
          %rem3A_402 = arith.remsi %sub3A_396, %select_n3A_401 : i32
          %ne3A_403 = arith.constant 0 : i32
          %ne3A_404 = arith.cmpi ne, %rem3A_402, %ne3A_403 : i32
          %lt3A_405 = arith.constant 0 : i32
          %lt3A_406 = arith.cmpi slt, %rem3A_402, %lt3A_405 : i32
          %lt3A_407 = arith.constant 0 : i32
          %lt3A_408 = arith.cmpi slt, %select_n3A_401, %lt3A_407 : i32
          %ne3A_409 = arith.xori %lt3A_406, %lt3A_408 : i1
          %and3A_410 = arith.andi %ne3A_409, %ne3A_404 : i1
          %add3A_411 = arith.addi %rem3A_402, %select_n3A_401 : i32
          %select_n3A_412 = arith.select %and3A_410, %add3A_411, %rem3A_402 : i32
          %jit3A_413 = arith.constant 4 : i32
          %eq3A_414 = arith.constant 0 : i32
          %eq3A_415 = arith.cmpi eq, %jit3A_413, %eq3A_414 : i32
          %jit3A_416 = arith.constant 1 : i32
          %select_n3A_417 = arith.select %eq3A_415, %jit3A_416, %jit3A_413 : i32
          %rem3A_418 = arith.remsi %sub3A_396, %select_n3A_417 : i32
          %ne3A_419 = arith.constant 0 : i32
          %ne3A_420 = arith.cmpi ne, %rem3A_418, %ne3A_419 : i32
          %lt3A_421 = arith.constant 0 : i32
          %lt3A_422 = arith.cmpi slt, %rem3A_418, %lt3A_421 : i32
          %lt3A_423 = arith.constant 0 : i32
          %lt3A_424 = arith.cmpi slt, %select_n3A_417, %lt3A_423 : i32
          %ne3A_425 = arith.xori %lt3A_422, %lt3A_424 : i1
          %and3A_426 = arith.andi %ne3A_425, %ne3A_420 : i1
          %add3A_427 = arith.addi %rem3A_418, %select_n3A_417 : i32
          %select_n3A_428 = arith.select %and3A_426, %add3A_427, %rem3A_418 : i32
          %dma_wait3A_429 = arith.constant 0 : i32
          %dma_wait3A_430 = arith.constant 0 : i32
          %dma_wait3A_431 = tpu.memref_slice %arg9[%select_n3A_412, %dma_wait3A_429, %dma_wait3A_430] : memref<3x128x128xf32, #tpu.memory_space<vmem>> -> memref<1x128x128xf32, #tpu.memory_space<vmem>>
          %dma_wait3A_432 = tpu.memref_squeeze %dma_wait3A_431 : memref<1x128x128xf32, #tpu.memory_space<vmem>> -> memref<128x128xf32, #tpu.memory_space<vmem>>
          %dma_wait3A_433 = arith.constant 0 : i32
          %dma_wait3A_434 = tpu.memref_slice %arg8[%select_n3A_428, %dma_wait3A_433] : memref<4x128xi32, #tpu.memory_space<vmem>> -> memref<1x128xi32, #tpu.memory_space<vmem>>
          %dma_wait3A_435 = tpu.memref_squeeze %dma_wait3A_434 : memref<1x128xi32, #tpu.memory_space<vmem>> -> memref<128xi32, #tpu.memory_space<vmem>>
          %dma_wait3A_436 = arith.constant 0 : i32
          %dma_wait3A_437 = arith.constant 0 : i32
          %dma_wait3A_438 = tpu.memref_slice %arg13[%dma_wait3A_436, %dma_wait3A_437] : memref<10000x128xf32, #tpu.memory_space<vmem_shared>> -> memref<10000x128xf32, #tpu.memory_space<vmem_shared>>
          tpu.wait_indirect_dma semaphore(%arg12 : memref<!tpu.dma_semaphore, #tpu.memory_space<semaphore_mem>>) src(%dma_wait3A_432 : memref<128x128xf32, #tpu.memory_space<vmem>>) dst(%dma_wait3A_438 : memref<10000x128xf32, #tpu.memory_space<vmem_shared>>)
        } else {
        }
        %add3A_341 = arith.constant 3 : i32
        %add3A_342 = arith.addi %while3A_294, %add3A_341 : i32
        %lt3A_343 = arith.cmpi slt, %add3A_342, %add3A_1 : i32
        %convert_element_type3A_344 = arith.extui %lt3A_343 : i1 to i32
        %cond3A_345 = arith.constant 0 : i32
        %cond3A_346 = arith.cmpi ne, %convert_element_type3A_344, %cond3A_345 : i32
        scf.if %cond3A_346 {
          %add3A_395 = arith.constant 3 : i32
          %add3A_396 = arith.addi %while3A_294, %add3A_395 : i32
          %mul3A_397 = arith.constant 16 : i32
          %mul3A_398 = arith.muli %mul3A_397, %add3A_396 : i32
          %add3A_399 = arith.addi %arg1, %mul3A_398 : i32
          %mul3A_400 = arith.constant 128 : i32
          %mul3A_401 = arith.muli %add3A_399, %mul3A_400 : i32
          %jit3A_402 = arith.constant 4 : i32
          %eq3A_403 = arith.constant 0 : i32
          %eq3A_404 = arith.cmpi eq, %jit3A_402, %eq3A_403 : i32
          %jit3A_405 = arith.constant 1 : i32
          %select_n3A_406 = arith.select %eq3A_404, %jit3A_405, %jit3A_402 : i32
          %rem3A_407 = arith.remsi %add3A_396, %select_n3A_406 : i32
          %ne3A_408 = arith.constant 0 : i32
          %ne3A_409 = arith.cmpi ne, %rem3A_407, %ne3A_408 : i32
          %lt3A_410 = arith.constant 0 : i32
          %lt3A_411 = arith.cmpi slt, %rem3A_407, %lt3A_410 : i32
          %lt3A_412 = arith.constant 0 : i32
          %lt3A_413 = arith.cmpi slt, %select_n3A_406, %lt3A_412 : i32
          %ne3A_414 = arith.xori %lt3A_411, %lt3A_413 : i1
          %and3A_415 = arith.andi %ne3A_414, %ne3A_409 : i1
          %add3A_416 = arith.addi %rem3A_407, %select_n3A_406 : i32
          %select_n3A_417 = arith.select %and3A_415, %add3A_416, %rem3A_407 : i32
          %dma_start3A_418 = arith.constant 1 : i32
          %dma_start3A_419 = arith.constant 0 : i32
          %dma_start3A_420 = tpu.memref_slice %arg7[%select_n3A_417, %dma_start3A_419] : memref<4x128xi32, #tpu.memory_space<vmem>> -> memref<1x128xi32, #tpu.memory_space<vmem>>
          %dma_start3A_421 = tpu.memref_squeeze %dma_start3A_420 : memref<1x128xi32, #tpu.memory_space<vmem>> -> memref<128xi32, #tpu.memory_space<vmem>>
          %dma_start3A_422 = tpu.memref_slice %arg4[%dma_start3A_418, %mul3A_401] : memref<2x160000xi32, #tpu.memory_space<hbm>> -> memref<1x128xi32, #tpu.memory_space<hbm>>
          %dma_start3A_423 = tpu.memref_squeeze %dma_start3A_422 : memref<1x128xi32, #tpu.memory_space<hbm>> -> memref<128xi32, #tpu.memory_space<hbm>>
          %dma_start3A_424 = arith.constant 0 : i32
          %dma_start3A_425 = tpu.memref_slice %arg7[%select_n3A_417, %dma_start3A_424] : memref<4x128xi32, #tpu.memory_space<vmem>> -> memref<1x128xi32, #tpu.memory_space<vmem>>
          %dma_start3A_426 = tpu.memref_squeeze %dma_start3A_425 : memref<1x128xi32, #tpu.memory_space<vmem>> -> memref<128xi32, #tpu.memory_space<vmem>>
          %dma_start3A_427 = tpu.memref_slice %arg4[%dma_start3A_418, %mul3A_401] : memref<2x160000xi32, #tpu.memory_space<hbm>> -> memref<1x128xi32, #tpu.memory_space<hbm>>
          %dma_start3A_428 = tpu.memref_squeeze %dma_start3A_427 : memref<1x128xi32, #tpu.memory_space<hbm>> -> memref<128xi32, #tpu.memory_space<hbm>>
          tpu.enqueue_dma source(%dma_start3A_428 : memref<128xi32, #tpu.memory_space<hbm>>) target(%dma_start3A_426 : memref<128xi32, #tpu.memory_space<vmem>>) target_semaphore(%arg10 : memref<!tpu.dma_semaphore, #tpu.memory_space<semaphore_mem>>)
          %jit3A_429 = arith.constant 4 : i32
          %eq3A_430 = arith.constant 0 : i32
          %eq3A_431 = arith.cmpi eq, %jit3A_429, %eq3A_430 : i32
          %jit3A_432 = arith.constant 1 : i32
          %select_n3A_433 = arith.select %eq3A_431, %jit3A_432, %jit3A_429 : i32
          %rem3A_434 = arith.remsi %add3A_396, %select_n3A_433 : i32
          %ne3A_435 = arith.constant 0 : i32
          %ne3A_436 = arith.cmpi ne, %rem3A_434, %ne3A_435 : i32
          %lt3A_437 = arith.constant 0 : i32
          %lt3A_438 = arith.cmpi slt, %rem3A_434, %lt3A_437 : i32
          %lt3A_439 = arith.constant 0 : i32
          %lt3A_440 = arith.cmpi slt, %select_n3A_433, %lt3A_439 : i32
          %ne3A_441 = arith.xori %lt3A_438, %lt3A_440 : i1
          %and3A_442 = arith.andi %ne3A_441, %ne3A_436 : i1
          %add3A_443 = arith.addi %rem3A_434, %select_n3A_433 : i32
          %select_n3A_444 = arith.select %and3A_442, %add3A_443, %rem3A_434 : i32
          %dma_start3A_445 = arith.constant 0 : i32
          %dma_start3A_446 = arith.constant 0 : i32
          %dma_start3A_447 = tpu.memref_slice %arg8[%select_n3A_444, %dma_start3A_446] : memref<4x128xi32, #tpu.memory_space<vmem>> -> memref<1x128xi32, #tpu.memory_space<vmem>>
          %dma_start3A_448 = tpu.memref_squeeze %dma_start3A_447 : memref<1x128xi32, #tpu.memory_space<vmem>> -> memref<128xi32, #tpu.memory_space<vmem>>
          %dma_start3A_449 = tpu.memref_slice %arg4[%dma_start3A_445, %mul3A_401] : memref<2x160000xi32, #tpu.memory_space<hbm>> -> memref<1x128xi32, #tpu.memory_space<hbm>>
          %dma_start3A_450 = tpu.memref_squeeze %dma_start3A_449 : memref<1x128xi32, #tpu.memory_space<hbm>> -> memref<128xi32, #tpu.memory_space<hbm>>
          %dma_start3A_451 = arith.constant 0 : i32
          %dma_start3A_452 = tpu.memref_slice %arg8[%select_n3A_444, %dma_start3A_451] : memref<4x128xi32, #tpu.memory_space<vmem>> -> memref<1x128xi32, #tpu.memory_space<vmem>>
          %dma_start3A_453 = tpu.memref_squeeze %dma_start3A_452 : memref<1x128xi32, #tpu.memory_space<vmem>> -> memref<128xi32, #tpu.memory_space<vmem>>
          %dma_start3A_454 = tpu.memref_slice %arg4[%dma_start3A_445, %mul3A_401] : memref<2x160000xi32, #tpu.memory_space<hbm>> -> memref<1x128xi32, #tpu.memory_space<hbm>>
          %dma_start3A_455 = tpu.memref_squeeze %dma_start3A_454 : memref<1x128xi32, #tpu.memory_space<hbm>> -> memref<128xi32, #tpu.memory_space<hbm>>
          tpu.enqueue_dma source(%dma_start3A_455 : memref<128xi32, #tpu.memory_space<hbm>>) target(%dma_start3A_453 : memref<128xi32, #tpu.memory_space<vmem>>) target_semaphore(%arg10 : memref<!tpu.dma_semaphore, #tpu.memory_space<semaphore_mem>>)
        } else {
        }
        %add3A_347 = arith.constant 2 : i32
        %add3A_348 = arith.addi %while3A_294, %add3A_347 : i32
        %lt3A_349 = arith.cmpi slt, %add3A_348, %add3A_1 : i32
        %convert_element_type3A_350 = arith.extui %lt3A_349 : i1 to i32
        %cond3A_351 = arith.constant 0 : i32
        %cond3A_352 = arith.cmpi ne, %convert_element_type3A_350, %cond3A_351 : i32
        scf.if %cond3A_352 {
          %add3A_395 = arith.constant 2 : i32
          %add3A_396 = arith.addi %while3A_294, %add3A_395 : i32
          %mul3A_397 = arith.constant 16 : i32
          %mul3A_398 = arith.muli %mul3A_397, %add3A_396 : i32
          %add3A_399 = arith.addi %arg1, %mul3A_398 : i32
          %mul3A_400 = arith.constant 128 : i32
          %mul3A_401 = arith.muli %add3A_399, %mul3A_400 : i32
          %jit3A_402 = arith.constant 4 : i32
          %eq3A_403 = arith.constant 0 : i32
          %eq3A_404 = arith.cmpi eq, %jit3A_402, %eq3A_403 : i32
          %jit3A_405 = arith.constant 1 : i32
          %select_n3A_406 = arith.select %eq3A_404, %jit3A_405, %jit3A_402 : i32
          %rem3A_407 = arith.remsi %add3A_396, %select_n3A_406 : i32
          %ne3A_408 = arith.constant 0 : i32
          %ne3A_409 = arith.cmpi ne, %rem3A_407, %ne3A_408 : i32
          %lt3A_410 = arith.constant 0 : i32
          %lt3A_411 = arith.cmpi slt, %rem3A_407, %lt3A_410 : i32
          %lt3A_412 = arith.constant 0 : i32
          %lt3A_413 = arith.cmpi slt, %select_n3A_406, %lt3A_412 : i32
          %ne3A_414 = arith.xori %lt3A_411, %lt3A_413 : i1
          %and3A_415 = arith.andi %ne3A_414, %ne3A_409 : i1
          %add3A_416 = arith.addi %rem3A_407, %select_n3A_406 : i32
          %select_n3A_417 = arith.select %and3A_415, %add3A_416, %rem3A_407 : i32
          %dma_wait3A_418 = arith.constant 1 : i32
          %dma_wait3A_419 = arith.constant 0 : i32
          %dma_wait3A_420 = tpu.memref_slice %arg7[%select_n3A_417, %dma_wait3A_419] : memref<4x128xi32, #tpu.memory_space<vmem>> -> memref<1x128xi32, #tpu.memory_space<vmem>>
          %dma_wait3A_421 = tpu.memref_squeeze %dma_wait3A_420 : memref<1x128xi32, #tpu.memory_space<vmem>> -> memref<128xi32, #tpu.memory_space<vmem>>
          %dma_wait3A_422 = tpu.memref_slice %arg4[%dma_wait3A_418, %mul3A_401] : memref<2x160000xi32, #tpu.memory_space<hbm>> -> memref<1x128xi32, #tpu.memory_space<hbm>>
          %dma_wait3A_423 = tpu.memref_squeeze %dma_wait3A_422 : memref<1x128xi32, #tpu.memory_space<hbm>> -> memref<128xi32, #tpu.memory_space<hbm>>
          %dma_wait3A_424 = arith.constant 0 : i32
          %dma_wait3A_425 = tpu.memref_slice %arg7[%select_n3A_417, %dma_wait3A_424] : memref<4x128xi32, #tpu.memory_space<vmem>> -> memref<1x128xi32, #tpu.memory_space<vmem>>
          %dma_wait3A_426 = tpu.memref_squeeze %dma_wait3A_425 : memref<1x128xi32, #tpu.memory_space<vmem>> -> memref<128xi32, #tpu.memory_space<vmem>>
          %dma_wait3A_427 = tpu.memref_slice %arg4[%dma_wait3A_418, %mul3A_401] : memref<2x160000xi32, #tpu.memory_space<hbm>> -> memref<1x128xi32, #tpu.memory_space<hbm>>
          %dma_wait3A_428 = tpu.memref_squeeze %dma_wait3A_427 : memref<1x128xi32, #tpu.memory_space<hbm>> -> memref<128xi32, #tpu.memory_space<hbm>>
          tpu.wait_dma2 semaphore(%arg10 : memref<!tpu.dma_semaphore, #tpu.memory_space<semaphore_mem>>) src(%dma_wait3A_428 : memref<128xi32, #tpu.memory_space<hbm>>) dst(%dma_wait3A_426 : memref<128xi32, #tpu.memory_space<vmem>>)
          %jit3A_429 = arith.constant 4 : i32
          %eq3A_430 = arith.constant 0 : i32
          %eq3A_431 = arith.cmpi eq, %jit3A_429, %eq3A_430 : i32
          %jit3A_432 = arith.constant 1 : i32
          %select_n3A_433 = arith.select %eq3A_431, %jit3A_432, %jit3A_429 : i32
          %rem3A_434 = arith.remsi %add3A_396, %select_n3A_433 : i32
          %ne3A_435 = arith.constant 0 : i32
          %ne3A_436 = arith.cmpi ne, %rem3A_434, %ne3A_435 : i32
          %lt3A_437 = arith.constant 0 : i32
          %lt3A_438 = arith.cmpi slt, %rem3A_434, %lt3A_437 : i32
          %lt3A_439 = arith.constant 0 : i32
          %lt3A_440 = arith.cmpi slt, %select_n3A_433, %lt3A_439 : i32
          %ne3A_441 = arith.xori %lt3A_438, %lt3A_440 : i1
          %and3A_442 = arith.andi %ne3A_441, %ne3A_436 : i1
          %add3A_443 = arith.addi %rem3A_434, %select_n3A_433 : i32
          %select_n3A_444 = arith.select %and3A_442, %add3A_443, %rem3A_434 : i32
          %dma_wait3A_445 = arith.constant 0 : i32
          %dma_wait3A_446 = arith.constant 0 : i32
          %dma_wait3A_447 = tpu.memref_slice %arg8[%select_n3A_444, %dma_wait3A_446] : memref<4x128xi32, #tpu.memory_space<vmem>> -> memref<1x128xi32, #tpu.memory_space<vmem>>
          %dma_wait3A_448 = tpu.memref_squeeze %dma_wait3A_447 : memref<1x128xi32, #tpu.memory_space<vmem>> -> memref<128xi32, #tpu.memory_space<vmem>>
          %dma_wait3A_449 = tpu.memref_slice %arg4[%dma_wait3A_445, %mul3A_401] : memref<2x160000xi32, #tpu.memory_space<hbm>> -> memref<1x128xi32, #tpu.memory_space<hbm>>
          %dma_wait3A_450 = tpu.memref_squeeze %dma_wait3A_449 : memref<1x128xi32, #tpu.memory_space<hbm>> -> memref<128xi32, #tpu.memory_space<hbm>>
          %dma_wait3A_451 = arith.constant 0 : i32
          %dma_wait3A_452 = tpu.memref_slice %arg8[%select_n3A_444, %dma_wait3A_451] : memref<4x128xi32, #tpu.memory_space<vmem>> -> memref<1x128xi32, #tpu.memory_space<vmem>>
          %dma_wait3A_453 = tpu.memref_squeeze %dma_wait3A_452 : memref<1x128xi32, #tpu.memory_space<vmem>> -> memref<128xi32, #tpu.memory_space<vmem>>
          %dma_wait3A_454 = tpu.memref_slice %arg4[%dma_wait3A_445, %mul3A_401] : memref<2x160000xi32, #tpu.memory_space<hbm>> -> memref<1x128xi32, #tpu.memory_space<hbm>>
          %dma_wait3A_455 = tpu.memref_squeeze %dma_wait3A_454 : memref<1x128xi32, #tpu.memory_space<hbm>> -> memref<128xi32, #tpu.memory_space<hbm>>
          tpu.wait_dma2 semaphore(%arg10 : memref<!tpu.dma_semaphore, #tpu.memory_space<semaphore_mem>>) src(%dma_wait3A_455 : memref<128xi32, #tpu.memory_space<hbm>>) dst(%dma_wait3A_453 : memref<128xi32, #tpu.memory_space<vmem>>)
          %add3A_456 = arith.constant 2 : i32
          %add3A_457 = arith.addi %while3A_294, %add3A_456 : i32
          %jit3A_458 = arith.constant 4 : i32
          %eq3A_459 = arith.constant 0 : i32
          %eq3A_460 = arith.cmpi eq, %jit3A_458, %eq3A_459 : i32
          %jit3A_461 = arith.constant 1 : i32
          %select_n3A_462 = arith.select %eq3A_460, %jit3A_461, %jit3A_458 : i32
          %rem3A_463 = arith.remsi %add3A_457, %select_n3A_462 : i32
          %ne3A_464 = arith.constant 0 : i32
          %ne3A_465 = arith.cmpi ne, %rem3A_463, %ne3A_464 : i32
          %lt3A_466 = arith.constant 0 : i32
          %lt3A_467 = arith.cmpi slt, %rem3A_463, %lt3A_466 : i32
          %lt3A_468 = arith.constant 0 : i32
          %lt3A_469 = arith.cmpi slt, %select_n3A_462, %lt3A_468 : i32
          %ne3A_470 = arith.xori %lt3A_467, %lt3A_469 : i1
          %and3A_471 = arith.andi %ne3A_470, %ne3A_465 : i1
          %add3A_472 = arith.addi %rem3A_463, %select_n3A_462 : i32
          %select_n3A_473 = arith.select %and3A_471, %add3A_472, %rem3A_463 : i32
          %jit3A_474 = arith.constant 3 : i32
          %eq3A_475 = arith.constant 0 : i32
          %eq3A_476 = arith.cmpi eq, %jit3A_474, %eq3A_475 : i32
          %jit3A_477 = arith.constant 1 : i32
          %select_n3A_478 = arith.select %eq3A_476, %jit3A_477, %jit3A_474 : i32
          %rem3A_479 = arith.remsi %add3A_457, %select_n3A_478 : i32
          %ne3A_480 = arith.constant 0 : i32
          %ne3A_481 = arith.cmpi ne, %rem3A_479, %ne3A_480 : i32
          %lt3A_482 = arith.constant 0 : i32
          %lt3A_483 = arith.cmpi slt, %rem3A_479, %lt3A_482 : i32
          %lt3A_484 = arith.constant 0 : i32
          %lt3A_485 = arith.cmpi slt, %select_n3A_478, %lt3A_484 : i32
          %ne3A_486 = arith.xori %lt3A_483, %lt3A_485 : i1
          %and3A_487 = arith.andi %ne3A_486, %ne3A_481 : i1
          %add3A_488 = arith.addi %rem3A_479, %select_n3A_478 : i32
          %select_n3A_489 = arith.select %and3A_487, %add3A_488, %rem3A_479 : i32
          %dma_start3A_490 = arith.constant 0 : i32
          %dma_start3A_491 = arith.constant 0 : i32
          %dma_start3A_492 = tpu.memref_slice %arg9[%select_n3A_489, %dma_start3A_490, %dma_start3A_491] : memref<3x128x128xf32, #tpu.memory_space<vmem>> -> memref<1x128x128xf32, #tpu.memory_space<vmem>>
          %dma_start3A_493 = tpu.memref_squeeze %dma_start3A_492 : memref<1x128x128xf32, #tpu.memory_space<vmem>> -> memref<128x128xf32, #tpu.memory_space<vmem>>
          %dma_start3A_494 = arith.constant 0 : i32
          %dma_start3A_495 = tpu.memref_slice %arg7[%select_n3A_473, %dma_start3A_494] : memref<4x128xi32, #tpu.memory_space<vmem>> -> memref<1x128xi32, #tpu.memory_space<vmem>>
          %dma_start3A_496 = tpu.memref_squeeze %dma_start3A_495 : memref<1x128xi32, #tpu.memory_space<vmem>> -> memref<128xi32, #tpu.memory_space<vmem>>
          %dma_start3A_497 = arith.constant 0 : i32
          %dma_start3A_498 = arith.constant 0 : i32
          %dma_start3A_499 = tpu.memref_slice %arg2[%dma_start3A_497, %dma_start3A_498] : memref<10000x128xf32, #tpu.memory_space<hbm>> -> memref<10000x128xf32, #tpu.memory_space<hbm>>
          tpu.enqueue_indirect_dma source(%dma_start3A_499 : memref<10000x128xf32, #tpu.memory_space<hbm>>) target(%dma_start3A_493 : memref<128x128xf32, #tpu.memory_space<vmem>>) offsets(%dma_start3A_496 : memref<128xi32, #tpu.memory_space<vmem>>) semaphore(%arg11 : memref<!tpu.dma_semaphore, #tpu.memory_space<semaphore_mem>>)
        } else {
        }
        %jit3A_353 = arith.constant 3 : i32
        %eq3A_354 = arith.constant 0 : i32
        %eq3A_355 = arith.cmpi eq, %jit3A_353, %eq3A_354 : i32
        %jit3A_356 = arith.constant 1 : i32
        %select_n3A_357 = arith.select %eq3A_355, %jit3A_356, %jit3A_353 : i32
        %rem3A_358 = arith.remsi %while3A_294, %select_n3A_357 : i32
        %ne3A_359 = arith.constant 0 : i32
        %ne3A_360 = arith.cmpi ne, %rem3A_358, %ne3A_359 : i32
        %lt3A_361 = arith.constant 0 : i32
        %lt3A_362 = arith.cmpi slt, %rem3A_358, %lt3A_361 : i32
        %lt3A_363 = arith.constant 0 : i32
        %lt3A_364 = arith.cmpi slt, %select_n3A_357, %lt3A_363 : i32
        %ne3A_365 = arith.xori %lt3A_362, %lt3A_364 : i1
        %and3A_366 = arith.andi %ne3A_365, %ne3A_360 : i1
        %add3A_367 = arith.addi %rem3A_358, %select_n3A_357 : i32
        %select_n3A_368 = arith.select %and3A_366, %add3A_367, %rem3A_358 : i32
        %jit3A_369 = arith.constant 4 : i32
        %eq3A_370 = arith.constant 0 : i32
        %eq3A_371 = arith.cmpi eq, %jit3A_369, %eq3A_370 : i32
        %jit3A_372 = arith.constant 1 : i32
        %select_n3A_373 = arith.select %eq3A_371, %jit3A_372, %jit3A_369 : i32
        %rem3A_374 = arith.remsi %while3A_294, %select_n3A_373 : i32
        %ne3A_375 = arith.constant 0 : i32
        %ne3A_376 = arith.cmpi ne, %rem3A_374, %ne3A_375 : i32
        %lt3A_377 = arith.constant 0 : i32
        %lt3A_378 = arith.cmpi slt, %rem3A_374, %lt3A_377 : i32
        %lt3A_379 = arith.constant 0 : i32
        %lt3A_380 = arith.cmpi slt, %select_n3A_373, %lt3A_379 : i32
        %ne3A_381 = arith.xori %lt3A_378, %lt3A_380 : i1
        %and3A_382 = arith.andi %ne3A_381, %ne3A_376 : i1
        %add3A_383 = arith.addi %rem3A_374, %select_n3A_373 : i32
        %select_n3A_384 = arith.select %and3A_382, %add3A_383, %rem3A_374 : i32
        %dma_start3A_385 = arith.constant 0 : i32
        %dma_start3A_386 = arith.constant 0 : i32
        %dma_start3A_387 = tpu.memref_slice %arg9[%select_n3A_368, %dma_start3A_385, %dma_start3A_386] : memref<3x128x128xf32, #tpu.memory_space<vmem>> -> memref<1x128x128xf32, #tpu.memory_space<vmem>>
        %dma_start3A_388 = tpu.memref_squeeze %dma_start3A_387 : memref<1x128x128xf32, #tpu.memory_space<vmem>> -> memref<128x128xf32, #tpu.memory_space<vmem>>
        %dma_start3A_389 = arith.constant 0 : i32
        %dma_start3A_390 = tpu.memref_slice %arg8[%select_n3A_384, %dma_start3A_389] : memref<4x128xi32, #tpu.memory_space<vmem>> -> memref<1x128xi32, #tpu.memory_space<vmem>>
        %dma_start3A_391 = tpu.memref_squeeze %dma_start3A_390 : memref<1x128xi32, #tpu.memory_space<vmem>> -> memref<128xi32, #tpu.memory_space<vmem>>
        %dma_start3A_392 = arith.constant 0 : i32
        %dma_start3A_393 = arith.constant 0 : i32
        %dma_start3A_394 = tpu.memref_slice %arg13[%dma_start3A_392, %dma_start3A_393] : memref<10000x128xf32, #tpu.memory_space<vmem_shared>> -> memref<10000x128xf32, #tpu.memory_space<vmem_shared>>
        tpu.enqueue_indirect_dma source(%dma_start3A_388 : memref<128x128xf32, #tpu.memory_space<vmem>>) target(%dma_start3A_394 : memref<10000x128xf32, #tpu.memory_space<vmem_shared>>) offsets(%dma_start3A_391 : memref<128xi32, #tpu.memory_space<vmem>>) semaphore(%arg12 : memref<!tpu.dma_semaphore, #tpu.memory_space<semaphore_mem>>) {add = true}
      }
      %while3A_255 = arith.constant 1 : i32
      scf.for %while3A_294 = %while3A_253 to %while3A_249 step %while3A_255  : i32 {
        %jit3A_295 = arith.constant 4 : i32
        %eq3A_296 = arith.constant 0 : i32
        %eq3A_297 = arith.cmpi eq, %jit3A_295, %eq3A_296 : i32
        %jit3A_298 = arith.constant 1 : i32
        %select_n3A_299 = arith.select %eq3A_297, %jit3A_298, %jit3A_295 : i32
        %rem3A_300 = arith.remsi %while3A_294, %select_n3A_299 : i32
        %ne3A_301 = arith.constant 0 : i32
        %ne3A_302 = arith.cmpi ne, %rem3A_300, %ne3A_301 : i32
        %lt3A_303 = arith.constant 0 : i32
        %lt3A_304 = arith.cmpi slt, %rem3A_300, %lt3A_303 : i32
        %lt3A_305 = arith.constant 0 : i32
        %lt3A_306 = arith.cmpi slt, %select_n3A_299, %lt3A_305 : i32
        %ne3A_307 = arith.xori %lt3A_304, %lt3A_306 : i1
        %and3A_308 = arith.andi %ne3A_307, %ne3A_302 : i1
        %add3A_309 = arith.addi %rem3A_300, %select_n3A_299 : i32
        %select_n3A_310 = arith.select %and3A_308, %add3A_309, %rem3A_300 : i32
        %jit3A_311 = arith.constant 3 : i32
        %eq3A_312 = arith.constant 0 : i32
        %eq3A_313 = arith.cmpi eq, %jit3A_311, %eq3A_312 : i32
        %jit3A_314 = arith.constant 1 : i32
        %select_n3A_315 = arith.select %eq3A_313, %jit3A_314, %jit3A_311 : i32
        %rem3A_316 = arith.remsi %while3A_294, %select_n3A_315 : i32
        %ne3A_317 = arith.constant 0 : i32
        %ne3A_318 = arith.cmpi ne, %rem3A_316, %ne3A_317 : i32
        %lt3A_319 = arith.constant 0 : i32
        %lt3A_320 = arith.cmpi slt, %rem3A_316, %lt3A_319 : i32
        %lt3A_321 = arith.constant 0 : i32
        %lt3A_322 = arith.cmpi slt, %select_n3A_315, %lt3A_321 : i32
        %ne3A_323 = arith.xori %lt3A_320, %lt3A_322 : i1
        %and3A_324 = arith.andi %ne3A_323, %ne3A_318 : i1
        %add3A_325 = arith.addi %rem3A_316, %select_n3A_315 : i32
        %select_n3A_326 = arith.select %and3A_324, %add3A_325, %rem3A_316 : i32
        %dma_wait3A_327 = arith.constant 0 : i32
        %dma_wait3A_328 = arith.constant 0 : i32
        %dma_wait3A_329 = tpu.memref_slice %arg9[%select_n3A_326, %dma_wait3A_327, %dma_wait3A_328] : memref<3x128x128xf32, #tpu.memory_space<vmem>> -> memref<1x128x128xf32, #tpu.memory_space<vmem>>
        %dma_wait3A_330 = tpu.memref_squeeze %dma_wait3A_329 : memref<1x128x128xf32, #tpu.memory_space<vmem>> -> memref<128x128xf32, #tpu.memory_space<vmem>>
        %dma_wait3A_331 = arith.constant 0 : i32
        %dma_wait3A_332 = tpu.memref_slice %arg7[%select_n3A_310, %dma_wait3A_331] : memref<4x128xi32, #tpu.memory_space<vmem>> -> memref<1x128xi32, #tpu.memory_space<vmem>>
        %dma_wait3A_333 = tpu.memref_squeeze %dma_wait3A_332 : memref<1x128xi32, #tpu.memory_space<vmem>> -> memref<128xi32, #tpu.memory_space<vmem>>
        %dma_wait3A_334 = arith.constant 0 : i32
        %dma_wait3A_335 = arith.constant 0 : i32
        %dma_wait3A_336 = tpu.memref_slice %arg2[%dma_wait3A_334, %dma_wait3A_335] : memref<10000x128xf32, #tpu.memory_space<hbm>> -> memref<10000x128xf32, #tpu.memory_space<hbm>>
        tpu.wait_indirect_dma semaphore(%arg11 : memref<!tpu.dma_semaphore, #tpu.memory_space<semaphore_mem>>) src(%dma_wait3A_336 : memref<10000x128xf32, #tpu.memory_space<hbm>>) dst(%dma_wait3A_330 : memref<128x128xf32, #tpu.memory_space<vmem>>)
        %ge3A = arith.constant 1 : i32
        %ge3A_337 = arith.cmpi sge, %while3A_294, %ge3A : i32
        %convert_element_type3A_338 = arith.extui %ge3A_337 : i1 to i32
        %cond3A_339 = arith.constant 0 : i32
        %cond3A_340 = arith.cmpi ne, %convert_element_type3A_338, %cond3A_339 : i32
        scf.if %cond3A_340 {
          %sub3A_395 = arith.constant 1 : i32
          %sub3A_396 = arith.subi %while3A_294, %sub3A_395 : i32
          %jit3A_397 = arith.constant 3 : i32
          %eq3A_398 = arith.constant 0 : i32
          %eq3A_399 = arith.cmpi eq, %jit3A_397, %eq3A_398 : i32
          %jit3A_400 = arith.constant 1 : i32
          %select_n3A_401 = arith.select %eq3A_399, %jit3A_400, %jit3A_397 : i32
          %rem3A_402 = arith.remsi %sub3A_396, %select_n3A_401 : i32
          %ne3A_403 = arith.constant 0 : i32
          %ne3A_404 = arith.cmpi ne, %rem3A_402, %ne3A_403 : i32
          %lt3A_405 = arith.constant 0 : i32
          %lt3A_406 = arith.cmpi slt, %rem3A_402, %lt3A_405 : i32
          %lt3A_407 = arith.constant 0 : i32
          %lt3A_408 = arith.cmpi slt, %select_n3A_401, %lt3A_407 : i32
          %ne3A_409 = arith.xori %lt3A_406, %lt3A_408 : i1
          %and3A_410 = arith.andi %ne3A_409, %ne3A_404 : i1
          %add3A_411 = arith.addi %rem3A_402, %select_n3A_401 : i32
          %select_n3A_412 = arith.select %and3A_410, %add3A_411, %rem3A_402 : i32
          %jit3A_413 = arith.constant 4 : i32
          %eq3A_414 = arith.constant 0 : i32
          %eq3A_415 = arith.cmpi eq, %jit3A_413, %eq3A_414 : i32
          %jit3A_416 = arith.constant 1 : i32
          %select_n3A_417 = arith.select %eq3A_415, %jit3A_416, %jit3A_413 : i32
          %rem3A_418 = arith.remsi %sub3A_396, %select_n3A_417 : i32
          %ne3A_419 = arith.constant 0 : i32
          %ne3A_420 = arith.cmpi ne, %rem3A_418, %ne3A_419 : i32
          %lt3A_421 = arith.constant 0 : i32
          %lt3A_422 = arith.cmpi slt, %rem3A_418, %lt3A_421 : i32
          %lt3A_423 = arith.constant 0 : i32
          %lt3A_424 = arith.cmpi slt, %select_n3A_417, %lt3A_423 : i32
          %ne3A_425 = arith.xori %lt3A_422, %lt3A_424 : i1
          %and3A_426 = arith.andi %ne3A_425, %ne3A_420 : i1
          %add3A_427 = arith.addi %rem3A_418, %select_n3A_417 : i32
          %select_n3A_428 = arith.select %and3A_426, %add3A_427, %rem3A_418 : i32
          %dma_wait3A_429 = arith.constant 0 : i32
          %dma_wait3A_430 = arith.constant 0 : i32
          %dma_wait3A_431 = tpu.memref_slice %arg9[%select_n3A_412, %dma_wait3A_429, %dma_wait3A_430] : memref<3x128x128xf32, #tpu.memory_space<vmem>> -> memref<1x128x128xf32, #tpu.memory_space<vmem>>
          %dma_wait3A_432 = tpu.memref_squeeze %dma_wait3A_431 : memref<1x128x128xf32, #tpu.memory_space<vmem>> -> memref<128x128xf32, #tpu.memory_space<vmem>>
          %dma_wait3A_433 = arith.constant 0 : i32
          %dma_wait3A_434 = tpu.memref_slice %arg8[%select_n3A_428, %dma_wait3A_433] : memref<4x128xi32, #tpu.memory_space<vmem>> -> memref<1x128xi32, #tpu.memory_space<vmem>>
          %dma_wait3A_435 = tpu.memref_squeeze %dma_wait3A_434 : memref<1x128xi32, #tpu.memory_space<vmem>> -> memref<128xi32, #tpu.memory_space<vmem>>
          %dma_wait3A_436 = arith.constant 0 : i32
          %dma_wait3A_437 = arith.constant 0 : i32
          %dma_wait3A_438 = tpu.memref_slice %arg13[%dma_wait3A_436, %dma_wait3A_437] : memref<10000x128xf32, #tpu.memory_space<vmem_shared>> -> memref<10000x128xf32, #tpu.memory_space<vmem_shared>>
          tpu.wait_indirect_dma semaphore(%arg12 : memref<!tpu.dma_semaphore, #tpu.memory_space<semaphore_mem>>) src(%dma_wait3A_432 : memref<128x128xf32, #tpu.memory_space<vmem>>) dst(%dma_wait3A_438 : memref<10000x128xf32, #tpu.memory_space<vmem_shared>>)
        } else {
        }
        %add3A_341 = arith.constant 3 : i32
        %add3A_342 = arith.addi %while3A_294, %add3A_341 : i32
        %lt3A_343 = arith.cmpi slt, %add3A_342, %add3A_1 : i32
        %convert_element_type3A_344 = arith.extui %lt3A_343 : i1 to i32
        %cond3A_345 = arith.constant 0 : i32
        %cond3A_346 = arith.cmpi ne, %convert_element_type3A_344, %cond3A_345 : i32
        scf.if %cond3A_346 {
          %add3A_395 = arith.constant 3 : i32
          %add3A_396 = arith.addi %while3A_294, %add3A_395 : i32
          %mul3A_397 = arith.constant 16 : i32
          %mul3A_398 = arith.muli %mul3A_397, %add3A_396 : i32
          %add3A_399 = arith.addi %arg1, %mul3A_398 : i32
          %mul3A_400 = arith.constant 128 : i32
          %mul3A_401 = arith.muli %add3A_399, %mul3A_400 : i32
          %jit3A_402 = arith.constant 4 : i32
          %eq3A_403 = arith.constant 0 : i32
          %eq3A_404 = arith.cmpi eq, %jit3A_402, %eq3A_403 : i32
          %jit3A_405 = arith.constant 1 : i32
          %select_n3A_406 = arith.select %eq3A_404, %jit3A_405, %jit3A_402 : i32
          %rem3A_407 = arith.remsi %add3A_396, %select_n3A_406 : i32
          %ne3A_408 = arith.constant 0 : i32
          %ne3A_409 = arith.cmpi ne, %rem3A_407, %ne3A_408 : i32
          %lt3A_410 = arith.constant 0 : i32
          %lt3A_411 = arith.cmpi slt, %rem3A_407, %lt3A_410 : i32
          %lt3A_412 = arith.constant 0 : i32
          %lt3A_413 = arith.cmpi slt, %select_n3A_406, %lt3A_412 : i32
          %ne3A_414 = arith.xori %lt3A_411, %lt3A_413 : i1
          %and3A_415 = arith.andi %ne3A_414, %ne3A_409 : i1
          %add3A_416 = arith.addi %rem3A_407, %select_n3A_406 : i32
          %select_n3A_417 = arith.select %and3A_415, %add3A_416, %rem3A_407 : i32
          %dma_start3A_418 = arith.constant 1 : i32
          %dma_start3A_419 = arith.constant 0 : i32
          %dma_start3A_420 = tpu.memref_slice %arg7[%select_n3A_417, %dma_start3A_419] : memref<4x128xi32, #tpu.memory_space<vmem>> -> memref<1x128xi32, #tpu.memory_space<vmem>>
          %dma_start3A_421 = tpu.memref_squeeze %dma_start3A_420 : memref<1x128xi32, #tpu.memory_space<vmem>> -> memref<128xi32, #tpu.memory_space<vmem>>
          %dma_start3A_422 = tpu.memref_slice %arg4[%dma_start3A_418, %mul3A_401] : memref<2x160000xi32, #tpu.memory_space<hbm>> -> memref<1x128xi32, #tpu.memory_space<hbm>>
          %dma_start3A_423 = tpu.memref_squeeze %dma_start3A_422 : memref<1x128xi32, #tpu.memory_space<hbm>> -> memref<128xi32, #tpu.memory_space<hbm>>
          %dma_start3A_424 = arith.constant 0 : i32
          %dma_start3A_425 = tpu.memref_slice %arg7[%select_n3A_417, %dma_start3A_424] : memref<4x128xi32, #tpu.memory_space<vmem>> -> memref<1x128xi32, #tpu.memory_space<vmem>>
          %dma_start3A_426 = tpu.memref_squeeze %dma_start3A_425 : memref<1x128xi32, #tpu.memory_space<vmem>> -> memref<128xi32, #tpu.memory_space<vmem>>
          %dma_start3A_427 = tpu.memref_slice %arg4[%dma_start3A_418, %mul3A_401] : memref<2x160000xi32, #tpu.memory_space<hbm>> -> memref<1x128xi32, #tpu.memory_space<hbm>>
          %dma_start3A_428 = tpu.memref_squeeze %dma_start3A_427 : memref<1x128xi32, #tpu.memory_space<hbm>> -> memref<128xi32, #tpu.memory_space<hbm>>
          tpu.enqueue_dma source(%dma_start3A_428 : memref<128xi32, #tpu.memory_space<hbm>>) target(%dma_start3A_426 : memref<128xi32, #tpu.memory_space<vmem>>) target_semaphore(%arg10 : memref<!tpu.dma_semaphore, #tpu.memory_space<semaphore_mem>>)
          %jit3A_429 = arith.constant 4 : i32
          %eq3A_430 = arith.constant 0 : i32
          %eq3A_431 = arith.cmpi eq, %jit3A_429, %eq3A_430 : i32
          %jit3A_432 = arith.constant 1 : i32
          %select_n3A_433 = arith.select %eq3A_431, %jit3A_432, %jit3A_429 : i32
          %rem3A_434 = arith.remsi %add3A_396, %select_n3A_433 : i32
          %ne3A_435 = arith.constant 0 : i32
          %ne3A_436 = arith.cmpi ne, %rem3A_434, %ne3A_435 : i32
          %lt3A_437 = arith.constant 0 : i32
          %lt3A_438 = arith.cmpi slt, %rem3A_434, %lt3A_437 : i32
          %lt3A_439 = arith.constant 0 : i32
          %lt3A_440 = arith.cmpi slt, %select_n3A_433, %lt3A_439 : i32
          %ne3A_441 = arith.xori %lt3A_438, %lt3A_440 : i1
          %and3A_442 = arith.andi %ne3A_441, %ne3A_436 : i1
          %add3A_443 = arith.addi %rem3A_434, %select_n3A_433 : i32
          %select_n3A_444 = arith.select %and3A_442, %add3A_443, %rem3A_434 : i32
          %dma_start3A_445 = arith.constant 0 : i32
          %dma_start3A_446 = arith.constant 0 : i32
          %dma_start3A_447 = tpu.memref_slice %arg8[%select_n3A_444, %dma_start3A_446] : memref<4x128xi32, #tpu.memory_space<vmem>> -> memref<1x128xi32, #tpu.memory_space<vmem>>
          %dma_start3A_448 = tpu.memref_squeeze %dma_start3A_447 : memref<1x128xi32, #tpu.memory_space<vmem>> -> memref<128xi32, #tpu.memory_space<vmem>>
          %dma_start3A_449 = tpu.memref_slice %arg4[%dma_start3A_445, %mul3A_401] : memref<2x160000xi32, #tpu.memory_space<hbm>> -> memref<1x128xi32, #tpu.memory_space<hbm>>
          %dma_start3A_450 = tpu.memref_squeeze %dma_start3A_449 : memref<1x128xi32, #tpu.memory_space<hbm>> -> memref<128xi32, #tpu.memory_space<hbm>>
          %dma_start3A_451 = arith.constant 0 : i32
          %dma_start3A_452 = tpu.memref_slice %arg8[%select_n3A_444, %dma_start3A_451] : memref<4x128xi32, #tpu.memory_space<vmem>> -> memref<1x128xi32, #tpu.memory_space<vmem>>
          %dma_start3A_453 = tpu.memref_squeeze %dma_start3A_452 : memref<1x128xi32, #tpu.memory_space<vmem>> -> memref<128xi32, #tpu.memory_space<vmem>>
          %dma_start3A_454 = tpu.memref_slice %arg4[%dma_start3A_445, %mul3A_401] : memref<2x160000xi32, #tpu.memory_space<hbm>> -> memref<1x128xi32, #tpu.memory_space<hbm>>
          %dma_start3A_455 = tpu.memref_squeeze %dma_start3A_454 : memref<1x128xi32, #tpu.memory_space<hbm>> -> memref<128xi32, #tpu.memory_space<hbm>>
          tpu.enqueue_dma source(%dma_start3A_455 : memref<128xi32, #tpu.memory_space<hbm>>) target(%dma_start3A_453 : memref<128xi32, #tpu.memory_space<vmem>>) target_semaphore(%arg10 : memref<!tpu.dma_semaphore, #tpu.memory_space<semaphore_mem>>)
        } else {
        }
        %add3A_347 = arith.constant 2 : i32
        %add3A_348 = arith.addi %while3A_294, %add3A_347 : i32
        %lt3A_349 = arith.cmpi slt, %add3A_348, %add3A_1 : i32
        %convert_element_type3A_350 = arith.extui %lt3A_349 : i1 to i32
        %cond3A_351 = arith.constant 0 : i32
        %cond3A_352 = arith.cmpi ne, %convert_element_type3A_350, %cond3A_351 : i32
        scf.if %cond3A_352 {
          %add3A_395 = arith.constant 2 : i32
          %add3A_396 = arith.addi %while3A_294, %add3A_395 : i32
          %mul3A_397 = arith.constant 16 : i32
          %mul3A_398 = arith.muli %mul3A_397, %add3A_396 : i32
          %add3A_399 = arith.addi %arg1, %mul3A_398 : i32
          %mul3A_400 = arith.constant 128 : i32
          %mul3A_401 = arith.muli %add3A_399, %mul3A_400 : i32
          %jit3A_402 = arith.constant 4 : i32
          %eq3A_403 = arith.constant 0 : i32
          %eq3A_404 = arith.cmpi eq, %jit3A_402, %eq3A_403 : i32
          %jit3A_405 = arith.constant 1 : i32
          %select_n3A_406 = arith.select %eq3A_404, %jit3A_405, %jit3A_402 : i32
          %rem3A_407 = arith.remsi %add3A_396, %select_n3A_406 : i32
          %ne3A_408 = arith.constant 0 : i32
          %ne3A_409 = arith.cmpi ne, %rem3A_407, %ne3A_408 : i32
          %lt3A_410 = arith.constant 0 : i32
          %lt3A_411 = arith.cmpi slt, %rem3A_407, %lt3A_410 : i32
          %lt3A_412 = arith.constant 0 : i32
          %lt3A_413 = arith.cmpi slt, %select_n3A_406, %lt3A_412 : i32
          %ne3A_414 = arith.xori %lt3A_411, %lt3A_413 : i1
          %and3A_415 = arith.andi %ne3A_414, %ne3A_409 : i1
          %add3A_416 = arith.addi %rem3A_407, %select_n3A_406 : i32
          %select_n3A_417 = arith.select %and3A_415, %add3A_416, %rem3A_407 : i32
          %dma_wait3A_418 = arith.constant 1 : i32
          %dma_wait3A_419 = arith.constant 0 : i32
          %dma_wait3A_420 = tpu.memref_slice %arg7[%select_n3A_417, %dma_wait3A_419] : memref<4x128xi32, #tpu.memory_space<vmem>> -> memref<1x128xi32, #tpu.memory_space<vmem>>
          %dma_wait3A_421 = tpu.memref_squeeze %dma_wait3A_420 : memref<1x128xi32, #tpu.memory_space<vmem>> -> memref<128xi32, #tpu.memory_space<vmem>>
          %dma_wait3A_422 = tpu.memref_slice %arg4[%dma_wait3A_418, %mul3A_401] : memref<2x160000xi32, #tpu.memory_space<hbm>> -> memref<1x128xi32, #tpu.memory_space<hbm>>
          %dma_wait3A_423 = tpu.memref_squeeze %dma_wait3A_422 : memref<1x128xi32, #tpu.memory_space<hbm>> -> memref<128xi32, #tpu.memory_space<hbm>>
          %dma_wait3A_424 = arith.constant 0 : i32
          %dma_wait3A_425 = tpu.memref_slice %arg7[%select_n3A_417, %dma_wait3A_424] : memref<4x128xi32, #tpu.memory_space<vmem>> -> memref<1x128xi32, #tpu.memory_space<vmem>>
          %dma_wait3A_426 = tpu.memref_squeeze %dma_wait3A_425 : memref<1x128xi32, #tpu.memory_space<vmem>> -> memref<128xi32, #tpu.memory_space<vmem>>
          %dma_wait3A_427 = tpu.memref_slice %arg4[%dma_wait3A_418, %mul3A_401] : memref<2x160000xi32, #tpu.memory_space<hbm>> -> memref<1x128xi32, #tpu.memory_space<hbm>>
          %dma_wait3A_428 = tpu.memref_squeeze %dma_wait3A_427 : memref<1x128xi32, #tpu.memory_space<hbm>> -> memref<128xi32, #tpu.memory_space<hbm>>
          tpu.wait_dma2 semaphore(%arg10 : memref<!tpu.dma_semaphore, #tpu.memory_space<semaphore_mem>>) src(%dma_wait3A_428 : memref<128xi32, #tpu.memory_space<hbm>>) dst(%dma_wait3A_426 : memref<128xi32, #tpu.memory_space<vmem>>)
          %jit3A_429 = arith.constant 4 : i32
          %eq3A_430 = arith.constant 0 : i32
          %eq3A_431 = arith.cmpi eq, %jit3A_429, %eq3A_430 : i32
          %jit3A_432 = arith.constant 1 : i32
          %select_n3A_433 = arith.select %eq3A_431, %jit3A_432, %jit3A_429 : i32
          %rem3A_434 = arith.remsi %add3A_396, %select_n3A_433 : i32
          %ne3A_435 = arith.constant 0 : i32
          %ne3A_436 = arith.cmpi ne, %rem3A_434, %ne3A_435 : i32
          %lt3A_437 = arith.constant 0 : i32
          %lt3A_438 = arith.cmpi slt, %rem3A_434, %lt3A_437 : i32
          %lt3A_439 = arith.constant 0 : i32
          %lt3A_440 = arith.cmpi slt, %select_n3A_433, %lt3A_439 : i32
          %ne3A_441 = arith.xori %lt3A_438, %lt3A_440 : i1
          %and3A_442 = arith.andi %ne3A_441, %ne3A_436 : i1
          %add3A_443 = arith.addi %rem3A_434, %select_n3A_433 : i32
          %select_n3A_444 = arith.select %and3A_442, %add3A_443, %rem3A_434 : i32
          %dma_wait3A_445 = arith.constant 0 : i32
          %dma_wait3A_446 = arith.constant 0 : i32
          %dma_wait3A_447 = tpu.memref_slice %arg8[%select_n3A_444, %dma_wait3A_446] : memref<4x128xi32, #tpu.memory_space<vmem>> -> memref<1x128xi32, #tpu.memory_space<vmem>>
          %dma_wait3A_448 = tpu.memref_squeeze %dma_wait3A_447 : memref<1x128xi32, #tpu.memory_space<vmem>> -> memref<128xi32, #tpu.memory_space<vmem>>
          %dma_wait3A_449 = tpu.memref_slice %arg4[%dma_wait3A_445, %mul3A_401] : memref<2x160000xi32, #tpu.memory_space<hbm>> -> memref<1x128xi32, #tpu.memory_space<hbm>>
          %dma_wait3A_450 = tpu.memref_squeeze %dma_wait3A_449 : memref<1x128xi32, #tpu.memory_space<hbm>> -> memref<128xi32, #tpu.memory_space<hbm>>
          %dma_wait3A_451 = arith.constant 0 : i32
          %dma_wait3A_452 = tpu.memref_slice %arg8[%select_n3A_444, %dma_wait3A_451] : memref<4x128xi32, #tpu.memory_space<vmem>> -> memref<1x128xi32, #tpu.memory_space<vmem>>
          %dma_wait3A_453 = tpu.memref_squeeze %dma_wait3A_452 : memref<1x128xi32, #tpu.memory_space<vmem>> -> memref<128xi32, #tpu.memory_space<vmem>>
          %dma_wait3A_454 = tpu.memref_slice %arg4[%dma_wait3A_445, %mul3A_401] : memref<2x160000xi32, #tpu.memory_space<hbm>> -> memref<1x128xi32, #tpu.memory_space<hbm>>
          %dma_wait3A_455 = tpu.memref_squeeze %dma_wait3A_454 : memref<1x128xi32, #tpu.memory_space<hbm>> -> memref<128xi32, #tpu.memory_space<hbm>>
          tpu.wait_dma2 semaphore(%arg10 : memref<!tpu.dma_semaphore, #tpu.memory_space<semaphore_mem>>) src(%dma_wait3A_455 : memref<128xi32, #tpu.memory_space<hbm>>) dst(%dma_wait3A_453 : memref<128xi32, #tpu.memory_space<vmem>>)
          %add3A_456 = arith.constant 2 : i32
          %add3A_457 = arith.addi %while3A_294, %add3A_456 : i32
          %jit3A_458 = arith.constant 4 : i32
          %eq3A_459 = arith.constant 0 : i32
          %eq3A_460 = arith.cmpi eq, %jit3A_458, %eq3A_459 : i32
          %jit3A_461 = arith.constant 1 : i32
          %select_n3A_462 = arith.select %eq3A_460, %jit3A_461, %jit3A_458 : i32
          %rem3A_463 = arith.remsi %add3A_457, %select_n3A_462 : i32
          %ne3A_464 = arith.constant 0 : i32
          %ne3A_465 = arith.cmpi ne, %rem3A_463, %ne3A_464 : i32
          %lt3A_466 = arith.constant 0 : i32
          %lt3A_467 = arith.cmpi slt, %rem3A_463, %lt3A_466 : i32
          %lt3A_468 = arith.constant 0 : i32
          %lt3A_469 = arith.cmpi slt, %select_n3A_462, %lt3A_468 : i32
          %ne3A_470 = arith.xori %lt3A_467, %lt3A_469 : i1
          %and3A_471 = arith.andi %ne3A_470, %ne3A_465 : i1
          %add3A_472 = arith.addi %rem3A_463, %select_n3A_462 : i32
          %select_n3A_473 = arith.select %and3A_471, %add3A_472, %rem3A_463 : i32
          %jit3A_474 = arith.constant 3 : i32
          %eq3A_475 = arith.constant 0 : i32
          %eq3A_476 = arith.cmpi eq, %jit3A_474, %eq3A_475 : i32
          %jit3A_477 = arith.constant 1 : i32
          %select_n3A_478 = arith.select %eq3A_476, %jit3A_477, %jit3A_474 : i32
          %rem3A_479 = arith.remsi %add3A_457, %select_n3A_478 : i32
          %ne3A_480 = arith.constant 0 : i32
          %ne3A_481 = arith.cmpi ne, %rem3A_479, %ne3A_480 : i32
          %lt3A_482 = arith.constant 0 : i32
          %lt3A_483 = arith.cmpi slt, %rem3A_479, %lt3A_482 : i32
          %lt3A_484 = arith.constant 0 : i32
          %lt3A_485 = arith.cmpi slt, %select_n3A_478, %lt3A_484 : i32
          %ne3A_486 = arith.xori %lt3A_483, %lt3A_485 : i1
          %and3A_487 = arith.andi %ne3A_486, %ne3A_481 : i1
          %add3A_488 = arith.addi %rem3A_479, %select_n3A_478 : i32
          %select_n3A_489 = arith.select %and3A_487, %add3A_488, %rem3A_479 : i32
          %dma_start3A_490 = arith.constant 0 : i32
          %dma_start3A_491 = arith.constant 0 : i32
          %dma_start3A_492 = tpu.memref_slice %arg9[%select_n3A_489, %dma_start3A_490, %dma_start3A_491] : memref<3x128x128xf32, #tpu.memory_space<vmem>> -> memref<1x128x128xf32, #tpu.memory_space<vmem>>
          %dma_start3A_493 = tpu.memref_squeeze %dma_start3A_492 : memref<1x128x128xf32, #tpu.memory_space<vmem>> -> memref<128x128xf32, #tpu.memory_space<vmem>>
          %dma_start3A_494 = arith.constant 0 : i32
          %dma_start3A_495 = tpu.memref_slice %arg7[%select_n3A_473, %dma_start3A_494] : memref<4x128xi32, #tpu.memory_space<vmem>> -> memref<1x128xi32, #tpu.memory_space<vmem>>
          %dma_start3A_496 = tpu.memref_squeeze %dma_start3A_495 : memref<1x128xi32, #tpu.memory_space<vmem>> -> memref<128xi32, #tpu.memory_space<vmem>>
          %dma_start3A_497 = arith.constant 0 : i32
          %dma_start3A_498 = arith.constant 0 : i32
          %dma_start3A_499 = tpu.memref_slice %arg2[%dma_start3A_497, %dma_start3A_498] : memref<10000x128xf32, #tpu.memory_space<hbm>> -> memref<10000x128xf32, #tpu.memory_space<hbm>>
          tpu.enqueue_indirect_dma source(%dma_start3A_499 : memref<10000x128xf32, #tpu.memory_space<hbm>>) target(%dma_start3A_493 : memref<128x128xf32, #tpu.memory_space<vmem>>) offsets(%dma_start3A_496 : memref<128xi32, #tpu.memory_space<vmem>>) semaphore(%arg11 : memref<!tpu.dma_semaphore, #tpu.memory_space<semaphore_mem>>)
        } else {
        }
        %jit3A_353 = arith.constant 3 : i32
        %eq3A_354 = arith.constant 0 : i32
        %eq3A_355 = arith.cmpi eq, %jit3A_353, %eq3A_354 : i32
        %jit3A_356 = arith.constant 1 : i32
        %select_n3A_357 = arith.select %eq3A_355, %jit3A_356, %jit3A_353 : i32
        %rem3A_358 = arith.remsi %while3A_294, %select_n3A_357 : i32
        %ne3A_359 = arith.constant 0 : i32
        %ne3A_360 = arith.cmpi ne, %rem3A_358, %ne3A_359 : i32
        %lt3A_361 = arith.constant 0 : i32
        %lt3A_362 = arith.cmpi slt, %rem3A_358, %lt3A_361 : i32
        %lt3A_363 = arith.constant 0 : i32
        %lt3A_364 = arith.cmpi slt, %select_n3A_357, %lt3A_363 : i32
        %ne3A_365 = arith.xori %lt3A_362, %lt3A_364 : i1
        %and3A_366 = arith.andi %ne3A_365, %ne3A_360 : i1
        %add3A_367 = arith.addi %rem3A_358, %select_n3A_357 : i32
        %select_n3A_368 = arith.select %and3A_366, %add3A_367, %rem3A_358 : i32
        %jit3A_369 = arith.constant 4 : i32
        %eq3A_370 = arith.constant 0 : i32
        %eq3A_371 = arith.cmpi eq, %jit3A_369, %eq3A_370 : i32
        %jit3A_372 = arith.constant 1 : i32
        %select_n3A_373 = arith.select %eq3A_371, %jit3A_372, %jit3A_369 : i32
        %rem3A_374 = arith.remsi %while3A_294, %select_n3A_373 : i32
        %ne3A_375 = arith.constant 0 : i32
        %ne3A_376 = arith.cmpi ne, %rem3A_374, %ne3A_375 : i32
        %lt3A_377 = arith.constant 0 : i32
        %lt3A_378 = arith.cmpi slt, %rem3A_374, %lt3A_377 : i32
        %lt3A_379 = arith.constant 0 : i32
        %lt3A_380 = arith.cmpi slt, %select_n3A_373, %lt3A_379 : i32
        %ne3A_381 = arith.xori %lt3A_378, %lt3A_380 : i1
        %and3A_382 = arith.andi %ne3A_381, %ne3A_376 : i1
        %add3A_383 = arith.addi %rem3A_374, %select_n3A_373 : i32
        %select_n3A_384 = arith.select %and3A_382, %add3A_383, %rem3A_374 : i32
        %dma_start3A_385 = arith.constant 0 : i32
        %dma_start3A_386 = arith.constant 0 : i32
        %dma_start3A_387 = tpu.memref_slice %arg9[%select_n3A_368, %dma_start3A_385, %dma_start3A_386] : memref<3x128x128xf32, #tpu.memory_space<vmem>> -> memref<1x128x128xf32, #tpu.memory_space<vmem>>
        %dma_start3A_388 = tpu.memref_squeeze %dma_start3A_387 : memref<1x128x128xf32, #tpu.memory_space<vmem>> -> memref<128x128xf32, #tpu.memory_space<vmem>>
        %dma_start3A_389 = arith.constant 0 : i32
        %dma_start3A_390 = tpu.memref_slice %arg8[%select_n3A_384, %dma_start3A_389] : memref<4x128xi32, #tpu.memory_space<vmem>> -> memref<1x128xi32, #tpu.memory_space<vmem>>
        %dma_start3A_391 = tpu.memref_squeeze %dma_start3A_390 : memref<1x128xi32, #tpu.memory_space<vmem>> -> memref<128xi32, #tpu.memory_space<vmem>>
        %dma_start3A_392 = arith.constant 0 : i32
        %dma_start3A_393 = arith.constant 0 : i32
        %dma_start3A_394 = tpu.memref_slice %arg13[%dma_start3A_392, %dma_start3A_393] : memref<10000x128xf32, #tpu.memory_space<vmem_shared>> -> memref<10000x128xf32, #tpu.memory_space<vmem_shared>>
        tpu.enqueue_indirect_dma source(%dma_start3A_388 : memref<128x128xf32, #tpu.memory_space<vmem>>) target(%dma_start3A_394 : memref<10000x128xf32, #tpu.memory_space<vmem_shared>>) offsets(%dma_start3A_391 : memref<128xi32, #tpu.memory_space<vmem>>) semaphore(%arg12 : memref<!tpu.dma_semaphore, #tpu.memory_space<semaphore_mem>>) {add = true}
      }
      %sub3A = arith.constant 1 : i32
      %sub3A_256 = arith.subi %add3A_1, %sub3A : i32
      %jit3A = arith.constant 3 : i32
      %eq3A_257 = arith.constant 0 : i32
      %eq3A_258 = arith.cmpi eq, %jit3A, %eq3A_257 : i32
      %jit3A_259 = arith.constant 1 : i32
      %select_n3A = arith.select %eq3A_258, %jit3A_259, %jit3A : i32
      %rem3A = arith.remsi %sub3A_256, %select_n3A : i32
      %ne3A = arith.constant 0 : i32
      %ne3A_260 = arith.cmpi ne, %rem3A, %ne3A : i32
      %lt3A_261 = arith.constant 0 : i32
      %lt3A_262 = arith.cmpi slt, %rem3A, %lt3A_261 : i32
      %lt3A_263 = arith.constant 0 : i32
      %lt3A_264 = arith.cmpi slt, %select_n3A, %lt3A_263 : i32
      %ne3A_265 = arith.xori %lt3A_262, %lt3A_264 : i1
      %and3A = arith.andi %ne3A_265, %ne3A_260 : i1
      %add3A_266 = arith.addi %rem3A, %select_n3A : i32
      %select_n3A_267 = arith.select %and3A, %add3A_266, %rem3A : i32
      %jit3A_268 = arith.constant 4 : i32
      %eq3A_269 = arith.constant 0 : i32
      %eq3A_270 = arith.cmpi eq, %jit3A_268, %eq3A_269 : i32
      %jit3A_271 = arith.constant 1 : i32
      %select_n3A_272 = arith.select %eq3A_270, %jit3A_271, %jit3A_268 : i32
      %rem3A_273 = arith.remsi %sub3A_256, %select_n3A_272 : i32
      %ne3A_274 = arith.constant 0 : i32
      %ne3A_275 = arith.cmpi ne, %rem3A_273, %ne3A_274 : i32
      %lt3A_276 = arith.constant 0 : i32
      %lt3A_277 = arith.cmpi slt, %rem3A_273, %lt3A_276 : i32
      %lt3A_278 = arith.constant 0 : i32
      %lt3A_279 = arith.cmpi slt, %select_n3A_272, %lt3A_278 : i32
      %ne3A_280 = arith.xori %lt3A_277, %lt3A_279 : i1
      %and3A_281 = arith.andi %ne3A_280, %ne3A_275 : i1
      %add3A_282 = arith.addi %rem3A_273, %select_n3A_272 : i32
      %select_n3A_283 = arith.select %and3A_281, %add3A_282, %rem3A_273 : i32
      %dma_wait3A_284 = arith.constant 0 : i32
      %dma_wait3A_285 = arith.constant 0 : i32
      %dma_wait3A_286 = tpu.memref_slice %arg9[%select_n3A_267, %dma_wait3A_284, %dma_wait3A_285] : memref<3x128x128xf32, #tpu.memory_space<vmem>> -> memref<1x128x128xf32, #tpu.memory_space<vmem>>
      %dma_wait3A_287 = tpu.memref_squeeze %dma_wait3A_286 : memref<1x128x128xf32, #tpu.memory_space<vmem>> -> memref<128x128xf32, #tpu.memory_space<vmem>>
      %dma_wait3A_288 = arith.constant 0 : i32
      %dma_wait3A_289 = tpu.memref_slice %arg8[%select_n3A_283, %dma_wait3A_288] : memref<4x128xi32, #tpu.memory_space<vmem>> -> memref<1x128xi32, #tpu.memory_space<vmem>>
      %dma_wait3A_290 = tpu.memref_squeeze %dma_wait3A_289 : memref<1x128xi32, #tpu.memory_space<vmem>> -> memref<128xi32, #tpu.memory_space<vmem>>
      %dma_wait3A_291 = arith.constant 0 : i32
      %dma_wait3A_292 = arith.constant 0 : i32
      %dma_wait3A_293 = tpu.memref_slice %arg13[%dma_wait3A_291, %dma_wait3A_292] : memref<10000x128xf32, #tpu.memory_space<vmem_shared>> -> memref<10000x128xf32, #tpu.memory_space<vmem_shared>>
      tpu.wait_indirect_dma semaphore(%arg12 : memref<!tpu.dma_semaphore, #tpu.memory_space<semaphore_mem>>) src(%dma_wait3A_287 : memref<128x128xf32, #tpu.memory_space<vmem>>) dst(%dma_wait3A_293 : memref<10000x128xf32, #tpu.memory_space<vmem_shared>>)
    } else {
    }
    %eq3A_152 = arith.constant 1 : i32
    %eq3A_153 = arith.cmpi eq, %arg0, %eq3A_152 : i32
    %convert_element_type3A_154 = arith.extui %eq3A_153 : i1 to i32
    %cond3A_155 = arith.constant 0 : i32
    %cond3A_156 = arith.cmpi ne, %convert_element_type3A_154, %cond3A_155 : i32
    scf.if %cond3A_156 {
      %add3A_168 = arith.constant 0 : i32
      %add3A_169 = arith.addi %arg1, %add3A_168 : i32
      %mul3A_170 = arith.constant 128 : i32
      %mul3A_171 = arith.muli %add3A_169, %mul3A_170 : i32
      %dma_wait3A = arith.constant 1 : i32
      %dma_wait3A_172 = arith.constant 0 : i32
      %dma_wait3A_173 = arith.constant 0 : i32
      %dma_wait3A_174 = tpu.memref_slice %arg7[%dma_wait3A_172, %dma_wait3A_173] : memref<4x128xi32, #tpu.memory_space<vmem>> -> memref<1x128xi32, #tpu.memory_space<vmem>>
      %dma_wait3A_175 = tpu.memref_squeeze %dma_wait3A_174 : memref<1x128xi32, #tpu.memory_space<vmem>> -> memref<128xi32, #tpu.memory_space<vmem>>
      %dma_wait3A_176 = tpu.memref_slice %arg4[%dma_wait3A, %mul3A_171] : memref<2x160000xi32, #tpu.memory_space<hbm>> -> memref<1x128xi32, #tpu.memory_space<hbm>>
      %dma_wait3A_177 = tpu.memref_squeeze %dma_wait3A_176 : memref<1x128xi32, #tpu.memory_space<hbm>> -> memref<128xi32, #tpu.memory_space<hbm>>
      %dma_wait3A_178 = arith.constant 0 : i32
      %dma_wait3A_179 = tpu.memref_slice %arg7[%dma_wait3A_172, %dma_wait3A_178] : memref<4x128xi32, #tpu.memory_space<vmem>> -> memref<1x128xi32, #tpu.memory_space<vmem>>
      %dma_wait3A_180 = tpu.memref_squeeze %dma_wait3A_179 : memref<1x128xi32, #tpu.memory_space<vmem>> -> memref<128xi32, #tpu.memory_space<vmem>>
      %dma_wait3A_181 = tpu.memref_slice %arg4[%dma_wait3A, %mul3A_171] : memref<2x160000xi32, #tpu.memory_space<hbm>> -> memref<1x128xi32, #tpu.memory_space<hbm>>
      %dma_wait3A_182 = tpu.memref_squeeze %dma_wait3A_181 : memref<1x128xi32, #tpu.memory_space<hbm>> -> memref<128xi32, #tpu.memory_space<hbm>>
      tpu.wait_dma2 semaphore(%arg10 : memref<!tpu.dma_semaphore, #tpu.memory_space<semaphore_mem>>) src(%dma_wait3A_182 : memref<128xi32, #tpu.memory_space<hbm>>) dst(%dma_wait3A_180 : memref<128xi32, #tpu.memory_space<vmem>>)
      %dma_wait3A_183 = arith.constant 0 : i32
      %dma_wait3A_184 = arith.constant 0 : i32
      %dma_wait3A_185 = arith.constant 0 : i32
      %dma_wait3A_186 = tpu.memref_slice %arg8[%dma_wait3A_184, %dma_wait3A_185] : memref<4x128xi32, #tpu.memory_space<vmem>> -> memref<1x128xi32, #tpu.memory_space<vmem>>
      %dma_wait3A_187 = tpu.memref_squeeze %dma_wait3A_186 : memref<1x128xi32, #tpu.memory_space<vmem>> -> memref<128xi32, #tpu.memory_space<vmem>>
      %dma_wait3A_188 = tpu.memref_slice %arg4[%dma_wait3A_183, %mul3A_171] : memref<2x160000xi32, #tpu.memory_space<hbm>> -> memref<1x128xi32, #tpu.memory_space<hbm>>
      %dma_wait3A_189 = tpu.memref_squeeze %dma_wait3A_188 : memref<1x128xi32, #tpu.memory_space<hbm>> -> memref<128xi32, #tpu.memory_space<hbm>>
      %dma_wait3A_190 = arith.constant 0 : i32
      %dma_wait3A_191 = tpu.memref_slice %arg8[%dma_wait3A_184, %dma_wait3A_190] : memref<4x128xi32, #tpu.memory_space<vmem>> -> memref<1x128xi32, #tpu.memory_space<vmem>>
      %dma_wait3A_192 = tpu.memref_squeeze %dma_wait3A_191 : memref<1x128xi32, #tpu.memory_space<vmem>> -> memref<128xi32, #tpu.memory_space<vmem>>
      %dma_wait3A_193 = tpu.memref_slice %arg4[%dma_wait3A_183, %mul3A_171] : memref<2x160000xi32, #tpu.memory_space<hbm>> -> memref<1x128xi32, #tpu.memory_space<hbm>>
      %dma_wait3A_194 = tpu.memref_squeeze %dma_wait3A_193 : memref<1x128xi32, #tpu.memory_space<hbm>> -> memref<128xi32, #tpu.memory_space<hbm>>
      tpu.wait_dma2 semaphore(%arg10 : memref<!tpu.dma_semaphore, #tpu.memory_space<semaphore_mem>>) src(%dma_wait3A_194 : memref<128xi32, #tpu.memory_space<hbm>>) dst(%dma_wait3A_192 : memref<128xi32, #tpu.memory_space<vmem>>)
      %dma_start3A_195 = arith.constant 0 : i32
      %dma_start3A_196 = arith.constant 0 : i32
      %dma_start3A_197 = arith.constant 0 : i32
      %dma_start3A_198 = arith.constant 0 : i32
      %dma_start3A_199 = tpu.memref_slice %arg9[%dma_start3A_196, %dma_start3A_197, %dma_start3A_198] : memref<3x128x128xf32, #tpu.memory_space<vmem>> -> memref<1x128x128xf32, #tpu.memory_space<vmem>>
      %dma_start3A_200 = tpu.memref_squeeze %dma_start3A_199 : memref<1x128x128xf32, #tpu.memory_space<vmem>> -> memref<128x128xf32, #tpu.memory_space<vmem>>
      %dma_start3A_201 = arith.constant 0 : i32
      %dma_start3A_202 = tpu.memref_slice %arg7[%dma_start3A_195, %dma_start3A_201] : memref<4x128xi32, #tpu.memory_space<vmem>> -> memref<1x128xi32, #tpu.memory_space<vmem>>
      %dma_start3A_203 = tpu.memref_squeeze %dma_start3A_202 : memref<1x128xi32, #tpu.memory_space<vmem>> -> memref<128xi32, #tpu.memory_space<vmem>>
      %dma_start3A_204 = arith.constant 0 : i32
      %dma_start3A_205 = arith.constant 0 : i32
      %dma_start3A_206 = tpu.memref_slice %arg3[%dma_start3A_204, %dma_start3A_205] : memref<10000x128xf32, #tpu.memory_space<hbm>> -> memref<10000x128xf32, #tpu.memory_space<hbm>>
      tpu.enqueue_indirect_dma source(%dma_start3A_206 : memref<10000x128xf32, #tpu.memory_space<hbm>>) target(%dma_start3A_200 : memref<128x128xf32, #tpu.memory_space<vmem>>) offsets(%dma_start3A_203 : memref<128xi32, #tpu.memory_space<vmem>>) semaphore(%arg11 : memref<!tpu.dma_semaphore, #tpu.memory_space<semaphore_mem>>)
      %add3A_207 = arith.constant 16 : i32
      %add3A_208 = arith.addi %arg1, %add3A_207 : i32
      %mul3A_209 = arith.constant 128 : i32
      %mul3A_210 = arith.muli %add3A_208, %mul3A_209 : i32
      %dma_wait3A_211 = arith.constant 1 : i32
      %dma_wait3A_212 = arith.constant 1 : i32
      %dma_wait3A_213 = arith.constant 0 : i32
      %dma_wait3A_214 = tpu.memref_slice %arg7[%dma_wait3A_212, %dma_wait3A_213] : memref<4x128xi32, #tpu.memory_space<vmem>> -> memref<1x128xi32, #tpu.memory_space<vmem>>
      %dma_wait3A_215 = tpu.memref_squeeze %dma_wait3A_214 : memref<1x128xi32, #tpu.memory_space<vmem>> -> memref<128xi32, #tpu.memory_space<vmem>>
      %dma_wait3A_216 = tpu.memref_slice %arg4[%dma_wait3A_211, %mul3A_210] : memref<2x160000xi32, #tpu.memory_space<hbm>> -> memref<1x128xi32, #tpu.memory_space<hbm>>
      %dma_wait3A_217 = tpu.memref_squeeze %dma_wait3A_216 : memref<1x128xi32, #tpu.memory_space<hbm>> -> memref<128xi32, #tpu.memory_space<hbm>>
      %dma_wait3A_218 = arith.constant 0 : i32
      %dma_wait3A_219 = tpu.memref_slice %arg7[%dma_wait3A_212, %dma_wait3A_218] : memref<4x128xi32, #tpu.memory_space<vmem>> -> memref<1x128xi32, #tpu.memory_space<vmem>>
      %dma_wait3A_220 = tpu.memref_squeeze %dma_wait3A_219 : memref<1x128xi32, #tpu.memory_space<vmem>> -> memref<128xi32, #tpu.memory_space<vmem>>
      %dma_wait3A_221 = tpu.memref_slice %arg4[%dma_wait3A_211, %mul3A_210] : memref<2x160000xi32, #tpu.memory_space<hbm>> -> memref<1x128xi32, #tpu.memory_space<hbm>>
      %dma_wait3A_222 = tpu.memref_squeeze %dma_wait3A_221 : memref<1x128xi32, #tpu.memory_space<hbm>> -> memref<128xi32, #tpu.memory_space<hbm>>
      tpu.wait_dma2 semaphore(%arg10 : memref<!tpu.dma_semaphore, #tpu.memory_space<semaphore_mem>>) src(%dma_wait3A_222 : memref<128xi32, #tpu.memory_space<hbm>>) dst(%dma_wait3A_220 : memref<128xi32, #tpu.memory_space<vmem>>)
      %dma_wait3A_223 = arith.constant 0 : i32
      %dma_wait3A_224 = arith.constant 1 : i32
      %dma_wait3A_225 = arith.constant 0 : i32
      %dma_wait3A_226 = tpu.memref_slice %arg8[%dma_wait3A_224, %dma_wait3A_225] : memref<4x128xi32, #tpu.memory_space<vmem>> -> memref<1x128xi32, #tpu.memory_space<vmem>>
      %dma_wait3A_227 = tpu.memref_squeeze %dma_wait3A_226 : memref<1x128xi32, #tpu.memory_space<vmem>> -> memref<128xi32, #tpu.memory_space<vmem>>
      %dma_wait3A_228 = tpu.memref_slice %arg4[%dma_wait3A_223, %mul3A_210] : memref<2x160000xi32, #tpu.memory_space<hbm>> -> memref<1x128xi32, #tpu.memory_space<hbm>>
      %dma_wait3A_229 = tpu.memref_squeeze %dma_wait3A_228 : memref<1x128xi32, #tpu.memory_space<hbm>> -> memref<128xi32, #tpu.memory_space<hbm>>
      %dma_wait3A_230 = arith.constant 0 : i32
      %dma_wait3A_231 = tpu.memref_slice %arg8[%dma_wait3A_224, %dma_wait3A_230] : memref<4x128xi32, #tpu.memory_space<vmem>> -> memref<1x128xi32, #tpu.memory_space<vmem>>
      %dma_wait3A_232 = tpu.memref_squeeze %dma_wait3A_231 : memref<1x128xi32, #tpu.memory_space<vmem>> -> memref<128xi32, #tpu.memory_space<vmem>>
      %dma_wait3A_233 = tpu.memref_slice %arg4[%dma_wait3A_223, %mul3A_210] : memref<2x160000xi32, #tpu.memory_space<hbm>> -> memref<1x128xi32, #tpu.memory_space<hbm>>
      %dma_wait3A_234 = tpu.memref_squeeze %dma_wait3A_233 : memref<1x128xi32, #tpu.memory_space<hbm>> -> memref<128xi32, #tpu.memory_space<hbm>>
      tpu.wait_dma2 semaphore(%arg10 : memref<!tpu.dma_semaphore, #tpu.memory_space<semaphore_mem>>) src(%dma_wait3A_234 : memref<128xi32, #tpu.memory_space<hbm>>) dst(%dma_wait3A_232 : memref<128xi32, #tpu.memory_space<vmem>>)
      %dma_start3A_235 = arith.constant 1 : i32
      %dma_start3A_236 = arith.constant 1 : i32
      %dma_start3A_237 = arith.constant 0 : i32
      %dma_start3A_238 = arith.constant 0 : i32
      %dma_start3A_239 = tpu.memref_slice %arg9[%dma_start3A_236, %dma_start3A_237, %dma_start3A_238] : memref<3x128x128xf32, #tpu.memory_space<vmem>> -> memref<1x128x128xf32, #tpu.memory_space<vmem>>
      %dma_start3A_240 = tpu.memref_squeeze %dma_start3A_239 : memref<1x128x128xf32, #tpu.memory_space<vmem>> -> memref<128x128xf32, #tpu.memory_space<vmem>>
      %dma_start3A_241 = arith.constant 0 : i32
      %dma_start3A_242 = tpu.memref_slice %arg7[%dma_start3A_235, %dma_start3A_241] : memref<4x128xi32, #tpu.memory_space<vmem>> -> memref<1x128xi32, #tpu.memory_space<vmem>>
      %dma_start3A_243 = tpu.memref_squeeze %dma_start3A_242 : memref<1x128xi32, #tpu.memory_space<vmem>> -> memref<128xi32, #tpu.memory_space<vmem>>
      %dma_start3A_244 = arith.constant 0 : i32
      %dma_start3A_245 = arith.constant 0 : i32
      %dma_start3A_246 = tpu.memref_slice %arg3[%dma_start3A_244, %dma_start3A_245] : memref<10000x128xf32, #tpu.memory_space<hbm>> -> memref<10000x128xf32, #tpu.memory_space<hbm>>
      tpu.enqueue_indirect_dma source(%dma_start3A_246 : memref<10000x128xf32, #tpu.memory_space<hbm>>) target(%dma_start3A_240 : memref<128x128xf32, #tpu.memory_space<vmem>>) offsets(%dma_start3A_243 : memref<128xi32, #tpu.memory_space<vmem>>) semaphore(%arg11 : memref<!tpu.dma_semaphore, #tpu.memory_space<semaphore_mem>>)
      %while3A = arith.constant 0 : i32
      %while3A_247 = arith.constant 0 : i32
      %while3A_248 = arith.subi %add3A_1, %while3A_247 : i32
      %while3A_249 = arith.addi %while3A_247, %while3A_248 : i32
      %while3A_250 = arith.constant 1 : i32
      %while3A_251 = arith.divsi %while3A_248, %while3A_250 : i32
      %while3A_252 = arith.muli %while3A_251, %while3A_250 : i32
      %while3A_253 = arith.addi %while3A_247, %while3A_252 : i32
      %while3A_254 = arith.constant 1 : i32
      scf.for %while3A_294 = %while3A_247 to %while3A_253 step %while3A_254  : i32 {
        %jit3A_295 = arith.constant 4 : i32
        %eq3A_296 = arith.constant 0 : i32
        %eq3A_297 = arith.cmpi eq, %jit3A_295, %eq3A_296 : i32
        %jit3A_298 = arith.constant 1 : i32
        %select_n3A_299 = arith.select %eq3A_297, %jit3A_298, %jit3A_295 : i32
        %rem3A_300 = arith.remsi %while3A_294, %select_n3A_299 : i32
        %ne3A_301 = arith.constant 0 : i32
        %ne3A_302 = arith.cmpi ne, %rem3A_300, %ne3A_301 : i32
        %lt3A_303 = arith.constant 0 : i32
        %lt3A_304 = arith.cmpi slt, %rem3A_300, %lt3A_303 : i32
        %lt3A_305 = arith.constant 0 : i32
        %lt3A_306 = arith.cmpi slt, %select_n3A_299, %lt3A_305 : i32
        %ne3A_307 = arith.xori %lt3A_304, %lt3A_306 : i1
        %and3A_308 = arith.andi %ne3A_307, %ne3A_302 : i1
        %add3A_309 = arith.addi %rem3A_300, %select_n3A_299 : i32
        %select_n3A_310 = arith.select %and3A_308, %add3A_309, %rem3A_300 : i32
        %jit3A_311 = arith.constant 3 : i32
        %eq3A_312 = arith.constant 0 : i32
        %eq3A_313 = arith.cmpi eq, %jit3A_311, %eq3A_312 : i32
        %jit3A_314 = arith.constant 1 : i32
        %select_n3A_315 = arith.select %eq3A_313, %jit3A_314, %jit3A_311 : i32
        %rem3A_316 = arith.remsi %while3A_294, %select_n3A_315 : i32
        %ne3A_317 = arith.constant 0 : i32
        %ne3A_318 = arith.cmpi ne, %rem3A_316, %ne3A_317 : i32
        %lt3A_319 = arith.constant 0 : i32
        %lt3A_320 = arith.cmpi slt, %rem3A_316, %lt3A_319 : i32
        %lt3A_321 = arith.constant 0 : i32
        %lt3A_322 = arith.cmpi slt, %select_n3A_315, %lt3A_321 : i32
        %ne3A_323 = arith.xori %lt3A_320, %lt3A_322 : i1
        %and3A_324 = arith.andi %ne3A_323, %ne3A_318 : i1
        %add3A_325 = arith.addi %rem3A_316, %select_n3A_315 : i32
        %select_n3A_326 = arith.select %and3A_324, %add3A_325, %rem3A_316 : i32
        %dma_wait3A_327 = arith.constant 0 : i32
        %dma_wait3A_328 = arith.constant 0 : i32
        %dma_wait3A_329 = tpu.memref_slice %arg9[%select_n3A_326, %dma_wait3A_327, %dma_wait3A_328] : memref<3x128x128xf32, #tpu.memory_space<vmem>> -> memref<1x128x128xf32, #tpu.memory_space<vmem>>
        %dma_wait3A_330 = tpu.memref_squeeze %dma_wait3A_329 : memref<1x128x128xf32, #tpu.memory_space<vmem>> -> memref<128x128xf32, #tpu.memory_space<vmem>>
        %dma_wait3A_331 = arith.constant 0 : i32
        %dma_wait3A_332 = tpu.memref_slice %arg7[%select_n3A_310, %dma_wait3A_331] : memref<4x128xi32, #tpu.memory_space<vmem>> -> memref<1x128xi32, #tpu.memory_space<vmem>>
        %dma_wait3A_333 = tpu.memref_squeeze %dma_wait3A_332 : memref<1x128xi32, #tpu.memory_space<vmem>> -> memref<128xi32, #tpu.memory_space<vmem>>
        %dma_wait3A_334 = arith.constant 0 : i32
        %dma_wait3A_335 = arith.constant 0 : i32
        %dma_wait3A_336 = tpu.memref_slice %arg3[%dma_wait3A_334, %dma_wait3A_335] : memref<10000x128xf32, #tpu.memory_space<hbm>> -> memref<10000x128xf32, #tpu.memory_space<hbm>>
        tpu.wait_indirect_dma semaphore(%arg11 : memref<!tpu.dma_semaphore, #tpu.memory_space<semaphore_mem>>) src(%dma_wait3A_336 : memref<10000x128xf32, #tpu.memory_space<hbm>>) dst(%dma_wait3A_330 : memref<128x128xf32, #tpu.memory_space<vmem>>)
        %ge3A = arith.constant 1 : i32
        %ge3A_337 = arith.cmpi sge, %while3A_294, %ge3A : i32
        %convert_element_type3A_338 = arith.extui %ge3A_337 : i1 to i32
        %cond3A_339 = arith.constant 0 : i32
        %cond3A_340 = arith.cmpi ne, %convert_element_type3A_338, %cond3A_339 : i32
        scf.if %cond3A_340 {
          %sub3A_395 = arith.constant 1 : i32
          %sub3A_396 = arith.subi %while3A_294, %sub3A_395 : i32
          %jit3A_397 = arith.constant 3 : i32
          %eq3A_398 = arith.constant 0 : i32
          %eq3A_399 = arith.cmpi eq, %jit3A_397, %eq3A_398 : i32
          %jit3A_400 = arith.constant 1 : i32
          %select_n3A_401 = arith.select %eq3A_399, %jit3A_400, %jit3A_397 : i32
          %rem3A_402 = arith.remsi %sub3A_396, %select_n3A_401 : i32
          %ne3A_403 = arith.constant 0 : i32
          %ne3A_404 = arith.cmpi ne, %rem3A_402, %ne3A_403 : i32
          %lt3A_405 = arith.constant 0 : i32
          %lt3A_406 = arith.cmpi slt, %rem3A_402, %lt3A_405 : i32
          %lt3A_407 = arith.constant 0 : i32
          %lt3A_408 = arith.cmpi slt, %select_n3A_401, %lt3A_407 : i32
          %ne3A_409 = arith.xori %lt3A_406, %lt3A_408 : i1
          %and3A_410 = arith.andi %ne3A_409, %ne3A_404 : i1
          %add3A_411 = arith.addi %rem3A_402, %select_n3A_401 : i32
          %select_n3A_412 = arith.select %and3A_410, %add3A_411, %rem3A_402 : i32
          %jit3A_413 = arith.constant 4 : i32
          %eq3A_414 = arith.constant 0 : i32
          %eq3A_415 = arith.cmpi eq, %jit3A_413, %eq3A_414 : i32
          %jit3A_416 = arith.constant 1 : i32
          %select_n3A_417 = arith.select %eq3A_415, %jit3A_416, %jit3A_413 : i32
          %rem3A_418 = arith.remsi %sub3A_396, %select_n3A_417 : i32
          %ne3A_419 = arith.constant 0 : i32
          %ne3A_420 = arith.cmpi ne, %rem3A_418, %ne3A_419 : i32
          %lt3A_421 = arith.constant 0 : i32
          %lt3A_422 = arith.cmpi slt, %rem3A_418, %lt3A_421 : i32
          %lt3A_423 = arith.constant 0 : i32
          %lt3A_424 = arith.cmpi slt, %select_n3A_417, %lt3A_423 : i32
          %ne3A_425 = arith.xori %lt3A_422, %lt3A_424 : i1
          %and3A_426 = arith.andi %ne3A_425, %ne3A_420 : i1
          %add3A_427 = arith.addi %rem3A_418, %select_n3A_417 : i32
          %select_n3A_428 = arith.select %and3A_426, %add3A_427, %rem3A_418 : i32
          %dma_wait3A_429 = arith.constant 0 : i32
          %dma_wait3A_430 = arith.constant 0 : i32
          %dma_wait3A_431 = tpu.memref_slice %arg9[%select_n3A_412, %dma_wait3A_429, %dma_wait3A_430] : memref<3x128x128xf32, #tpu.memory_space<vmem>> -> memref<1x128x128xf32, #tpu.memory_space<vmem>>
          %dma_wait3A_432 = tpu.memref_squeeze %dma_wait3A_431 : memref<1x128x128xf32, #tpu.memory_space<vmem>> -> memref<128x128xf32, #tpu.memory_space<vmem>>
          %dma_wait3A_433 = arith.constant 0 : i32
          %dma_wait3A_434 = tpu.memref_slice %arg8[%select_n3A_428, %dma_wait3A_433] : memref<4x128xi32, #tpu.memory_space<vmem>> -> memref<1x128xi32, #tpu.memory_space<vmem>>
          %dma_wait3A_435 = tpu.memref_squeeze %dma_wait3A_434 : memref<1x128xi32, #tpu.memory_space<vmem>> -> memref<128xi32, #tpu.memory_space<vmem>>
          %dma_wait3A_436 = arith.constant 0 : i32
          %dma_wait3A_437 = arith.constant 0 : i32
          %dma_wait3A_438 = tpu.memref_slice %arg13[%dma_wait3A_436, %dma_wait3A_437] : memref<10000x128xf32, #tpu.memory_space<vmem_shared>> -> memref<10000x128xf32, #tpu.memory_space<vmem_shared>>
          tpu.wait_indirect_dma semaphore(%arg12 : memref<!tpu.dma_semaphore, #tpu.memory_space<semaphore_mem>>) src(%dma_wait3A_432 : memref<128x128xf32, #tpu.memory_space<vmem>>) dst(%dma_wait3A_438 : memref<10000x128xf32, #tpu.memory_space<vmem_shared>>)
        } else {
        }
        %add3A_341 = arith.constant 3 : i32
        %add3A_342 = arith.addi %while3A_294, %add3A_341 : i32
        %lt3A_343 = arith.cmpi slt, %add3A_342, %add3A_1 : i32
        %convert_element_type3A_344 = arith.extui %lt3A_343 : i1 to i32
        %cond3A_345 = arith.constant 0 : i32
        %cond3A_346 = arith.cmpi ne, %convert_element_type3A_344, %cond3A_345 : i32
        scf.if %cond3A_346 {
          %add3A_395 = arith.constant 3 : i32
          %add3A_396 = arith.addi %while3A_294, %add3A_395 : i32
          %mul3A_397 = arith.constant 16 : i32
          %mul3A_398 = arith.muli %mul3A_397, %add3A_396 : i32
          %add3A_399 = arith.addi %arg1, %mul3A_398 : i32
          %mul3A_400 = arith.constant 128 : i32
          %mul3A_401 = arith.muli %add3A_399, %mul3A_400 : i32
          %jit3A_402 = arith.constant 4 : i32
          %eq3A_403 = arith.constant 0 : i32
          %eq3A_404 = arith.cmpi eq, %jit3A_402, %eq3A_403 : i32
          %jit3A_405 = arith.constant 1 : i32
          %select_n3A_406 = arith.select %eq3A_404, %jit3A_405, %jit3A_402 : i32
          %rem3A_407 = arith.remsi %add3A_396, %select_n3A_406 : i32
          %ne3A_408 = arith.constant 0 : i32
          %ne3A_409 = arith.cmpi ne, %rem3A_407, %ne3A_408 : i32
          %lt3A_410 = arith.constant 0 : i32
          %lt3A_411 = arith.cmpi slt, %rem3A_407, %lt3A_410 : i32
          %lt3A_412 = arith.constant 0 : i32
          %lt3A_413 = arith.cmpi slt, %select_n3A_406, %lt3A_412 : i32
          %ne3A_414 = arith.xori %lt3A_411, %lt3A_413 : i1
          %and3A_415 = arith.andi %ne3A_414, %ne3A_409 : i1
          %add3A_416 = arith.addi %rem3A_407, %select_n3A_406 : i32
          %select_n3A_417 = arith.select %and3A_415, %add3A_416, %rem3A_407 : i32
          %dma_start3A_418 = arith.constant 1 : i32
          %dma_start3A_419 = arith.constant 0 : i32
          %dma_start3A_420 = tpu.memref_slice %arg7[%select_n3A_417, %dma_start3A_419] : memref<4x128xi32, #tpu.memory_space<vmem>> -> memref<1x128xi32, #tpu.memory_space<vmem>>
          %dma_start3A_421 = tpu.memref_squeeze %dma_start3A_420 : memref<1x128xi32, #tpu.memory_space<vmem>> -> memref<128xi32, #tpu.memory_space<vmem>>
          %dma_start3A_422 = tpu.memref_slice %arg4[%dma_start3A_418, %mul3A_401] : memref<2x160000xi32, #tpu.memory_space<hbm>> -> memref<1x128xi32, #tpu.memory_space<hbm>>
          %dma_start3A_423 = tpu.memref_squeeze %dma_start3A_422 : memref<1x128xi32, #tpu.memory_space<hbm>> -> memref<128xi32, #tpu.memory_space<hbm>>
          %dma_start3A_424 = arith.constant 0 : i32
          %dma_start3A_425 = tpu.memref_slice %arg7[%select_n3A_417, %dma_start3A_424] : memref<4x128xi32, #tpu.memory_space<vmem>> -> memref<1x128xi32, #tpu.memory_space<vmem>>
          %dma_start3A_426 = tpu.memref_squeeze %dma_start3A_425 : memref<1x128xi32, #tpu.memory_space<vmem>> -> memref<128xi32, #tpu.memory_space<vmem>>
          %dma_start3A_427 = tpu.memref_slice %arg4[%dma_start3A_418, %mul3A_401] : memref<2x160000xi32, #tpu.memory_space<hbm>> -> memref<1x128xi32, #tpu.memory_space<hbm>>
          %dma_start3A_428 = tpu.memref_squeeze %dma_start3A_427 : memref<1x128xi32, #tpu.memory_space<hbm>> -> memref<128xi32, #tpu.memory_space<hbm>>
          tpu.enqueue_dma source(%dma_start3A_428 : memref<128xi32, #tpu.memory_space<hbm>>) target(%dma_start3A_426 : memref<128xi32, #tpu.memory_space<vmem>>) target_semaphore(%arg10 : memref<!tpu.dma_semaphore, #tpu.memory_space<semaphore_mem>>)
          %jit3A_429 = arith.constant 4 : i32
          %eq3A_430 = arith.constant 0 : i32
          %eq3A_431 = arith.cmpi eq, %jit3A_429, %eq3A_430 : i32
          %jit3A_432 = arith.constant 1 : i32
          %select_n3A_433 = arith.select %eq3A_431, %jit3A_432, %jit3A_429 : i32
          %rem3A_434 = arith.remsi %add3A_396, %select_n3A_433 : i32
          %ne3A_435 = arith.constant 0 : i32
          %ne3A_436 = arith.cmpi ne, %rem3A_434, %ne3A_435 : i32
          %lt3A_437 = arith.constant 0 : i32
          %lt3A_438 = arith.cmpi slt, %rem3A_434, %lt3A_437 : i32
          %lt3A_439 = arith.constant 0 : i32
          %lt3A_440 = arith.cmpi slt, %select_n3A_433, %lt3A_439 : i32
          %ne3A_441 = arith.xori %lt3A_438, %lt3A_440 : i1
          %and3A_442 = arith.andi %ne3A_441, %ne3A_436 : i1
          %add3A_443 = arith.addi %rem3A_434, %select_n3A_433 : i32
          %select_n3A_444 = arith.select %and3A_442, %add3A_443, %rem3A_434 : i32
          %dma_start3A_445 = arith.constant 0 : i32
          %dma_start3A_446 = arith.constant 0 : i32
          %dma_start3A_447 = tpu.memref_slice %arg8[%select_n3A_444, %dma_start3A_446] : memref<4x128xi32, #tpu.memory_space<vmem>> -> memref<1x128xi32, #tpu.memory_space<vmem>>
          %dma_start3A_448 = tpu.memref_squeeze %dma_start3A_447 : memref<1x128xi32, #tpu.memory_space<vmem>> -> memref<128xi32, #tpu.memory_space<vmem>>
          %dma_start3A_449 = tpu.memref_slice %arg4[%dma_start3A_445, %mul3A_401] : memref<2x160000xi32, #tpu.memory_space<hbm>> -> memref<1x128xi32, #tpu.memory_space<hbm>>
          %dma_start3A_450 = tpu.memref_squeeze %dma_start3A_449 : memref<1x128xi32, #tpu.memory_space<hbm>> -> memref<128xi32, #tpu.memory_space<hbm>>
          %dma_start3A_451 = arith.constant 0 : i32
          %dma_start3A_452 = tpu.memref_slice %arg8[%select_n3A_444, %dma_start3A_451] : memref<4x128xi32, #tpu.memory_space<vmem>> -> memref<1x128xi32, #tpu.memory_space<vmem>>
          %dma_start3A_453 = tpu.memref_squeeze %dma_start3A_452 : memref<1x128xi32, #tpu.memory_space<vmem>> -> memref<128xi32, #tpu.memory_space<vmem>>
          %dma_start3A_454 = tpu.memref_slice %arg4[%dma_start3A_445, %mul3A_401] : memref<2x160000xi32, #tpu.memory_space<hbm>> -> memref<1x128xi32, #tpu.memory_space<hbm>>
          %dma_start3A_455 = tpu.memref_squeeze %dma_start3A_454 : memref<1x128xi32, #tpu.memory_space<hbm>> -> memref<128xi32, #tpu.memory_space<hbm>>
          tpu.enqueue_dma source(%dma_start3A_455 : memref<128xi32, #tpu.memory_space<hbm>>) target(%dma_start3A_453 : memref<128xi32, #tpu.memory_space<vmem>>) target_semaphore(%arg10 : memref<!tpu.dma_semaphore, #tpu.memory_space<semaphore_mem>>)
        } else {
        }
        %add3A_347 = arith.constant 2 : i32
        %add3A_348 = arith.addi %while3A_294, %add3A_347 : i32
        %lt3A_349 = arith.cmpi slt, %add3A_348, %add3A_1 : i32
        %convert_element_type3A_350 = arith.extui %lt3A_349 : i1 to i32
        %cond3A_351 = arith.constant 0 : i32
        %cond3A_352 = arith.cmpi ne, %convert_element_type3A_350, %cond3A_351 : i32
        scf.if %cond3A_352 {
          %add3A_395 = arith.constant 2 : i32
          %add3A_396 = arith.addi %while3A_294, %add3A_395 : i32
          %mul3A_397 = arith.constant 16 : i32
          %mul3A_398 = arith.muli %mul3A_397, %add3A_396 : i32
          %add3A_399 = arith.addi %arg1, %mul3A_398 : i32
          %mul3A_400 = arith.constant 128 : i32
          %mul3A_401 = arith.muli %add3A_399, %mul3A_400 : i32
          %jit3A_402 = arith.constant 4 : i32
          %eq3A_403 = arith.constant 0 : i32
          %eq3A_404 = arith.cmpi eq, %jit3A_402, %eq3A_403 : i32
          %jit3A_405 = arith.constant 1 : i32
          %select_n3A_406 = arith.select %eq3A_404, %jit3A_405, %jit3A_402 : i32
          %rem3A_407 = arith.remsi %add3A_396, %select_n3A_406 : i32
          %ne3A_408 = arith.constant 0 : i32
          %ne3A_409 = arith.cmpi ne, %rem3A_407, %ne3A_408 : i32
          %lt3A_410 = arith.constant 0 : i32
          %lt3A_411 = arith.cmpi slt, %rem3A_407, %lt3A_410 : i32
          %lt3A_412 = arith.constant 0 : i32
          %lt3A_413 = arith.cmpi slt, %select_n3A_406, %lt3A_412 : i32
          %ne3A_414 = arith.xori %lt3A_411, %lt3A_413 : i1
          %and3A_415 = arith.andi %ne3A_414, %ne3A_409 : i1
          %add3A_416 = arith.addi %rem3A_407, %select_n3A_406 : i32
          %select_n3A_417 = arith.select %and3A_415, %add3A_416, %rem3A_407 : i32
          %dma_wait3A_418 = arith.constant 1 : i32
          %dma_wait3A_419 = arith.constant 0 : i32
          %dma_wait3A_420 = tpu.memref_slice %arg7[%select_n3A_417, %dma_wait3A_419] : memref<4x128xi32, #tpu.memory_space<vmem>> -> memref<1x128xi32, #tpu.memory_space<vmem>>
          %dma_wait3A_421 = tpu.memref_squeeze %dma_wait3A_420 : memref<1x128xi32, #tpu.memory_space<vmem>> -> memref<128xi32, #tpu.memory_space<vmem>>
          %dma_wait3A_422 = tpu.memref_slice %arg4[%dma_wait3A_418, %mul3A_401] : memref<2x160000xi32, #tpu.memory_space<hbm>> -> memref<1x128xi32, #tpu.memory_space<hbm>>
          %dma_wait3A_423 = tpu.memref_squeeze %dma_wait3A_422 : memref<1x128xi32, #tpu.memory_space<hbm>> -> memref<128xi32, #tpu.memory_space<hbm>>
          %dma_wait3A_424 = arith.constant 0 : i32
          %dma_wait3A_425 = tpu.memref_slice %arg7[%select_n3A_417, %dma_wait3A_424] : memref<4x128xi32, #tpu.memory_space<vmem>> -> memref<1x128xi32, #tpu.memory_space<vmem>>
          %dma_wait3A_426 = tpu.memref_squeeze %dma_wait3A_425 : memref<1x128xi32, #tpu.memory_space<vmem>> -> memref<128xi32, #tpu.memory_space<vmem>>
          %dma_wait3A_427 = tpu.memref_slice %arg4[%dma_wait3A_418, %mul3A_401] : memref<2x160000xi32, #tpu.memory_space<hbm>> -> memref<1x128xi32, #tpu.memory_space<hbm>>
          %dma_wait3A_428 = tpu.memref_squeeze %dma_wait3A_427 : memref<1x128xi32, #tpu.memory_space<hbm>> -> memref<128xi32, #tpu.memory_space<hbm>>
          tpu.wait_dma2 semaphore(%arg10 : memref<!tpu.dma_semaphore, #tpu.memory_space<semaphore_mem>>) src(%dma_wait3A_428 : memref<128xi32, #tpu.memory_space<hbm>>) dst(%dma_wait3A_426 : memref<128xi32, #tpu.memory_space<vmem>>)
          %jit3A_429 = arith.constant 4 : i32
          %eq3A_430 = arith.constant 0 : i32
          %eq3A_431 = arith.cmpi eq, %jit3A_429, %eq3A_430 : i32
          %jit3A_432 = arith.constant 1 : i32
          %select_n3A_433 = arith.select %eq3A_431, %jit3A_432, %jit3A_429 : i32
          %rem3A_434 = arith.remsi %add3A_396, %select_n3A_433 : i32
          %ne3A_435 = arith.constant 0 : i32
          %ne3A_436 = arith.cmpi ne, %rem3A_434, %ne3A_435 : i32
          %lt3A_437 = arith.constant 0 : i32
          %lt3A_438 = arith.cmpi slt, %rem3A_434, %lt3A_437 : i32
          %lt3A_439 = arith.constant 0 : i32
          %lt3A_440 = arith.cmpi slt, %select_n3A_433, %lt3A_439 : i32
          %ne3A_441 = arith.xori %lt3A_438, %lt3A_440 : i1
          %and3A_442 = arith.andi %ne3A_441, %ne3A_436 : i1
          %add3A_443 = arith.addi %rem3A_434, %select_n3A_433 : i32
          %select_n3A_444 = arith.select %and3A_442, %add3A_443, %rem3A_434 : i32
          %dma_wait3A_445 = arith.constant 0 : i32
          %dma_wait3A_446 = arith.constant 0 : i32
          %dma_wait3A_447 = tpu.memref_slice %arg8[%select_n3A_444, %dma_wait3A_446] : memref<4x128xi32, #tpu.memory_space<vmem>> -> memref<1x128xi32, #tpu.memory_space<vmem>>
          %dma_wait3A_448 = tpu.memref_squeeze %dma_wait3A_447 : memref<1x128xi32, #tpu.memory_space<vmem>> -> memref<128xi32, #tpu.memory_space<vmem>>
          %dma_wait3A_449 = tpu.memref_slice %arg4[%dma_wait3A_445, %mul3A_401] : memref<2x160000xi32, #tpu.memory_space<hbm>> -> memref<1x128xi32, #tpu.memory_space<hbm>>
          %dma_wait3A_450 = tpu.memref_squeeze %dma_wait3A_449 : memref<1x128xi32, #tpu.memory_space<hbm>> -> memref<128xi32, #tpu.memory_space<hbm>>
          %dma_wait3A_451 = arith.constant 0 : i32
          %dma_wait3A_452 = tpu.memref_slice %arg8[%select_n3A_444, %dma_wait3A_451] : memref<4x128xi32, #tpu.memory_space<vmem>> -> memref<1x128xi32, #tpu.memory_space<vmem>>
          %dma_wait3A_453 = tpu.memref_squeeze %dma_wait3A_452 : memref<1x128xi32, #tpu.memory_space<vmem>> -> memref<128xi32, #tpu.memory_space<vmem>>
          %dma_wait3A_454 = tpu.memref_slice %arg4[%dma_wait3A_445, %mul3A_401] : memref<2x160000xi32, #tpu.memory_space<hbm>> -> memref<1x128xi32, #tpu.memory_space<hbm>>
          %dma_wait3A_455 = tpu.memref_squeeze %dma_wait3A_454 : memref<1x128xi32, #tpu.memory_space<hbm>> -> memref<128xi32, #tpu.memory_space<hbm>>
          tpu.wait_dma2 semaphore(%arg10 : memref<!tpu.dma_semaphore, #tpu.memory_space<semaphore_mem>>) src(%dma_wait3A_455 : memref<128xi32, #tpu.memory_space<hbm>>) dst(%dma_wait3A_453 : memref<128xi32, #tpu.memory_space<vmem>>)
          %add3A_456 = arith.constant 2 : i32
          %add3A_457 = arith.addi %while3A_294, %add3A_456 : i32
          %jit3A_458 = arith.constant 4 : i32
          %eq3A_459 = arith.constant 0 : i32
          %eq3A_460 = arith.cmpi eq, %jit3A_458, %eq3A_459 : i32
          %jit3A_461 = arith.constant 1 : i32
          %select_n3A_462 = arith.select %eq3A_460, %jit3A_461, %jit3A_458 : i32
          %rem3A_463 = arith.remsi %add3A_457, %select_n3A_462 : i32
          %ne3A_464 = arith.constant 0 : i32
          %ne3A_465 = arith.cmpi ne, %rem3A_463, %ne3A_464 : i32
          %lt3A_466 = arith.constant 0 : i32
          %lt3A_467 = arith.cmpi slt, %rem3A_463, %lt3A_466 : i32
          %lt3A_468 = arith.constant 0 : i32
          %lt3A_469 = arith.cmpi slt, %select_n3A_462, %lt3A_468 : i32
          %ne3A_470 = arith.xori %lt3A_467, %lt3A_469 : i1
          %and3A_471 = arith.andi %ne3A_470, %ne3A_465 : i1
          %add3A_472 = arith.addi %rem3A_463, %select_n3A_462 : i32
          %select_n3A_473 = arith.select %and3A_471, %add3A_472, %rem3A_463 : i32
          %jit3A_474 = arith.constant 3 : i32
          %eq3A_475 = arith.constant 0 : i32
          %eq3A_476 = arith.cmpi eq, %jit3A_474, %eq3A_475 : i32
          %jit3A_477 = arith.constant 1 : i32
          %select_n3A_478 = arith.select %eq3A_476, %jit3A_477, %jit3A_474 : i32
          %rem3A_479 = arith.remsi %add3A_457, %select_n3A_478 : i32
          %ne3A_480 = arith.constant 0 : i32
          %ne3A_481 = arith.cmpi ne, %rem3A_479, %ne3A_480 : i32
          %lt3A_482 = arith.constant 0 : i32
          %lt3A_483 = arith.cmpi slt, %rem3A_479, %lt3A_482 : i32
          %lt3A_484 = arith.constant 0 : i32
          %lt3A_485 = arith.cmpi slt, %select_n3A_478, %lt3A_484 : i32
          %ne3A_486 = arith.xori %lt3A_483, %lt3A_485 : i1
          %and3A_487 = arith.andi %ne3A_486, %ne3A_481 : i1
          %add3A_488 = arith.addi %rem3A_479, %select_n3A_478 : i32
          %select_n3A_489 = arith.select %and3A_487, %add3A_488, %rem3A_479 : i32
          %dma_start3A_490 = arith.constant 0 : i32
          %dma_start3A_491 = arith.constant 0 : i32
          %dma_start3A_492 = tpu.memref_slice %arg9[%select_n3A_489, %dma_start3A_490, %dma_start3A_491] : memref<3x128x128xf32, #tpu.memory_space<vmem>> -> memref<1x128x128xf32, #tpu.memory_space<vmem>>
          %dma_start3A_493 = tpu.memref_squeeze %dma_start3A_492 : memref<1x128x128xf32, #tpu.memory_space<vmem>> -> memref<128x128xf32, #tpu.memory_space<vmem>>
          %dma_start3A_494 = arith.constant 0 : i32
          %dma_start3A_495 = tpu.memref_slice %arg7[%select_n3A_473, %dma_start3A_494] : memref<4x128xi32, #tpu.memory_space<vmem>> -> memref<1x128xi32, #tpu.memory_space<vmem>>
          %dma_start3A_496 = tpu.memref_squeeze %dma_start3A_495 : memref<1x128xi32, #tpu.memory_space<vmem>> -> memref<128xi32, #tpu.memory_space<vmem>>
          %dma_start3A_497 = arith.constant 0 : i32
          %dma_start3A_498 = arith.constant 0 : i32
          %dma_start3A_499 = tpu.memref_slice %arg3[%dma_start3A_497, %dma_start3A_498] : memref<10000x128xf32, #tpu.memory_space<hbm>> -> memref<10000x128xf32, #tpu.memory_space<hbm>>
          tpu.enqueue_indirect_dma source(%dma_start3A_499 : memref<10000x128xf32, #tpu.memory_space<hbm>>) target(%dma_start3A_493 : memref<128x128xf32, #tpu.memory_space<vmem>>) offsets(%dma_start3A_496 : memref<128xi32, #tpu.memory_space<vmem>>) semaphore(%arg11 : memref<!tpu.dma_semaphore, #tpu.memory_space<semaphore_mem>>)
        } else {
        }
        %jit3A_353 = arith.constant 3 : i32
        %eq3A_354 = arith.constant 0 : i32
        %eq3A_355 = arith.cmpi eq, %jit3A_353, %eq3A_354 : i32
        %jit3A_356 = arith.constant 1 : i32
        %select_n3A_357 = arith.select %eq3A_355, %jit3A_356, %jit3A_353 : i32
        %rem3A_358 = arith.remsi %while3A_294, %select_n3A_357 : i32
        %ne3A_359 = arith.constant 0 : i32
        %ne3A_360 = arith.cmpi ne, %rem3A_358, %ne3A_359 : i32
        %lt3A_361 = arith.constant 0 : i32
        %lt3A_362 = arith.cmpi slt, %rem3A_358, %lt3A_361 : i32
        %lt3A_363 = arith.constant 0 : i32
        %lt3A_364 = arith.cmpi slt, %select_n3A_357, %lt3A_363 : i32
        %ne3A_365 = arith.xori %lt3A_362, %lt3A_364 : i1
        %and3A_366 = arith.andi %ne3A_365, %ne3A_360 : i1
        %add3A_367 = arith.addi %rem3A_358, %select_n3A_357 : i32
        %select_n3A_368 = arith.select %and3A_366, %add3A_367, %rem3A_358 : i32
        %jit3A_369 = arith.constant 4 : i32
        %eq3A_370 = arith.constant 0 : i32
        %eq3A_371 = arith.cmpi eq, %jit3A_369, %eq3A_370 : i32
        %jit3A_372 = arith.constant 1 : i32
        %select_n3A_373 = arith.select %eq3A_371, %jit3A_372, %jit3A_369 : i32
        %rem3A_374 = arith.remsi %while3A_294, %select_n3A_373 : i32
        %ne3A_375 = arith.constant 0 : i32
        %ne3A_376 = arith.cmpi ne, %rem3A_374, %ne3A_375 : i32
        %lt3A_377 = arith.constant 0 : i32
        %lt3A_378 = arith.cmpi slt, %rem3A_374, %lt3A_377 : i32
        %lt3A_379 = arith.constant 0 : i32
        %lt3A_380 = arith.cmpi slt, %select_n3A_373, %lt3A_379 : i32
        %ne3A_381 = arith.xori %lt3A_378, %lt3A_380 : i1
        %and3A_382 = arith.andi %ne3A_381, %ne3A_376 : i1
        %add3A_383 = arith.addi %rem3A_374, %select_n3A_373 : i32
        %select_n3A_384 = arith.select %and3A_382, %add3A_383, %rem3A_374 : i32
        %dma_start3A_385 = arith.constant 0 : i32
        %dma_start3A_386 = arith.constant 0 : i32
        %dma_start3A_387 = tpu.memref_slice %arg9[%select_n3A_368, %dma_start3A_385, %dma_start3A_386] : memref<3x128x128xf32, #tpu.memory_space<vmem>> -> memref<1x128x128xf32, #tpu.memory_space<vmem>>
        %dma_start3A_388 = tpu.memref_squeeze %dma_start3A_387 : memref<1x128x128xf32, #tpu.memory_space<vmem>> -> memref<128x128xf32, #tpu.memory_space<vmem>>
        %dma_start3A_389 = arith.constant 0 : i32
        %dma_start3A_390 = tpu.memref_slice %arg8[%select_n3A_384, %dma_start3A_389] : memref<4x128xi32, #tpu.memory_space<vmem>> -> memref<1x128xi32, #tpu.memory_space<vmem>>
        %dma_start3A_391 = tpu.memref_squeeze %dma_start3A_390 : memref<1x128xi32, #tpu.memory_space<vmem>> -> memref<128xi32, #tpu.memory_space<vmem>>
        %dma_start3A_392 = arith.constant 0 : i32
        %dma_start3A_393 = arith.constant 0 : i32
        %dma_start3A_394 = tpu.memref_slice %arg13[%dma_start3A_392, %dma_start3A_393] : memref<10000x128xf32, #tpu.memory_space<vmem_shared>> -> memref<10000x128xf32, #tpu.memory_space<vmem_shared>>
        tpu.enqueue_indirect_dma source(%dma_start3A_388 : memref<128x128xf32, #tpu.memory_space<vmem>>) target(%dma_start3A_394 : memref<10000x128xf32, #tpu.memory_space<vmem_shared>>) offsets(%dma_start3A_391 : memref<128xi32, #tpu.memory_space<vmem>>) semaphore(%arg12 : memref<!tpu.dma_semaphore, #tpu.memory_space<semaphore_mem>>) {add = true}
      }
      %while3A_255 = arith.constant 1 : i32
      scf.for %while3A_294 = %while3A_253 to %while3A_249 step %while3A_255  : i32 {
        %jit3A_295 = arith.constant 4 : i32
        %eq3A_296 = arith.constant 0 : i32
        %eq3A_297 = arith.cmpi eq, %jit3A_295, %eq3A_296 : i32
        %jit3A_298 = arith.constant 1 : i32
        %select_n3A_299 = arith.select %eq3A_297, %jit3A_298, %jit3A_295 : i32
        %rem3A_300 = arith.remsi %while3A_294, %select_n3A_299 : i32
        %ne3A_301 = arith.constant 0 : i32
        %ne3A_302 = arith.cmpi ne, %rem3A_300, %ne3A_301 : i32
        %lt3A_303 = arith.constant 0 : i32
        %lt3A_304 = arith.cmpi slt, %rem3A_300, %lt3A_303 : i32
        %lt3A_305 = arith.constant 0 : i32
        %lt3A_306 = arith.cmpi slt, %select_n3A_299, %lt3A_305 : i32
        %ne3A_307 = arith.xori %lt3A_304, %lt3A_306 : i1
        %and3A_308 = arith.andi %ne3A_307, %ne3A_302 : i1
        %add3A_309 = arith.addi %rem3A_300, %select_n3A_299 : i32
        %select_n3A_310 = arith.select %and3A_308, %add3A_309, %rem3A_300 : i32
        %jit3A_311 = arith.constant 3 : i32
        %eq3A_312 = arith.constant 0 : i32
        %eq3A_313 = arith.cmpi eq, %jit3A_311, %eq3A_312 : i32
        %jit3A_314 = arith.constant 1 : i32
        %select_n3A_315 = arith.select %eq3A_313, %jit3A_314, %jit3A_311 : i32
        %rem3A_316 = arith.remsi %while3A_294, %select_n3A_315 : i32
        %ne3A_317 = arith.constant 0 : i32
        %ne3A_318 = arith.cmpi ne, %rem3A_316, %ne3A_317 : i32
        %lt3A_319 = arith.constant 0 : i32
        %lt3A_320 = arith.cmpi slt, %rem3A_316, %lt3A_319 : i32
        %lt3A_321 = arith.constant 0 : i32
        %lt3A_322 = arith.cmpi slt, %select_n3A_315, %lt3A_321 : i32
        %ne3A_323 = arith.xori %lt3A_320, %lt3A_322 : i1
        %and3A_324 = arith.andi %ne3A_323, %ne3A_318 : i1
        %add3A_325 = arith.addi %rem3A_316, %select_n3A_315 : i32
        %select_n3A_326 = arith.select %and3A_324, %add3A_325, %rem3A_316 : i32
        %dma_wait3A_327 = arith.constant 0 : i32
        %dma_wait3A_328 = arith.constant 0 : i32
        %dma_wait3A_329 = tpu.memref_slice %arg9[%select_n3A_326, %dma_wait3A_327, %dma_wait3A_328] : memref<3x128x128xf32, #tpu.memory_space<vmem>> -> memref<1x128x128xf32, #tpu.memory_space<vmem>>
        %dma_wait3A_330 = tpu.memref_squeeze %dma_wait3A_329 : memref<1x128x128xf32, #tpu.memory_space<vmem>> -> memref<128x128xf32, #tpu.memory_space<vmem>>
        %dma_wait3A_331 = arith.constant 0 : i32
        %dma_wait3A_332 = tpu.memref_slice %arg7[%select_n3A_310, %dma_wait3A_331] : memref<4x128xi32, #tpu.memory_space<vmem>> -> memref<1x128xi32, #tpu.memory_space<vmem>>
        %dma_wait3A_333 = tpu.memref_squeeze %dma_wait3A_332 : memref<1x128xi32, #tpu.memory_space<vmem>> -> memref<128xi32, #tpu.memory_space<vmem>>
        %dma_wait3A_334 = arith.constant 0 : i32
        %dma_wait3A_335 = arith.constant 0 : i32
        %dma_wait3A_336 = tpu.memref_slice %arg3[%dma_wait3A_334, %dma_wait3A_335] : memref<10000x128xf32, #tpu.memory_space<hbm>> -> memref<10000x128xf32, #tpu.memory_space<hbm>>
        tpu.wait_indirect_dma semaphore(%arg11 : memref<!tpu.dma_semaphore, #tpu.memory_space<semaphore_mem>>) src(%dma_wait3A_336 : memref<10000x128xf32, #tpu.memory_space<hbm>>) dst(%dma_wait3A_330 : memref<128x128xf32, #tpu.memory_space<vmem>>)
        %ge3A = arith.constant 1 : i32
        %ge3A_337 = arith.cmpi sge, %while3A_294, %ge3A : i32
        %convert_element_type3A_338 = arith.extui %ge3A_337 : i1 to i32
        %cond3A_339 = arith.constant 0 : i32
        %cond3A_340 = arith.cmpi ne, %convert_element_type3A_338, %cond3A_339 : i32
        scf.if %cond3A_340 {
          %sub3A_395 = arith.constant 1 : i32
          %sub3A_396 = arith.subi %while3A_294, %sub3A_395 : i32
          %jit3A_397 = arith.constant 3 : i32
          %eq3A_398 = arith.constant 0 : i32
          %eq3A_399 = arith.cmpi eq, %jit3A_397, %eq3A_398 : i32
          %jit3A_400 = arith.constant 1 : i32
          %select_n3A_401 = arith.select %eq3A_399, %jit3A_400, %jit3A_397 : i32
          %rem3A_402 = arith.remsi %sub3A_396, %select_n3A_401 : i32
          %ne3A_403 = arith.constant 0 : i32
          %ne3A_404 = arith.cmpi ne, %rem3A_402, %ne3A_403 : i32
          %lt3A_405 = arith.constant 0 : i32
          %lt3A_406 = arith.cmpi slt, %rem3A_402, %lt3A_405 : i32
          %lt3A_407 = arith.constant 0 : i32
          %lt3A_408 = arith.cmpi slt, %select_n3A_401, %lt3A_407 : i32
          %ne3A_409 = arith.xori %lt3A_406, %lt3A_408 : i1
          %and3A_410 = arith.andi %ne3A_409, %ne3A_404 : i1
          %add3A_411 = arith.addi %rem3A_402, %select_n3A_401 : i32
          %select_n3A_412 = arith.select %and3A_410, %add3A_411, %rem3A_402 : i32
          %jit3A_413 = arith.constant 4 : i32
          %eq3A_414 = arith.constant 0 : i32
          %eq3A_415 = arith.cmpi eq, %jit3A_413, %eq3A_414 : i32
          %jit3A_416 = arith.constant 1 : i32
          %select_n3A_417 = arith.select %eq3A_415, %jit3A_416, %jit3A_413 : i32
          %rem3A_418 = arith.remsi %sub3A_396, %select_n3A_417 : i32
          %ne3A_419 = arith.constant 0 : i32
          %ne3A_420 = arith.cmpi ne, %rem3A_418, %ne3A_419 : i32
          %lt3A_421 = arith.constant 0 : i32
          %lt3A_422 = arith.cmpi slt, %rem3A_418, %lt3A_421 : i32
          %lt3A_423 = arith.constant 0 : i32
          %lt3A_424 = arith.cmpi slt, %select_n3A_417, %lt3A_423 : i32
          %ne3A_425 = arith.xori %lt3A_422, %lt3A_424 : i1
          %and3A_426 = arith.andi %ne3A_425, %ne3A_420 : i1
          %add3A_427 = arith.addi %rem3A_418, %select_n3A_417 : i32
          %select_n3A_428 = arith.select %and3A_426, %add3A_427, %rem3A_418 : i32
          %dma_wait3A_429 = arith.constant 0 : i32
          %dma_wait3A_430 = arith.constant 0 : i32
          %dma_wait3A_431 = tpu.memref_slice %arg9[%select_n3A_412, %dma_wait3A_429, %dma_wait3A_430] : memref<3x128x128xf32, #tpu.memory_space<vmem>> -> memref<1x128x128xf32, #tpu.memory_space<vmem>>
          %dma_wait3A_432 = tpu.memref_squeeze %dma_wait3A_431 : memref<1x128x128xf32, #tpu.memory_space<vmem>> -> memref<128x128xf32, #tpu.memory_space<vmem>>
          %dma_wait3A_433 = arith.constant 0 : i32
          %dma_wait3A_434 = tpu.memref_slice %arg8[%select_n3A_428, %dma_wait3A_433] : memref<4x128xi32, #tpu.memory_space<vmem>> -> memref<1x128xi32, #tpu.memory_space<vmem>>
          %dma_wait3A_435 = tpu.memref_squeeze %dma_wait3A_434 : memref<1x128xi32, #tpu.memory_space<vmem>> -> memref<128xi32, #tpu.memory_space<vmem>>
          %dma_wait3A_436 = arith.constant 0 : i32
          %dma_wait3A_437 = arith.constant 0 : i32
          %dma_wait3A_438 = tpu.memref_slice %arg13[%dma_wait3A_436, %dma_wait3A_437] : memref<10000x128xf32, #tpu.memory_space<vmem_shared>> -> memref<10000x128xf32, #tpu.memory_space<vmem_shared>>
          tpu.wait_indirect_dma semaphore(%arg12 : memref<!tpu.dma_semaphore, #tpu.memory_space<semaphore_mem>>) src(%dma_wait3A_432 : memref<128x128xf32, #tpu.memory_space<vmem>>) dst(%dma_wait3A_438 : memref<10000x128xf32, #tpu.memory_space<vmem_shared>>)
        } else {
        }
        %add3A_341 = arith.constant 3 : i32
        %add3A_342 = arith.addi %while3A_294, %add3A_341 : i32
        %lt3A_343 = arith.cmpi slt, %add3A_342, %add3A_1 : i32
        %convert_element_type3A_344 = arith.extui %lt3A_343 : i1 to i32
        %cond3A_345 = arith.constant 0 : i32
        %cond3A_346 = arith.cmpi ne, %convert_element_type3A_344, %cond3A_345 : i32
        scf.if %cond3A_346 {
          %add3A_395 = arith.constant 3 : i32
          %add3A_396 = arith.addi %while3A_294, %add3A_395 : i32
          %mul3A_397 = arith.constant 16 : i32
          %mul3A_398 = arith.muli %mul3A_397, %add3A_396 : i32
          %add3A_399 = arith.addi %arg1, %mul3A_398 : i32
          %mul3A_400 = arith.constant 128 : i32
          %mul3A_401 = arith.muli %add3A_399, %mul3A_400 : i32
          %jit3A_402 = arith.constant 4 : i32
          %eq3A_403 = arith.constant 0 : i32
          %eq3A_404 = arith.cmpi eq, %jit3A_402, %eq3A_403 : i32
          %jit3A_405 = arith.constant 1 : i32
          %select_n3A_406 = arith.select %eq3A_404, %jit3A_405, %jit3A_402 : i32
          %rem3A_407 = arith.remsi %add3A_396, %select_n3A_406 : i32
          %ne3A_408 = arith.constant 0 : i32
          %ne3A_409 = arith.cmpi ne, %rem3A_407, %ne3A_408 : i32
          %lt3A_410 = arith.constant 0 : i32
          %lt3A_411 = arith.cmpi slt, %rem3A_407, %lt3A_410 : i32
          %lt3A_412 = arith.constant 0 : i32
          %lt3A_413 = arith.cmpi slt, %select_n3A_406, %lt3A_412 : i32
          %ne3A_414 = arith.xori %lt3A_411, %lt3A_413 : i1
          %and3A_415 = arith.andi %ne3A_414, %ne3A_409 : i1
          %add3A_416 = arith.addi %rem3A_407, %select_n3A_406 : i32
          %select_n3A_417 = arith.select %and3A_415, %add3A_416, %rem3A_407 : i32
          %dma_start3A_418 = arith.constant 1 : i32
          %dma_start3A_419 = arith.constant 0 : i32
          %dma_start3A_420 = tpu.memref_slice %arg7[%select_n3A_417, %dma_start3A_419] : memref<4x128xi32, #tpu.memory_space<vmem>> -> memref<1x128xi32, #tpu.memory_space<vmem>>
          %dma_start3A_421 = tpu.memref_squeeze %dma_start3A_420 : memref<1x128xi32, #tpu.memory_space<vmem>> -> memref<128xi32, #tpu.memory_space<vmem>>
          %dma_start3A_422 = tpu.memref_slice %arg4[%dma_start3A_418, %mul3A_401] : memref<2x160000xi32, #tpu.memory_space<hbm>> -> memref<1x128xi32, #tpu.memory_space<hbm>>
          %dma_start3A_423 = tpu.memref_squeeze %dma_start3A_422 : memref<1x128xi32, #tpu.memory_space<hbm>> -> memref<128xi32, #tpu.memory_space<hbm>>
          %dma_start3A_424 = arith.constant 0 : i32
          %dma_start3A_425 = tpu.memref_slice %arg7[%select_n3A_417, %dma_start3A_424] : memref<4x128xi32, #tpu.memory_space<vmem>> -> memref<1x128xi32, #tpu.memory_space<vmem>>
          %dma_start3A_426 = tpu.memref_squeeze %dma_start3A_425 : memref<1x128xi32, #tpu.memory_space<vmem>> -> memref<128xi32, #tpu.memory_space<vmem>>
          %dma_start3A_427 = tpu.memref_slice %arg4[%dma_start3A_418, %mul3A_401] : memref<2x160000xi32, #tpu.memory_space<hbm>> -> memref<1x128xi32, #tpu.memory_space<hbm>>
          %dma_start3A_428 = tpu.memref_squeeze %dma_start3A_427 : memref<1x128xi32, #tpu.memory_space<hbm>> -> memref<128xi32, #tpu.memory_space<hbm>>
          tpu.enqueue_dma source(%dma_start3A_428 : memref<128xi32, #tpu.memory_space<hbm>>) target(%dma_start3A_426 : memref<128xi32, #tpu.memory_space<vmem>>) target_semaphore(%arg10 : memref<!tpu.dma_semaphore, #tpu.memory_space<semaphore_mem>>)
          %jit3A_429 = arith.constant 4 : i32
          %eq3A_430 = arith.constant 0 : i32
          %eq3A_431 = arith.cmpi eq, %jit3A_429, %eq3A_430 : i32
          %jit3A_432 = arith.constant 1 : i32
          %select_n3A_433 = arith.select %eq3A_431, %jit3A_432, %jit3A_429 : i32
          %rem3A_434 = arith.remsi %add3A_396, %select_n3A_433 : i32
          %ne3A_435 = arith.constant 0 : i32
          %ne3A_436 = arith.cmpi ne, %rem3A_434, %ne3A_435 : i32
          %lt3A_437 = arith.constant 0 : i32
          %lt3A_438 = arith.cmpi slt, %rem3A_434, %lt3A_437 : i32
          %lt3A_439 = arith.constant 0 : i32
          %lt3A_440 = arith.cmpi slt, %select_n3A_433, %lt3A_439 : i32
          %ne3A_441 = arith.xori %lt3A_438, %lt3A_440 : i1
          %and3A_442 = arith.andi %ne3A_441, %ne3A_436 : i1
          %add3A_443 = arith.addi %rem3A_434, %select_n3A_433 : i32
          %select_n3A_444 = arith.select %and3A_442, %add3A_443, %rem3A_434 : i32
          %dma_start3A_445 = arith.constant 0 : i32
          %dma_start3A_446 = arith.constant 0 : i32
          %dma_start3A_447 = tpu.memref_slice %arg8[%select_n3A_444, %dma_start3A_446] : memref<4x128xi32, #tpu.memory_space<vmem>> -> memref<1x128xi32, #tpu.memory_space<vmem>>
          %dma_start3A_448 = tpu.memref_squeeze %dma_start3A_447 : memref<1x128xi32, #tpu.memory_space<vmem>> -> memref<128xi32, #tpu.memory_space<vmem>>
          %dma_start3A_449 = tpu.memref_slice %arg4[%dma_start3A_445, %mul3A_401] : memref<2x160000xi32, #tpu.memory_space<hbm>> -> memref<1x128xi32, #tpu.memory_space<hbm>>
          %dma_start3A_450 = tpu.memref_squeeze %dma_start3A_449 : memref<1x128xi32, #tpu.memory_space<hbm>> -> memref<128xi32, #tpu.memory_space<hbm>>
          %dma_start3A_451 = arith.constant 0 : i32
          %dma_start3A_452 = tpu.memref_slice %arg8[%select_n3A_444, %dma_start3A_451] : memref<4x128xi32, #tpu.memory_space<vmem>> -> memref<1x128xi32, #tpu.memory_space<vmem>>
          %dma_start3A_453 = tpu.memref_squeeze %dma_start3A_452 : memref<1x128xi32, #tpu.memory_space<vmem>> -> memref<128xi32, #tpu.memory_space<vmem>>
          %dma_start3A_454 = tpu.memref_slice %arg4[%dma_start3A_445, %mul3A_401] : memref<2x160000xi32, #tpu.memory_space<hbm>> -> memref<1x128xi32, #tpu.memory_space<hbm>>
          %dma_start3A_455 = tpu.memref_squeeze %dma_start3A_454 : memref<1x128xi32, #tpu.memory_space<hbm>> -> memref<128xi32, #tpu.memory_space<hbm>>
          tpu.enqueue_dma source(%dma_start3A_455 : memref<128xi32, #tpu.memory_space<hbm>>) target(%dma_start3A_453 : memref<128xi32, #tpu.memory_space<vmem>>) target_semaphore(%arg10 : memref<!tpu.dma_semaphore, #tpu.memory_space<semaphore_mem>>)
        } else {
        }
        %add3A_347 = arith.constant 2 : i32
        %add3A_348 = arith.addi %while3A_294, %add3A_347 : i32
        %lt3A_349 = arith.cmpi slt, %add3A_348, %add3A_1 : i32
        %convert_element_type3A_350 = arith.extui %lt3A_349 : i1 to i32
        %cond3A_351 = arith.constant 0 : i32
        %cond3A_352 = arith.cmpi ne, %convert_element_type3A_350, %cond3A_351 : i32
        scf.if %cond3A_352 {
          %add3A_395 = arith.constant 2 : i32
          %add3A_396 = arith.addi %while3A_294, %add3A_395 : i32
          %mul3A_397 = arith.constant 16 : i32
          %mul3A_398 = arith.muli %mul3A_397, %add3A_396 : i32
          %add3A_399 = arith.addi %arg1, %mul3A_398 : i32
          %mul3A_400 = arith.constant 128 : i32
          %mul3A_401 = arith.muli %add3A_399, %mul3A_400 : i32
          %jit3A_402 = arith.constant 4 : i32
          %eq3A_403 = arith.constant 0 : i32
          %eq3A_404 = arith.cmpi eq, %jit3A_402, %eq3A_403 : i32
          %jit3A_405 = arith.constant 1 : i32
          %select_n3A_406 = arith.select %eq3A_404, %jit3A_405, %jit3A_402 : i32
          %rem3A_407 = arith.remsi %add3A_396, %select_n3A_406 : i32
          %ne3A_408 = arith.constant 0 : i32
          %ne3A_409 = arith.cmpi ne, %rem3A_407, %ne3A_408 : i32
          %lt3A_410 = arith.constant 0 : i32
          %lt3A_411 = arith.cmpi slt, %rem3A_407, %lt3A_410 : i32
          %lt3A_412 = arith.constant 0 : i32
          %lt3A_413 = arith.cmpi slt, %select_n3A_406, %lt3A_412 : i32
          %ne3A_414 = arith.xori %lt3A_411, %lt3A_413 : i1
          %and3A_415 = arith.andi %ne3A_414, %ne3A_409 : i1
          %add3A_416 = arith.addi %rem3A_407, %select_n3A_406 : i32
          %select_n3A_417 = arith.select %and3A_415, %add3A_416, %rem3A_407 : i32
          %dma_wait3A_418 = arith.constant 1 : i32
          %dma_wait3A_419 = arith.constant 0 : i32
          %dma_wait3A_420 = tpu.memref_slice %arg7[%select_n3A_417, %dma_wait3A_419] : memref<4x128xi32, #tpu.memory_space<vmem>> -> memref<1x128xi32, #tpu.memory_space<vmem>>
          %dma_wait3A_421 = tpu.memref_squeeze %dma_wait3A_420 : memref<1x128xi32, #tpu.memory_space<vmem>> -> memref<128xi32, #tpu.memory_space<vmem>>
          %dma_wait3A_422 = tpu.memref_slice %arg4[%dma_wait3A_418, %mul3A_401] : memref<2x160000xi32, #tpu.memory_space<hbm>> -> memref<1x128xi32, #tpu.memory_space<hbm>>
          %dma_wait3A_423 = tpu.memref_squeeze %dma_wait3A_422 : memref<1x128xi32, #tpu.memory_space<hbm>> -> memref<128xi32, #tpu.memory_space<hbm>>
          %dma_wait3A_424 = arith.constant 0 : i32
          %dma_wait3A_425 = tpu.memref_slice %arg7[%select_n3A_417, %dma_wait3A_424] : memref<4x128xi32, #tpu.memory_space<vmem>> -> memref<1x128xi32, #tpu.memory_space<vmem>>
          %dma_wait3A_426 = tpu.memref_squeeze %dma_wait3A_425 : memref<1x128xi32, #tpu.memory_space<vmem>> -> memref<128xi32, #tpu.memory_space<vmem>>
          %dma_wait3A_427 = tpu.memref_slice %arg4[%dma_wait3A_418, %mul3A_401] : memref<2x160000xi32, #tpu.memory_space<hbm>> -> memref<1x128xi32, #tpu.memory_space<hbm>>
          %dma_wait3A_428 = tpu.memref_squeeze %dma_wait3A_427 : memref<1x128xi32, #tpu.memory_space<hbm>> -> memref<128xi32, #tpu.memory_space<hbm>>
          tpu.wait_dma2 semaphore(%arg10 : memref<!tpu.dma_semaphore, #tpu.memory_space<semaphore_mem>>) src(%dma_wait3A_428 : memref<128xi32, #tpu.memory_space<hbm>>) dst(%dma_wait3A_426 : memref<128xi32, #tpu.memory_space<vmem>>)
          %jit3A_429 = arith.constant 4 : i32
          %eq3A_430 = arith.constant 0 : i32
          %eq3A_431 = arith.cmpi eq, %jit3A_429, %eq3A_430 : i32
          %jit3A_432 = arith.constant 1 : i32
          %select_n3A_433 = arith.select %eq3A_431, %jit3A_432, %jit3A_429 : i32
          %rem3A_434 = arith.remsi %add3A_396, %select_n3A_433 : i32
          %ne3A_435 = arith.constant 0 : i32
          %ne3A_436 = arith.cmpi ne, %rem3A_434, %ne3A_435 : i32
          %lt3A_437 = arith.constant 0 : i32
          %lt3A_438 = arith.cmpi slt, %rem3A_434, %lt3A_437 : i32
          %lt3A_439 = arith.constant 0 : i32
          %lt3A_440 = arith.cmpi slt, %select_n3A_433, %lt3A_439 : i32
          %ne3A_441 = arith.xori %lt3A_438, %lt3A_440 : i1
          %and3A_442 = arith.andi %ne3A_441, %ne3A_436 : i1
          %add3A_443 = arith.addi %rem3A_434, %select_n3A_433 : i32
          %select_n3A_444 = arith.select %and3A_442, %add3A_443, %rem3A_434 : i32
          %dma_wait3A_445 = arith.constant 0 : i32
          %dma_wait3A_446 = arith.constant 0 : i32
          %dma_wait3A_447 = tpu.memref_slice %arg8[%select_n3A_444, %dma_wait3A_446] : memref<4x128xi32, #tpu.memory_space<vmem>> -> memref<1x128xi32, #tpu.memory_space<vmem>>
          %dma_wait3A_448 = tpu.memref_squeeze %dma_wait3A_447 : memref<1x128xi32, #tpu.memory_space<vmem>> -> memref<128xi32, #tpu.memory_space<vmem>>
          %dma_wait3A_449 = tpu.memref_slice %arg4[%dma_wait3A_445, %mul3A_401] : memref<2x160000xi32, #tpu.memory_space<hbm>> -> memref<1x128xi32, #tpu.memory_space<hbm>>
          %dma_wait3A_450 = tpu.memref_squeeze %dma_wait3A_449 : memref<1x128xi32, #tpu.memory_space<hbm>> -> memref<128xi32, #tpu.memory_space<hbm>>
          %dma_wait3A_451 = arith.constant 0 : i32
          %dma_wait3A_452 = tpu.memref_slice %arg8[%select_n3A_444, %dma_wait3A_451] : memref<4x128xi32, #tpu.memory_space<vmem>> -> memref<1x128xi32, #tpu.memory_space<vmem>>
          %dma_wait3A_453 = tpu.memref_squeeze %dma_wait3A_452 : memref<1x128xi32, #tpu.memory_space<vmem>> -> memref<128xi32, #tpu.memory_space<vmem>>
          %dma_wait3A_454 = tpu.memref_slice %arg4[%dma_wait3A_445, %mul3A_401] : memref<2x160000xi32, #tpu.memory_space<hbm>> -> memref<1x128xi32, #tpu.memory_space<hbm>>
          %dma_wait3A_455 = tpu.memref_squeeze %dma_wait3A_454 : memref<1x128xi32, #tpu.memory_space<hbm>> -> memref<128xi32, #tpu.memory_space<hbm>>
          tpu.wait_dma2 semaphore(%arg10 : memref<!tpu.dma_semaphore, #tpu.memory_space<semaphore_mem>>) src(%dma_wait3A_455 : memref<128xi32, #tpu.memory_space<hbm>>) dst(%dma_wait3A_453 : memref<128xi32, #tpu.memory_space<vmem>>)
          %add3A_456 = arith.constant 2 : i32
          %add3A_457 = arith.addi %while3A_294, %add3A_456 : i32
          %jit3A_458 = arith.constant 4 : i32
          %eq3A_459 = arith.constant 0 : i32
          %eq3A_460 = arith.cmpi eq, %jit3A_458, %eq3A_459 : i32
          %jit3A_461 = arith.constant 1 : i32
          %select_n3A_462 = arith.select %eq3A_460, %jit3A_461, %jit3A_458 : i32
          %rem3A_463 = arith.remsi %add3A_457, %select_n3A_462 : i32
          %ne3A_464 = arith.constant 0 : i32
          %ne3A_465 = arith.cmpi ne, %rem3A_463, %ne3A_464 : i32
          %lt3A_466 = arith.constant 0 : i32
          %lt3A_467 = arith.cmpi slt, %rem3A_463, %lt3A_466 : i32
          %lt3A_468 = arith.constant 0 : i32
          %lt3A_469 = arith.cmpi slt, %select_n3A_462, %lt3A_468 : i32
          %ne3A_470 = arith.xori %lt3A_467, %lt3A_469 : i1
          %and3A_471 = arith.andi %ne3A_470, %ne3A_465 : i1
          %add3A_472 = arith.addi %rem3A_463, %select_n3A_462 : i32
          %select_n3A_473 = arith.select %and3A_471, %add3A_472, %rem3A_463 : i32
          %jit3A_474 = arith.constant 3 : i32
          %eq3A_475 = arith.constant 0 : i32
          %eq3A_476 = arith.cmpi eq, %jit3A_474, %eq3A_475 : i32
          %jit3A_477 = arith.constant 1 : i32
          %select_n3A_478 = arith.select %eq3A_476, %jit3A_477, %jit3A_474 : i32
          %rem3A_479 = arith.remsi %add3A_457, %select_n3A_478 : i32
          %ne3A_480 = arith.constant 0 : i32
          %ne3A_481 = arith.cmpi ne, %rem3A_479, %ne3A_480 : i32
          %lt3A_482 = arith.constant 0 : i32
          %lt3A_483 = arith.cmpi slt, %rem3A_479, %lt3A_482 : i32
          %lt3A_484 = arith.constant 0 : i32
          %lt3A_485 = arith.cmpi slt, %select_n3A_478, %lt3A_484 : i32
          %ne3A_486 = arith.xori %lt3A_483, %lt3A_485 : i1
          %and3A_487 = arith.andi %ne3A_486, %ne3A_481 : i1
          %add3A_488 = arith.addi %rem3A_479, %select_n3A_478 : i32
          %select_n3A_489 = arith.select %and3A_487, %add3A_488, %rem3A_479 : i32
          %dma_start3A_490 = arith.constant 0 : i32
          %dma_start3A_491 = arith.constant 0 : i32
          %dma_start3A_492 = tpu.memref_slice %arg9[%select_n3A_489, %dma_start3A_490, %dma_start3A_491] : memref<3x128x128xf32, #tpu.memory_space<vmem>> -> memref<1x128x128xf32, #tpu.memory_space<vmem>>
          %dma_start3A_493 = tpu.memref_squeeze %dma_start3A_492 : memref<1x128x128xf32, #tpu.memory_space<vmem>> -> memref<128x128xf32, #tpu.memory_space<vmem>>
          %dma_start3A_494 = arith.constant 0 : i32
          %dma_start3A_495 = tpu.memref_slice %arg7[%select_n3A_473, %dma_start3A_494] : memref<4x128xi32, #tpu.memory_space<vmem>> -> memref<1x128xi32, #tpu.memory_space<vmem>>
          %dma_start3A_496 = tpu.memref_squeeze %dma_start3A_495 : memref<1x128xi32, #tpu.memory_space<vmem>> -> memref<128xi32, #tpu.memory_space<vmem>>
          %dma_start3A_497 = arith.constant 0 : i32
          %dma_start3A_498 = arith.constant 0 : i32
          %dma_start3A_499 = tpu.memref_slice %arg3[%dma_start3A_497, %dma_start3A_498] : memref<10000x128xf32, #tpu.memory_space<hbm>> -> memref<10000x128xf32, #tpu.memory_space<hbm>>
          tpu.enqueue_indirect_dma source(%dma_start3A_499 : memref<10000x128xf32, #tpu.memory_space<hbm>>) target(%dma_start3A_493 : memref<128x128xf32, #tpu.memory_space<vmem>>) offsets(%dma_start3A_496 : memref<128xi32, #tpu.memory_space<vmem>>) semaphore(%arg11 : memref<!tpu.dma_semaphore, #tpu.memory_space<semaphore_mem>>)
        } else {
        }
        %jit3A_353 = arith.constant 3 : i32
        %eq3A_354 = arith.constant 0 : i32
        %eq3A_355 = arith.cmpi eq, %jit3A_353, %eq3A_354 : i32
        %jit3A_356 = arith.constant 1 : i32
        %select_n3A_357 = arith.select %eq3A_355, %jit3A_356, %jit3A_353 : i32
        %rem3A_358 = arith.remsi %while3A_294, %select_n3A_357 : i32
        %ne3A_359 = arith.constant 0 : i32
        %ne3A_360 = arith.cmpi ne, %rem3A_358, %ne3A_359 : i32
        %lt3A_361 = arith.constant 0 : i32
        %lt3A_362 = arith.cmpi slt, %rem3A_358, %lt3A_361 : i32
        %lt3A_363 = arith.constant 0 : i32
        %lt3A_364 = arith.cmpi slt, %select_n3A_357, %lt3A_363 : i32
        %ne3A_365 = arith.xori %lt3A_362, %lt3A_364 : i1
        %and3A_366 = arith.andi %ne3A_365, %ne3A_360 : i1
        %add3A_367 = arith.addi %rem3A_358, %select_n3A_357 : i32
        %select_n3A_368 = arith.select %and3A_366, %add3A_367, %rem3A_358 : i32
        %jit3A_369 = arith.constant 4 : i32
        %eq3A_370 = arith.constant 0 : i32
        %eq3A_371 = arith.cmpi eq, %jit3A_369, %eq3A_370 : i32
        %jit3A_372 = arith.constant 1 : i32
        %select_n3A_373 = arith.select %eq3A_371, %jit3A_372, %jit3A_369 : i32
        %rem3A_374 = arith.remsi %while3A_294, %select_n3A_373 : i32
        %ne3A_375 = arith.constant 0 : i32
        %ne3A_376 = arith.cmpi ne, %rem3A_374, %ne3A_375 : i32
        %lt3A_377 = arith.constant 0 : i32
        %lt3A_378 = arith.cmpi slt, %rem3A_374, %lt3A_377 : i32
        %lt3A_379 = arith.constant 0 : i32
        %lt3A_380 = arith.cmpi slt, %select_n3A_373, %lt3A_379 : i32
        %ne3A_381 = arith.xori %lt3A_378, %lt3A_380 : i1
        %and3A_382 = arith.andi %ne3A_381, %ne3A_376 : i1
        %add3A_383 = arith.addi %rem3A_374, %select_n3A_373 : i32
        %select_n3A_384 = arith.select %and3A_382, %add3A_383, %rem3A_374 : i32
        %dma_start3A_385 = arith.constant 0 : i32
        %dma_start3A_386 = arith.constant 0 : i32
        %dma_start3A_387 = tpu.memref_slice %arg9[%select_n3A_368, %dma_start3A_385, %dma_start3A_386] : memref<3x128x128xf32, #tpu.memory_space<vmem>> -> memref<1x128x128xf32, #tpu.memory_space<vmem>>
        %dma_start3A_388 = tpu.memref_squeeze %dma_start3A_387 : memref<1x128x128xf32, #tpu.memory_space<vmem>> -> memref<128x128xf32, #tpu.memory_space<vmem>>
        %dma_start3A_389 = arith.constant 0 : i32
        %dma_start3A_390 = tpu.memref_slice %arg8[%select_n3A_384, %dma_start3A_389] : memref<4x128xi32, #tpu.memory_space<vmem>> -> memref<1x128xi32, #tpu.memory_space<vmem>>
        %dma_start3A_391 = tpu.memref_squeeze %dma_start3A_390 : memref<1x128xi32, #tpu.memory_space<vmem>> -> memref<128xi32, #tpu.memory_space<vmem>>
        %dma_start3A_392 = arith.constant 0 : i32
        %dma_start3A_393 = arith.constant 0 : i32
        %dma_start3A_394 = tpu.memref_slice %arg13[%dma_start3A_392, %dma_start3A_393] : memref<10000x128xf32, #tpu.memory_space<vmem_shared>> -> memref<10000x128xf32, #tpu.memory_space<vmem_shared>>
        tpu.enqueue_indirect_dma source(%dma_start3A_388 : memref<128x128xf32, #tpu.memory_space<vmem>>) target(%dma_start3A_394 : memref<10000x128xf32, #tpu.memory_space<vmem_shared>>) offsets(%dma_start3A_391 : memref<128xi32, #tpu.memory_space<vmem>>) semaphore(%arg12 : memref<!tpu.dma_semaphore, #tpu.memory_space<semaphore_mem>>) {add = true}
      }
      %sub3A = arith.constant 1 : i32
      %sub3A_256 = arith.subi %add3A_1, %sub3A : i32
      %jit3A = arith.constant 3 : i32
      %eq3A_257 = arith.constant 0 : i32
      %eq3A_258 = arith.cmpi eq, %jit3A, %eq3A_257 : i32
      %jit3A_259 = arith.constant 1 : i32
      %select_n3A = arith.select %eq3A_258, %jit3A_259, %jit3A : i32
      %rem3A = arith.remsi %sub3A_256, %select_n3A : i32
      %ne3A = arith.constant 0 : i32
      %ne3A_260 = arith.cmpi ne, %rem3A, %ne3A : i32
      %lt3A_261 = arith.constant 0 : i32
      %lt3A_262 = arith.cmpi slt, %rem3A, %lt3A_261 : i32
      %lt3A_263 = arith.constant 0 : i32
      %lt3A_264 = arith.cmpi slt, %select_n3A, %lt3A_263 : i32
      %ne3A_265 = arith.xori %lt3A_262, %lt3A_264 : i1
      %and3A = arith.andi %ne3A_265, %ne3A_260 : i1
      %add3A_266 = arith.addi %rem3A, %select_n3A : i32
      %select_n3A_267 = arith.select %and3A, %add3A_266, %rem3A : i32
      %jit3A_268 = arith.constant 4 : i32
      %eq3A_269 = arith.constant 0 : i32
      %eq3A_270 = arith.cmpi eq, %jit3A_268, %eq3A_269 : i32
      %jit3A_271 = arith.constant 1 : i32
      %select_n3A_272 = arith.select %eq3A_270, %jit3A_271, %jit3A_268 : i32
      %rem3A_273 = arith.remsi %sub3A_256, %select_n3A_272 : i32
      %ne3A_274 = arith.constant 0 : i32
      %ne3A_275 = arith.cmpi ne, %rem3A_273, %ne3A_274 : i32
      %lt3A_276 = arith.constant 0 : i32
      %lt3A_277 = arith.cmpi slt, %rem3A_273, %lt3A_276 : i32
      %lt3A_278 = arith.constant 0 : i32
      %lt3A_279 = arith.cmpi slt, %select_n3A_272, %lt3A_278 : i32
      %ne3A_280 = arith.xori %lt3A_277, %lt3A_279 : i1
      %and3A_281 = arith.andi %ne3A_280, %ne3A_275 : i1
      %add3A_282 = arith.addi %rem3A_273, %select_n3A_272 : i32
      %select_n3A_283 = arith.select %and3A_281, %add3A_282, %rem3A_273 : i32
      %dma_wait3A_284 = arith.constant 0 : i32
      %dma_wait3A_285 = arith.constant 0 : i32
      %dma_wait3A_286 = tpu.memref_slice %arg9[%select_n3A_267, %dma_wait3A_284, %dma_wait3A_285] : memref<3x128x128xf32, #tpu.memory_space<vmem>> -> memref<1x128x128xf32, #tpu.memory_space<vmem>>
      %dma_wait3A_287 = tpu.memref_squeeze %dma_wait3A_286 : memref<1x128x128xf32, #tpu.memory_space<vmem>> -> memref<128x128xf32, #tpu.memory_space<vmem>>
      %dma_wait3A_288 = arith.constant 0 : i32
      %dma_wait3A_289 = tpu.memref_slice %arg8[%select_n3A_283, %dma_wait3A_288] : memref<4x128xi32, #tpu.memory_space<vmem>> -> memref<1x128xi32, #tpu.memory_space<vmem>>
      %dma_wait3A_290 = tpu.memref_squeeze %dma_wait3A_289 : memref<1x128xi32, #tpu.memory_space<vmem>> -> memref<128xi32, #tpu.memory_space<vmem>>
      %dma_wait3A_291 = arith.constant 0 : i32
      %dma_wait3A_292 = arith.constant 0 : i32
      %dma_wait3A_293 = tpu.memref_slice %arg13[%dma_wait3A_291, %dma_wait3A_292] : memref<10000x128xf32, #tpu.memory_space<vmem_shared>> -> memref<10000x128xf32, #tpu.memory_space<vmem_shared>>
      tpu.wait_indirect_dma semaphore(%arg12 : memref<!tpu.dma_semaphore, #tpu.memory_space<semaphore_mem>>) src(%dma_wait3A_287 : memref<128x128xf32, #tpu.memory_space<vmem>>) dst(%dma_wait3A_293 : memref<10000x128xf32, #tpu.memory_space<vmem_shared>>)
    } else {
    }
    %barrier3A_157 = arith.constant 0 : index
    tpu.barrier barrier_id(%barrier3A_157)
    %eq3A_158 = arith.constant 0 : i32
    %eq3A_159 = arith.cmpi eq, %arg0, %eq3A_158 : i32
    %convert_element_type3A_160 = arith.extui %eq3A_159 : i1 to i32
    %cond3A_161 = arith.constant 0 : i32
    %cond3A_162 = arith.cmpi ne, %convert_element_type3A_160, %cond3A_161 : i32
    scf.if %cond3A_162 {
      %add3A_168 = arith.constant 0 : i32
      %add3A_169 = arith.addi %arg1, %add3A_168 : i32
      %lt3A_170 = arith.constant 78 : i32
      %lt3A_171 = arith.cmpi slt, %add3A_169, %lt3A_170 : i32
      %convert_element_type3A_172 = arith.extui %lt3A_171 : i1 to i32
      %cond3A_173 = arith.constant 0 : i32
      %cond3A_174 = arith.cmpi ne, %convert_element_type3A_172, %cond3A_173 : i32
      scf.if %cond3A_174 {
        %mul3A_228 = arith.constant 128 : i32
        %mul3A_229 = arith.muli %add3A_169, %mul3A_228 : i32
        "tpu.region"() ({
          %run_scoped3A = tpu.sem_alloc : memref<!tpu.dma_semaphore, #tpu.memory_space<semaphore_mem>>
          %dma_start3A_230 = arith.constant 0 : i32
          %dma_start3A_231 = tpu.memref_slice %arg5[%mul3A_229, %dma_start3A_230] : memref<10000x128xf32, #tpu.memory_space<hbm>> -> memref<128x128xf32, #tpu.memory_space<hbm>>
          %dma_start3A_232 = arith.constant 0 : i32
          %dma_start3A_233 = tpu.memref_slice %arg13[%mul3A_229, %dma_start3A_232] : memref<10000x128xf32, #tpu.memory_space<vmem_shared>> -> memref<128x128xf32, #tpu.memory_space<vmem_shared>>
          tpu.enqueue_dma source(%dma_start3A_233 : memref<128x128xf32, #tpu.memory_space<vmem_shared>>) target(%dma_start3A_231 : memref<128x128xf32, #tpu.memory_space<hbm>>) target_semaphore(%run_scoped3A : memref<!tpu.dma_semaphore, #tpu.memory_space<semaphore_mem>>)
          %dma_wait3A = arith.constant 0 : i32
          %dma_wait3A_234 = tpu.memref_slice %arg5[%mul3A_229, %dma_wait3A] : memref<10000x128xf32, #tpu.memory_space<hbm>> -> memref<128x128xf32, #tpu.memory_space<hbm>>
          %dma_wait3A_235 = arith.constant 0 : i32
          %dma_wait3A_236 = tpu.memref_slice %arg13[%mul3A_229, %dma_wait3A_235] : memref<10000x128xf32, #tpu.memory_space<vmem_shared>> -> memref<128x128xf32, #tpu.memory_space<vmem_shared>>
          tpu.wait_dma2 semaphore(%run_scoped3A : memref<!tpu.dma_semaphore, #tpu.memory_space<semaphore_mem>>) src(%dma_wait3A_236 : memref<128x128xf32, #tpu.memory_space<vmem_shared>>) dst(%dma_wait3A_234 : memref<128x128xf32, #tpu.memory_space<hbm>>)
          tpu.yield
        }) : () -> ()
      } else {
      }
      %eq3A_175 = arith.constant 78 : i32
      %eq3A_176 = arith.cmpi eq, %add3A_169, %eq3A_175 : i32
      %convert_element_type3A_177 = arith.extui %eq3A_176 : i1 to i32
      %cond3A_178 = arith.constant 0 : i32
      %cond3A_179 = arith.cmpi ne, %convert_element_type3A_177, %cond3A_178 : i32
      scf.if %cond3A_179 {
        "tpu.region"() ({
          %run_scoped3A = tpu.sem_alloc : memref<!tpu.dma_semaphore, #tpu.memory_space<semaphore_mem>>
          %dma_start3A_228 = arith.constant 9984 : i32
          %dma_start3A_229 = arith.constant 0 : i32
          %dma_start3A_230 = tpu.memref_slice %arg5[%dma_start3A_228, %dma_start3A_229] : memref<10000x128xf32, #tpu.memory_space<hbm>> -> memref<16x128xf32, #tpu.memory_space<hbm>>
          %dma_start3A_231 = arith.constant 9984 : i32
          %dma_start3A_232 = arith.constant 0 : i32
          %dma_start3A_233 = tpu.memref_slice %arg13[%dma_start3A_231, %dma_start3A_232] : memref<10000x128xf32, #tpu.memory_space<vmem_shared>> -> memref<16x128xf32, #tpu.memory_space<vmem_shared>>
          tpu.enqueue_dma source(%dma_start3A_233 : memref<16x128xf32, #tpu.memory_space<vmem_shared>>) target(%dma_start3A_230 : memref<16x128xf32, #tpu.memory_space<hbm>>) target_semaphore(%run_scoped3A : memref<!tpu.dma_semaphore, #tpu.memory_space<semaphore_mem>>)
          %dma_wait3A = arith.constant 9984 : i32
          %dma_wait3A_234 = arith.constant 0 : i32
          %dma_wait3A_235 = tpu.memref_slice %arg5[%dma_wait3A, %dma_wait3A_234] : memref<10000x128xf32, #tpu.memory_space<hbm>> -> memref<16x128xf32, #tpu.memory_space<hbm>>
          %dma_wait3A_236 = arith.constant 9984 : i32
          %dma_wait3A_237 = arith.constant 0 : i32
          %dma_wait3A_238 = tpu.memref_slice %arg13[%dma_wait3A_236, %dma_wait3A_237] : memref<10000x128xf32, #tpu.memory_space<vmem_shared>> -> memref<16x128xf32, #tpu.memory_space<vmem_shared>>
          tpu.wait_dma2 semaphore(%run_scoped3A : memref<!tpu.dma_semaphore, #tpu.memory_space<semaphore_mem>>) src(%dma_wait3A_238 : memref<16x128xf32, #tpu.memory_space<vmem_shared>>) dst(%dma_wait3A_235 : memref<16x128xf32, #tpu.memory_space<hbm>>)
          tpu.yield
        }) : () -> ()
      } else {
      }
      %add3A_180 = arith.constant 16 : i32
      %add3A_181 = arith.addi %arg1, %add3A_180 : i32
      %lt3A_182 = arith.constant 78 : i32
      %lt3A_183 = arith.cmpi slt, %add3A_181, %lt3A_182 : i32
      %convert_element_type3A_184 = arith.extui %lt3A_183 : i1 to i32
      %cond3A_185 = arith.constant 0 : i32
      %cond3A_186 = arith.cmpi ne, %convert_element_type3A_184, %cond3A_185 : i32
      scf.if %cond3A_186 {
        %mul3A_228 = arith.constant 128 : i32
        %mul3A_229 = arith.muli %add3A_181, %mul3A_228 : i32
        "tpu.region"() ({
          %run_scoped3A = tpu.sem_alloc : memref<!tpu.dma_semaphore, #tpu.memory_space<semaphore_mem>>
          %dma_start3A_230 = arith.constant 0 : i32
          %dma_start3A_231 = tpu.memref_slice %arg5[%mul3A_229, %dma_start3A_230] : memref<10000x128xf32, #tpu.memory_space<hbm>> -> memref<128x128xf32, #tpu.memory_space<hbm>>
          %dma_start3A_232 = arith.constant 0 : i32
          %dma_start3A_233 = tpu.memref_slice %arg13[%mul3A_229, %dma_start3A_232] : memref<10000x128xf32, #tpu.memory_space<vmem_shared>> -> memref<128x128xf32, #tpu.memory_space<vmem_shared>>
          tpu.enqueue_dma source(%dma_start3A_233 : memref<128x128xf32, #tpu.memory_space<vmem_shared>>) target(%dma_start3A_231 : memref<128x128xf32, #tpu.memory_space<hbm>>) target_semaphore(%run_scoped3A : memref<!tpu.dma_semaphore, #tpu.memory_space<semaphore_mem>>)
          %dma_wait3A = arith.constant 0 : i32
          %dma_wait3A_234 = tpu.memref_slice %arg5[%mul3A_229, %dma_wait3A] : memref<10000x128xf32, #tpu.memory_space<hbm>> -> memref<128x128xf32, #tpu.memory_space<hbm>>
          %dma_wait3A_235 = arith.constant 0 : i32
          %dma_wait3A_236 = tpu.memref_slice %arg13[%mul3A_229, %dma_wait3A_235] : memref<10000x128xf32, #tpu.memory_space<vmem_shared>> -> memref<128x128xf32, #tpu.memory_space<vmem_shared>>
          tpu.wait_dma2 semaphore(%run_scoped3A : memref<!tpu.dma_semaphore, #tpu.memory_space<semaphore_mem>>) src(%dma_wait3A_236 : memref<128x128xf32, #tpu.memory_space<vmem_shared>>) dst(%dma_wait3A_234 : memref<128x128xf32, #tpu.memory_space<hbm>>)
          tpu.yield
        }) : () -> ()
      } else {
      }
      %eq3A_187 = arith.constant 78 : i32
      %eq3A_188 = arith.cmpi eq, %add3A_181, %eq3A_187 : i32
      %convert_element_type3A_189 = arith.extui %eq3A_188 : i1 to i32
      %cond3A_190 = arith.constant 0 : i32
      %cond3A_191 = arith.cmpi ne, %convert_element_type3A_189, %cond3A_190 : i32
      scf.if %cond3A_191 {
        "tpu.region"() ({
          %run_scoped3A = tpu.sem_alloc : memref<!tpu.dma_semaphore, #tpu.memory_space<semaphore_mem>>
          %dma_start3A_228 = arith.constant 9984 : i32
          %dma_start3A_229 = arith.constant 0 : i32
          %dma_start3A_230 = tpu.memref_slice %arg5[%dma_start3A_228, %dma_start3A_229] : memref<10000x128xf32, #tpu.memory_space<hbm>> -> memref<16x128xf32, #tpu.memory_space<hbm>>
          %dma_start3A_231 = arith.constant 9984 : i32
          %dma_start3A_232 = arith.constant 0 : i32
          %dma_start3A_233 = tpu.memref_slice %arg13[%dma_start3A_231, %dma_start3A_232] : memref<10000x128xf32, #tpu.memory_space<vmem_shared>> -> memref<16x128xf32, #tpu.memory_space<vmem_shared>>
          tpu.enqueue_dma source(%dma_start3A_233 : memref<16x128xf32, #tpu.memory_space<vmem_shared>>) target(%dma_start3A_230 : memref<16x128xf32, #tpu.memory_space<hbm>>) target_semaphore(%run_scoped3A : memref<!tpu.dma_semaphore, #tpu.memory_space<semaphore_mem>>)
          %dma_wait3A = arith.constant 9984 : i32
          %dma_wait3A_234 = arith.constant 0 : i32
          %dma_wait3A_235 = tpu.memref_slice %arg5[%dma_wait3A, %dma_wait3A_234] : memref<10000x128xf32, #tpu.memory_space<hbm>> -> memref<16x128xf32, #tpu.memory_space<hbm>>
          %dma_wait3A_236 = arith.constant 9984 : i32
          %dma_wait3A_237 = arith.constant 0 : i32
          %dma_wait3A_238 = tpu.memref_slice %arg13[%dma_wait3A_236, %dma_wait3A_237] : memref<10000x128xf32, #tpu.memory_space<vmem_shared>> -> memref<16x128xf32, #tpu.memory_space<vmem_shared>>
          tpu.wait_dma2 semaphore(%run_scoped3A : memref<!tpu.dma_semaphore, #tpu.memory_space<semaphore_mem>>) src(%dma_wait3A_238 : memref<16x128xf32, #tpu.memory_space<vmem_shared>>) dst(%dma_wait3A_235 : memref<16x128xf32, #tpu.memory_space<hbm>>)
          tpu.yield
        }) : () -> ()
      } else {
      }
      %add3A_192 = arith.constant 32 : i32
      %add3A_193 = arith.addi %arg1, %add3A_192 : i32
      %lt3A_194 = arith.constant 78 : i32
      %lt3A_195 = arith.cmpi slt, %add3A_193, %lt3A_194 : i32
      %convert_element_type3A_196 = arith.extui %lt3A_195 : i1 to i32
      %cond3A_197 = arith.constant 0 : i32
      %cond3A_198 = arith.cmpi ne, %convert_element_type3A_196, %cond3A_197 : i32
      scf.if %cond3A_198 {
        %mul3A_228 = arith.constant 128 : i32
        %mul3A_229 = arith.muli %add3A_193, %mul3A_228 : i32
        "tpu.region"() ({
          %run_scoped3A = tpu.sem_alloc : memref<!tpu.dma_semaphore, #tpu.memory_space<semaphore_mem>>
          %dma_start3A_230 = arith.constant 0 : i32
          %dma_start3A_231 = tpu.memref_slice %arg5[%mul3A_229, %dma_start3A_230] : memref<10000x128xf32, #tpu.memory_space<hbm>> -> memref<128x128xf32, #tpu.memory_space<hbm>>
          %dma_start3A_232 = arith.constant 0 : i32
          %dma_start3A_233 = tpu.memref_slice %arg13[%mul3A_229, %dma_start3A_232] : memref<10000x128xf32, #tpu.memory_space<vmem_shared>> -> memref<128x128xf32, #tpu.memory_space<vmem_shared>>
          tpu.enqueue_dma source(%dma_start3A_233 : memref<128x128xf32, #tpu.memory_space<vmem_shared>>) target(%dma_start3A_231 : memref<128x128xf32, #tpu.memory_space<hbm>>) target_semaphore(%run_scoped3A : memref<!tpu.dma_semaphore, #tpu.memory_space<semaphore_mem>>)
          %dma_wait3A = arith.constant 0 : i32
          %dma_wait3A_234 = tpu.memref_slice %arg5[%mul3A_229, %dma_wait3A] : memref<10000x128xf32, #tpu.memory_space<hbm>> -> memref<128x128xf32, #tpu.memory_space<hbm>>
          %dma_wait3A_235 = arith.constant 0 : i32
          %dma_wait3A_236 = tpu.memref_slice %arg13[%mul3A_229, %dma_wait3A_235] : memref<10000x128xf32, #tpu.memory_space<vmem_shared>> -> memref<128x128xf32, #tpu.memory_space<vmem_shared>>
          tpu.wait_dma2 semaphore(%run_scoped3A : memref<!tpu.dma_semaphore, #tpu.memory_space<semaphore_mem>>) src(%dma_wait3A_236 : memref<128x128xf32, #tpu.memory_space<vmem_shared>>) dst(%dma_wait3A_234 : memref<128x128xf32, #tpu.memory_space<hbm>>)
          tpu.yield
        }) : () -> ()
      } else {
      }
      %eq3A_199 = arith.constant 78 : i32
      %eq3A_200 = arith.cmpi eq, %add3A_193, %eq3A_199 : i32
      %convert_element_type3A_201 = arith.extui %eq3A_200 : i1 to i32
      %cond3A_202 = arith.constant 0 : i32
      %cond3A_203 = arith.cmpi ne, %convert_element_type3A_201, %cond3A_202 : i32
      scf.if %cond3A_203 {
        "tpu.region"() ({
          %run_scoped3A = tpu.sem_alloc : memref<!tpu.dma_semaphore, #tpu.memory_space<semaphore_mem>>
          %dma_start3A_228 = arith.constant 9984 : i32
          %dma_start3A_229 = arith.constant 0 : i32
          %dma_start3A_230 = tpu.memref_slice %arg5[%dma_start3A_228, %dma_start3A_229] : memref<10000x128xf32, #tpu.memory_space<hbm>> -> memref<16x128xf32, #tpu.memory_space<hbm>>
          %dma_start3A_231 = arith.constant 9984 : i32
          %dma_start3A_232 = arith.constant 0 : i32
          %dma_start3A_233 = tpu.memref_slice %arg13[%dma_start3A_231, %dma_start3A_232] : memref<10000x128xf32, #tpu.memory_space<vmem_shared>> -> memref<16x128xf32, #tpu.memory_space<vmem_shared>>
          tpu.enqueue_dma source(%dma_start3A_233 : memref<16x128xf32, #tpu.memory_space<vmem_shared>>) target(%dma_start3A_230 : memref<16x128xf32, #tpu.memory_space<hbm>>) target_semaphore(%run_scoped3A : memref<!tpu.dma_semaphore, #tpu.memory_space<semaphore_mem>>)
          %dma_wait3A = arith.constant 9984 : i32
          %dma_wait3A_234 = arith.constant 0 : i32
          %dma_wait3A_235 = tpu.memref_slice %arg5[%dma_wait3A, %dma_wait3A_234] : memref<10000x128xf32, #tpu.memory_space<hbm>> -> memref<16x128xf32, #tpu.memory_space<hbm>>
          %dma_wait3A_236 = arith.constant 9984 : i32
          %dma_wait3A_237 = arith.constant 0 : i32
          %dma_wait3A_238 = tpu.memref_slice %arg13[%dma_wait3A_236, %dma_wait3A_237] : memref<10000x128xf32, #tpu.memory_space<vmem_shared>> -> memref<16x128xf32, #tpu.memory_space<vmem_shared>>
          tpu.wait_dma2 semaphore(%run_scoped3A : memref<!tpu.dma_semaphore, #tpu.memory_space<semaphore_mem>>) src(%dma_wait3A_238 : memref<16x128xf32, #tpu.memory_space<vmem_shared>>) dst(%dma_wait3A_235 : memref<16x128xf32, #tpu.memory_space<hbm>>)
          tpu.yield
        }) : () -> ()
      } else {
      }
      %add3A_204 = arith.constant 48 : i32
      %add3A_205 = arith.addi %arg1, %add3A_204 : i32
      %lt3A_206 = arith.constant 78 : i32
      %lt3A_207 = arith.cmpi slt, %add3A_205, %lt3A_206 : i32
      %convert_element_type3A_208 = arith.extui %lt3A_207 : i1 to i32
      %cond3A_209 = arith.constant 0 : i32
      %cond3A_210 = arith.cmpi ne, %convert_element_type3A_208, %cond3A_209 : i32
      scf.if %cond3A_210 {
        %mul3A_228 = arith.constant 128 : i32
        %mul3A_229 = arith.muli %add3A_205, %mul3A_228 : i32
        "tpu.region"() ({
          %run_scoped3A = tpu.sem_alloc : memref<!tpu.dma_semaphore, #tpu.memory_space<semaphore_mem>>
          %dma_start3A_230 = arith.constant 0 : i32
          %dma_start3A_231 = tpu.memref_slice %arg5[%mul3A_229, %dma_start3A_230] : memref<10000x128xf32, #tpu.memory_space<hbm>> -> memref<128x128xf32, #tpu.memory_space<hbm>>
          %dma_start3A_232 = arith.constant 0 : i32
          %dma_start3A_233 = tpu.memref_slice %arg13[%mul3A_229, %dma_start3A_232] : memref<10000x128xf32, #tpu.memory_space<vmem_shared>> -> memref<128x128xf32, #tpu.memory_space<vmem_shared>>
          tpu.enqueue_dma source(%dma_start3A_233 : memref<128x128xf32, #tpu.memory_space<vmem_shared>>) target(%dma_start3A_231 : memref<128x128xf32, #tpu.memory_space<hbm>>) target_semaphore(%run_scoped3A : memref<!tpu.dma_semaphore, #tpu.memory_space<semaphore_mem>>)
          %dma_wait3A = arith.constant 0 : i32
          %dma_wait3A_234 = tpu.memref_slice %arg5[%mul3A_229, %dma_wait3A] : memref<10000x128xf32, #tpu.memory_space<hbm>> -> memref<128x128xf32, #tpu.memory_space<hbm>>
          %dma_wait3A_235 = arith.constant 0 : i32
          %dma_wait3A_236 = tpu.memref_slice %arg13[%mul3A_229, %dma_wait3A_235] : memref<10000x128xf32, #tpu.memory_space<vmem_shared>> -> memref<128x128xf32, #tpu.memory_space<vmem_shared>>
          tpu.wait_dma2 semaphore(%run_scoped3A : memref<!tpu.dma_semaphore, #tpu.memory_space<semaphore_mem>>) src(%dma_wait3A_236 : memref<128x128xf32, #tpu.memory_space<vmem_shared>>) dst(%dma_wait3A_234 : memref<128x128xf32, #tpu.memory_space<hbm>>)
          tpu.yield
        }) : () -> ()
      } else {
      }
      %eq3A_211 = arith.constant 78 : i32
      %eq3A_212 = arith.cmpi eq, %add3A_205, %eq3A_211 : i32
      %convert_element_type3A_213 = arith.extui %eq3A_212 : i1 to i32
      %cond3A_214 = arith.constant 0 : i32
      %cond3A_215 = arith.cmpi ne, %convert_element_type3A_213, %cond3A_214 : i32
      scf.if %cond3A_215 {
        "tpu.region"() ({
          %run_scoped3A = tpu.sem_alloc : memref<!tpu.dma_semaphore, #tpu.memory_space<semaphore_mem>>
          %dma_start3A_228 = arith.constant 9984 : i32
          %dma_start3A_229 = arith.constant 0 : i32
          %dma_start3A_230 = tpu.memref_slice %arg5[%dma_start3A_228, %dma_start3A_229] : memref<10000x128xf32, #tpu.memory_space<hbm>> -> memref<16x128xf32, #tpu.memory_space<hbm>>
          %dma_start3A_231 = arith.constant 9984 : i32
          %dma_start3A_232 = arith.constant 0 : i32
          %dma_start3A_233 = tpu.memref_slice %arg13[%dma_start3A_231, %dma_start3A_232] : memref<10000x128xf32, #tpu.memory_space<vmem_shared>> -> memref<16x128xf32, #tpu.memory_space<vmem_shared>>
          tpu.enqueue_dma source(%dma_start3A_233 : memref<16x128xf32, #tpu.memory_space<vmem_shared>>) target(%dma_start3A_230 : memref<16x128xf32, #tpu.memory_space<hbm>>) target_semaphore(%run_scoped3A : memref<!tpu.dma_semaphore, #tpu.memory_space<semaphore_mem>>)
          %dma_wait3A = arith.constant 9984 : i32
          %dma_wait3A_234 = arith.constant 0 : i32
          %dma_wait3A_235 = tpu.memref_slice %arg5[%dma_wait3A, %dma_wait3A_234] : memref<10000x128xf32, #tpu.memory_space<hbm>> -> memref<16x128xf32, #tpu.memory_space<hbm>>
          %dma_wait3A_236 = arith.constant 9984 : i32
          %dma_wait3A_237 = arith.constant 0 : i32
          %dma_wait3A_238 = tpu.memref_slice %arg13[%dma_wait3A_236, %dma_wait3A_237] : memref<10000x128xf32, #tpu.memory_space<vmem_shared>> -> memref<16x128xf32, #tpu.memory_space<vmem_shared>>
          tpu.wait_dma2 semaphore(%run_scoped3A : memref<!tpu.dma_semaphore, #tpu.memory_space<semaphore_mem>>) src(%dma_wait3A_238 : memref<16x128xf32, #tpu.memory_space<vmem_shared>>) dst(%dma_wait3A_235 : memref<16x128xf32, #tpu.memory_space<hbm>>)
          tpu.yield
        }) : () -> ()
      } else {
      }
      %add3A_216 = arith.constant 64 : i32
      %add3A_217 = arith.addi %arg1, %add3A_216 : i32
      %lt3A_218 = arith.constant 78 : i32
      %lt3A_219 = arith.cmpi slt, %add3A_217, %lt3A_218 : i32
      %convert_element_type3A_220 = arith.extui %lt3A_219 : i1 to i32
      %cond3A_221 = arith.constant 0 : i32
      %cond3A_222 = arith.cmpi ne, %convert_element_type3A_220, %cond3A_221 : i32
      scf.if %cond3A_222 {
        %mul3A_228 = arith.constant 128 : i32
        %mul3A_229 = arith.muli %add3A_217, %mul3A_228 : i32
        "tpu.region"() ({
          %run_scoped3A = tpu.sem_alloc : memref<!tpu.dma_semaphore, #tpu.memory_space<semaphore_mem>>
          %dma_start3A_230 = arith.constant 0 : i32
          %dma_start3A_231 = tpu.memref_slice %arg5[%mul3A_229, %dma_start3A_230] : memref<10000x128xf32, #tpu.memory_space<hbm>> -> memref<128x128xf32, #tpu.memory_space<hbm>>
          %dma_start3A_232 = arith.constant 0 : i32
          %dma_start3A_233 = tpu.memref_slice %arg13[%mul3A_229, %dma_start3A_232] : memref<10000x128xf32, #tpu.memory_space<vmem_shared>> -> memref<128x128xf32, #tpu.memory_space<vmem_shared>>
          tpu.enqueue_dma source(%dma_start3A_233 : memref<128x128xf32, #tpu.memory_space<vmem_shared>>) target(%dma_start3A_231 : memref<128x128xf32, #tpu.memory_space<hbm>>) target_semaphore(%run_scoped3A : memref<!tpu.dma_semaphore, #tpu.memory_space<semaphore_mem>>)
          %dma_wait3A = arith.constant 0 : i32
          %dma_wait3A_234 = tpu.memref_slice %arg5[%mul3A_229, %dma_wait3A] : memref<10000x128xf32, #tpu.memory_space<hbm>> -> memref<128x128xf32, #tpu.memory_space<hbm>>
          %dma_wait3A_235 = arith.constant 0 : i32
          %dma_wait3A_236 = tpu.memref_slice %arg13[%mul3A_229, %dma_wait3A_235] : memref<10000x128xf32, #tpu.memory_space<vmem_shared>> -> memref<128x128xf32, #tpu.memory_space<vmem_shared>>
          tpu.wait_dma2 semaphore(%run_scoped3A : memref<!tpu.dma_semaphore, #tpu.memory_space<semaphore_mem>>) src(%dma_wait3A_236 : memref<128x128xf32, #tpu.memory_space<vmem_shared>>) dst(%dma_wait3A_234 : memref<128x128xf32, #tpu.memory_space<hbm>>)
          tpu.yield
        }) : () -> ()
      } else {
      }
      %eq3A_223 = arith.constant 78 : i32
      %eq3A_224 = arith.cmpi eq, %add3A_217, %eq3A_223 : i32
      %convert_element_type3A_225 = arith.extui %eq3A_224 : i1 to i32
      %cond3A_226 = arith.constant 0 : i32
      %cond3A_227 = arith.cmpi ne, %convert_element_type3A_225, %cond3A_226 : i32
      scf.if %cond3A_227 {
        "tpu.region"() ({
          %run_scoped3A = tpu.sem_alloc : memref<!tpu.dma_semaphore, #tpu.memory_space<semaphore_mem>>
          %dma_start3A_228 = arith.constant 9984 : i32
          %dma_start3A_229 = arith.constant 0 : i32
          %dma_start3A_230 = tpu.memref_slice %arg5[%dma_start3A_228, %dma_start3A_229] : memref<10000x128xf32, #tpu.memory_space<hbm>> -> memref<16x128xf32, #tpu.memory_space<hbm>>
          %dma_start3A_231 = arith.constant 9984 : i32
          %dma_start3A_232 = arith.constant 0 : i32
          %dma_start3A_233 = tpu.memref_slice %arg13[%dma_start3A_231, %dma_start3A_232] : memref<10000x128xf32, #tpu.memory_space<vmem_shared>> -> memref<16x128xf32, #tpu.memory_space<vmem_shared>>
          tpu.enqueue_dma source(%dma_start3A_233 : memref<16x128xf32, #tpu.memory_space<vmem_shared>>) target(%dma_start3A_230 : memref<16x128xf32, #tpu.memory_space<hbm>>) target_semaphore(%run_scoped3A : memref<!tpu.dma_semaphore, #tpu.memory_space<semaphore_mem>>)
          %dma_wait3A = arith.constant 9984 : i32
          %dma_wait3A_234 = arith.constant 0 : i32
          %dma_wait3A_235 = tpu.memref_slice %arg5[%dma_wait3A, %dma_wait3A_234] : memref<10000x128xf32, #tpu.memory_space<hbm>> -> memref<16x128xf32, #tpu.memory_space<hbm>>
          %dma_wait3A_236 = arith.constant 9984 : i32
          %dma_wait3A_237 = arith.constant 0 : i32
          %dma_wait3A_238 = tpu.memref_slice %arg13[%dma_wait3A_236, %dma_wait3A_237] : memref<10000x128xf32, #tpu.memory_space<vmem_shared>> -> memref<16x128xf32, #tpu.memory_space<vmem_shared>>
          tpu.wait_dma2 semaphore(%run_scoped3A : memref<!tpu.dma_semaphore, #tpu.memory_space<semaphore_mem>>) src(%dma_wait3A_238 : memref<16x128xf32, #tpu.memory_space<vmem_shared>>) dst(%dma_wait3A_235 : memref<16x128xf32, #tpu.memory_space<hbm>>)
          tpu.yield
        }) : () -> ()
      } else {
      }
    } else {
    }
    %eq3A_163 = arith.constant 1 : i32
    %eq3A_164 = arith.cmpi eq, %arg0, %eq3A_163 : i32
    %convert_element_type3A_165 = arith.extui %eq3A_164 : i1 to i32
    %cond3A_166 = arith.constant 0 : i32
    %cond3A_167 = arith.cmpi ne, %convert_element_type3A_165, %cond3A_166 : i32
    scf.if %cond3A_167 {
      %add3A_168 = arith.constant 0 : i32
      %add3A_169 = arith.addi %arg1, %add3A_168 : i32
      %lt3A_170 = arith.constant 78 : i32
      %lt3A_171 = arith.cmpi slt, %add3A_169, %lt3A_170 : i32
      %convert_element_type3A_172 = arith.extui %lt3A_171 : i1 to i32
      %cond3A_173 = arith.constant 0 : i32
      %cond3A_174 = arith.cmpi ne, %convert_element_type3A_172, %cond3A_173 : i32
      scf.if %cond3A_174 {
        %mul3A_228 = arith.constant 128 : i32
        %mul3A_229 = arith.muli %add3A_169, %mul3A_228 : i32
        "tpu.region"() ({
          %run_scoped3A = tpu.sem_alloc : memref<!tpu.dma_semaphore, #tpu.memory_space<semaphore_mem>>
          %dma_start3A_230 = arith.constant 0 : i32
          %dma_start3A_231 = tpu.memref_slice %arg6[%mul3A_229, %dma_start3A_230] : memref<10000x128xf32, #tpu.memory_space<hbm>> -> memref<128x128xf32, #tpu.memory_space<hbm>>
          %dma_start3A_232 = arith.constant 0 : i32
          %dma_start3A_233 = tpu.memref_slice %arg13[%mul3A_229, %dma_start3A_232] : memref<10000x128xf32, #tpu.memory_space<vmem_shared>> -> memref<128x128xf32, #tpu.memory_space<vmem_shared>>
          tpu.enqueue_dma source(%dma_start3A_233 : memref<128x128xf32, #tpu.memory_space<vmem_shared>>) target(%dma_start3A_231 : memref<128x128xf32, #tpu.memory_space<hbm>>) target_semaphore(%run_scoped3A : memref<!tpu.dma_semaphore, #tpu.memory_space<semaphore_mem>>)
          %dma_wait3A = arith.constant 0 : i32
          %dma_wait3A_234 = tpu.memref_slice %arg6[%mul3A_229, %dma_wait3A] : memref<10000x128xf32, #tpu.memory_space<hbm>> -> memref<128x128xf32, #tpu.memory_space<hbm>>
          %dma_wait3A_235 = arith.constant 0 : i32
          %dma_wait3A_236 = tpu.memref_slice %arg13[%mul3A_229, %dma_wait3A_235] : memref<10000x128xf32, #tpu.memory_space<vmem_shared>> -> memref<128x128xf32, #tpu.memory_space<vmem_shared>>
          tpu.wait_dma2 semaphore(%run_scoped3A : memref<!tpu.dma_semaphore, #tpu.memory_space<semaphore_mem>>) src(%dma_wait3A_236 : memref<128x128xf32, #tpu.memory_space<vmem_shared>>) dst(%dma_wait3A_234 : memref<128x128xf32, #tpu.memory_space<hbm>>)
          tpu.yield
        }) : () -> ()
      } else {
      }
      %eq3A_175 = arith.constant 78 : i32
      %eq3A_176 = arith.cmpi eq, %add3A_169, %eq3A_175 : i32
      %convert_element_type3A_177 = arith.extui %eq3A_176 : i1 to i32
      %cond3A_178 = arith.constant 0 : i32
      %cond3A_179 = arith.cmpi ne, %convert_element_type3A_177, %cond3A_178 : i32
      scf.if %cond3A_179 {
        "tpu.region"() ({
          %run_scoped3A = tpu.sem_alloc : memref<!tpu.dma_semaphore, #tpu.memory_space<semaphore_mem>>
          %dma_start3A_228 = arith.constant 9984 : i32
          %dma_start3A_229 = arith.constant 0 : i32
          %dma_start3A_230 = tpu.memref_slice %arg6[%dma_start3A_228, %dma_start3A_229] : memref<10000x128xf32, #tpu.memory_space<hbm>> -> memref<16x128xf32, #tpu.memory_space<hbm>>
          %dma_start3A_231 = arith.constant 9984 : i32
          %dma_start3A_232 = arith.constant 0 : i32
          %dma_start3A_233 = tpu.memref_slice %arg13[%dma_start3A_231, %dma_start3A_232] : memref<10000x128xf32, #tpu.memory_space<vmem_shared>> -> memref<16x128xf32, #tpu.memory_space<vmem_shared>>
          tpu.enqueue_dma source(%dma_start3A_233 : memref<16x128xf32, #tpu.memory_space<vmem_shared>>) target(%dma_start3A_230 : memref<16x128xf32, #tpu.memory_space<hbm>>) target_semaphore(%run_scoped3A : memref<!tpu.dma_semaphore, #tpu.memory_space<semaphore_mem>>)
          %dma_wait3A = arith.constant 9984 : i32
          %dma_wait3A_234 = arith.constant 0 : i32
          %dma_wait3A_235 = tpu.memref_slice %arg6[%dma_wait3A, %dma_wait3A_234] : memref<10000x128xf32, #tpu.memory_space<hbm>> -> memref<16x128xf32, #tpu.memory_space<hbm>>
          %dma_wait3A_236 = arith.constant 9984 : i32
          %dma_wait3A_237 = arith.constant 0 : i32
          %dma_wait3A_238 = tpu.memref_slice %arg13[%dma_wait3A_236, %dma_wait3A_237] : memref<10000x128xf32, #tpu.memory_space<vmem_shared>> -> memref<16x128xf32, #tpu.memory_space<vmem_shared>>
          tpu.wait_dma2 semaphore(%run_scoped3A : memref<!tpu.dma_semaphore, #tpu.memory_space<semaphore_mem>>) src(%dma_wait3A_238 : memref<16x128xf32, #tpu.memory_space<vmem_shared>>) dst(%dma_wait3A_235 : memref<16x128xf32, #tpu.memory_space<hbm>>)
          tpu.yield
        }) : () -> ()
      } else {
      }
      %add3A_180 = arith.constant 16 : i32
      %add3A_181 = arith.addi %arg1, %add3A_180 : i32
      %lt3A_182 = arith.constant 78 : i32
      %lt3A_183 = arith.cmpi slt, %add3A_181, %lt3A_182 : i32
      %convert_element_type3A_184 = arith.extui %lt3A_183 : i1 to i32
      %cond3A_185 = arith.constant 0 : i32
      %cond3A_186 = arith.cmpi ne, %convert_element_type3A_184, %cond3A_185 : i32
      scf.if %cond3A_186 {
        %mul3A_228 = arith.constant 128 : i32
        %mul3A_229 = arith.muli %add3A_181, %mul3A_228 : i32
        "tpu.region"() ({
          %run_scoped3A = tpu.sem_alloc : memref<!tpu.dma_semaphore, #tpu.memory_space<semaphore_mem>>
          %dma_start3A_230 = arith.constant 0 : i32
          %dma_start3A_231 = tpu.memref_slice %arg6[%mul3A_229, %dma_start3A_230] : memref<10000x128xf32, #tpu.memory_space<hbm>> -> memref<128x128xf32, #tpu.memory_space<hbm>>
          %dma_start3A_232 = arith.constant 0 : i32
          %dma_start3A_233 = tpu.memref_slice %arg13[%mul3A_229, %dma_start3A_232] : memref<10000x128xf32, #tpu.memory_space<vmem_shared>> -> memref<128x128xf32, #tpu.memory_space<vmem_shared>>
          tpu.enqueue_dma source(%dma_start3A_233 : memref<128x128xf32, #tpu.memory_space<vmem_shared>>) target(%dma_start3A_231 : memref<128x128xf32, #tpu.memory_space<hbm>>) target_semaphore(%run_scoped3A : memref<!tpu.dma_semaphore, #tpu.memory_space<semaphore_mem>>)
          %dma_wait3A = arith.constant 0 : i32
          %dma_wait3A_234 = tpu.memref_slice %arg6[%mul3A_229, %dma_wait3A] : memref<10000x128xf32, #tpu.memory_space<hbm>> -> memref<128x128xf32, #tpu.memory_space<hbm>>
          %dma_wait3A_235 = arith.constant 0 : i32
          %dma_wait3A_236 = tpu.memref_slice %arg13[%mul3A_229, %dma_wait3A_235] : memref<10000x128xf32, #tpu.memory_space<vmem_shared>> -> memref<128x128xf32, #tpu.memory_space<vmem_shared>>
          tpu.wait_dma2 semaphore(%run_scoped3A : memref<!tpu.dma_semaphore, #tpu.memory_space<semaphore_mem>>) src(%dma_wait3A_236 : memref<128x128xf32, #tpu.memory_space<vmem_shared>>) dst(%dma_wait3A_234 : memref<128x128xf32, #tpu.memory_space<hbm>>)
          tpu.yield
        }) : () -> ()
      } else {
      }
      %eq3A_187 = arith.constant 78 : i32
      %eq3A_188 = arith.cmpi eq, %add3A_181, %eq3A_187 : i32
      %convert_element_type3A_189 = arith.extui %eq3A_188 : i1 to i32
      %cond3A_190 = arith.constant 0 : i32
      %cond3A_191 = arith.cmpi ne, %convert_element_type3A_189, %cond3A_190 : i32
      scf.if %cond3A_191 {
        "tpu.region"() ({
          %run_scoped3A = tpu.sem_alloc : memref<!tpu.dma_semaphore, #tpu.memory_space<semaphore_mem>>
          %dma_start3A_228 = arith.constant 9984 : i32
          %dma_start3A_229 = arith.constant 0 : i32
          %dma_start3A_230 = tpu.memref_slice %arg6[%dma_start3A_228, %dma_start3A_229] : memref<10000x128xf32, #tpu.memory_space<hbm>> -> memref<16x128xf32, #tpu.memory_space<hbm>>
          %dma_start3A_231 = arith.constant 9984 : i32
          %dma_start3A_232 = arith.constant 0 : i32
          %dma_start3A_233 = tpu.memref_slice %arg13[%dma_start3A_231, %dma_start3A_232] : memref<10000x128xf32, #tpu.memory_space<vmem_shared>> -> memref<16x128xf32, #tpu.memory_space<vmem_shared>>
          tpu.enqueue_dma source(%dma_start3A_233 : memref<16x128xf32, #tpu.memory_space<vmem_shared>>) target(%dma_start3A_230 : memref<16x128xf32, #tpu.memory_space<hbm>>) target_semaphore(%run_scoped3A : memref<!tpu.dma_semaphore, #tpu.memory_space<semaphore_mem>>)
          %dma_wait3A = arith.constant 9984 : i32
          %dma_wait3A_234 = arith.constant 0 : i32
          %dma_wait3A_235 = tpu.memref_slice %arg6[%dma_wait3A, %dma_wait3A_234] : memref<10000x128xf32, #tpu.memory_space<hbm>> -> memref<16x128xf32, #tpu.memory_space<hbm>>
          %dma_wait3A_236 = arith.constant 9984 : i32
          %dma_wait3A_237 = arith.constant 0 : i32
          %dma_wait3A_238 = tpu.memref_slice %arg13[%dma_wait3A_236, %dma_wait3A_237] : memref<10000x128xf32, #tpu.memory_space<vmem_shared>> -> memref<16x128xf32, #tpu.memory_space<vmem_shared>>
          tpu.wait_dma2 semaphore(%run_scoped3A : memref<!tpu.dma_semaphore, #tpu.memory_space<semaphore_mem>>) src(%dma_wait3A_238 : memref<16x128xf32, #tpu.memory_space<vmem_shared>>) dst(%dma_wait3A_235 : memref<16x128xf32, #tpu.memory_space<hbm>>)
          tpu.yield
        }) : () -> ()
      } else {
      }
      %add3A_192 = arith.constant 32 : i32
      %add3A_193 = arith.addi %arg1, %add3A_192 : i32
      %lt3A_194 = arith.constant 78 : i32
      %lt3A_195 = arith.cmpi slt, %add3A_193, %lt3A_194 : i32
      %convert_element_type3A_196 = arith.extui %lt3A_195 : i1 to i32
      %cond3A_197 = arith.constant 0 : i32
      %cond3A_198 = arith.cmpi ne, %convert_element_type3A_196, %cond3A_197 : i32
      scf.if %cond3A_198 {
        %mul3A_228 = arith.constant 128 : i32
        %mul3A_229 = arith.muli %add3A_193, %mul3A_228 : i32
        "tpu.region"() ({
          %run_scoped3A = tpu.sem_alloc : memref<!tpu.dma_semaphore, #tpu.memory_space<semaphore_mem>>
          %dma_start3A_230 = arith.constant 0 : i32
          %dma_start3A_231 = tpu.memref_slice %arg6[%mul3A_229, %dma_start3A_230] : memref<10000x128xf32, #tpu.memory_space<hbm>> -> memref<128x128xf32, #tpu.memory_space<hbm>>
          %dma_start3A_232 = arith.constant 0 : i32
          %dma_start3A_233 = tpu.memref_slice %arg13[%mul3A_229, %dma_start3A_232] : memref<10000x128xf32, #tpu.memory_space<vmem_shared>> -> memref<128x128xf32, #tpu.memory_space<vmem_shared>>
          tpu.enqueue_dma source(%dma_start3A_233 : memref<128x128xf32, #tpu.memory_space<vmem_shared>>) target(%dma_start3A_231 : memref<128x128xf32, #tpu.memory_space<hbm>>) target_semaphore(%run_scoped3A : memref<!tpu.dma_semaphore, #tpu.memory_space<semaphore_mem>>)
          %dma_wait3A = arith.constant 0 : i32
          %dma_wait3A_234 = tpu.memref_slice %arg6[%mul3A_229, %dma_wait3A] : memref<10000x128xf32, #tpu.memory_space<hbm>> -> memref<128x128xf32, #tpu.memory_space<hbm>>
          %dma_wait3A_235 = arith.constant 0 : i32
          %dma_wait3A_236 = tpu.memref_slice %arg13[%mul3A_229, %dma_wait3A_235] : memref<10000x128xf32, #tpu.memory_space<vmem_shared>> -> memref<128x128xf32, #tpu.memory_space<vmem_shared>>
          tpu.wait_dma2 semaphore(%run_scoped3A : memref<!tpu.dma_semaphore, #tpu.memory_space<semaphore_mem>>) src(%dma_wait3A_236 : memref<128x128xf32, #tpu.memory_space<vmem_shared>>) dst(%dma_wait3A_234 : memref<128x128xf32, #tpu.memory_space<hbm>>)
          tpu.yield
        }) : () -> ()
      } else {
      }
      %eq3A_199 = arith.constant 78 : i32
      %eq3A_200 = arith.cmpi eq, %add3A_193, %eq3A_199 : i32
      %convert_element_type3A_201 = arith.extui %eq3A_200 : i1 to i32
      %cond3A_202 = arith.constant 0 : i32
      %cond3A_203 = arith.cmpi ne, %convert_element_type3A_201, %cond3A_202 : i32
      scf.if %cond3A_203 {
        "tpu.region"() ({
          %run_scoped3A = tpu.sem_alloc : memref<!tpu.dma_semaphore, #tpu.memory_space<semaphore_mem>>
          %dma_start3A_228 = arith.constant 9984 : i32
          %dma_start3A_229 = arith.constant 0 : i32
          %dma_start3A_230 = tpu.memref_slice %arg6[%dma_start3A_228, %dma_start3A_229] : memref<10000x128xf32, #tpu.memory_space<hbm>> -> memref<16x128xf32, #tpu.memory_space<hbm>>
          %dma_start3A_231 = arith.constant 9984 : i32
          %dma_start3A_232 = arith.constant 0 : i32
          %dma_start3A_233 = tpu.memref_slice %arg13[%dma_start3A_231, %dma_start3A_232] : memref<10000x128xf32, #tpu.memory_space<vmem_shared>> -> memref<16x128xf32, #tpu.memory_space<vmem_shared>>
          tpu.enqueue_dma source(%dma_start3A_233 : memref<16x128xf32, #tpu.memory_space<vmem_shared>>) target(%dma_start3A_230 : memref<16x128xf32, #tpu.memory_space<hbm>>) target_semaphore(%run_scoped3A : memref<!tpu.dma_semaphore, #tpu.memory_space<semaphore_mem>>)
          %dma_wait3A = arith.constant 9984 : i32
          %dma_wait3A_234 = arith.constant 0 : i32
          %dma_wait3A_235 = tpu.memref_slice %arg6[%dma_wait3A, %dma_wait3A_234] : memref<10000x128xf32, #tpu.memory_space<hbm>> -> memref<16x128xf32, #tpu.memory_space<hbm>>
          %dma_wait3A_236 = arith.constant 9984 : i32
          %dma_wait3A_237 = arith.constant 0 : i32
          %dma_wait3A_238 = tpu.memref_slice %arg13[%dma_wait3A_236, %dma_wait3A_237] : memref<10000x128xf32, #tpu.memory_space<vmem_shared>> -> memref<16x128xf32, #tpu.memory_space<vmem_shared>>
          tpu.wait_dma2 semaphore(%run_scoped3A : memref<!tpu.dma_semaphore, #tpu.memory_space<semaphore_mem>>) src(%dma_wait3A_238 : memref<16x128xf32, #tpu.memory_space<vmem_shared>>) dst(%dma_wait3A_235 : memref<16x128xf32, #tpu.memory_space<hbm>>)
          tpu.yield
        }) : () -> ()
      } else {
      }
      %add3A_204 = arith.constant 48 : i32
      %add3A_205 = arith.addi %arg1, %add3A_204 : i32
      %lt3A_206 = arith.constant 78 : i32
      %lt3A_207 = arith.cmpi slt, %add3A_205, %lt3A_206 : i32
      %convert_element_type3A_208 = arith.extui %lt3A_207 : i1 to i32
      %cond3A_209 = arith.constant 0 : i32
      %cond3A_210 = arith.cmpi ne, %convert_element_type3A_208, %cond3A_209 : i32
      scf.if %cond3A_210 {
        %mul3A_228 = arith.constant 128 : i32
        %mul3A_229 = arith.muli %add3A_205, %mul3A_228 : i32
        "tpu.region"() ({
          %run_scoped3A = tpu.sem_alloc : memref<!tpu.dma_semaphore, #tpu.memory_space<semaphore_mem>>
          %dma_start3A_230 = arith.constant 0 : i32
          %dma_start3A_231 = tpu.memref_slice %arg6[%mul3A_229, %dma_start3A_230] : memref<10000x128xf32, #tpu.memory_space<hbm>> -> memref<128x128xf32, #tpu.memory_space<hbm>>
          %dma_start3A_232 = arith.constant 0 : i32
          %dma_start3A_233 = tpu.memref_slice %arg13[%mul3A_229, %dma_start3A_232] : memref<10000x128xf32, #tpu.memory_space<vmem_shared>> -> memref<128x128xf32, #tpu.memory_space<vmem_shared>>
          tpu.enqueue_dma source(%dma_start3A_233 : memref<128x128xf32, #tpu.memory_space<vmem_shared>>) target(%dma_start3A_231 : memref<128x128xf32, #tpu.memory_space<hbm>>) target_semaphore(%run_scoped3A : memref<!tpu.dma_semaphore, #tpu.memory_space<semaphore_mem>>)
          %dma_wait3A = arith.constant 0 : i32
          %dma_wait3A_234 = tpu.memref_slice %arg6[%mul3A_229, %dma_wait3A] : memref<10000x128xf32, #tpu.memory_space<hbm>> -> memref<128x128xf32, #tpu.memory_space<hbm>>
          %dma_wait3A_235 = arith.constant 0 : i32
          %dma_wait3A_236 = tpu.memref_slice %arg13[%mul3A_229, %dma_wait3A_235] : memref<10000x128xf32, #tpu.memory_space<vmem_shared>> -> memref<128x128xf32, #tpu.memory_space<vmem_shared>>
          tpu.wait_dma2 semaphore(%run_scoped3A : memref<!tpu.dma_semaphore, #tpu.memory_space<semaphore_mem>>) src(%dma_wait3A_236 : memref<128x128xf32, #tpu.memory_space<vmem_shared>>) dst(%dma_wait3A_234 : memref<128x128xf32, #tpu.memory_space<hbm>>)
          tpu.yield
        }) : () -> ()
      } else {
      }
      %eq3A_211 = arith.constant 78 : i32
      %eq3A_212 = arith.cmpi eq, %add3A_205, %eq3A_211 : i32
      %convert_element_type3A_213 = arith.extui %eq3A_212 : i1 to i32
      %cond3A_214 = arith.constant 0 : i32
      %cond3A_215 = arith.cmpi ne, %convert_element_type3A_213, %cond3A_214 : i32
      scf.if %cond3A_215 {
        "tpu.region"() ({
          %run_scoped3A = tpu.sem_alloc : memref<!tpu.dma_semaphore, #tpu.memory_space<semaphore_mem>>
          %dma_start3A_228 = arith.constant 9984 : i32
          %dma_start3A_229 = arith.constant 0 : i32
          %dma_start3A_230 = tpu.memref_slice %arg6[%dma_start3A_228, %dma_start3A_229] : memref<10000x128xf32, #tpu.memory_space<hbm>> -> memref<16x128xf32, #tpu.memory_space<hbm>>
          %dma_start3A_231 = arith.constant 9984 : i32
          %dma_start3A_232 = arith.constant 0 : i32
          %dma_start3A_233 = tpu.memref_slice %arg13[%dma_start3A_231, %dma_start3A_232] : memref<10000x128xf32, #tpu.memory_space<vmem_shared>> -> memref<16x128xf32, #tpu.memory_space<vmem_shared>>
          tpu.enqueue_dma source(%dma_start3A_233 : memref<16x128xf32, #tpu.memory_space<vmem_shared>>) target(%dma_start3A_230 : memref<16x128xf32, #tpu.memory_space<hbm>>) target_semaphore(%run_scoped3A : memref<!tpu.dma_semaphore, #tpu.memory_space<semaphore_mem>>)
          %dma_wait3A = arith.constant 9984 : i32
          %dma_wait3A_234 = arith.constant 0 : i32
          %dma_wait3A_235 = tpu.memref_slice %arg6[%dma_wait3A, %dma_wait3A_234] : memref<10000x128xf32, #tpu.memory_space<hbm>> -> memref<16x128xf32, #tpu.memory_space<hbm>>
          %dma_wait3A_236 = arith.constant 9984 : i32
          %dma_wait3A_237 = arith.constant 0 : i32
          %dma_wait3A_238 = tpu.memref_slice %arg13[%dma_wait3A_236, %dma_wait3A_237] : memref<10000x128xf32, #tpu.memory_space<vmem_shared>> -> memref<16x128xf32, #tpu.memory_space<vmem_shared>>
          tpu.wait_dma2 semaphore(%run_scoped3A : memref<!tpu.dma_semaphore, #tpu.memory_space<semaphore_mem>>) src(%dma_wait3A_238 : memref<16x128xf32, #tpu.memory_space<vmem_shared>>) dst(%dma_wait3A_235 : memref<16x128xf32, #tpu.memory_space<hbm>>)
          tpu.yield
        }) : () -> ()
      } else {
      }
      %add3A_216 = arith.constant 64 : i32
      %add3A_217 = arith.addi %arg1, %add3A_216 : i32
      %lt3A_218 = arith.constant 78 : i32
      %lt3A_219 = arith.cmpi slt, %add3A_217, %lt3A_218 : i32
      %convert_element_type3A_220 = arith.extui %lt3A_219 : i1 to i32
      %cond3A_221 = arith.constant 0 : i32
      %cond3A_222 = arith.cmpi ne, %convert_element_type3A_220, %cond3A_221 : i32
      scf.if %cond3A_222 {
        %mul3A_228 = arith.constant 128 : i32
        %mul3A_229 = arith.muli %add3A_217, %mul3A_228 : i32
        "tpu.region"() ({
          %run_scoped3A = tpu.sem_alloc : memref<!tpu.dma_semaphore, #tpu.memory_space<semaphore_mem>>
          %dma_start3A_230 = arith.constant 0 : i32
          %dma_start3A_231 = tpu.memref_slice %arg6[%mul3A_229, %dma_start3A_230] : memref<10000x128xf32, #tpu.memory_space<hbm>> -> memref<128x128xf32, #tpu.memory_space<hbm>>
          %dma_start3A_232 = arith.constant 0 : i32
          %dma_start3A_233 = tpu.memref_slice %arg13[%mul3A_229, %dma_start3A_232] : memref<10000x128xf32, #tpu.memory_space<vmem_shared>> -> memref<128x128xf32, #tpu.memory_space<vmem_shared>>
          tpu.enqueue_dma source(%dma_start3A_233 : memref<128x128xf32, #tpu.memory_space<vmem_shared>>) target(%dma_start3A_231 : memref<128x128xf32, #tpu.memory_space<hbm>>) target_semaphore(%run_scoped3A : memref<!tpu.dma_semaphore, #tpu.memory_space<semaphore_mem>>)
          %dma_wait3A = arith.constant 0 : i32
          %dma_wait3A_234 = tpu.memref_slice %arg6[%mul3A_229, %dma_wait3A] : memref<10000x128xf32, #tpu.memory_space<hbm>> -> memref<128x128xf32, #tpu.memory_space<hbm>>
          %dma_wait3A_235 = arith.constant 0 : i32
          %dma_wait3A_236 = tpu.memref_slice %arg13[%mul3A_229, %dma_wait3A_235] : memref<10000x128xf32, #tpu.memory_space<vmem_shared>> -> memref<128x128xf32, #tpu.memory_space<vmem_shared>>
          tpu.wait_dma2 semaphore(%run_scoped3A : memref<!tpu.dma_semaphore, #tpu.memory_space<semaphore_mem>>) src(%dma_wait3A_236 : memref<128x128xf32, #tpu.memory_space<vmem_shared>>) dst(%dma_wait3A_234 : memref<128x128xf32, #tpu.memory_space<hbm>>)
          tpu.yield
        }) : () -> ()
      } else {
      }
      %eq3A_223 = arith.constant 78 : i32
      %eq3A_224 = arith.cmpi eq, %add3A_217, %eq3A_223 : i32
      %convert_element_type3A_225 = arith.extui %eq3A_224 : i1 to i32
      %cond3A_226 = arith.constant 0 : i32
      %cond3A_227 = arith.cmpi ne, %convert_element_type3A_225, %cond3A_226 : i32
      scf.if %cond3A_227 {
        "tpu.region"() ({
          %run_scoped3A = tpu.sem_alloc : memref<!tpu.dma_semaphore, #tpu.memory_space<semaphore_mem>>
          %dma_start3A_228 = arith.constant 9984 : i32
          %dma_start3A_229 = arith.constant 0 : i32
          %dma_start3A_230 = tpu.memref_slice %arg6[%dma_start3A_228, %dma_start3A_229] : memref<10000x128xf32, #tpu.memory_space<hbm>> -> memref<16x128xf32, #tpu.memory_space<hbm>>
          %dma_start3A_231 = arith.constant 9984 : i32
          %dma_start3A_232 = arith.constant 0 : i32
          %dma_start3A_233 = tpu.memref_slice %arg13[%dma_start3A_231, %dma_start3A_232] : memref<10000x128xf32, #tpu.memory_space<vmem_shared>> -> memref<16x128xf32, #tpu.memory_space<vmem_shared>>
          tpu.enqueue_dma source(%dma_start3A_233 : memref<16x128xf32, #tpu.memory_space<vmem_shared>>) target(%dma_start3A_230 : memref<16x128xf32, #tpu.memory_space<hbm>>) target_semaphore(%run_scoped3A : memref<!tpu.dma_semaphore, #tpu.memory_space<semaphore_mem>>)
          %dma_wait3A = arith.constant 9984 : i32
          %dma_wait3A_234 = arith.constant 0 : i32
          %dma_wait3A_235 = tpu.memref_slice %arg6[%dma_wait3A, %dma_wait3A_234] : memref<10000x128xf32, #tpu.memory_space<hbm>> -> memref<16x128xf32, #tpu.memory_space<hbm>>
          %dma_wait3A_236 = arith.constant 9984 : i32
          %dma_wait3A_237 = arith.constant 0 : i32
          %dma_wait3A_238 = tpu.memref_slice %arg13[%dma_wait3A_236, %dma_wait3A_237] : memref<10000x128xf32, #tpu.memory_space<vmem_shared>> -> memref<16x128xf32, #tpu.memory_space<vmem_shared>>
          tpu.wait_dma2 semaphore(%run_scoped3A : memref<!tpu.dma_semaphore, #tpu.memory_space<semaphore_mem>>) src(%dma_wait3A_238 : memref<16x128xf32, #tpu.memory_space<vmem_shared>>) dst(%dma_wait3A_235 : memref<16x128xf32, #tpu.memory_space<hbm>>)
          tpu.yield
        }) : () -> ()
      } else {
      }
    } else {
    }
    return
  }
}

module attributes {stable_mosaic.version = 14 : i64} {
  func.func @_mm_body(%arg0: i32, %arg1: memref<1000x256xf32, #tpu.memory_space<vmem>>, %arg2: memref<256x256xf32, #tpu.memory_space<vmem>>, %arg3: memref<1000x256xf32, #tpu.memory_space<vmem>>) attributes {dimension_semantics = [#tpu.dimension_semantics<arbitrary>], iteration_bounds = array<i64: 10>, scalar_prefetch = 0 : i64, scratch_operands = 0 : i64, tpu.core_type = #tpu.core_type<tc>, window_params = [{transform_indices = @transform_0, window_bounds = array<i64: 1000, 256>}, {pipeline_mode = #tpu.pipeline_mode<synchronous>, transform_indices = @transform_1, window_bounds = array<i64: 256, 256>}, {transform_indices = @transform_2, window_bounds = array<i64: 1000, 256>}]} {
    %get3A = arith.constant 0 : index
    %get3A_0 = arith.constant 0 : index
    %get3A_1 = vector.load %arg1[%get3A, %get3A_0] : memref<1000x256xf32, #tpu.memory_space<vmem>>, vector<1000x256xf32>
    %get3A_2 = arith.constant 0 : index
    %get3A_3 = arith.constant 0 : index
    %get3A_4 = vector.load %arg2[%get3A_2, %get3A_3] : memref<256x256xf32, #tpu.memory_space<vmem>>, vector<256x256xf32>
    %dot_general3A = arith.constant dense<0.000000e+00> : vector<1000x256xf32>
    %dot_general3A_5 = tpu.matmul %get3A_1, %get3A_4, %dot_general3A {dimension_numbers = #tpu.dot_dimension_numbers<[1], [0], [0], [1], [0, 0, 1, 1], [], []>, transpose_lhs_hint = false} : vector<1000x256xf32>, vector<256x256xf32>, vector<1000x256xf32> -> vector<1000x256xf32>
    %swap3A = arith.constant 0 : index
    %swap3A_6 = arith.constant 0 : index
    %swap3A_7 = vector.load %arg3[%swap3A, %swap3A_6] : memref<1000x256xf32, #tpu.memory_space<vmem>>, vector<1000x256xf32>
    tpu.vector_store %arg3[%swap3A, %swap3A_6], %dot_general3A_5 {strides = array<i32>} : memref<1000x256xf32, #tpu.memory_space<vmem>>, vector<1000x256xf32>,
    return
  }
  func.func @transform_0(%arg0: i32) -> (i32, i32) {
    %c0_i32 = arith.constant 0 : i32
    %c0_i32_0 = arith.constant 0 : i32
    return %arg0, %c0_i32 : i32, i32
  }
  func.func @transform_1(%arg0: i32) -> (i32, i32) {
    %c0_i32 = arith.constant 0 : i32
    %c0_i32_0 = arith.constant 0 : i32
    %c0_i32_1 = arith.constant 0 : i32
    return %c0_i32, %c0_i32_0 : i32, i32
  }
  func.func @transform_2(%arg0: i32) -> (i32, i32) {
    %c0_i32 = arith.constant 0 : i32
    %c0_i32_0 = arith.constant 0 : i32
    return %arg0, %c0_i32 : i32, i32
  }
}

module attributes {stable_mosaic.version = 14 : i64} {
  func.func @_yscale_body(%arg0: i32, %arg1: memref<1000x256xf32, #tpu.memory_space<vmem>>, %arg2: memref<1000x1xf32, #tpu.memory_space<vmem>>, %arg3: memref<1000x128xf32, #tpu.memory_space<vmem>>, %arg4: memref<1000x128xf32, #tpu.memory_space<vmem>>) attributes {dimension_semantics = [#tpu.dimension_semantics<arbitrary>], iteration_bounds = array<i64: 10>, scalar_prefetch = 0 : i64, scratch_operands = 0 : i64, tpu.core_type = #tpu.core_type<tc>, window_params = [{transform_indices = @transform_0, window_bounds = array<i64: 1000, 256>}, {transform_indices = @transform_1, window_bounds = array<i64: 1000, 1>}, {transform_indices = @transform_2, window_bounds = array<i64: 1000, 128>}, {transform_indices = @transform_3, window_bounds = array<i64: 1000, 128>}]} {
    %get3A = arith.constant 0 : index
    %get3A_0 = arith.constant 0 : index
    %get3A_1 = vector.load %arg2[%get3A, %get3A_0] : memref<1000x1xf32, #tpu.memory_space<vmem>>, vector<1000x1xf32>
    %gt3A = arith.constant 0.000000e+00 : f32
    %gt3A_2 = vector.broadcast %gt3A : f32 to vector<1000x1xf32>
    %gt3A_3 = arith.cmpf ogt, %get3A_1, %gt3A_2 : vector<1000x1xf32>
    %rsqrt3A = math.rsqrt %get3A_1 : vector<1000x1xf32>
    %jit3A = arith.constant 0.000000e+00 : f32
    %broadcast_in_dim3A = vector.broadcast %jit3A : f32 to vector<1000x1xf32>
    %select_n3A = arith.select %gt3A_3, %rsqrt3A, %broadcast_in_dim3A : vector<1000x1xi1>, vector<1000x1xf32>
    %get3A_4 = arith.constant 0 : index
    %get3A_5 = arith.constant 0 : index
    %get3A_6 = vector.load %arg1[%get3A_4, %get3A_5] : memref<1000x256xf32, #tpu.memory_space<vmem>>, vector<1000x256xf32>
    %mul3A = vector.broadcast %select_n3A : vector<1000x1xf32> to vector<1000x256xf32>
    %mul3A_7 = arith.mulf %get3A_6, %mul3A : vector<1000x256xf32>
    %slice3A = vector.extract_strided_slice %mul3A_7 {offsets = [0, 0], sizes = [1000, 128], strides = [1, 1]} : vector<1000x256xf32> to vector<1000x128xf32>
    %swap3A = arith.constant 0 : index
    %swap3A_8 = arith.constant 0 : index
    %swap3A_9 = vector.load %arg3[%swap3A, %swap3A_8] : memref<1000x128xf32, #tpu.memory_space<vmem>>, vector<1000x128xf32>
    tpu.vector_store %arg3[%swap3A, %swap3A_8], %slice3A {strides = array<i32>} : memref<1000x128xf32, #tpu.memory_space<vmem>>, vector<1000x128xf32>,
    %slice3A_10 = vector.extract_strided_slice %mul3A_7 {offsets = [0, 128], sizes = [1000, 128], strides = [1, 1]} : vector<1000x256xf32> to vector<1000x128xf32>
    %swap3A_11 = arith.constant 0 : index
    %swap3A_12 = arith.constant 0 : index
    %swap3A_13 = vector.load %arg4[%swap3A_11, %swap3A_12] : memref<1000x128xf32, #tpu.memory_space<vmem>>, vector<1000x128xf32>
    tpu.vector_store %arg4[%swap3A_11, %swap3A_12], %slice3A_10 {strides = array<i32>} : memref<1000x128xf32, #tpu.memory_space<vmem>>, vector<1000x128xf32>,
    return
  }
  func.func @transform_0(%arg0: i32) -> (i32, i32) {
    %c0_i32 = arith.constant 0 : i32
    %c0_i32_0 = arith.constant 0 : i32
    return %arg0, %c0_i32 : i32, i32
  }
  func.func @transform_1(%arg0: i32) -> (i32, i32) {
    %c0_i32 = arith.constant 0 : i32
    %c0_i32_0 = arith.constant 0 : i32
    return %arg0, %c0_i32 : i32, i32
  }
  func.func @transform_2(%arg0: i32) -> (i32, i32) {
    %c0_i32 = arith.constant 0 : i32
    %c0_i32_0 = arith.constant 0 : i32
    return %arg0, %c0_i32 : i32, i32
  }
  func.func @transform_3(%arg0: i32) -> (i32, i32) {
    %c0_i32 = arith.constant 0 : i32
    %c0_i32_0 = arith.constant 0 : i32
    return %arg0, %c0_i32 : i32, i32
  }
}

module attributes {stable_mosaic.version = 14 : i64} {
  func.func @_scale_body(%arg0: i32, %arg1: memref<1000x128xf32, #tpu.memory_space<vmem>>, %arg2: memref<1000x128xf32, #tpu.memory_space<vmem>>, %arg3: memref<1000x1xf32, #tpu.memory_space<vmem>>, %arg4: memref<1000x256xf32, #tpu.memory_space<vmem>>) attributes {dimension_semantics = [#tpu.dimension_semantics<arbitrary>], iteration_bounds = array<i64: 10>, scalar_prefetch = 0 : i64, scratch_operands = 0 : i64, tpu.core_type = #tpu.core_type<tc>, window_params = [{transform_indices = @transform_0, window_bounds = array<i64: 1000, 128>}, {transform_indices = @transform_1, window_bounds = array<i64: 1000, 128>}, {transform_indices = @transform_2, window_bounds = array<i64: 1000, 1>}, {transform_indices = @transform_3, window_bounds = array<i64: 1000, 256>}]} {
    %get3A = arith.constant 0 : index
    %get3A_0 = arith.constant 0 : index
    %get3A_1 = vector.load %arg3[%get3A, %get3A_0] : memref<1000x1xf32, #tpu.memory_space<vmem>>, vector<1000x1xf32>
    %gt3A = arith.constant 0.000000e+00 : f32
    %gt3A_2 = vector.broadcast %gt3A : f32 to vector<1000x1xf32>
    %gt3A_3 = arith.cmpf ogt, %get3A_1, %gt3A_2 : vector<1000x1xf32>
    %rsqrt3A = math.rsqrt %get3A_1 : vector<1000x1xf32>
    %jit3A = arith.constant 0.000000e+00 : f32
    %broadcast_in_dim3A = vector.broadcast %jit3A : f32 to vector<1000x1xf32>
    %select_n3A = arith.select %gt3A_3, %rsqrt3A, %broadcast_in_dim3A : vector<1000x1xi1>, vector<1000x1xf32>
    %get3A_4 = arith.constant 0 : index
    %get3A_5 = arith.constant 0 : index
    %get3A_6 = vector.load %arg1[%get3A_4, %get3A_5] : memref<1000x128xf32, #tpu.memory_space<vmem>>, vector<1000x128xf32>
    %mul3A = vector.broadcast %select_n3A : vector<1000x1xf32> to vector<1000x128xf32>
    %mul3A_7 = arith.mulf %get3A_6, %mul3A : vector<1000x128xf32>
    %swap3A = arith.constant 0 : index
    %swap3A_8 = arith.constant 0 : index
    %swap3A_9 = vector.load %arg4[%swap3A, %swap3A_8] : memref<1000x256xf32, #tpu.memory_space<vmem>>, vector<1000x128xf32>
    tpu.vector_store %arg4[%swap3A, %swap3A_8], %mul3A_7 {strides = array<i32>} : memref<1000x256xf32, #tpu.memory_space<vmem>>, vector<1000x128xf32>,
    %get3A_10 = arith.constant 0 : index
    %get3A_11 = arith.constant 0 : index
    %get3A_12 = vector.load %arg2[%get3A_10, %get3A_11] : memref<1000x128xf32, #tpu.memory_space<vmem>>, vector<1000x128xf32>
    %mul3A_13 = vector.broadcast %select_n3A : vector<1000x1xf32> to vector<1000x128xf32>
    %mul3A_14 = arith.mulf %get3A_12, %mul3A_13 : vector<1000x128xf32>
    %swap3A_15 = arith.constant 0 : index
    %swap3A_16 = arith.constant 128 : index
    %swap3A_17 = vector.load %arg4[%swap3A_15, %swap3A_16] : memref<1000x256xf32, #tpu.memory_space<vmem>>, vector<1000x128xf32>
    tpu.vector_store %arg4[%swap3A_15, %swap3A_16], %mul3A_14 {strides = array<i32>} : memref<1000x256xf32, #tpu.memory_space<vmem>>, vector<1000x128xf32>,
    return
  }
  func.func @transform_0(%arg0: i32) -> (i32, i32) {
    %c0_i32 = arith.constant 0 : i32
    %c0_i32_0 = arith.constant 0 : i32
    return %arg0, %c0_i32 : i32, i32
  }
  func.func @transform_1(%arg0: i32) -> (i32, i32) {
    %c0_i32 = arith.constant 0 : i32
    %c0_i32_0 = arith.constant 0 : i32
    return %arg0, %c0_i32 : i32, i32
  }
  func.func @transform_2(%arg0: i32) -> (i32, i32) {
    %c0_i32 = arith.constant 0 : i32
    %c0_i32_0 = arith.constant 0 : i32
    return %arg0, %c0_i32 : i32, i32
  }
  func.func @transform_3(%arg0: i32) -> (i32, i32) {
    %c0_i32 = arith.constant 0 : i32
    %c0_i32_0 = arith.constant 0 : i32
    return %arg0, %c0_i32 : i32, i32
  }
}

</mosaic_0001>

<sc_bundles>
// kernel: kernel.10.cloned.1.call-start
scs
__scs_entry_jumppad:
0x0: {  	(pc) =	sbr.rel $0x88, $3  }
0x1: {  	(tag) =	ssettag $0x0;
	lr =	simm.s32 $0x1  }
0x2: {  	[smem:$0x3F9E] =	sst lr;
	_ =	strace $0xD0000000  }
0x3: {  	_ = 	snop  }
0x4: {  	_ = 	snop  }
0x5: {  	_ = 	snop  }
0x6: {  	_ = 	snop  }
0x7: {  	_ = 	snop  }
__scs_overlays_trampoline_lowered:
0x8: {  	[smem:$0x3FAD] =	sst s0  }
0x9: {  	[smem:$0x3FAE] =	sst s1  }
0xa: {  	[smem:$0x3FAF] =	sst s2  }
0xb: {  	[smem:$0x3FB0] =	sst s3  }
0xc: {  	[smem:$0x3FB1] =	sst s4  }
0xd: {  	[smem:$0x3FB2] =	sst s5  }
0xe: {  	[smem:$0x3FB3] =	sst s6  }
0xf: {  	[smem:$0x3FB4] =	sst s7  }
0x10: {  	[smem:$0x3FB5] =	sst s8  }
0x11: {  	[smem:$0x3FB6] =	sst s9;
	s0 =	simm.s32 @!p0 $0x0  }
0x12: {  	s1 =	sld [smem:$0x3F9C];
	s0 =	simm.s32 @p0 $0x1  }
0x13: {  	[smem:$0x3FB7] =	sst s0;
	s0 =	simm.s32 @!p1 $0x0  }
0x14: {  	s2 =	sld [smem:$0x3F9B];
	s0 =	simm.s32 @p1 $0x1  }
0x15: {  	[smem:$0x3FB8] =	sst s0;
	s0 =	simm.s32 @!p2 $0x0  }
0x16: {  	s3 =	sld [smem:$0x3FDB];
	s0 =	simm.s32 @p2 $0x1  }
0x17: {  	s4 =	simm.s32 $0x1BF5;
	[smem:$0x3FBA] =	sst s0  }
0x18: {  	s0 =	sld [smem:$0x3F9D];
	_ =	swait.ge [sflag:s4], $0x0  }
0x19: {  	s7 =	sld [smem:$0x3F9E]  }
0x1a: {  	s8 =	sadd.s32 $0xFFFFE003, lr  }
0x1b: {  	s9 =	sadd.s32 $0xFFFFFEF7, lr;
	s5 =	simm.s32 $0xFFFFFFFF;
	p2 =	slt.u32 s8, $0xFFFFF086  }
0x1c: {  	p1 =	slt.u32 s9, $0xF7A;
	s5 =	simm.s32 @!p2 $0x0  }
0x1d: {  	s5 =	simm.s32 @p1 $0x1;
	p0 =	seq.s32 s7, s2  }
0x1e: {  	s7 =	smul.u32 @!p0 $0xF7A, s2;
	p2 =	seq.s32 @!p0 s5, $0x0  }
0x1f: {  	s9 =	smul.u32 $0xF7A, s1;
	s8 =	simm.s32 @!p0 $0x1BF5;
	p2 =	por !p2, p0  }
0x20: {  	[sflag:s8] =	ssyncset.s32 @!p0 $0xFFFFF086;
	s6 =	sadd.s32 @!p0 s3, s7;
	s7 =	simm.s32 @!p0 $0x108  }
0x21: {  	s3 =	sadd.s32 s3, s9;
	s6 =	sadd.s32 @!p0 $0x88, s6;
	s7 =	simm.s32 @p2 $0x1082  }
0x22: {  	[simem:s7], [sflag:s8] =	dma.local @!p0 [hbm:s6], $0xF7A  }
0x23: {  	s9 =	sor.u32 $0xD0000000, s2;
	s6 =	simm.s32 $0x108;
	_ =	swait.ge @!p0 [sflag:s8], $0x0  }
0x24: {  	s3 =	sadd.s32 $0x88, s3;
	s6 =	simm.s32 @!p1 $0x1082;
	[sflag:s4] =	ssyncset.s32 $0xFFFFF086  }
0x25: {  	[simem:s6], [sflag:s4] =	dma.local [hbm:s3], $0xF7A  }
0x26: {  	[smem:$0x3F9E] =	sst s1;
	(tag) =	ssettag s2;
	_ =	strace s9  }
0x27: {  	s1 =	sld [smem:$0x3FAE]  }
0x28: {  	s2 =	sld [smem:$0x3FAF]  }
0x29: {  	s4 =	sld [smem:$0x3FB1]  }
0x2a: {  	p0 =	seq.s32 s5, $0x0;
	s5 =	sld [smem:$0x3FB2]  }
0x2b: {  	s6 =	sld [smem:$0x3FB3]  }
0x2c: {  	s7 =	sld [smem:$0x3FB4]  }
0x2d: {  	s3 =	simm.s32 $0x108;
	s8 =	sld [smem:$0x3FB5]  }
0x2e: {  	s3 =	simm.s32 @!p0 $0x1082;
	s9 =	sld [smem:$0x3FB6]  }
0x2f: {  	lr =	sadd.s32 s0, s3;
	s0 =	sld [smem:$0x3FAD]  }
0x30: {  	s3 =	sld [smem:$0x3FB0]  }
0x31: {  	[smem:$0x3FB9] =	sst s10  }
0x32: {  	s10 =	sld [smem:$0x3FB7];
	_ =	sdelay $0x3  }
0x33: {  	p0 =	seq.s32 s10, $0x1;
	s10 =	sld [smem:$0x3FB9];
	_ =	sdelay $0x3  }
0x34: {  	[smem:$0x3FB9] =	sst s10  }
0x35: {  	s10 =	sld [smem:$0x3FB8];
	_ =	sdelay $0x3  }
0x36: {  	p1 =	seq.s32 s10, $0x1;
	s10 =	sld [smem:$0x3FB9];
	_ =	sdelay $0x3  }
0x37: {  	[smem:$0x3FB9] =	sst s10  }
0x38: {  	s10 =	sld [smem:$0x3FBA]  }
0x39: {  	_ = 	snop;
	(pc) =	sbr.ind lr, $3  }
0x3a: {  	_ = 	snop  }
0x3b: {  	_ = 	snop  }
0x3c: {  	p2 =	seq.s32 s10, $0x1;
	s10 =	sld [smem:$0x3FB9]  }
0x3d: {  	_ =	shalt  }
0x3e: {  	_ =	shalt  }
0x3f: {  	_ =	shalt  }
0x40: {  	_ =	shalt  }
0x41: {  	_ =	shalt  }
0x42: {  	_ =	shalt  }
0x43: {  	_ =	shalt  }
0x44: {  	_ =	shalt  }
0x45: {  	_ =	shalt  }
0x46: {  	_ =	shalt  }
0x47: {  	_ =	shalt  }
0x48: {  	_ =	shalt  }
0x49: {  	_ =	shalt  }
0x4a: {  	_ =	shalt  }
0x4b: {  	_ =	shalt  }
0x4c: {  	_ =	shalt  }
0x4d: {  	_ =	shalt  }
0x4e: {  	_ =	shalt  }
0x4f: {  	_ =	shalt  }
0x50: {  	_ =	shalt  }
0x51: {  	_ =	shalt  }
0x52: {  	_ =	shalt  }
0x53: {  	_ =	shalt  }
0x54: {  	_ =	shalt  }
0x55: {  	_ =	shalt  }
0x56: {  	_ =	shalt  }
0x57: {  	_ =	shalt  }
0x58: {  	_ =	shalt  }
0x59: {  	_ =	shalt  }
0x5a: {  	_ =	shalt  }
0x5b: {  	_ =	shalt  }
0x5c: {  	_ =	shalt  }
0x5d: {  	_ =	shalt  }
0x5e: {  	_ =	shalt  }
0x5f: {  	_ =	shalt  }
0x60: {  	_ =	shalt  }
0x61: {  	_ =	shalt  }
0x62: {  	_ =	shalt  }
0x63: {  	_ =	shalt  }
0x64: {  	_ =	shalt  }
0x65: {  	_ =	shalt  }
0x66: {  	_ =	shalt  }
0x67: {  	_ =	shalt  }
0x68: {  	_ =	shalt  }
0x69: {  	_ =	shalt  }
0x6a: {  	_ =	shalt  }
0x6b: {  	_ =	shalt  }
0x6c: {  	_ =	shalt  }
0x6d: {  	_ =	shalt  }
0x6e: {  	_ =	shalt  }
0x6f: {  	_ =	shalt  }
0x70: {  	_ =	shalt  }
0x71: {  	_ =	shalt  }
0x72: {  	_ =	shalt  }
0x73: {  	_ =	shalt  }
0x74: {  	_ =	shalt  }
0x75: {  	_ =	shalt  }
0x76: {  	_ =	shalt  }
0x77: {  	_ =	shalt  }
0x78: {  	_ =	shalt  }
0x79: {  	_ =	shalt  }
0x7a: {  	_ =	shalt  }
0x7b: {  	_ =	shalt  }
0x7c: {  	_ =	shalt  }
0x7d: {  	_ =	shalt  }
0x7e: {  	_ =	shalt  }
0x7f: {  	_ =	shalt  }
0x80: {  	_ =	shalt  }
0x81: {  	_ =	shalt  }
0x82: {  	_ =	shalt  }
0x83: {  	_ =	shalt  }
0x84: {  	_ =	shalt  }
0x85: {  	_ =	shalt  }
0x86: {  	_ =	shalt  }
0x87: {  	_ =	shalt  }
.Lfunc_end0:
.L_simem_size_0:
called_computation.1_lowered:
.L_overlay_start_0:
0x88: {  	s2 =	sld [smem:$0x3FD9]  }
0x89: {  	s3 =	sld [smem:$0x3FFE];
	_ =	sdelay $0x1  }
0x8a: {  	s1 =	srdreg.scid  }
0x8b: {  	s0 =	sand.u32 $0x1, s1  }
0x8c: {  	s17 =	sshll.u32 s0, $0xA;
	s2 =	sadd.s32 s3, s2  }
0x8d: {  	s2 =	sadd.s32 s2, s17  }
0x8e: {  	[smem:$0x3FC5] =	sst s2  }
0x8f: {  	_ = 	snop  }
0x90: {  	s2 =	sld [smem:$0x3FC8]  }
0x91: {  	s18 =	sld [smem:$0x3FD0];
	(tm) =	ssettm $0x1  }
0x92: {  	s4 =	sld [smem:$0x3FFB];
	_ =	sdelay $0x3  }
0x93: {  	_ =	strace s4  }
0x94: {  	s4 =	sld [smem:$0x3FFC];
	_ =	sdelay $0x3  }
0x95: {  	_ =	strace s4  }
0x96: {  	s4 =	sld [smem:$0x3FFD];
	_ =	sdelay $0x3  }
0x97: {  	_ =	strace s4  }
0x98: {  	_ =	strace $0x8FFFFFFF  }
0x99: {  	s19 =	sld [smem:$0x3FDB];
	_ =	sdelay $0x1  }
0x9a: {  	s5 =	simm.s32 $_scs_section_size  }
0x9b: {  	s6 =	simm.s32 $_size__tile_overlayer_lowered;
	s7 =	simm.s32 $_tile_overlayer_lowered  }
0x9c: {  	s22 =	simm.s32 $0x1BFF;
	s21 =	sshll.u32 s7, $0x1;
	s4 =	sadd.s32 s5, s19  }
0x9d: {  	s8 =	simm.s32 $0x0;
	s20 =	sshll.u32 s6, $0x1;
	s6 =	sadd.s32 s21, s4  }
0x9e: {  	[timem:s8], [sflag:s22] =	dma.local [hbm:s6], s20  }
0x9f: {  	_ =	swait.ge [sflag:s22], s20  }
0xa0: {  	s5 =	ssub.s32 $0x0, s20;
	[sflag:s22] =	ssyncset.done $0x0  }
0xa1: {  	[sflag:s22] =	ssyncadd.s32 s5;
	_ =	sdelay $0x1  }
0xa2: {  	s23 =	simm.s32 $0x1B8B  }
0xa3: {  	_ =	swait.ge [sflag:s23], $0x1  }
0xa4: {  	[sflag:s23] =	ssyncset.done $0x0  }
0xa5: {  	s25 =	simm.s32 $0x1B8E;
	s24 =	sld [smem:$0x3FFE];
	[sflag:s23] =	ssyncadd.s32 $0xFFFFFFFF  }
0xa6: {  	s26 =	simm.s32 $execute0_lowered;
	[smem:$0x3FD2] =	sst s25  }
0xa7: {  	s6 =	sshll.u32 s26, $0x1;
	_ =	strace $0x80000049;
	[dreg:$0x1] =	wrdreg $0xFFFFFFFF  }
0xa8: {  	s28 =	simm.s32 $_size_execute0_lowered;
	s4 =	sadd.s32 s4, s6;
	[dreg:$0x0] =	wrdreg $0x0  }
0xa9: {  	s6 =	sshll.u32 s28, $0x1;
	[dreg:$0x2] =	wrdreg s4  }
0xaa: {  	[dreg:$0x3] =	wrdreg s6  }
0xab: {  	[dreg:$0x4] =	wrdreg $0xC0  }
0xac: {  	_ =	task [dreg:s8], $0x5FFFF  }
0xad: {  	[dreg:$0x1] =	wrdreg $0xFFFFFFFF  }
0xae: {  	[dreg:$0x0] =	wrdreg $0x60  }
0xaf: {  	[dreg:$0x2] =	wrdreg s18  }
0xb0: {  	[dreg:$0x3] =	wrdreg s24  }
0xb1: {  	[dreg:$0x4] =	wrdreg s2  }
0xb2: {  	[dreg:$0x5] =	wrdreg $0xC4000  }
0xb3: {  	[dreg:$0x6] =	wrdreg $0x9  }
0xb4: {  	_ =	task.clear_ibuf [dreg:s8], $0x7FFFF;
	_ =	strace $0x90000049  }
0xb5: {  	s29 =	simm.s32 $0x9;
	_ =	strace $0x8000004B  }
0xb6: {  	_ =	swait.ge [sflag:s29], $0x1  }
0xb7: {  	[sflag:s29] =	ssyncadd.s32 $0xFFFFFFFF  }
0xb8: {  	_ =	strace $0x9000004B  }
0xb9: {  	_ =	sfence  }
0xba: {  	s30 =	sld [smem:$0x0];
	_ =	sdelay $0x2  }
0xbb: {  	s31 =	sshll.u32 s1, $0xD;
	s1 =	sshrl.u32 s1, $0x2  }
0xbc: {  	s3 =	sand.u32 $0x4000, s31;
	s1 =	sadd.s32 s1, s30  }
0xbd: {  	s0 =	sor.u32 s3, s0;
	s1 =	sshll.u32 s1, $0x11  }
0xbe: {  	s0 =	sor.u32 s1, s0  }
0xbf: {  	s0 =	sadd.s32 $0x8F2B, s0  }
0xc0: {  	[sflag:s0] =	ssyncadd.remote.s32 $0x1  }
0xc1: {  	_ =	sfence.sel $0xFFFF  }
0xc2: {  	[dreg:$0x0] =	wrdreg $0xFFFFFFFF;
	(pc) =	sbr.abs _section_cstart, $3  }
0xc3: {  	[dreg:$0x1] =	wrdreg $0xFFFFFFFF  }
0xc4: {  	_ =	task.clear_ibuf [dreg:s8], $0x2FFFF;
	_ =	strace $0x9FFFFFFF  }
0xc5: {  	(tm) =	ssettm $0x7FFFFFFF  }
tec
execute0_lowered:
.L_overlay_start_1:
0x0: {  	(tag) =	ssettag $0x1  }
0x1: {  	s1 =	rddreg [dreg:$0x0]  }
0x2: {  	s0 =	rddreg [dreg:$0x1]  }
0x3: {  	s4 =	rddreg [dreg:$0x2]  }
0x4: {  	s2 =	rddreg [dreg:$0x3];
	s3 =	simm.s32 $0x0  }
0x5: {  	s6 =	srdreg.scid;
	s14 =	stileid.u32;
	s7 =	simm.s32 $0x4F  }
0x6: {  	s28 =	simm.s32 $0x2;
	s29 =	simm.s32 $0x0;
	[smem:$0x7FF] =	sst s3  }
0x7: {  	s5 =	sadd.s32 $0x2000, s0;
	s6 =	sand.u32 $0x1, s6;
	s15 =	sadd.s32 $0x29200, s0  }
0x8: {  	p0 =	slt.u32 s14, $0x2;
	s20 =	sadd.s32 $0x50400, s0;
	s23 =	sshll.u32 s14, $0x5  }
0x9: {  	s24 =	sadd.s32 $0x10, s4;
	s10 =	sor.u32 $0x10, s14;
	s12 =	sor.u32 $0x20, s14  }
0xa: {  	s16 =	sor.u32 $0x30, s14;
	s17 =	sor.u32 $0x40, s14;
	p1 =	sgt.u32 s14, $0xD  }
0xb: {  	p4 =	slt.u32 s14, $0xE;
	_ =	strace $0x8000004A;
	s8 =	ssub.s32 $0x2, s6  }
0xc: {  	s7 =	simm.s32 @!p0 $0x4E;
	s11 =	sadd.s32 s23, s24;
	s25 =	sshll.u32 s10, $0x5  }
0xd: {  	s21 =	sadd.s32 s4, s23;
	s30 =	sshll.u32 s12, $0x5;
	[dreg:$0x6] =	wrdreg s20  }
0xe: {  	s13 =	sshll.u32 s10, $0xE;
	s22 =	sshll.u32 s12, $0xE;
	[dreg:$0x5] =	wrdreg s15  }
0xf: {  	s23 =	sshll.u32 s16, $0xE;
	p0 =	sne.s32 s6, $0x0;
	[dreg:$0x7] =	wrdreg s11  }
0x10: {  	s9 =	sshrl.u32 s8, $0x1;
	s26 =	sadd.s32 s25, s24;
	[dreg:$0x8] =	wrdreg s21  }
0x11: {  	s11 =	sadd.s32 s4, s25;
	s4 =	sadd.s32 s4, s30;
	[dreg:$0x9] =	wrdreg s26  }
0x12: {  	s31 =	sadd.s32 s13, s2;
	s6 =	simm.s32 @!p0 $0x0;
	[dreg:$0xa] =	wrdreg s11  }
0x13: {  	s0 =	ssub.s32 s8, s9;
	s9 =	sadd.s32 s30, s24;
	[dreg:$0xc] =	wrdreg s4  }
0x14: {  	s25 =	sshll.u32 s14, $0xB;
	s6 =	simm.s32 @p0 $0x1;
	[dreg:$0xb] =	wrdreg s9  }
0x15: {  	s30 =	sshll.u32 s12, $0xB;
	s12 =	sadd.s32 s20, s25;
	[smem:$0x7FB] =	sst s6  }
0x16: {  	s13 =	sshll.u32 s17, $0xE;
	s9 =	sadd.s32 s22, s2;
	[dreg:$0xe] =	wrdreg s12  }
0x17: {  	s26 =	sshll.u32 s10, $0xB;
	s6 =	sadd.s32 s15, s25;
	[dreg:$0xd] =	wrdreg s9  }
0x18: {  	s19 =	sadd.s32 s13, s2;
	s13 =	sadd.s32 s20, s26;
	[dreg:$0xf] =	wrdreg s6  }
0x19: {  	s4 =	sshll.u32 s16, $0xB;
	s16 =	sadd.s32 s15, s26;
	[dreg:$0x10] =	wrdreg s13  }
0x1a: {  	s8 =	sshll.u32 s17, $0xB;
	s17 =	sadd.s32 s20, s30;
	[dreg:$0x11] =	wrdreg s16  }
0x1b: {  	s18 =	sadd.s32 s23, s2;
	s22 =	sadd.s32 s15, s30;
	[dreg:$0x12] =	wrdreg s17  }
0x1c: {  	s11 =	sshll.u32 s14, $0xE;
	s23 =	sadd.s32 s20, s4;
	[dreg:$0x13] =	wrdreg s22  }
0x1d: {  	p0 =	sne.s32 @p1 s14, $0xE;
	s4 =	sadd.s32 s15, s4;
	[dreg:$0x14] =	wrdreg s23  }
0x1e: {  	s25 =	sadd.s32 s20, s8;
	s26 =	sadd.s32 s15, s8;
	[dreg:$0x15] =	wrdreg s4  }
0x1f: {  	s0 =	smax.u32 s0, $0x1;
	p2 =	por p0, !p1;
	[dreg:$0x16] =	wrdreg s25  }
0x20: {  	p0 =	por !p0, !p1;
	s30 =	sadd.s32 $0x138000, s2;
	[dreg:$0x17] =	wrdreg s26  }
.Ltmp0:
0x21: {  	[dreg:$0x18] =	wrdreg s0;
	s0 =	simm.s32 @!p0 $0x0;
	(pc) =	sbr.rel .LBB2_1-.Ltmp0, $4  }
0x22: {  	s24 =	sadd.s32 s11, s2;
	[dreg:$0x19] =	wrdreg s30;
	s0 =	simm.s32 @p0 $0x1  }
0x23: {  	s20 =	sadd.s32 $0x610, s21;
	[smem:$0x7FC] =	sst s0;
	s0 =	simm.s32 @!p4 $0x0  }
0x24: {  	s22 =	simm.s32 $0x80;
	s25 =	simm.s32 $0x400;
	s0 =	simm.s32 @p4 $0x1  }
0x25: {  	v0 =	vimm.f32 $0.0e+00;
	s23 =	simm.s32 $0x4;
	s26 =	simm.s32 $0x1;
	[smem:$0x7FD] =	sst s0  }
.LBB2_10:
0x26: {  	s6 =	rddreg [dreg:$0x19]  }
0x27: {  	s0 =	sadd.s32 $0x27000, s0;
	s6 =	sshrl.u32 s6, $0x3  }
0x28: {  	[hbm:s0], [sflag:s4] =	dma.local [spmem:s6], $0x100  }
0x29: {  	_ =	swait.ge [sflag:s23], $0x100  }
0x2a: {  	[sflag:s23] =	ssyncset.done $0x0  }
0x2b: {  	[sflag:s23] =	ssyncadd.s32 $0xFFFFFF00  }
.LBB2_11:
0x2c: {  	s29 =	sadd.s32 $0x1, s29;
	s0 =	rddreg [dreg:$0x18]  }
0x2d: {  	p0 =	sne.s32 s29, s0  }
.Ltmp1:
0x2e: {  	_ = 	snop;
	(pc) =	sbr.rel @!p0 .LBB2_12-.Ltmp1, $1  }
0x2f: {  	_ =	sdelay $0x3  }
.LBB2_1:
0x30: {  	s0 =	rddreg [dreg:$0x7]  }
0x31: {  	s12 =	rddreg [dreg:$0x8]  }
0x32: {  	[tilespmem:s3], [sflag:$0x1] =	stream.linear.gather [hbm4b:s0+s3], $0x80, $0x38;
	[tilespmem:$0x1FC80] =	vst v63  }
0x33: {  	s4 =	simm.s32 $0x200;
	s13 =	rddreg [dreg:$0x9]  }
0x34: {  	[tilespmem:s4], [sflag:$0x1] =	stream.linear.gather [hbm4b:s12+s3], $0x80, $0x38;
	[tilespmem:$0x1FC80] =	vst v63  }
0x35: {  	s14 =	rddreg [dreg:$0xa]  }
0x36: {  	[tilespmem:s22], [sflag:$0x1] =	stream.linear.gather [hbm4b:s13+s3], $0x80, $0x38;
	[tilespmem:$0x1FC80] =	vst v63  }
0x37: {  	s15 =	simm.s32 $0x280;
	s16 =	rddreg [dreg:$0xb]  }
0x38: {  	[tilespmem:s15], [sflag:$0x1] =	stream.linear.gather [hbm4b:s14+s3], $0x80, $0x38;
	[tilespmem:$0x1FC80] =	vst v63  }
0x39: {  	s17 =	simm.s32 $0x100;
	s21 =	rddreg [dreg:$0xc]  }
0x3a: {  	[tilespmem:s17], [sflag:$0x1] =	stream.linear.gather [hbm4b:s16+s3], $0x80, $0x38;
	[tilespmem:$0x1FC80] =	vst v63  }
0x3b: {  	s30 =	simm.s32 $0x300;
	s6 =	simm.s32 $0x200;
	s4 =	simm.s32 $0x0  }
0x3c: {  	[tilespmem:s30], [sflag:$0x1] =	stream.linear.gather [hbm4b:s21+s3], $0x80, $0x38;
	[tilespmem:$0x1FC80] =	vst v63  }
.LBB2_2:
0x3d: {  	p0 =	sne.s32 s6, $0xFE00;
	[tilespmem:s4+$0x470] =	vst v0  }
0x3e: {  	[tilespmem:s4+$0x400] =	vst v0  }
0x3f: {  	[tilespmem:s4+$0x410] =	vst v0  }
.Ltmp2:
0x40: {  	[tilespmem:s4+$0x420] =	vst v0;
	(pc) =	sbr.rel @p0 .LBB2_2-.Ltmp2, $4  }
0x41: {  	[tilespmem:s4+$0x430] =	vst v0  }
0x42: {  	[tilespmem:s4+$0x440] =	vst v0  }
0x43: {  	[tilespmem:s4+$0x450] =	vst v0  }
0x44: {  	[tilespmem:s4+$0x460] =	vst v0;
	s4 =	sshra.s32 s6, $0x2;
	s6 =	sadd.s32 $0x200, s6  }
0x45: {  	[tilespmem:s4+$0x470] =	vst v0  }
0x46: {  	[tilespmem:s4+$0x400] =	vst v0  }
0x47: {  	[tilespmem:s4+$0x410] =	vst v0  }
0x48: {  	[tilespmem:s4+$0x420] =	vst v0  }
0x49: {  	[tilespmem:s4+$0x430] =	vst v0  }
0x4a: {  	[tilespmem:s4+$0x440] =	vst v0  }
0x4b: {  	[tilespmem:s4+$0x450] =	vst v0  }
0x4c: {  	[tilespmem:s4+$0x460] =	vst v0  }
0x4d: {  	[spmem:s24] =	stream.linear.scatter [tilespmem:s25], [sflag:$0x4], $0x4000, $0x38;
	[tilespmem:$0x1FC80] =	vst v63  }
0x4e: {  	_ =	swait.ge [sflag:s23], $0x4000  }
0x4f: {  	[sflag:s23] =	ssyncset.done $0x0  }
0x50: {  	[sflag:s23] =	ssyncadd.s32 $0xFFFFC000  }
0x51: {  	[spmem:s31] =	stream.linear.scatter [tilespmem:s25], [sflag:$0x4], $0x4000, $0x38;
	[tilespmem:$0x1FC80] =	vst v63  }
0x52: {  	_ =	swait.ge [sflag:s23], $0x4000  }
0x53: {  	[sflag:s23] =	ssyncset.done $0x0  }
0x54: {  	s0 =	rddreg [dreg:$0xd];
	[sflag:s23] =	ssyncadd.s32 $0xFFFFC000  }
0x55: {  	[spmem:s0] =	stream.linear.scatter [tilespmem:s25], [sflag:$0x4], $0x4000, $0x38;
	[tilespmem:$0x1FC80] =	vst v63  }
0x56: {  	_ =	swait.ge [sflag:s23], $0x4000  }
0x57: {  	[sflag:s23] =	ssyncset.done $0x0  }
0x58: {  	[sflag:s23] =	ssyncadd.s32 $0xFFFFC000  }
0x59: {  	[spmem:s18] =	stream.linear.scatter [tilespmem:s25], [sflag:$0x4], $0x4000, $0x38;
	[tilespmem:$0x1FC80] =	vst v63  }
0x5a: {  	_ =	swait.ge [sflag:s23], $0x4000  }
0x5b: {  	[sflag:s23] =	ssyncset.done $0x0  }
0x5c: {  	s0 =	simm.s32 @!p2 $0x400;
	s4 =	rddreg [dreg:$0x19];
	[sflag:s23] =	ssyncadd.s32 $0xFFFFC000  }
0x5d: {  	[spmem:s4] =	stream.linear.scatter @!p2 [tilespmem:s0], [sflag:$0x4], $0x800, $0x38;
	[tilespmem:$0x1FC80] =	vst v63  }
0x5e: {  	s0 =	simm.s32 @!p2 $0x4  }
0x5f: {  	_ =	swait.ge @!p2 [sflag:s0], $0x800  }
0x60: {  	[sflag:s0] =	ssyncset.done @!p2 $0x0  }
0x61: {  	[sflag:s0] =	ssyncadd.s32 @!p2 $0xFFFFF800;
	s0 =	simm.s32 @!p1 $0x400  }
0x62: {  	[spmem:s19] =	stream.linear.scatter @!p1 [tilespmem:s0], [sflag:$0x4], $0x4000, $0x38;
	[tilespmem:$0x1FC80] =	vst v63  }
0x63: {  	s0 =	simm.s32 @!p1 $0x4  }
0x64: {  	_ =	swait.ge @!p1 [sflag:s0], $0x4000  }
0x65: {  	[sflag:s0] =	ssyncset.done @!p1 $0x0  }
0x66: {  	[sflag:s0] =	ssyncadd.s32 @!p1 $0xFFFFC000  }
0x67: {  	[bflag:$0x0] =	sbarrier.arrive $0xFFFF  }
0x68: {  	_ =	swait.ge [sflag:s26], $0x80  }
0x69: {  	[sflag:s26] =	ssyncset.done $0x0  }
0x6a: {  	[sflag:s26] =	ssyncadd.s32 $0xFFFFFF80  }
0x6b: {  	_ =	swait.ge [sflag:s26], $0x80  }
0x6c: {  	s16 =	smov.u32 s24;
	s24 =	sld [smem:$0x7FC];
	_ =	sdelay $0x1  }
0x6d: {  	s17 =	smov.u32 s31;
	s31 =	sld [smem:$0x7FB]  }
0x6e: {  	p0 =	por @p1 $0x0, $0x0;
	p5 =	por @!p2 $0x1, $0x1;
	p3 =	seq.s32 s24, $0x1  }
0x6f: {  	p5 =	por @!p3 p0, p0;
	p0 =	por @!p1 $0x0, $0x0  }
0x70: {  	p5 =	por @!p1 p0, p0;
	p0 =	seq.s32 s31, $0x1  }
.Ltmp3:
0x71: {  	_ = 	snop;
	(pc) =	sbr.rel @p0 .LBB2_7-.Ltmp3, $3  }
0x72: {  	_ =	sdelay $0x1  }
0x73: {  	[sflag:s26] =	ssyncset.done $0x0  }
0x74: {  	s30 =	sshrl.u32 @p4 s19, $0x3;
	[sflag:s26] =	ssyncadd.s32 $0xFFFFFF80  }
0x75: {  	s0 =	simm.s32 $0x0;
	s4 =	simm.s32 $0x400  }
0x76: {  	[tilespmem:s4], [sflag:$0x2] =	stream.indirect.gather [hbm4b:s1+s22], $0x80, s0, s22, $0xb8;
	[tilespmem:$0x1FC80] =	vst v63  }
0x77: {  	_ =	swait.ge [sflag:s26], $0x80  }
0x78: {  	[sflag:s26] =	ssyncset.done $0x0  }
0x79: {  	[sflag:s26] =	ssyncadd.s32 $0xFFFFFF80  }
0x7a: {  	s13 =	simm.s32 $0x4400;
	_ =	swait.ge [sflag:s26], $0x80  }
0x7b: {  	s8 =	simm.s32 $0x2;
	s21 =	simm.s32 $0x1;
	[sflag:s26] =	ssyncset.done $0x0  }
0x7c: {  	s6 =	simm.s32 $0x4400;
	p3 =	por $0x1, $0x1;
	[sflag:s26] =	ssyncadd.s32 $0xFFFFFF80  }
0x7d: {  	[tilespmem:s13], [sflag:$0x2] =	stream.indirect.gather [hbm4b:s1+s22], $0x80, s22, s22, $0xb8;
	[tilespmem:$0x1FC80] =	vst v63  }
0x7e: {  	p0 =	sne.s32 s7, $0x1;
	p4 =	sle.u32 s7, $0x3;
	_ =	swait.ge [sflag:s28], $0x4000  }
0x7f: {  	p6 =	sle.u32 s7, $0x2;
	s4 =	sadd.s32 $0x200, s20;
	[sflag:s28] =	ssyncset.done $0x0  }
0x80: {  	s9 =	simm.s32 @!p3 $0x3;
	s8 =	smulhi.u32 $0xAAAAAAAB, s8;
	[sflag:s28] =	ssyncadd.s32 $0xFFFFC000  }
0x81: {  	s10 =	simm.s32 @!p4 $0x180;
	s11 =	sadd.s32 @!p4 $0xFFFFFFF0, s20;
	_ =	swait.ge @!p3 [sflag:s9], $0x4000  }
0x82: {  	s14 =	smulhi.u32 $0xAAAAAAAB, s0;
	s8 =	sshrl.u32 s8, $0x1;
	[sflag:s9] =	ssyncset.done @!p3 $0x0  }
0x83: {  	[sflag:s9] =	ssyncadd.s32 @!p3 $0xFFFFC000;
	s9 =	sand.u32 @!p4 $0x180, s10;
	s10 =	simm.s32 @!p4 $0x0  }
0x84: {  	[tilespmem:s9], [sflag:$0x1] =	stream.linear.gather @!p4 [hbm4b:s20+s10], $0x80, $0x38;
	[tilespmem:$0x1FC80] =	vst v63  }
0x85: {  	s0 =	sand.u32 $0x180, s0;
	s12 =	smul.u32 $0xFFFD0000, s8;
	s9 =	sor.u32 @!p4 $0x200, s9  }
0x86: {  	[tilespmem:s9], [sflag:$0x1] =	stream.linear.gather @!p4 [hbm4b:s11+s10], $0x80, $0x38;
	[tilespmem:$0x1FC80] =	vst v63  }
0x87: {  	s0 =	sor.u32 $0x200, s0;
	s8 =	simm.s32 $0x3;
	s11 =	simm.s32 @!p6 $0x1  }
0x88: {  	s15 =	sshra.s32 s12, $0x2;
	s10 =	simm.s32 @!p6 $0x100;
	_ =	swait.ge @!p6 [sflag:s11], $0x80  }
.Ltmp4:
0x89: {  	s9 =	sshrl.u32 s14, $0x1;
	[sflag:s11] =	ssyncset.done @!p6 $0x0;
	(pc) =	sbr.rel @!p0 .LBB2_6-.Ltmp4, $4  }
0x8a: {  	s14 =	sadd.s32 $0x8400, s15;
	s24 =	smul.u32 $0xFFFD0000, s9;
	[sflag:s11] =	ssyncadd.s32 @!p6 $0xFFFFFF80  }
0x8b: {  	s13 =	sand.u32 @!p6 $0x180, s10;
	s9 =	simm.s32 $0xC400;
	_ =	swait.ge @!p6 [sflag:s11], $0x80  }
0x8c: {  	s10 =	simm.s32 @!p6 $0x80;
	s12 =	sshra.s32 s24, $0x2;
	[sflag:s11] =	ssyncset.done @!p6 $0x0  }
0x8d: {  	s31 =	sadd.s32 $0x400, s12;
	[sflag:s11] =	ssyncadd.s32 @!p6 $0xFFFFFF80;
	s11 =	simm.s32 $0x80  }
.LBB2_5:
0x8e: {  	[tilespmem:s14], [sflag:$0x2] =	stream.indirect.gather @!p6 [hbm4b:s1+s10], $0x80, s13, s10, $0xb8;
	[tilespmem:$0x1FC80] =	vst v63  }
0x8f: {  	s10 =	smov.u32 s21;
	s12 =	smov.u32 s6;
	s13 =	smov.u32 s4  }
0x90: {  	s21 =	sadd.s32 $0x1, s21;
	s6 =	sadd.s32 $0x4000, s6;
	s14 =	smov.u32 s9  }
0x91: {  	[spmem:s2] =	stream.indirect.scatter.add.f32 [tilespmem:s31], [sflag:$0x3], $0x80, s0, s22, $0xb8;
	[tilespmem:$0x1FC80] =	vst v63  }
0x92: {  	s4 =	sadd.s32 $0x200, s4;
	p0 =	sne.s32 s21, s7;
	_ =	swait.ge [sflag:s28], $0x4000  }
0x93: {  	p4 =	seq.s32 s11, $0x0;
	s0 =	smulhi.u32 $0xAAAAAAAB, s10;
	[sflag:s28] =	ssyncset.done $0x0  }
0x94: {  	s24 =	sadd.s32 $0x3, s10;
	s31 =	simm.s32 @!p4 $0x3;
	[sflag:s28] =	ssyncadd.s32 $0xFFFFC000  }
0x95: {  	s15 =	smulhi.u32 $0xAAAAAAAB, s8;
	p3 =	sge.u32 s24, s7;
	_ =	swait.ge @!p4 [sflag:s31], $0x4000  }
0x96: {  	s10 =	sadd.s32 $0x2, s10;
	s24 =	sadd.s32 @!p3 $0x180, s11;
	[sflag:s31] =	ssyncset.done @!p4 $0x0  }
0x97: {  	s24 =	sand.u32 @!p3 $0x180, s24;
	[sflag:s31] =	ssyncadd.s32 @!p4 $0xFFFFC000;
	s31 =	simm.s32 @!p3 $0x0  }
0x98: {  	[tilespmem:s24], [sflag:$0x1] =	stream.linear.gather @!p3 [hbm4b:s13+s31], $0x80, $0x38;
	[tilespmem:$0x1FC80] =	vst v63  }
0x99: {  	p6 =	sge.u32 s10, s7;
	s24 =	sor.u32 @!p3 $0x200, s24;
	s13 =	sadd.s32 @!p3 $0xFFFFFFF0, s13  }
0x9a: {  	[tilespmem:s24], [sflag:$0x1] =	stream.linear.gather @!p3 [hbm4b:s13+s31], $0x80, $0x38;
	[tilespmem:$0x1FC80] =	vst v63  }
0x9b: {  	s10 =	sshrl.u32 s15, $0x1;
	s15 =	simm.s32 @!p6 $0x1;
	s13 =	sadd.s32 @!p6 $0x100, s11  }
0x9c: {  	s10 =	smul.u32 $0xFFFD0000, s10;
	s13 =	sand.u32 @!p6 $0x180, s13;
	_ =	swait.ge @!p6 [sflag:s15], $0x80  }
0x9d: {  	s8 =	sadd.s32 $0x1, s8;
	s0 =	sshrl.u32 s0, $0x1;
	[sflag:s15] =	ssyncset.done @!p6 $0x0  }
.Ltmp5:
0x9e: {  	s10 =	sshra.s32 s10, $0x2;
	[sflag:s15] =	ssyncadd.s32 @!p6 $0xFFFFFF80;
	(pc) =	sbr.rel @p0 .LBB2_5-.Ltmp5, $4  }
0x9f: {  	s9 =	sadd.s32 $0x4000, s9;
	s0 =	smul.u32 $0xFFFD0000, s0;
	_ =	swait.ge @!p6 [sflag:s15], $0x80  }
0xa0: {  	s14 =	sadd.s32 s10, s14;
	s10 =	simm.s32 @!p6 $0x80;
	[sflag:s15] =	ssyncset.done @!p6 $0x0  }
0xa1: {  	s0 =	sshra.s32 s0, $0x2;
	[sflag:s15] =	ssyncadd.s32 @!p6 $0xFFFFFF80;
	s15 =	sand.u32 $0x180, s11  }
0xa2: {  	s31 =	sadd.s32 s0, s12;
	s11 =	sadd.s32 $0x80, s11;
	s0 =	sor.u32 $0x200, s15  }
.LBB2_6:
0xa3: {  	[tilespmem:s14], [sflag:$0x2] =	stream.indirect.gather @!p6 [hbm4b:s1+s10], $0x80, s13, s10, $0xb8;
	[tilespmem:$0x1FC80] =	vst v63  }
0xa4: {  	s8 =	simm.s32 $0x3  }
0xa5: {  	[spmem:s2] =	stream.indirect.scatter.add.f32 [tilespmem:s31], [sflag:$0x3], $0x80, s0, s22, $0xb8;
	[tilespmem:$0x1FC80] =	vst v63  }
0xa6: {  	_ =	swait.ge [sflag:s8], $0x4000  }
0xa7: {  	[sflag:s8] =	ssyncset.done $0x0  }
0xa8: {  	s9 =	stileid.u32;
	[sflag:s8] =	ssyncadd.s32 $0xFFFFC000  }
0xa9: {  	s0 =	sshll.u32 s9, $0x6;
	[bflag:$0x0] =	sbarrier.arrive $0xFFFF  }
0xaa: {  	s10 =	sshrl.u32 s16, $0x3;
	s4 =	sor.u32 $0x1C04, s0;
	s6 =	rddreg [dreg:$0xf]  }
0xab: {  	[hbm:s6], [sflag:s4] =	dma.local [spmem:s10], $0x800  }
0xac: {  	_ =	swait.ge [sflag:s23], $0x800  }
0xad: {  	[sflag:s23] =	ssyncset.done $0x0  }
0xae: {  	s11 =	sshrl.u32 s17, $0x3;
	s12 =	rddreg [dreg:$0x11];
	[sflag:s23] =	ssyncadd.s32 $0xFFFFF800  }
0xaf: {  	[hbm:s12], [sflag:s4] =	dma.local [spmem:s11], $0x800  }
0xb0: {  	_ =	swait.ge [sflag:s23], $0x800  }
0xb1: {  	[sflag:s23] =	ssyncset.done $0x0;
	s13 =	rddreg [dreg:$0xd]  }
0xb2: {  	s14 =	rddreg [dreg:$0x13];
	[sflag:s23] =	ssyncadd.s32 $0xFFFFF800;
	s0 =	sshrl.u32 s13, $0x3  }
0xb3: {  	[hbm:s14], [sflag:s4] =	dma.local [spmem:s0], $0x800  }
0xb4: {  	_ =	swait.ge [sflag:s23], $0x800  }
0xb5: {  	[sflag:s23] =	ssyncset.done $0x0  }
0xb6: {  	s15 =	sshrl.u32 s18, $0x3;
	s21 =	rddreg [dreg:$0x15];
	[sflag:s23] =	ssyncadd.s32 $0xFFFFF800  }
0xb7: {  	[hbm:s21], [sflag:s4] =	dma.local [spmem:s15], $0x800  }
0xb8: {  	_ =	swait.ge [sflag:s23], $0x800  }
0xb9: {  	s24 =	sld [smem:$0x7FD];
	_ =	sdelay $0x1  }
0xba: {  	[sflag:s23] =	ssyncset.done $0x0  }
0xbb: {  	s0 =	rddreg [dreg:$0x17];
	[sflag:s23] =	ssyncadd.s32 $0xFFFFF800;
	p4 =	seq.s32 s24, $0x1  }
0xbc: {  	[hbm:s0], [sflag:s4] =	dma.local @p4 [spmem:s30], $0x800  }
.Ltmp6:
0xbd: {  	_ = 	snop;
	(pc) =	sbr.rel @p5 .LBB2_10-.Ltmp6, $4  }
.Ltmp7:
0xbe: {  	s0 =	simm.s32 @p4 $0x4;
	(pc) =	sbr.rel @!p5 .LBB2_11-.Ltmp7, $4  }
0xbf: {  	_ =	swait.ge @p4 [sflag:s0], $0x800  }
0xc0: {  	s31 =	smov.u32 s17;
	[sflag:s0] =	ssyncset.done @p4 $0x0  }
0xc1: {  	s24 =	smov.u32 s16;
	[sflag:s0] =	ssyncadd.s32 @p4 $0xFFFFF800;
	s0 =	rddreg [dreg:$0x5]  }
0xc2: {  	_ = 	snop  }
.LBB2_7:
0xc3: {  	s0 =	simm.s32 $0x0;
	s4 =	simm.s32 $0x400  }
0xc4: {  	[tilespmem:s4], [sflag:$0x2] =	stream.indirect.gather [hbm4b:s5+s22], $0x80, s0, s22, $0xb8;
	[tilespmem:$0x1FC80] =	vst v63  }
0xc5: {  	_ =	swait.ge [sflag:s26], $0x80  }
0xc6: {  	[sflag:s26] =	ssyncset.done $0x0  }
0xc7: {  	[sflag:s26] =	ssyncadd.s32 $0xFFFFFF80  }
0xc8: {  	s13 =	simm.s32 $0x4400;
	_ =	swait.ge [sflag:s26], $0x80  }
0xc9: {  	s8 =	simm.s32 $0x2;
	s21 =	simm.s32 $0x1;
	[sflag:s26] =	ssyncset.done $0x0  }
0xca: {  	s6 =	simm.s32 $0x4400;
	p3 =	por $0x1, $0x1;
	[sflag:s26] =	ssyncadd.s32 $0xFFFFFF80  }
0xcb: {  	[tilespmem:s13], [sflag:$0x2] =	stream.indirect.gather [hbm4b:s5+s22], $0x80, s22, s22, $0xb8;
	[tilespmem:$0x1FC80] =	vst v63  }
0xcc: {  	p0 =	sne.s32 s7, $0x1;
	p4 =	sle.u32 s7, $0x3;
	_ =	swait.ge [sflag:s28], $0x4000  }
0xcd: {  	p6 =	sle.u32 s7, $0x2;
	s4 =	sadd.s32 $0x200, s20;
	[sflag:s28] =	ssyncset.done $0x0  }
0xce: {  	s9 =	simm.s32 @!p3 $0x3;
	s8 =	smulhi.u32 $0xAAAAAAAB, s8;
	[sflag:s28] =	ssyncadd.s32 $0xFFFFC000  }
0xcf: {  	s10 =	simm.s32 @!p4 $0x180;
	s11 =	sadd.s32 @!p4 $0xFFFFFFF0, s20;
	_ =	swait.ge @!p3 [sflag:s9], $0x4000  }
0xd0: {  	s14 =	smulhi.u32 $0xAAAAAAAB, s0;
	s8 =	sshrl.u32 s8, $0x1;
	[sflag:s9] =	ssyncset.done @!p3 $0x0  }
0xd1: {  	[sflag:s9] =	ssyncadd.s32 @!p3 $0xFFFFC000;
	s9 =	sand.u32 @!p4 $0x180, s10;
	s10 =	simm.s32 @!p4 $0x0  }
0xd2: {  	[tilespmem:s9], [sflag:$0x1] =	stream.linear.gather @!p4 [hbm4b:s20+s10], $0x80, $0x38;
	[tilespmem:$0x1FC80] =	vst v63  }
0xd3: {  	s0 =	sand.u32 $0x180, s0;
	s12 =	smul.u32 $0xFFFD0000, s8;
	s9 =	sor.u32 @!p4 $0x200, s9  }
0xd4: {  	[tilespmem:s9], [sflag:$0x1] =	stream.linear.gather @!p4 [hbm4b:s11+s10], $0x80, $0x38;
	[tilespmem:$0x1FC80] =	vst v63  }
0xd5: {  	s0 =	sor.u32 $0x200, s0;
	s8 =	simm.s32 $0x3;
	s11 =	simm.s32 @!p6 $0x1  }
0xd6: {  	s15 =	sshra.s32 s12, $0x2;
	s10 =	simm.s32 @!p6 $0x100;
	_ =	swait.ge @!p6 [sflag:s11], $0x80  }
.Ltmp8:
0xd7: {  	s9 =	sshrl.u32 s14, $0x1;
	[sflag:s11] =	ssyncset.done @!p6 $0x0;
	(pc) =	sbr.rel @!p0 .LBB2_9-.Ltmp8, $4  }
0xd8: {  	s14 =	sadd.s32 $0x8400, s15;
	s24 =	smul.u32 $0xFFFD0000, s9;
	[sflag:s11] =	ssyncadd.s32 @!p6 $0xFFFFFF80  }
0xd9: {  	s13 =	sand.u32 @!p6 $0x180, s10;
	s9 =	simm.s32 $0xC400;
	_ =	swait.ge @!p6 [sflag:s11], $0x80  }
0xda: {  	s10 =	simm.s32 @!p6 $0x80;
	s12 =	sshra.s32 s24, $0x2;
	[sflag:s11] =	ssyncset.done @!p6 $0x0  }
0xdb: {  	s31 =	sadd.s32 $0x400, s12;
	[sflag:s11] =	ssyncadd.s32 @!p6 $0xFFFFFF80;
	s11 =	simm.s32 $0x80  }
.LBB2_8:
0xdc: {  	[tilespmem:s14], [sflag:$0x2] =	stream.indirect.gather @!p6 [hbm4b:s5+s10], $0x80, s13, s10, $0xb8;
	[tilespmem:$0x1FC80] =	vst v63  }
0xdd: {  	s10 =	smov.u32 s21;
	s12 =	smov.u32 s6;
	s13 =	smov.u32 s4  }
0xde: {  	s21 =	sadd.s32 $0x1, s21;
	s6 =	sadd.s32 $0x4000, s6;
	s14 =	smov.u32 s9  }
0xdf: {  	[spmem:s2] =	stream.indirect.scatter.add.f32 [tilespmem:s31], [sflag:$0x3], $0x80, s0, s22, $0xb8;
	[tilespmem:$0x1FC80] =	vst v63  }
0xe0: {  	s4 =	sadd.s32 $0x200, s4;
	p0 =	sne.s32 s21, s7;
	_ =	swait.ge [sflag:s28], $0x4000  }
0xe1: {  	p4 =	seq.s32 s11, $0x0;
	s0 =	smulhi.u32 $0xAAAAAAAB, s10;
	[sflag:s28] =	ssyncset.done $0x0  }
0xe2: {  	s15 =	simm.s32 @!p4 $0x3;
	s24 =	sadd.s32 $0x3, s10;
	[sflag:s28] =	ssyncadd.s32 $0xFFFFC000  }
0xe3: {  	s31 =	smulhi.u32 $0xAAAAAAAB, s8;
	p3 =	sge.u32 s24, s7;
	_ =	swait.ge @!p4 [sflag:s15], $0x4000  }
0xe4: {  	s10 =	sadd.s32 $0x2, s10;
	s24 =	sadd.s32 @!p3 $0x180, s11;
	[sflag:s15] =	ssyncset.done @!p4 $0x0  }
0xe5: {  	[sflag:s15] =	ssyncadd.s32 @!p4 $0xFFFFC000;
	s15 =	sand.u32 @!p3 $0x180, s24;
	s24 =	simm.s32 @!p3 $0x0  }
0xe6: {  	[tilespmem:s15], [sflag:$0x1] =	stream.linear.gather @!p3 [hbm4b:s13+s24], $0x80, $0x38;
	[tilespmem:$0x1FC80] =	vst v63  }
0xe7: {  	p6 =	sge.u32 s10, s7;
	s15 =	sor.u32 @!p3 $0x200, s15;
	s13 =	sadd.s32 @!p3 $0xFFFFFFF0, s13  }
0xe8: {  	[tilespmem:s15], [sflag:$0x1] =	stream.linear.gather @!p3 [hbm4b:s13+s24], $0x80, $0x38;
	[tilespmem:$0x1FC80] =	vst v63  }
0xe9: {  	s10 =	sshrl.u32 s31, $0x1;
	s13 =	sadd.s32 @!p6 $0x100, s11;
	s15 =	simm.s32 @!p6 $0x1  }
0xea: {  	s10 =	smul.u32 $0xFFFD0000, s10;
	s13 =	sand.u32 @!p6 $0x180, s13;
	_ =	swait.ge @!p6 [sflag:s15], $0x80  }
0xeb: {  	s8 =	sadd.s32 $0x1, s8;
	s0 =	sshrl.u32 s0, $0x1;
	[sflag:s15] =	ssyncset.done @!p6 $0x0  }
.Ltmp9:
0xec: {  	s10 =	sshra.s32 s10, $0x2;
	[sflag:s15] =	ssyncadd.s32 @!p6 $0xFFFFFF80;
	(pc) =	sbr.rel @p0 .LBB2_8-.Ltmp9, $4  }
0xed: {  	s9 =	sadd.s32 $0x4000, s9;
	s0 =	smul.u32 $0xFFFD0000, s0;
	_ =	swait.ge @!p6 [sflag:s15], $0x80  }
0xee: {  	s14 =	sadd.s32 s10, s14;
	s10 =	simm.s32 @!p6 $0x80;
	[sflag:s15] =	ssyncset.done @!p6 $0x0  }
0xef: {  	s0 =	sshra.s32 s0, $0x2;
	[sflag:s15] =	ssyncadd.s32 @!p6 $0xFFFFFF80;
	s15 =	sand.u32 $0x180, s11  }
0xf0: {  	s31 =	sadd.s32 s0, s12;
	s11 =	sadd.s32 $0x80, s11;
	s0 =	sor.u32 $0x200, s15  }
.LBB2_9:
0xf1: {  	[tilespmem:s14], [sflag:$0x2] =	stream.indirect.gather @!p6 [hbm4b:s5+s10], $0x80, s13, s10, $0xb8;
	[tilespmem:$0x1FC80] =	vst v63  }
0xf2: {  	s8 =	simm.s32 $0x3  }
0xf3: {  	[spmem:s2] =	stream.indirect.scatter.add.f32 [tilespmem:s31], [sflag:$0x3], $0x80, s0, s22, $0xb8;
	[tilespmem:$0x1FC80] =	vst v63  }
0xf4: {  	_ =	swait.ge [sflag:s8], $0x4000  }
0xf5: {  	[sflag:s8] =	ssyncset.done $0x0  }
0xf6: {  	s9 =	stileid.u32;
	[sflag:s8] =	ssyncadd.s32 $0xFFFFC000  }
0xf7: {  	s0 =	sshll.u32 s9, $0x6;
	[bflag:$0x0] =	sbarrier.arrive $0xFFFF  }
0xf8: {  	s10 =	sshrl.u32 s16, $0x3;
	s4 =	sor.u32 $0x1C04, s0;
	s6 =	rddreg [dreg:$0xe]  }
0xf9: {  	[hbm:s6], [sflag:s4] =	dma.local [spmem:s10], $0x800  }
0xfa: {  	_ =	swait.ge [sflag:s23], $0x800  }
0xfb: {  	[sflag:s23] =	ssyncset.done $0x0  }
0xfc: {  	s11 =	sshrl.u32 s17, $0x3;
	s12 =	rddreg [dreg:$0x10];
	[sflag:s23] =	ssyncadd.s32 $0xFFFFF800  }
0xfd: {  	[hbm:s12], [sflag:s4] =	dma.local [spmem:s11], $0x800  }
0xfe: {  	_ =	swait.ge [sflag:s23], $0x800  }
0xff: {  	[sflag:s23] =	ssyncset.done $0x0;
	s13 =	rddreg [dreg:$0xd]  }
0x100: {  	s14 =	rddreg [dreg:$0x12];
	[sflag:s23] =	ssyncadd.s32 $0xFFFFF800;
	s0 =	sshrl.u32 s13, $0x3  }
0x101: {  	[hbm:s14], [sflag:s4] =	dma.local [spmem:s0], $0x800  }
0x102: {  	_ =	swait.ge [sflag:s23], $0x800  }
0x103: {  	[sflag:s23] =	ssyncset.done $0x0  }
0x104: {  	s15 =	sshrl.u32 s18, $0x3;
	s21 =	rddreg [dreg:$0x14];
	[sflag:s23] =	ssyncadd.s32 $0xFFFFF800  }
0x105: {  	[hbm:s21], [sflag:s4] =	dma.local [spmem:s15], $0x800  }
0x106: {  	_ =	swait.ge [sflag:s23], $0x800  }
0x107: {  	s24 =	sld [smem:$0x7FD];
	_ =	sdelay $0x1  }
0x108: {  	[sflag:s23] =	ssyncset.done $0x0  }
0x109: {  	s0 =	rddreg [dreg:$0x16];
	[sflag:s23] =	ssyncadd.s32 $0xFFFFF800;
	p4 =	seq.s32 s24, $0x1  }
0x10a: {  	[hbm:s0], [sflag:s4] =	dma.local @p4 [spmem:s30], $0x800  }
.Ltmp10:
0x10b: {  	_ = 	snop;
	(pc) =	sbr.rel @!p5 .LBB2_11-.Ltmp10, $4  }
.Ltmp11:
0x10c: {  	s0 =	simm.s32 @p4 $0x4;
	(pc) =	sbr.rel @p5 .LBB2_10-.Ltmp11, $4  }
0x10d: {  	_ =	swait.ge @p4 [sflag:s0], $0x800  }
0x10e: {  	s31 =	smov.u32 s17;
	[sflag:s0] =	ssyncset.done @p4 $0x0  }
0x10f: {  	s24 =	smov.u32 s16;
	[sflag:s0] =	ssyncadd.s32 @p4 $0xFFFFF800;
	s0 =	rddreg [dreg:$0x6]  }
0x110: {  	_ = 	snop  }
.LBB2_12:
0x111: {  	_ =	sfence.sel $0x180000  }
0x112: {  	[bflag:$0x0] =	sbarrier.arrive $0xFFFF  }
0x113: {  	_ =	strace $0x9000004A  }
0x114: {  	s0 =	stileid.u32;
	[bflag:$0x2] =	sbarrier.arrive $0xFFFF  }
0x115: {  	p0 =	sne.s32 s0, $0x0;
	s0 =	rddreg [dreg:$0x4]  }
0x116: {  	s0 =	sadd.s32 @!p0 $0x100000, s0  }
0x117: {  	[sflag:s0] =	ssyncadd.tile.s32 @!p0 $0x1;
	_ =	shalt  }
.Lfunc_end2:
_tile_overlayer_lowered:
.L_overlay_start_2:
0x118: {  	(tag) =	ssettag $0x2  }
0x119: {  	s0 =	rddreg [dreg:$0x0];
	s2 =	stileid.u32  }
0x11a: {  	s1 =	rddreg [dreg:$0x1];
	p0 =	sne.s32 s2, $0x0  }
0x11b: {  	s3 =	rddreg [dreg:$0x2];
	[bflag:$0x3] =	sbarrier.arrive $0xFFFF;
	s2 =	simm.s32 @!p0 $0x1C04  }
0x11c: {  	[timem:s3], [sflag:s2] =	dma.local @!p0 [hbm:s0], s1  }
0x11d: {  	s0 =	simm.s32 @!p0 $0x4  }
0x11e: {  	_ =	swait.ge @!p0 [sflag:s0], s1  }
0x11f: {  	s1 =	ssub.s32 @!p0 $0x0, s1;
	[sflag:s0] =	ssyncset.done @!p0 $0x0  }
0x120: {  	[sflag:s0] =	ssyncadd.s32 @!p0 s1  }
0x121: {  	[bflag:$0x3] =	sbarrier.arrive $0xFFFF  }
0x122: {  	_ =	shalt  }

// kernel: kernel.7.cloned.1.call-start
scs
__scs_entry_jumppad:
0x0: {  	(pc) =	sbr.rel $0x88, $3  }
0x1: {  	(tag) =	ssettag $0x0;
	lr =	simm.s32 $0x1  }
0x2: {  	[smem:$0x3F9E] =	sst lr;
	_ =	strace $0xD0000000  }
0x3: {  	_ = 	snop  }
0x4: {  	_ = 	snop  }
0x5: {  	_ = 	snop  }
0x6: {  	_ = 	snop  }
0x7: {  	_ = 	snop  }
__scs_overlays_trampoline_lowered:
0x8: {  	[smem:$0x3FAD] =	sst s0  }
0x9: {  	[smem:$0x3FAE] =	sst s1  }
0xa: {  	[smem:$0x3FAF] =	sst s2  }
0xb: {  	[smem:$0x3FB0] =	sst s3  }
0xc: {  	[smem:$0x3FB1] =	sst s4  }
0xd: {  	[smem:$0x3FB2] =	sst s5  }
0xe: {  	[smem:$0x3FB3] =	sst s6  }
0xf: {  	[smem:$0x3FB4] =	sst s7  }
0x10: {  	[smem:$0x3FB5] =	sst s8  }
0x11: {  	[smem:$0x3FB6] =	sst s9;
	s0 =	simm.s32 @!p0 $0x0  }
0x12: {  	s1 =	sld [smem:$0x3F9C];
	s0 =	simm.s32 @p0 $0x1  }
0x13: {  	[smem:$0x3FB7] =	sst s0;
	s0 =	simm.s32 @!p1 $0x0  }
0x14: {  	s2 =	sld [smem:$0x3F9B];
	s0 =	simm.s32 @p1 $0x1  }
0x15: {  	[smem:$0x3FB8] =	sst s0;
	s0 =	simm.s32 @!p2 $0x0  }
0x16: {  	s3 =	sld [smem:$0x3FDB];
	s0 =	simm.s32 @p2 $0x1  }
0x17: {  	s4 =	simm.s32 $0x1BF5;
	[smem:$0x3FBA] =	sst s0  }
0x18: {  	s0 =	sld [smem:$0x3F9D];
	_ =	swait.ge [sflag:s4], $0x0  }
0x19: {  	s7 =	sld [smem:$0x3F9E]  }
0x1a: {  	s8 =	sadd.s32 $0xFFFFE003, lr  }
0x1b: {  	s9 =	sadd.s32 $0xFFFFFEF7, lr;
	s5 =	simm.s32 $0xFFFFFFFF;
	p2 =	slt.u32 s8, $0xFFFFF086  }
0x1c: {  	p1 =	slt.u32 s9, $0xF7A;
	s5 =	simm.s32 @!p2 $0x0  }
0x1d: {  	s5 =	simm.s32 @p1 $0x1;
	p0 =	seq.s32 s7, s2  }
0x1e: {  	s7 =	smul.u32 @!p0 $0xF7A, s2;
	p2 =	seq.s32 @!p0 s5, $0x0  }
0x1f: {  	s9 =	smul.u32 $0xF7A, s1;
	s8 =	simm.s32 @!p0 $0x1BF5;
	p2 =	por !p2, p0  }
0x20: {  	[sflag:s8] =	ssyncset.s32 @!p0 $0xFFFFF086;
	s6 =	sadd.s32 @!p0 s3, s7;
	s7 =	simm.s32 @!p0 $0x108  }
0x21: {  	s3 =	sadd.s32 s3, s9;
	s6 =	sadd.s32 @!p0 $0x88, s6;
	s7 =	simm.s32 @p2 $0x1082  }
0x22: {  	[simem:s7], [sflag:s8] =	dma.local @!p0 [hbm:s6], $0xF7A  }
0x23: {  	s9 =	sor.u32 $0xD0000000, s2;
	s6 =	simm.s32 $0x108;
	_ =	swait.ge @!p0 [sflag:s8], $0x0  }
0x24: {  	s3 =	sadd.s32 $0x88, s3;
	s6 =	simm.s32 @!p1 $0x1082;
	[sflag:s4] =	ssyncset.s32 $0xFFFFF086  }
0x25: {  	[simem:s6], [sflag:s4] =	dma.local [hbm:s3], $0xF7A  }
0x26: {  	[smem:$0x3F9E] =	sst s1;
	(tag) =	ssettag s2;
	_ =	strace s9  }
0x27: {  	s1 =	sld [smem:$0x3FAE]  }
0x28: {  	s2 =	sld [smem:$0x3FAF]  }
0x29: {  	s4 =	sld [smem:$0x3FB1]  }
0x2a: {  	p0 =	seq.s32 s5, $0x0;
	s5 =	sld [smem:$0x3FB2]  }
0x2b: {  	s6 =	sld [smem:$0x3FB3]  }
0x2c: {  	s7 =	sld [smem:$0x3FB4]  }
0x2d: {  	s3 =	simm.s32 $0x108;
	s8 =	sld [smem:$0x3FB5]  }
0x2e: {  	s3 =	simm.s32 @!p0 $0x1082;
	s9 =	sld [smem:$0x3FB6]  }
0x2f: {  	lr =	sadd.s32 s0, s3;
	s0 =	sld [smem:$0x3FAD]  }
0x30: {  	s3 =	sld [smem:$0x3FB0]  }
0x31: {  	[smem:$0x3FB9] =	sst s10  }
0x32: {  	s10 =	sld [smem:$0x3FB7];
	_ =	sdelay $0x3  }
0x33: {  	p0 =	seq.s32 s10, $0x1;
	s10 =	sld [smem:$0x3FB9];
	_ =	sdelay $0x3  }
0x34: {  	[smem:$0x3FB9] =	sst s10  }
0x35: {  	s10 =	sld [smem:$0x3FB8];
	_ =	sdelay $0x3  }
0x36: {  	p1 =	seq.s32 s10, $0x1;
	s10 =	sld [smem:$0x3FB9];
	_ =	sdelay $0x3  }
0x37: {  	[smem:$0x3FB9] =	sst s10  }
0x38: {  	s10 =	sld [smem:$0x3FBA]  }
0x39: {  	_ = 	snop;
	(pc) =	sbr.ind lr, $3  }
0x3a: {  	_ = 	snop  }
0x3b: {  	_ = 	snop  }
0x3c: {  	p2 =	seq.s32 s10, $0x1;
	s10 =	sld [smem:$0x3FB9]  }
0x3d: {  	_ =	shalt  }
0x3e: {  	_ =	shalt  }
0x3f: {  	_ =	shalt  }
0x40: {  	_ =	shalt  }
0x41: {  	_ =	shalt  }
0x42: {  	_ =	shalt  }
0x43: {  	_ =	shalt  }
0x44: {  	_ =	shalt  }
0x45: {  	_ =	shalt  }
0x46: {  	_ =	shalt  }
0x47: {  	_ =	shalt  }
0x48: {  	_ =	shalt  }
0x49: {  	_ =	shalt  }
0x4a: {  	_ =	shalt  }
0x4b: {  	_ =	shalt  }
0x4c: {  	_ =	shalt  }
0x4d: {  	_ =	shalt  }
0x4e: {  	_ =	shalt  }
0x4f: {  	_ =	shalt  }
0x50: {  	_ =	shalt  }
0x51: {  	_ =	shalt  }
0x52: {  	_ =	shalt  }
0x53: {  	_ =	shalt  }
0x54: {  	_ =	shalt  }
0x55: {  	_ =	shalt  }
0x56: {  	_ =	shalt  }
0x57: {  	_ =	shalt  }
0x58: {  	_ =	shalt  }
0x59: {  	_ =	shalt  }
0x5a: {  	_ =	shalt  }
0x5b: {  	_ =	shalt  }
0x5c: {  	_ =	shalt  }
0x5d: {  	_ =	shalt  }
0x5e: {  	_ =	shalt  }
0x5f: {  	_ =	shalt  }
0x60: {  	_ =	shalt  }
0x61: {  	_ =	shalt  }
0x62: {  	_ =	shalt  }
0x63: {  	_ =	shalt  }
0x64: {  	_ =	shalt  }
0x65: {  	_ =	shalt  }
0x66: {  	_ =	shalt  }
0x67: {  	_ =	shalt  }
0x68: {  	_ =	shalt  }
0x69: {  	_ =	shalt  }
0x6a: {  	_ =	shalt  }
0x6b: {  	_ =	shalt  }
0x6c: {  	_ =	shalt  }
0x6d: {  	_ =	shalt  }
0x6e: {  	_ =	shalt  }
0x6f: {  	_ =	shalt  }
0x70: {  	_ =	shalt  }
0x71: {  	_ =	shalt  }
0x72: {  	_ =	shalt  }
0x73: {  	_ =	shalt  }
0x74: {  	_ =	shalt  }
0x75: {  	_ =	shalt  }
0x76: {  	_ =	shalt  }
0x77: {  	_ =	shalt  }
0x78: {  	_ =	shalt  }
0x79: {  	_ =	shalt  }
0x7a: {  	_ =	shalt  }
0x7b: {  	_ =	shalt  }
0x7c: {  	_ =	shalt  }
0x7d: {  	_ =	shalt  }
0x7e: {  	_ =	shalt  }
0x7f: {  	_ =	shalt  }
0x80: {  	_ =	shalt  }
0x81: {  	_ =	shalt  }
0x82: {  	_ =	shalt  }
0x83: {  	_ =	shalt  }
0x84: {  	_ =	shalt  }
0x85: {  	_ =	shalt  }
0x86: {  	_ =	shalt  }
0x87: {  	_ =	shalt  }
.Lfunc_end0:
.L_simem_size_0:
called_computation_lowered:
.L_overlay_start_0:
0x88: {  	s2 =	sld [smem:$0x3FD9]  }
0x89: {  	s3 =	sld [smem:$0x3FFE];
	_ =	sdelay $0x1  }
0x8a: {  	s1 =	srdreg.scid  }
0x8b: {  	s0 =	sand.u32 $0x1, s1  }
0x8c: {  	s17 =	sshll.u32 s0, $0xA;
	s2 =	sadd.s32 s3, s2  }
0x8d: {  	s2 =	sadd.s32 s2, s17  }
0x8e: {  	[smem:$0x3FC5] =	sst s2  }
0x8f: {  	_ = 	snop  }
0x90: {  	s2 =	sld [smem:$0x3FC8];
	(tm) =	ssettm $0x1  }
0x91: {  	s18 =	sld [smem:$0x3FFB];
	_ =	sdelay $0x3  }
0x92: {  	_ =	strace s18  }
0x93: {  	s3 =	sld [smem:$0x3FFC];
	_ =	sdelay $0x3  }
0x94: {  	_ =	strace s3  }
0x95: {  	s3 =	sld [smem:$0x3FFD];
	_ =	sdelay $0x3  }
0x96: {  	_ =	strace s3  }
0x97: {  	_ =	strace $0x8FFFFFFF  }
0x98: {  	s19 =	sld [smem:$0x3FDB];
	_ =	sdelay $0x1  }
0x99: {  	s4 =	simm.s32 $_scs_section_size  }
0x9a: {  	s5 =	simm.s32 $_size__tile_overlayer_lowered;
	s6 =	simm.s32 $_tile_overlayer_lowered  }
0x9b: {  	s22 =	simm.s32 $0x1BFF;
	s21 =	sshll.u32 s6, $0x1;
	s3 =	sadd.s32 s4, s19  }
0x9c: {  	s7 =	simm.s32 $0x0;
	s20 =	sshll.u32 s5, $0x1;
	s5 =	sadd.s32 s21, s3  }
0x9d: {  	[timem:s7], [sflag:s22] =	dma.local [hbm:s5], s20  }
0x9e: {  	_ =	swait.ge [sflag:s22], s20  }
0x9f: {  	s4 =	ssub.s32 $0x0, s20;
	[sflag:s22] =	ssyncset.done $0x0  }
0xa0: {  	[sflag:s22] =	ssyncadd.s32 s4;
	_ =	sdelay $0x1  }
0xa1: {  	s23 =	simm.s32 $0x1B8B  }
0xa2: {  	_ =	swait.ge [sflag:s23], $0x1  }
0xa3: {  	[sflag:s23] =	ssyncset.done $0x0  }
0xa4: {  	s25 =	simm.s32 $0x1B8E;
	s24 =	sld [smem:$0x3FFE];
	[sflag:s23] =	ssyncadd.s32 $0xFFFFFFFF  }
0xa5: {  	s26 =	simm.s32 $execute0_lowered;
	[smem:$0x3FD2] =	sst s25  }
0xa6: {  	s5 =	sshll.u32 s26, $0x1;
	_ =	strace $0x80000046;
	[dreg:$0x1] =	wrdreg $0xFFFFFFFF  }
0xa7: {  	s28 =	simm.s32 $_size_execute0_lowered;
	s3 =	sadd.s32 s3, s5;
	[dreg:$0x0] =	wrdreg $0x0  }
0xa8: {  	s5 =	sshll.u32 s28, $0x1;
	[dreg:$0x2] =	wrdreg s3  }
0xa9: {  	[dreg:$0x3] =	wrdreg s5  }
0xaa: {  	[dreg:$0x4] =	wrdreg $0xC0  }
0xab: {  	_ =	task [dreg:s7], $0x5FFFF  }
0xac: {  	[dreg:$0x1] =	wrdreg $0xFFFFFFFF  }
0xad: {  	[dreg:$0x0] =	wrdreg $0x60  }
0xae: {  	[dreg:$0x2] =	wrdreg s2  }
0xaf: {  	[dreg:$0x3] =	wrdreg s24  }
0xb0: {  	[dreg:$0x4] =	wrdreg $0x7000  }
0xb1: {  	[dreg:$0x5] =	wrdreg $0x9  }
0xb2: {  	_ =	task.clear_ibuf [dreg:s7], $0x6FFFF;
	_ =	strace $0x90000046  }
0xb3: {  	s29 =	simm.s32 $0x9;
	_ =	strace $0x80000048  }
0xb4: {  	_ =	swait.ge [sflag:s29], $0x1  }
0xb5: {  	[sflag:s29] =	ssyncadd.s32 $0xFFFFFFFF  }
0xb6: {  	_ =	strace $0x90000048  }
0xb7: {  	_ =	sfence  }
0xb8: {  	s30 =	sld [smem:$0x0];
	_ =	sdelay $0x2  }
0xb9: {  	s31 =	sshll.u32 s1, $0xD;
	s1 =	sshrl.u32 s1, $0x2  }
0xba: {  	s3 =	sand.u32 $0x4000, s31;
	s1 =	sadd.s32 s1, s30  }
0xbb: {  	s0 =	sor.u32 s3, s0;
	s1 =	sshll.u32 s1, $0x11  }
0xbc: {  	s0 =	sor.u32 s1, s0  }
0xbd: {  	s0 =	sadd.s32 $0x8F2B, s0  }
0xbe: {  	[sflag:s0] =	ssyncadd.remote.s32 $0x1  }
0xbf: {  	_ =	sfence.sel $0xFFFF  }
0xc0: {  	[dreg:$0x0] =	wrdreg $0xFFFFFFFF;
	(pc) =	sbr.abs _section_cstart, $3  }
0xc1: {  	[dreg:$0x1] =	wrdreg $0xFFFFFFFF  }
0xc2: {  	_ =	task.clear_ibuf [dreg:s7], $0x2FFFF;
	_ =	strace $0x9FFFFFFF  }
0xc3: {  	(tm) =	ssettm $0x7FFFFFFF  }
tec
execute0_lowered:
.L_overlay_start_1:
0x0: {  	(tag) =	ssettag $0x1  }
0x1: {  	s12 =	rddreg [dreg:$0x0]  }
0x2: {  	s10 =	rddreg [dreg:$0x1]  }
0x3: {  	s1 =	rddreg [dreg:$0x2]  }
0x4: {  	s0 =	rddreg [dreg:$0x3];
	s3 =	simm.s32 $0x0  }
0x5: {  	s2 =	srdreg.scid;
	s16 =	simm.s32 $0x2600;
	s17 =	simm.s32 $0x180  }
0x6: {  	s18 =	simm.s32 $0x1;
	s19 =	simm.s32 $0x400;
	s20 =	simm.s32 $0x2  }
0x7: {  	s23 =	simm.s32 $0x0;
	[smem:$0x7FF] =	sst s3;
	s9 =	sand.u32 $0x1, s2  }
0x8: {  	s2 =	stileid.u32;
	s4 =	ssub.s32 $0x2, s9;
	s5 =	sshll.u32 s9, $0x4  }
0x9: {  	_ =	strace $0x80000047;
	s13 =	smul.u32 $0x280, s2;
	s14 =	sshll.u32 s9, $0xC  }
0xa: {  	s15 =	sshll.u32 s2, $0x8;
	s21 =	sshll.u32 s2, $0x6;
	s6 =	sshrl.u32 s4, $0x1  }
0xb: {  	s5 =	sor.u32 s2, s5;
	s14 =	sor.u32 s15, s14;
	s15 =	simm.s32 $0x80  }
0xc: {  	s21 =	sor.u32 $0x1C03, s21;
	s11 =	ssub.s32 s4, s6;
	s30 =	sshll.u32 s5, $0x5  }
0xd: {  	p0 =	slt.u32 s5, $0x2;
	s4 =	simm.s32 $0x28;
	s6 =	sadd.s32 s13, s1  }
0xe: {  	s14 =	sor.u32 $0x8000, s14;
	s13 =	sshrl.u32 s13, $0x3;
	s5 =	sadd.s32 s12, s30  }
0xf: {  	s4 =	simm.s32 @!p0 $0x27;
	p0 =	seq.s32 s9, $0x1;
	s14 =	sshrl.u32 s14, $0x3  }
0x10: {  	s22 =	sshrl.u32 s6, $0x3;
	s7 =	sadd.s32 $0x400, s5;
	s8 =	sadd.s32 $0x800, s5  }
0x11: {  	s9 =	sadd.s32 $0xC00, s5;
	s16 =	simm.s32 @!p0 $0x2000;
	s12 =	sadd.s32 s14, s12  }
0x12: {  	s14 =	simm.s32 $0x3;
	s31 =	sadd.s32 s16, s10;
	s10 =	smax.u32 s11, $0x1  }
0x13: {  	v0 =	vimm.f32 $0.0e+00;
	v1 =	vimm.f32 $1.000000000e+00;
	s16 =	simm.s32 $0x100;
	s11 =	sadd.s32 s31, s13;
	s13 =	simm.s32 $0x480  }
.LBB2_1:
0x14: {  	[tilespmem:$0x480] =	vst v0  }
0x15: {  	[tilespmem:$0x490] =	vst v0  }
0x16: {  	[tilespmem:$0x4A0] =	vst v0  }
0x17: {  	[tilespmem:$0x4B0] =	vst v0  }
0x18: {  	[tilespmem:$0x4C0] =	vst v0  }
0x19: {  	[tilespmem:$0x4D0] =	vst v0  }
0x1a: {  	[tilespmem:$0x4E0] =	vst v0  }
0x1b: {  	[tilespmem:$0x4F0] =	vst v0  }
0x1c: {  	[tilespmem:$0x500] =	vst v0  }
0x1d: {  	[tilespmem:$0x510] =	vst v0  }
0x1e: {  	[tilespmem:$0x520] =	vst v0  }
0x1f: {  	[tilespmem:$0x530] =	vst v0  }
0x20: {  	[tilespmem:$0x540] =	vst v0  }
0x21: {  	[tilespmem:$0x550] =	vst v0  }
0x22: {  	[tilespmem:$0x560] =	vst v0  }
0x23: {  	[tilespmem:$0x570] =	vst v0  }
0x24: {  	[tilespmem:$0x580] =	vst v0  }
0x25: {  	[tilespmem:$0x590] =	vst v0  }
0x26: {  	[tilespmem:$0x5A0] =	vst v0  }
0x27: {  	[tilespmem:$0x5B0] =	vst v0  }
0x28: {  	[tilespmem:$0x5C0] =	vst v0  }
0x29: {  	[tilespmem:$0x5D0] =	vst v0  }
0x2a: {  	[tilespmem:$0x5E0] =	vst v0  }
0x2b: {  	[tilespmem:$0x5F0] =	vst v0  }
0x2c: {  	[tilespmem:$0x600] =	vst v0  }
0x2d: {  	[tilespmem:$0x610] =	vst v0  }
0x2e: {  	[tilespmem:$0x620] =	vst v0  }
0x2f: {  	[tilespmem:$0x630] =	vst v0  }
0x30: {  	[tilespmem:$0x640] =	vst v0  }
0x31: {  	[tilespmem:$0x650] =	vst v0  }
0x32: {  	[tilespmem:$0x660] =	vst v0  }
0x33: {  	[tilespmem:$0x670] =	vst v0  }
0x34: {  	[tilespmem:$0x680] =	vst v0  }
0x35: {  	[tilespmem:$0x690] =	vst v0  }
0x36: {  	[tilespmem:$0x6A0] =	vst v0  }
0x37: {  	[tilespmem:$0x6B0] =	vst v0  }
0x38: {  	[tilespmem:$0x6C0] =	vst v0  }
0x39: {  	[tilespmem:$0x6D0] =	vst v0  }
0x3a: {  	[tilespmem:$0x6E0] =	vst v0  }
0x3b: {  	[tilespmem:$0x6F0] =	vst v0  }
0x3c: {  	[tilespmem:$0x400] =	vst v1  }
0x3d: {  	[tilespmem:$0x410] =	vst v1  }
0x3e: {  	[tilespmem:$0x420] =	vst v1  }
0x3f: {  	[tilespmem:$0x430] =	vst v1  }
0x40: {  	[tilespmem:$0x440] =	vst v1  }
0x41: {  	[tilespmem:$0x450] =	vst v1  }
0x42: {  	[tilespmem:$0x460] =	vst v1  }
0x43: {  	[tilespmem:$0x470] =	vst v1  }
0x44: {  	[spmem:s6] =	stream.linear.scatter [tilespmem:s13], [sflag:$0x3], $0x280, $0x38;
	[tilespmem:$0x980] =	vst v63  }
0x45: {  	_ =	swait.ge [sflag:s14], $0x280  }
0x46: {  	[sflag:s14] =	ssyncset.done $0x0  }
0x47: {  	[sflag:s14] =	ssyncadd.s32 $0xFFFFFD80  }
0x48: {  	[bflag:$0x0] =	sbarrier.arrive $0xFFFF  }
0x49: {  	[tilespmem:s3], [sflag:$0x1] =	stream.linear.gather [hbm4b:s5+s3], $0x80, $0x38;
	[tilespmem:$0x980] =	vst v63  }
0x4a: {  	_ = 	snop  }
0x4b: {  	[tilespmem:s15], [sflag:$0x1] =	stream.linear.gather [hbm4b:s7+s3], $0x80, $0x38;
	[tilespmem:$0x980] =	vst v63  }
0x4c: {  	p0 =	por $0x1, $0x1  }
0x4d: {  	[tilespmem:s16], [sflag:$0x1] =	stream.linear.gather [hbm4b:s8+s3], $0x80, $0x38;
	[tilespmem:$0x980] =	vst v63  }
0x4e: {  	s24 =	simm.s32 @!p0 $0x2  }
0x4f: {  	[tilespmem:s17], [sflag:$0x1] =	stream.linear.gather [hbm4b:s9+s3], $0x80, $0x38;
	[tilespmem:$0x980] =	vst v63  }
0x50: {  	_ =	swait.ge @!p0 [sflag:s24], $0x80  }
0x51: {  	p1 =	sle.u32 s4, $0x4;
	[sflag:s24] =	ssyncset.done @!p0 $0x0  }
0x52: {  	s25 =	simm.s32 @!p1 $0x200;
	[sflag:s24] =	ssyncadd.s32 @!p0 $0xFFFFFF80;
	p0 =	sne.s32 s4, $0x1  }
.Ltmp0:
0x53: {  	s26 =	simm.s32 @!p1 $0x0;
	s24 =	sand.u32 @!p1 $0x380, s25;
	(pc) =	sbr.rel @!p0 .LBB2_3-.Ltmp0, $4  }
0x54: {  	[tilespmem:s24], [sflag:$0x1] =	stream.linear.gather @!p1 [hbm4b:s12+s26], $0x80, $0x38;
	[tilespmem:$0x980] =	vst v63  }
0x55: {  	_ =	swait.ge [sflag:s18], $0x80  }
0x56: {  	s28 =	sand.u32 $0x380, s3;
	s25 =	sadd.s32 $0x400, s12;
	[sflag:s18] =	ssyncset.done $0x0  }
0x57: {  	s24 =	simm.s32 $0x1;
	s26 =	simm.s32 $0x80;
	[sflag:s18] =	ssyncadd.s32 $0xFFFFFF80  }
.LBB2_2:
0x58: {  	[spmem:s1] =	stream.indirect.scatter.add.f32 [tilespmem:s19], [sflag:$0x2], $0x1, s28, s15, $0xb8;
	[tilespmem:$0x980] =	vst v63  }
0x59: {  	p0 =	slt.u32 s24, $0x4  }
0x5a: {  	s24 =	sadd.s32 $0x4, s24;
	s28 =	simm.s32 @!p0 $0x2  }
0x5b: {  	p1 =	sge.u32 s24, s4;
	s24 =	sadd.s32 $0xFFFFFFFD, s24;
	_ =	swait.ge @!p0 [sflag:s28], $0x80  }
0x5c: {  	s29 =	sadd.s32 @!p1 $0x200, s26;
	s30 =	simm.s32 @!p1 $0x0;
	[sflag:s28] =	ssyncset.done @!p0 $0x0  }
0x5d: {  	[sflag:s28] =	ssyncadd.s32 @!p0 $0xFFFFFF80;
	p0 =	sne.s32 s24, s4  }
.Ltmp1:
0x5e: {  	s28 =	sand.u32 @!p1 $0x380, s29;
	(pc) =	sbr.rel @p0 .LBB2_2-.Ltmp1, $4  }
0x5f: {  	[tilespmem:s28], [sflag:$0x1] =	stream.linear.gather @!p1 [hbm4b:s25+s30], $0x80, $0x38;
	[tilespmem:$0x980] =	vst v63  }
0x60: {  	_ =	swait.ge [sflag:s18], $0x80  }
0x61: {  	s25 =	sadd.s32 $0x400, s25;
	[sflag:s18] =	ssyncset.done $0x0  }
0x62: {  	s28 =	sand.u32 $0x380, s26;
	s26 =	sadd.s32 $0x80, s26;
	[sflag:s18] =	ssyncadd.s32 $0xFFFFFF80  }
.LBB2_3:
0x63: {  	[spmem:s1] =	stream.indirect.scatter.add.f32 [tilespmem:s19], [sflag:$0x2], $0x1, s28, s15, $0xb8;
	[tilespmem:$0x980] =	vst v63  }
0x64: {  	_ =	swait.ge [sflag:s20], $0x80  }
0x65: {  	[sflag:s20] =	ssyncset.done $0x0  }
0x66: {  	[sflag:s20] =	ssyncadd.s32 $0xFFFFFF80  }
0x67: {  	_ =	swait.ge [sflag:s20], $0x80  }
0x68: {  	[sflag:s20] =	ssyncset.done $0x0  }
0x69: {  	[sflag:s20] =	ssyncadd.s32 $0xFFFFFF80  }
0x6a: {  	_ =	swait.ge [sflag:s20], $0x80  }
0x6b: {  	[sflag:s20] =	ssyncset.done $0x0  }
0x6c: {  	[sflag:s20] =	ssyncadd.s32 $0xFFFFFF80  }
0x6d: {  	_ =	swait.ge [sflag:s20], $0x80  }
0x6e: {  	s23 =	sadd.s32 $0x1, s23;
	[sflag:s20] =	ssyncset.done $0x0  }
0x6f: {  	p0 =	sne.s32 s23, s10;
	[sflag:s20] =	ssyncadd.s32 $0xFFFFFF80  }
.Ltmp2:
0x70: {  	[bflag:$0x0] =	sbarrier.arrive $0xFFFF;
	(pc) =	sbr.rel @p0 .LBB2_1-.Ltmp2, $4  }
0x71: {  	[hbm:s11], [sflag:s21] =	dma.local [spmem:s22], $0x50  }
0x72: {  	_ =	swait.ge [sflag:s14], $0x50  }
0x73: {  	[sflag:s14] =	ssyncset.done $0x0  }
0x74: {  	[sflag:s14] =	ssyncadd.s32 $0xFFFFFFB0  }
0x75: {  	_ =	sfence.sel $0x180000  }
0x76: {  	[bflag:$0x0] =	sbarrier.arrive $0xFFFF  }
0x77: {  	p0 =	sne.s32 s2, $0x0;
	_ =	strace $0x90000047  }
0x78: {  	s0 =	sadd.s32 @!p0 $0x100000, s0;
	[bflag:$0x2] =	sbarrier.arrive $0xFFFF  }
0x79: {  	[sflag:s0] =	ssyncadd.tile.s32 @!p0 $0x1;
	_ =	shalt  }
.Lfunc_end2:
_tile_overlayer_lowered:
.L_overlay_start_2:
0x7a: {  	(tag) =	ssettag $0x2  }
0x7b: {  	s0 =	rddreg [dreg:$0x0];
	s2 =	stileid.u32  }
0x7c: {  	s1 =	rddreg [dreg:$0x1];
	p0 =	sne.s32 s2, $0x0  }
0x7d: {  	s3 =	rddreg [dreg:$0x2];
	[bflag:$0x3] =	sbarrier.arrive $0xFFFF;
	s2 =	simm.s32 @!p0 $0x1C03  }
0x7e: {  	[timem:s3], [sflag:s2] =	dma.local @!p0 [hbm:s0], s1  }
0x7f: {  	s0 =	simm.s32 @!p0 $0x3  }
0x80: {  	_ =	swait.ge @!p0 [sflag:s0], s1  }
0x81: {  	s1 =	ssub.s32 @!p0 $0x0, s1;
	[sflag:s0] =	ssyncset.done @!p0 $0x0  }
0x82: {  	[sflag:s0] =	ssyncadd.s32 @!p0 s1  }
0x83: {  	[bflag:$0x3] =	sbarrier.arrive $0xFFFF  }
0x84: {  	_ =	shalt  }

</sc_bundles>
